<compile_context>
chip_gen: v7x
topology: tpu7x:2x2x1
jax: 0.10.2.dev20260603
libtpu: 0.0.44.dev20260713+nightly
codegen_flags: <defaults>
</compile_context>

<pallas_src>
import jax
import jax.numpy as jnp
from jax import lax
from jax.experimental import pallas as pl
from jax.experimental.pallas import tpu as pltpu
from jax.experimental.pallas import tpu_sc as plsc

N = 10000
E = 320000
D = 128
NCLS = 10
NC, NS, LANES = 2, 16, 16
NW = NC * NS
CHUNK = 128
NROWS = E // CHUNK
NR = NROWS // NW
NEXTRA = NROWS - NR * NW

_f32 = jnp.float32
_i32 = jnp.int32


def _mesh():
    return plsc.VectorSubcoreMesh(
        core_axis_name="c", subcore_axis_name="s", num_cores=NC, num_subcores=NS
    )


def _row_of(w, i):
    return jnp.where(i == NR, NW * NR + w, w * NR + i)


_DEG_GROUP = 6
_DEG_NGROUPS = NR // _DEG_GROUP


def _deg_body(src3_hbm, dst3_hbm, out_hbm, sbuf, dbuf, ones_v, zer_v,
              deg_s, deg_d, sem):
    cid = lax.axis_index("c")
    sid = lax.axis_index("s")
    w = cid * NS + sid
    for j in range(CHUNK // LANES):
        ones_v[pl.ds(j * LANES, LANES)] = jnp.full((LANES,), 1.0, _f32)
    for j in range(1024 // LANES):
        zer_v[pl.ds(j * LANES, LANES)] = jnp.zeros((LANES,), _f32)

    @pl.when(sid < 10)
    def _():
        pltpu.sync_copy(zer_v.at[pl.ds(0, 1000)], deg_s.at[pl.ds(sid * 1000, 1000)])
        pltpu.sync_copy(zer_v.at[pl.ds(0, 1000)], deg_d.at[pl.ds(sid * 1000, 1000)])

    pltpu.sync_copy(src3_hbm.at[pl.ds(w * NR, NR)], sbuf.at[pl.ds(0, NR)])
    pltpu.sync_copy(dst3_hbm.at[pl.ds(w * NR, NR)], dbuf.at[pl.ds(0, NR)])

    @pl.when(w < NEXTRA)
    def _():
        pltpu.sync_copy(src3_hbm.at[pl.ds(NW * NR + w, 1)], sbuf.at[pl.ds(NR, 1)])
        pltpu.sync_copy(dst3_hbm.at[pl.ds(NW * NR + w, 1)], dbuf.at[pl.ds(NR, 1)])

    plsc.subcore_barrier()

    def group(g, carry):
        descs = []
        for j in range(_DEG_GROUP):
            i = g * _DEG_GROUP + j
            descs.append(pltpu.async_copy(ones_v, deg_s.at[sbuf.at[i, 0]], sem, add=True))
            descs.append(pltpu.async_copy(ones_v, deg_d.at[dbuf.at[i, 0]], sem, add=True))
        for d in descs:
            d.wait()
        return carry

    lax.fori_loop(0, _DEG_NGROUPS, group, 0)

    @pl.when(w < NEXTRA)
    def _():
        d1 = pltpu.async_copy(ones_v, deg_s.at[sbuf.at[NR, 0]], sem, add=True)
        d2 = pltpu.async_copy(ones_v, deg_d.at[dbuf.at[NR, 0]], sem, add=True)
        d1.wait()
        d2.wait()

    plsc.subcore_barrier()

    @pl.when(sid == 0)
    def _():
        pltpu.sync_copy(deg_s, out_hbm.at[cid, 0])
        pltpu.sync_copy(deg_d, out_hbm.at[cid, 2])


def _deg(src3, dst3):
    call = pl.kernel(
        _deg_body,
        out_type=jax.ShapeDtypeStruct((NC, 4, N), _f32),
        mesh=_mesh(),
        scratch_types=[
            pltpu.VMEM((NR + 1, 1, CHUNK), _i32),
            pltpu.VMEM((NR + 1, 1, CHUNK), _i32),
            pltpu.VMEM((CHUNK,), _f32),
            pltpu.VMEM((1024,), _f32),
            pltpu.VMEM_SHARED((N,), _f32),
            pltpu.VMEM_SHARED((N,), _f32),
            pltpu.SemaphoreType.DMA,
        ],
    )
    return call(src3, dst3)


_NPAIRS = NR // 2


def _agg_body(xs_hbm, src3_hbm, dst3_hbm, out_hbm,
              dbuf, sidx0, sidx1, rows0, rows1, agg_sh, sem, si0, si1):
    cid = lax.axis_index("c")
    sid = lax.axis_index("s")
    w = cid * NS + sid
    nch = jnp.where(w < NEXTRA, NR + 1, NR)

    def zrow(r, carry):
        for j in range(D // LANES):
            rows0[r, pl.ds(j * LANES, LANES)] = jnp.zeros((LANES,), _f32)
        return carry

    lax.fori_loop(0, CHUNK, zrow, 0)

    @pl.when(sid < 10)
    def _():
        for k in range(7):
            pltpu.sync_copy(rows0, agg_sh.at[pl.ds(sid * 1000 + 128 * k, CHUNK)])
        pltpu.sync_copy(rows0, agg_sh.at[pl.ds(sid * 1000 + 872, CHUNK)])

    pltpu.sync_copy(dst3_hbm.at[pl.ds(w * NR, NR)], dbuf.at[pl.ds(0, NR)])

    @pl.when(w < NEXTRA)
    def _():
        pltpu.sync_copy(dst3_hbm.at[pl.ds(NW * NR + w, 1)], dbuf.at[pl.ds(NR, 1)])

    plsc.subcore_barrier()

    def sload(i, sidx, sem_i):
        pltpu.async_copy(src3_hbm.at[pl.ds(_row_of(w, i), 1)], sidx, sem_i)

    def iwait(sidx, sem_i):
        pltpu.make_async_copy(src3_hbm.at[pl.ds(0, 1)], sidx, sem_i).wait()

    def gather(sidx, rows):
        return pltpu.async_copy(xs_hbm.at[sidx.at[0, 0]], rows, sem)

    def gwait(rows):
        pltpu.make_async_copy(xs_hbm.at[sidx0.at[0, 0]], rows, sem).wait()

    def scatter(i, rows):
        pltpu.sync_copy(rows, agg_sh.at[dbuf.at[i, 0]], add=True)

    sload(0, sidx0, si0)
    iwait(sidx0, si0)
    gather(sidx0, rows0)
    sload(1, sidx1, si1)
    iwait(sidx1, si1)

    def pair(i2, carry):
        i = 2 * i2
        gwait(rows0)
        gather(sidx1, rows1)

        @pl.when(i + 2 < nch)
        def _():
            sload(i + 2, sidx0, si0)

        scatter(i, rows0)
        gwait(rows1)

        @pl.when(i + 2 < nch)
        def _():
            iwait(sidx0, si0)
            gather(sidx0, rows0)

        @pl.when(i + 3 < nch)
        def _():
            sload(i + 3, sidx1, si1)

        scatter(i + 1, rows1)

        @pl.when(i + 3 < nch)
        def _():
            iwait(sidx1, si1)

        return carry

    lax.fori_loop(0, _NPAIRS, pair, 0)

    @pl.when(nch == NR + 1)
    def _():
        gwait(rows0)
        scatter(NR, rows0)

    plsc.subcore_barrier()

    @pl.when(sid < 10)
    def _():
        pltpu.sync_copy(agg_sh.at[pl.ds(sid * 1000, 1000)],
                        out_hbm.at[cid, pl.ds(sid * 1000, 1000)])


def _agg(xs, src3, dst3):
    call = pl.kernel(
        _agg_body,
        out_type=jax.ShapeDtypeStruct((NC, N, D), _f32),
        mesh=_mesh(),
        scratch_types=[
            pltpu.VMEM((NR + 1, 1, CHUNK), _i32),
            pltpu.VMEM((1, 1, CHUNK), _i32),
            pltpu.VMEM((1, 1, CHUNK), _i32),
            pltpu.VMEM((CHUNK, D), _f32),
            pltpu.VMEM((CHUNK, D), _f32),
            pltpu.VMEM_SHARED((N, D), _f32),
            pltpu.SemaphoreType.DMA,
            pltpu.SemaphoreType.DMA,
            pltpu.SemaphoreType.DMA,
        ],
    )
    return call(xs, src3, dst3)


def _prep(degs, h):
    def body(degs_ref, h_ref, hs_ref, ns_ref, nd_ref):
        d = degs_ref[...]
        ns = lax.rsqrt(jnp.maximum(d[0, 0] + d[1, 0], 1.0))[:, None]
        nd = lax.rsqrt(jnp.maximum(d[0, 2] + d[1, 2], 1.0))[:, None]
        hs_ref[...] = h_ref[...] * ns
        ns_ref[...] = ns
        nd_ref[...] = nd

    return pl.pallas_call(
        body,
        out_shape=[
            jax.ShapeDtypeStruct((N, D), _f32),
            jax.ShapeDtypeStruct((N, 1), _f32),
            jax.ShapeDtypeStruct((N, 1), _f32),
        ],
    )(degs, h)


_GRID = 10
_BR = N // _GRID


def _layer(agg, nd, ns, W, b):
    def body(agg_ref, nd_ref, ns_ref, W_ref, b_ref, o_ref):
        a = (agg_ref[0] + agg_ref[1]) * nd_ref[...]
        y = jnp.dot(a, W_ref[...], preferred_element_type=_f32) + b_ref[...]
        o_ref[...] = jnp.maximum(y, 0.0) * ns_ref[...]

    return pl.pallas_call(
        body,
        grid=(_GRID,),
        in_specs=[
            pl.BlockSpec((NC, _BR, D), lambda i: (0, i, 0)),
            pl.BlockSpec((_BR, 1), lambda i: (i, 0)),
            pl.BlockSpec((_BR, 1), lambda i: (i, 0)),
            pl.BlockSpec((D, D), lambda i: (0, 0)),
            pl.BlockSpec((1, D), lambda i: (0, 0)),
        ],
        out_specs=pl.BlockSpec((_BR, D), lambda i: (i, 0)),
        out_shape=jax.ShapeDtypeStruct((N, D), _f32),
    )(agg, nd, ns, W, b.reshape(1, D))


def _out(agg, nd, W2, b2, Wc_p, bc_p):
    def body(agg_ref, nd_ref, W_ref, b_ref, Wc_ref, bc_ref, o_ref):
        a = (agg_ref[0] + agg_ref[1]) * nd_ref[...]
        y = jnp.dot(a, W_ref[...], preferred_element_type=_f32) + b_ref[...]
        y = jnp.maximum(y, 0.0)
        o_ref[...] = jnp.dot(y, Wc_ref[...], preferred_element_type=_f32) + bc_ref[...]

    return pl.pallas_call(
        body,
        grid=(_GRID,),
        in_specs=[
            pl.BlockSpec((NC, _BR, D), lambda i: (0, i, 0)),
            pl.BlockSpec((_BR, 1), lambda i: (i, 0)),
            pl.BlockSpec((D, D), lambda i: (0, 0)),
            pl.BlockSpec((1, D), lambda i: (0, 0)),
            pl.BlockSpec((D, D), lambda i: (0, 0)),
            pl.BlockSpec((1, D), lambda i: (0, 0)),
        ],
        out_specs=pl.BlockSpec((_BR, D), lambda i: (i, 0)),
        out_shape=jax.ShapeDtypeStruct((N, D), _f32),
    )(agg, nd, W2, b2.reshape(1, D), Wc_p, bc_p.reshape(1, D))


def kernel(h, edge_index, W1, b1, W2, b2, Wc, bc):
    src3 = edge_index[0].astype(_i32).reshape(NROWS, 1, CHUNK)
    dst3 = edge_index[1].astype(_i32).reshape(NROWS, 1, CHUNK)

    degs = _deg(src3, dst3)
    hs1, ns, nd = _prep(degs, h)
    agg1 = _agg(hs1, src3, dst3)
    hs2 = _layer(agg1, nd, ns, W1, b1)
    agg2 = _agg(hs2, src3, dst3)

    Wc_p = jnp.zeros((D, D), _f32).at[:, :NCLS].set(Wc)
    bc_p = jnp.zeros((D,), _f32).at[:NCLS].set(bc)
    outp = _out(agg2, nd, W2, b2, Wc_p, bc_p)
    return outp[:, :NCLS]

# --- scband reference (transcript-rebuilt; emitter-appended) ---
"""Pipeline reference for scband-classifier-62938450755768 (READ-ONLY COPY).

The authoritative reference and input builder live on the scoring server;
editing this copy changes nothing except your own understanding.
"""

import jax, jax.numpy as jnp
import numpy as np

N_NODES = 10000
N_EDGES = 320000
D_IN = 128
D_HID = 128
N_CLASSES = 10


def _graph_conv(h, src, dst, W, b, n_nodes):
    # DGL GraphConv with norm='both': D^{-1/2} A D^{-1/2} h W + b
    ones = jnp.ones((src.shape[0],), dtype=h.dtype)
    deg_out = jnp.zeros((n_nodes,), dtype=h.dtype).at[src].add(ones)
    deg_in = jnp.zeros((n_nodes,), dtype=h.dtype).at[dst].add(ones)
    norm_src = jax.lax.rsqrt(jnp.clip(deg_out, 1.0, None))
    norm_dst = jax.lax.rsqrt(jnp.clip(deg_in, 1.0, None))
    hs = h * norm_src[:, None]
    msg = jnp.take(hs, src, axis=0)
    agg = jnp.zeros((n_nodes, h.shape[1]), dtype=h.dtype).at[dst].add(msg)
    agg = agg * norm_dst[:, None]
    return agg @ W + b


def setup_inputs(seed: int = 0) -> dict:
    key = jax.random.key(seed)
    ks = jax.random.split(key, 8)
    h = jax.random.normal(ks[0], (N_NODES, D_IN), dtype=jnp.float32)
    edge_index = jax.random.randint(ks[1], (2, N_EDGES), 0, N_NODES, dtype=jnp.int64)
    W1 = jax.random.normal(ks[2], (D_IN, D_HID), dtype=jnp.float32) * (1.0 / np.sqrt(D_IN))
    b1 = jnp.zeros((D_HID,), dtype=jnp.float32)
    W2 = jax.random.normal(ks[3], (D_HID, D_HID), dtype=jnp.float32) * (1.0 / np.sqrt(D_HID))
    b2 = jnp.zeros((D_HID,), dtype=jnp.float32)
    Wc = jax.random.normal(ks[4], (D_HID, N_CLASSES), dtype=jnp.float32) * (1.0 / np.sqrt(D_HID))
    bc = jnp.zeros((N_CLASSES,), dtype=jnp.float32)
    return {"h": h, "edge_index": edge_index, "W1": W1, "b1": b1, "W2": W2, "b2": b2, "Wc": Wc, "bc": bc}


def reference(h, edge_index, W1, b1, W2, b2, Wc, bc):
    src = edge_index[0]
    dst = edge_index[1]
    x = jax.nn.relu(_graph_conv(h, src, dst, W1, b1, N_NODES))
    x = jax.nn.relu(_graph_conv(x, src, dst, W2, b2, N_NODES))
    return x @ Wc + bc

if __name__ == "__main__":
    import jax
    _d = setup_inputs()
    print(jax.jit(kernel)(*tuple(_d.values())))

</pallas_src>

<mosaic_0001>
#map = affine_map<(d0, d1) -> (0, 0)>
#map1 = affine_map<(d0, d1) -> (0, 0, 0)>
module attributes {stable_mosaic.version = 14 : i64} {
  func.func @_agg_body(%arg0: i32, %arg1: i32, %arg2: memref<10000x128xf32, #tpu.memory_space<hbm>>, %arg3: memref<2500x1x128xi32, #tpu.memory_space<hbm>>, %arg4: memref<2500x1x128xi32, #tpu.memory_space<hbm>>, %arg5: memref<2x10000x128xf32, #tpu.memory_space<hbm>>, %arg6: memref<79x1x128xi32, #tpu.memory_space<vmem>>, %arg7: memref<1x1x128xi32, #tpu.memory_space<vmem>>, %arg8: memref<1x1x128xi32, #tpu.memory_space<vmem>>, %arg9: memref<128x128xf32, #tpu.memory_space<vmem>>, %arg10: memref<128x128xf32, #tpu.memory_space<vmem>>, %arg11: memref<10000x128xf32, #tpu.memory_space<vmem_shared>>, %arg12: memref<!tpu.dma_semaphore, #tpu.memory_space<semaphore_mem>>, %arg13: memref<!tpu.dma_semaphore, #tpu.memory_space<semaphore_mem>>, %arg14: memref<!tpu.dma_semaphore, #tpu.memory_space<semaphore_mem>>) attributes {dimension_semantics = [#tpu.dimension_semantics<core_parallel>, #tpu.dimension_semantics<subcore_parallel>], iteration_bounds = array<i64: 2, 16>, scalar_prefetch = 0 : i64, scratch_operands = 9 : i64, tpu.core_type = #tpu.core_type<sc_vector_subcore>, window_params = [{transform_indices = #map}, {transform_indices = #map1}, {transform_indices = #map1}, {transform_indices = #map1}]} {
    %mul3A = arith.constant 16 : i32
    %mul3A_0 = arith.muli %arg0, %mul3A : i32
    %add3A = arith.addi %mul3A_0, %arg1 : i32
    %lt3A = arith.constant 4 : i32
    %lt3A_1 = arith.cmpi slt, %add3A, %lt3A : i32
    %jit3A = arith.constant 79 : i32
    %jit3A_2 = arith.constant 78 : i32
    %select_n3A = arith.select %lt3A_1, %jit3A, %jit3A_2 : i32
    %scan3A = arith.constant 0 : i32
    %scan3A_3 = arith.constant 0 : i32
    %scan3A_4 = arith.constant 128 : i32
    %scan3A_5 = arith.addi %scan3A_3, %scan3A_4 : i32
    %scan3A_6 = arith.constant 1 : i32
    scf.for %scan3A_84 = %scan3A_3 to %scan3A_5 step %scan3A_6  : i32 {
      %broadcast_in_dim3A = arith.constant 0.000000e+00 : f32
      %broadcast_in_dim3A_85 = vector.broadcast %broadcast_in_dim3A : f32 to vector<16xf32>
      %swap3A = arith.index_cast %scan3A_84 : i32 to index
      %swap3A_86 = arith.constant 0 : index
      %swap3A_87 = tpu.vector_load %arg9[%swap3A, %swap3A_86] {strides = array<i32>} : memref<128x128xf32, #tpu.memory_space<vmem>>, vector<1x16xf32>,
      %swap3A_88 = vector.shape_cast %swap3A_87 : vector<1x16xf32> to vector<16xf32>
      %swap3A_89 = vector.shape_cast %broadcast_in_dim3A_85 : vector<16xf32> to vector<1x16xf32>
      tpu.vector_store %arg9[%swap3A, %swap3A_86], %swap3A_89 {strides = array<i32>} : memref<128x128xf32, #tpu.memory_space<vmem>>, vector<1x16xf32>,
      %broadcast_in_dim3A_90 = arith.constant 0.000000e+00 : f32
      %broadcast_in_dim3A_91 = vector.broadcast %broadcast_in_dim3A_90 : f32 to vector<16xf32>
      %swap3A_92 = arith.index_cast %scan3A_84 : i32 to index
      %swap3A_93 = arith.constant 16 : index
      %swap3A_94 = tpu.vector_load %arg9[%swap3A_92, %swap3A_93] {strides = array<i32>} : memref<128x128xf32, #tpu.memory_space<vmem>>, vector<1x16xf32>,
      %swap3A_95 = vector.shape_cast %swap3A_94 : vector<1x16xf32> to vector<16xf32>
      %swap3A_96 = vector.shape_cast %broadcast_in_dim3A_91 : vector<16xf32> to vector<1x16xf32>
      tpu.vector_store %arg9[%swap3A_92, %swap3A_93], %swap3A_96 {strides = array<i32>} : memref<128x128xf32, #tpu.memory_space<vmem>>, vector<1x16xf32>,
      %broadcast_in_dim3A_97 = arith.constant 0.000000e+00 : f32
      %broadcast_in_dim3A_98 = vector.broadcast %broadcast_in_dim3A_97 : f32 to vector<16xf32>
      %swap3A_99 = arith.index_cast %scan3A_84 : i32 to index
      %swap3A_100 = arith.constant 32 : index
      %swap3A_101 = tpu.vector_load %arg9[%swap3A_99, %swap3A_100] {strides = array<i32>} : memref<128x128xf32, #tpu.memory_space<vmem>>, vector<1x16xf32>,
      %swap3A_102 = vector.shape_cast %swap3A_101 : vector<1x16xf32> to vector<16xf32>
      %swap3A_103 = vector.shape_cast %broadcast_in_dim3A_98 : vector<16xf32> to vector<1x16xf32>
      tpu.vector_store %arg9[%swap3A_99, %swap3A_100], %swap3A_103 {strides = array<i32>} : memref<128x128xf32, #tpu.memory_space<vmem>>, vector<1x16xf32>,
      %broadcast_in_dim3A_104 = arith.constant 0.000000e+00 : f32
      %broadcast_in_dim3A_105 = vector.broadcast %broadcast_in_dim3A_104 : f32 to vector<16xf32>
      %swap3A_106 = arith.index_cast %scan3A_84 : i32 to index
      %swap3A_107 = arith.constant 48 : index
      %swap3A_108 = tpu.vector_load %arg9[%swap3A_106, %swap3A_107] {strides = array<i32>} : memref<128x128xf32, #tpu.memory_space<vmem>>, vector<1x16xf32>,
      %swap3A_109 = vector.shape_cast %swap3A_108 : vector<1x16xf32> to vector<16xf32>
      %swap3A_110 = vector.shape_cast %broadcast_in_dim3A_105 : vector<16xf32> to vector<1x16xf32>
      tpu.vector_store %arg9[%swap3A_106, %swap3A_107], %swap3A_110 {strides = array<i32>} : memref<128x128xf32, #tpu.memory_space<vmem>>, vector<1x16xf32>,
      %broadcast_in_dim3A_111 = arith.constant 0.000000e+00 : f32
      %broadcast_in_dim3A_112 = vector.broadcast %broadcast_in_dim3A_111 : f32 to vector<16xf32>
      %swap3A_113 = arith.index_cast %scan3A_84 : i32 to index
      %swap3A_114 = arith.constant 64 : index
      %swap3A_115 = tpu.vector_load %arg9[%swap3A_113, %swap3A_114] {strides = array<i32>} : memref<128x128xf32, #tpu.memory_space<vmem>>, vector<1x16xf32>,
      %swap3A_116 = vector.shape_cast %swap3A_115 : vector<1x16xf32> to vector<16xf32>
      %swap3A_117 = vector.shape_cast %broadcast_in_dim3A_112 : vector<16xf32> to vector<1x16xf32>
      tpu.vector_store %arg9[%swap3A_113, %swap3A_114], %swap3A_117 {strides = array<i32>} : memref<128x128xf32, #tpu.memory_space<vmem>>, vector<1x16xf32>,
      %broadcast_in_dim3A_118 = arith.constant 0.000000e+00 : f32
      %broadcast_in_dim3A_119 = vector.broadcast %broadcast_in_dim3A_118 : f32 to vector<16xf32>
      %swap3A_120 = arith.index_cast %scan3A_84 : i32 to index
      %swap3A_121 = arith.constant 80 : index
      %swap3A_122 = tpu.vector_load %arg9[%swap3A_120, %swap3A_121] {strides = array<i32>} : memref<128x128xf32, #tpu.memory_space<vmem>>, vector<1x16xf32>,
      %swap3A_123 = vector.shape_cast %swap3A_122 : vector<1x16xf32> to vector<16xf32>
      %swap3A_124 = vector.shape_cast %broadcast_in_dim3A_119 : vector<16xf32> to vector<1x16xf32>
      tpu.vector_store %arg9[%swap3A_120, %swap3A_121], %swap3A_124 {strides = array<i32>} : memref<128x128xf32, #tpu.memory_space<vmem>>, vector<1x16xf32>,
      %broadcast_in_dim3A_125 = arith.constant 0.000000e+00 : f32
      %broadcast_in_dim3A_126 = vector.broadcast %broadcast_in_dim3A_125 : f32 to vector<16xf32>
      %swap3A_127 = arith.index_cast %scan3A_84 : i32 to index
      %swap3A_128 = arith.constant 96 : index
      %swap3A_129 = tpu.vector_load %arg9[%swap3A_127, %swap3A_128] {strides = array<i32>} : memref<128x128xf32, #tpu.memory_space<vmem>>, vector<1x16xf32>,
      %swap3A_130 = vector.shape_cast %swap3A_129 : vector<1x16xf32> to vector<16xf32>
      %swap3A_131 = vector.shape_cast %broadcast_in_dim3A_126 : vector<16xf32> to vector<1x16xf32>
      tpu.vector_store %arg9[%swap3A_127, %swap3A_128], %swap3A_131 {strides = array<i32>} : memref<128x128xf32, #tpu.memory_space<vmem>>, vector<1x16xf32>,
      %broadcast_in_dim3A_132 = arith.constant 0.000000e+00 : f32
      %broadcast_in_dim3A_133 = vector.broadcast %broadcast_in_dim3A_132 : f32 to vector<16xf32>
      %swap3A_134 = arith.index_cast %scan3A_84 : i32 to index
      %swap3A_135 = arith.constant 112 : index
      %swap3A_136 = tpu.vector_load %arg9[%swap3A_134, %swap3A_135] {strides = array<i32>} : memref<128x128xf32, #tpu.memory_space<vmem>>, vector<1x16xf32>,
      %swap3A_137 = vector.shape_cast %swap3A_136 : vector<1x16xf32> to vector<16xf32>
      %swap3A_138 = vector.shape_cast %broadcast_in_dim3A_133 : vector<16xf32> to vector<1x16xf32>
      tpu.vector_store %arg9[%swap3A_134, %swap3A_135], %swap3A_138 {strides = array<i32>} : memref<128x128xf32, #tpu.memory_space<vmem>>, vector<1x16xf32>,
    }
    %scan3A_7 = arith.constant 128 : i32
    %lt3A_8 = arith.constant 10 : i32
    %lt3A_9 = arith.cmpi slt, %arg1, %lt3A_8 : i32
    %convert_element_type3A = arith.extui %lt3A_9 : i1 to i32
    %cond3A = arith.constant 0 : i32
    %cond3A_10 = arith.cmpi ne, %convert_element_type3A, %cond3A : i32
    scf.if %cond3A_10 {
      %mul3A_84 = arith.constant 1000 : i32
      %mul3A_85 = arith.muli %arg1, %mul3A_84 : i32
      %add3A_86 = arith.constant 0 : i32
      %add3A_87 = arith.addi %mul3A_85, %add3A_86 : i32
      "tpu.region"() ({
        %run_scoped3A = tpu.sem_alloc : memref<!tpu.dma_semaphore, #tpu.memory_space<semaphore_mem>>
        %dma_start3A_116 = arith.constant 0 : i32
        %dma_start3A_117 = tpu.memref_slice %arg11[%add3A_87, %dma_start3A_116] : memref<10000x128xf32, #tpu.memory_space<vmem_shared>> -> memref<128x128xf32, #tpu.memory_space<vmem_shared>>
        %dma_start3A_118 = arith.constant 0 : i32
        %dma_start3A_119 = tpu.memref_slice %arg11[%add3A_87, %dma_start3A_118] : memref<10000x128xf32, #tpu.memory_space<vmem_shared>> -> memref<128x128xf32, #tpu.memory_space<vmem_shared>>
        tpu.enqueue_dma source(%arg9 : memref<128x128xf32, #tpu.memory_space<vmem>>) target(%dma_start3A_119 : memref<128x128xf32, #tpu.memory_space<vmem_shared>>) target_semaphore(%run_scoped3A : memref<!tpu.dma_semaphore, #tpu.memory_space<semaphore_mem>>)
        %dma_wait3A_120 = arith.constant 0 : i32
        %dma_wait3A_121 = tpu.memref_slice %arg11[%add3A_87, %dma_wait3A_120] : memref<10000x128xf32, #tpu.memory_space<vmem_shared>> -> memref<128x128xf32, #tpu.memory_space<vmem_shared>>
        %dma_wait3A_122 = arith.constant 0 : i32
        %dma_wait3A_123 = tpu.memref_slice %arg11[%add3A_87, %dma_wait3A_122] : memref<10000x128xf32, #tpu.memory_space<vmem_shared>> -> memref<128x128xf32, #tpu.memory_space<vmem_shared>>
        tpu.wait_dma2 semaphore(%run_scoped3A : memref<!tpu.dma_semaphore, #tpu.memory_space<semaphore_mem>>) src(%arg9 : memref<128x128xf32, #tpu.memory_space<vmem>>) dst(%dma_wait3A_123 : memref<128x128xf32, #tpu.memory_space<vmem_shared>>)
        tpu.yield
      }) : () -> ()
      %mul3A_88 = arith.constant 1000 : i32
      %mul3A_89 = arith.muli %arg1, %mul3A_88 : i32
      %add3A_90 = arith.constant 128 : i32
      %add3A_91 = arith.addi %mul3A_89, %add3A_90 : i32
      "tpu.region"() ({
        %run_scoped3A = tpu.sem_alloc : memref<!tpu.dma_semaphore, #tpu.memory_space<semaphore_mem>>
        %dma_start3A_116 = arith.constant 0 : i32
        %dma_start3A_117 = tpu.memref_slice %arg11[%add3A_91, %dma_start3A_116] : memref<10000x128xf32, #tpu.memory_space<vmem_shared>> -> memref<128x128xf32, #tpu.memory_space<vmem_shared>>
        %dma_start3A_118 = arith.constant 0 : i32
        %dma_start3A_119 = tpu.memref_slice %arg11[%add3A_91, %dma_start3A_118] : memref<10000x128xf32, #tpu.memory_space<vmem_shared>> -> memref<128x128xf32, #tpu.memory_space<vmem_shared>>
        tpu.enqueue_dma source(%arg9 : memref<128x128xf32, #tpu.memory_space<vmem>>) target(%dma_start3A_119 : memref<128x128xf32, #tpu.memory_space<vmem_shared>>) target_semaphore(%run_scoped3A : memref<!tpu.dma_semaphore, #tpu.memory_space<semaphore_mem>>)
        %dma_wait3A_120 = arith.constant 0 : i32
        %dma_wait3A_121 = tpu.memref_slice %arg11[%add3A_91, %dma_wait3A_120] : memref<10000x128xf32, #tpu.memory_space<vmem_shared>> -> memref<128x128xf32, #tpu.memory_space<vmem_shared>>
        %dma_wait3A_122 = arith.constant 0 : i32
        %dma_wait3A_123 = tpu.memref_slice %arg11[%add3A_91, %dma_wait3A_122] : memref<10000x128xf32, #tpu.memory_space<vmem_shared>> -> memref<128x128xf32, #tpu.memory_space<vmem_shared>>
        tpu.wait_dma2 semaphore(%run_scoped3A : memref<!tpu.dma_semaphore, #tpu.memory_space<semaphore_mem>>) src(%arg9 : memref<128x128xf32, #tpu.memory_space<vmem>>) dst(%dma_wait3A_123 : memref<128x128xf32, #tpu.memory_space<vmem_shared>>)
        tpu.yield
      }) : () -> ()
      %mul3A_92 = arith.constant 1000 : i32
      %mul3A_93 = arith.muli %arg1, %mul3A_92 : i32
      %add3A_94 = arith.constant 256 : i32
      %add3A_95 = arith.addi %mul3A_93, %add3A_94 : i32
      "tpu.region"() ({
        %run_scoped3A = tpu.sem_alloc : memref<!tpu.dma_semaphore, #tpu.memory_space<semaphore_mem>>
        %dma_start3A_116 = arith.constant 0 : i32
        %dma_start3A_117 = tpu.memref_slice %arg11[%add3A_95, %dma_start3A_116] : memref<10000x128xf32, #tpu.memory_space<vmem_shared>> -> memref<128x128xf32, #tpu.memory_space<vmem_shared>>
        %dma_start3A_118 = arith.constant 0 : i32
        %dma_start3A_119 = tpu.memref_slice %arg11[%add3A_95, %dma_start3A_118] : memref<10000x128xf32, #tpu.memory_space<vmem_shared>> -> memref<128x128xf32, #tpu.memory_space<vmem_shared>>
        tpu.enqueue_dma source(%arg9 : memref<128x128xf32, #tpu.memory_space<vmem>>) target(%dma_start3A_119 : memref<128x128xf32, #tpu.memory_space<vmem_shared>>) target_semaphore(%run_scoped3A : memref<!tpu.dma_semaphore, #tpu.memory_space<semaphore_mem>>)
        %dma_wait3A_120 = arith.constant 0 : i32
        %dma_wait3A_121 = tpu.memref_slice %arg11[%add3A_95, %dma_wait3A_120] : memref<10000x128xf32, #tpu.memory_space<vmem_shared>> -> memref<128x128xf32, #tpu.memory_space<vmem_shared>>
        %dma_wait3A_122 = arith.constant 0 : i32
        %dma_wait3A_123 = tpu.memref_slice %arg11[%add3A_95, %dma_wait3A_122] : memref<10000x128xf32, #tpu.memory_space<vmem_shared>> -> memref<128x128xf32, #tpu.memory_space<vmem_shared>>
        tpu.wait_dma2 semaphore(%run_scoped3A : memref<!tpu.dma_semaphore, #tpu.memory_space<semaphore_mem>>) src(%arg9 : memref<128x128xf32, #tpu.memory_space<vmem>>) dst(%dma_wait3A_123 : memref<128x128xf32, #tpu.memory_space<vmem_shared>>)
        tpu.yield
      }) : () -> ()
      %mul3A_96 = arith.constant 1000 : i32
      %mul3A_97 = arith.muli %arg1, %mul3A_96 : i32
      %add3A_98 = arith.constant 384 : i32
      %add3A_99 = arith.addi %mul3A_97, %add3A_98 : i32
      "tpu.region"() ({
        %run_scoped3A = tpu.sem_alloc : memref<!tpu.dma_semaphore, #tpu.memory_space<semaphore_mem>>
        %dma_start3A_116 = arith.constant 0 : i32
        %dma_start3A_117 = tpu.memref_slice %arg11[%add3A_99, %dma_start3A_116] : memref<10000x128xf32, #tpu.memory_space<vmem_shared>> -> memref<128x128xf32, #tpu.memory_space<vmem_shared>>
        %dma_start3A_118 = arith.constant 0 : i32
        %dma_start3A_119 = tpu.memref_slice %arg11[%add3A_99, %dma_start3A_118] : memref<10000x128xf32, #tpu.memory_space<vmem_shared>> -> memref<128x128xf32, #tpu.memory_space<vmem_shared>>
        tpu.enqueue_dma source(%arg9 : memref<128x128xf32, #tpu.memory_space<vmem>>) target(%dma_start3A_119 : memref<128x128xf32, #tpu.memory_space<vmem_shared>>) target_semaphore(%run_scoped3A : memref<!tpu.dma_semaphore, #tpu.memory_space<semaphore_mem>>)
        %dma_wait3A_120 = arith.constant 0 : i32
        %dma_wait3A_121 = tpu.memref_slice %arg11[%add3A_99, %dma_wait3A_120] : memref<10000x128xf32, #tpu.memory_space<vmem_shared>> -> memref<128x128xf32, #tpu.memory_space<vmem_shared>>
        %dma_wait3A_122 = arith.constant 0 : i32
        %dma_wait3A_123 = tpu.memref_slice %arg11[%add3A_99, %dma_wait3A_122] : memref<10000x128xf32, #tpu.memory_space<vmem_shared>> -> memref<128x128xf32, #tpu.memory_space<vmem_shared>>
        tpu.wait_dma2 semaphore(%run_scoped3A : memref<!tpu.dma_semaphore, #tpu.memory_space<semaphore_mem>>) src(%arg9 : memref<128x128xf32, #tpu.memory_space<vmem>>) dst(%dma_wait3A_123 : memref<128x128xf32, #tpu.memory_space<vmem_shared>>)
        tpu.yield
      }) : () -> ()
      %mul3A_100 = arith.constant 1000 : i32
      %mul3A_101 = arith.muli %arg1, %mul3A_100 : i32
      %add3A_102 = arith.constant 512 : i32
      %add3A_103 = arith.addi %mul3A_101, %add3A_102 : i32
      "tpu.region"() ({
        %run_scoped3A = tpu.sem_alloc : memref<!tpu.dma_semaphore, #tpu.memory_space<semaphore_mem>>
        %dma_start3A_116 = arith.constant 0 : i32
        %dma_start3A_117 = tpu.memref_slice %arg11[%add3A_103, %dma_start3A_116] : memref<10000x128xf32, #tpu.memory_space<vmem_shared>> -> memref<128x128xf32, #tpu.memory_space<vmem_shared>>
        %dma_start3A_118 = arith.constant 0 : i32
        %dma_start3A_119 = tpu.memref_slice %arg11[%add3A_103, %dma_start3A_118] : memref<10000x128xf32, #tpu.memory_space<vmem_shared>> -> memref<128x128xf32, #tpu.memory_space<vmem_shared>>
        tpu.enqueue_dma source(%arg9 : memref<128x128xf32, #tpu.memory_space<vmem>>) target(%dma_start3A_119 : memref<128x128xf32, #tpu.memory_space<vmem_shared>>) target_semaphore(%run_scoped3A : memref<!tpu.dma_semaphore, #tpu.memory_space<semaphore_mem>>)
        %dma_wait3A_120 = arith.constant 0 : i32
        %dma_wait3A_121 = tpu.memref_slice %arg11[%add3A_103, %dma_wait3A_120] : memref<10000x128xf32, #tpu.memory_space<vmem_shared>> -> memref<128x128xf32, #tpu.memory_space<vmem_shared>>
        %dma_wait3A_122 = arith.constant 0 : i32
        %dma_wait3A_123 = tpu.memref_slice %arg11[%add3A_103, %dma_wait3A_122] : memref<10000x128xf32, #tpu.memory_space<vmem_shared>> -> memref<128x128xf32, #tpu.memory_space<vmem_shared>>
        tpu.wait_dma2 semaphore(%run_scoped3A : memref<!tpu.dma_semaphore, #tpu.memory_space<semaphore_mem>>) src(%arg9 : memref<128x128xf32, #tpu.memory_space<vmem>>) dst(%dma_wait3A_123 : memref<128x128xf32, #tpu.memory_space<vmem_shared>>)
        tpu.yield
      }) : () -> ()
      %mul3A_104 = arith.constant 1000 : i32
      %mul3A_105 = arith.muli %arg1, %mul3A_104 : i32
      %add3A_106 = arith.constant 640 : i32
      %add3A_107 = arith.addi %mul3A_105, %add3A_106 : i32
      "tpu.region"() ({
        %run_scoped3A = tpu.sem_alloc : memref<!tpu.dma_semaphore, #tpu.memory_space<semaphore_mem>>
        %dma_start3A_116 = arith.constant 0 : i32
        %dma_start3A_117 = tpu.memref_slice %arg11[%add3A_107, %dma_start3A_116] : memref<10000x128xf32, #tpu.memory_space<vmem_shared>> -> memref<128x128xf32, #tpu.memory_space<vmem_shared>>
        %dma_start3A_118 = arith.constant 0 : i32
        %dma_start3A_119 = tpu.memref_slice %arg11[%add3A_107, %dma_start3A_118] : memref<10000x128xf32, #tpu.memory_space<vmem_shared>> -> memref<128x128xf32, #tpu.memory_space<vmem_shared>>
        tpu.enqueue_dma source(%arg9 : memref<128x128xf32, #tpu.memory_space<vmem>>) target(%dma_start3A_119 : memref<128x128xf32, #tpu.memory_space<vmem_shared>>) target_semaphore(%run_scoped3A : memref<!tpu.dma_semaphore, #tpu.memory_space<semaphore_mem>>)
        %dma_wait3A_120 = arith.constant 0 : i32
        %dma_wait3A_121 = tpu.memref_slice %arg11[%add3A_107, %dma_wait3A_120] : memref<10000x128xf32, #tpu.memory_space<vmem_shared>> -> memref<128x128xf32, #tpu.memory_space<vmem_shared>>
        %dma_wait3A_122 = arith.constant 0 : i32
        %dma_wait3A_123 = tpu.memref_slice %arg11[%add3A_107, %dma_wait3A_122] : memref<10000x128xf32, #tpu.memory_space<vmem_shared>> -> memref<128x128xf32, #tpu.memory_space<vmem_shared>>
        tpu.wait_dma2 semaphore(%run_scoped3A : memref<!tpu.dma_semaphore, #tpu.memory_space<semaphore_mem>>) src(%arg9 : memref<128x128xf32, #tpu.memory_space<vmem>>) dst(%dma_wait3A_123 : memref<128x128xf32, #tpu.memory_space<vmem_shared>>)
        tpu.yield
      }) : () -> ()
      %mul3A_108 = arith.constant 1000 : i32
      %mul3A_109 = arith.muli %arg1, %mul3A_108 : i32
      %add3A_110 = arith.constant 768 : i32
      %add3A_111 = arith.addi %mul3A_109, %add3A_110 : i32
      "tpu.region"() ({
        %run_scoped3A = tpu.sem_alloc : memref<!tpu.dma_semaphore, #tpu.memory_space<semaphore_mem>>
        %dma_start3A_116 = arith.constant 0 : i32
        %dma_start3A_117 = tpu.memref_slice %arg11[%add3A_111, %dma_start3A_116] : memref<10000x128xf32, #tpu.memory_space<vmem_shared>> -> memref<128x128xf32, #tpu.memory_space<vmem_shared>>
        %dma_start3A_118 = arith.constant 0 : i32
        %dma_start3A_119 = tpu.memref_slice %arg11[%add3A_111, %dma_start3A_118] : memref<10000x128xf32, #tpu.memory_space<vmem_shared>> -> memref<128x128xf32, #tpu.memory_space<vmem_shared>>
        tpu.enqueue_dma source(%arg9 : memref<128x128xf32, #tpu.memory_space<vmem>>) target(%dma_start3A_119 : memref<128x128xf32, #tpu.memory_space<vmem_shared>>) target_semaphore(%run_scoped3A : memref<!tpu.dma_semaphore, #tpu.memory_space<semaphore_mem>>)
        %dma_wait3A_120 = arith.constant 0 : i32
        %dma_wait3A_121 = tpu.memref_slice %arg11[%add3A_111, %dma_wait3A_120] : memref<10000x128xf32, #tpu.memory_space<vmem_shared>> -> memref<128x128xf32, #tpu.memory_space<vmem_shared>>
        %dma_wait3A_122 = arith.constant 0 : i32
        %dma_wait3A_123 = tpu.memref_slice %arg11[%add3A_111, %dma_wait3A_122] : memref<10000x128xf32, #tpu.memory_space<vmem_shared>> -> memref<128x128xf32, #tpu.memory_space<vmem_shared>>
        tpu.wait_dma2 semaphore(%run_scoped3A : memref<!tpu.dma_semaphore, #tpu.memory_space<semaphore_mem>>) src(%arg9 : memref<128x128xf32, #tpu.memory_space<vmem>>) dst(%dma_wait3A_123 : memref<128x128xf32, #tpu.memory_space<vmem_shared>>)
        tpu.yield
      }) : () -> ()
      %mul3A_112 = arith.constant 1000 : i32
      %mul3A_113 = arith.muli %arg1, %mul3A_112 : i32
      %add3A_114 = arith.constant 872 : i32
      %add3A_115 = arith.addi %mul3A_113, %add3A_114 : i32
      "tpu.region"() ({
        %run_scoped3A = tpu.sem_alloc : memref<!tpu.dma_semaphore, #tpu.memory_space<semaphore_mem>>
        %dma_start3A_116 = arith.constant 0 : i32
        %dma_start3A_117 = tpu.memref_slice %arg11[%add3A_115, %dma_start3A_116] : memref<10000x128xf32, #tpu.memory_space<vmem_shared>> -> memref<128x128xf32, #tpu.memory_space<vmem_shared>>
        %dma_start3A_118 = arith.constant 0 : i32
        %dma_start3A_119 = tpu.memref_slice %arg11[%add3A_115, %dma_start3A_118] : memref<10000x128xf32, #tpu.memory_space<vmem_shared>> -> memref<128x128xf32, #tpu.memory_space<vmem_shared>>
        tpu.enqueue_dma source(%arg9 : memref<128x128xf32, #tpu.memory_space<vmem>>) target(%dma_start3A_119 : memref<128x128xf32, #tpu.memory_space<vmem_shared>>) target_semaphore(%run_scoped3A : memref<!tpu.dma_semaphore, #tpu.memory_space<semaphore_mem>>)
        %dma_wait3A_120 = arith.constant 0 : i32
        %dma_wait3A_121 = tpu.memref_slice %arg11[%add3A_115, %dma_wait3A_120] : memref<10000x128xf32, #tpu.memory_space<vmem_shared>> -> memref<128x128xf32, #tpu.memory_space<vmem_shared>>
        %dma_wait3A_122 = arith.constant 0 : i32
        %dma_wait3A_123 = tpu.memref_slice %arg11[%add3A_115, %dma_wait3A_122] : memref<10000x128xf32, #tpu.memory_space<vmem_shared>> -> memref<128x128xf32, #tpu.memory_space<vmem_shared>>
        tpu.wait_dma2 semaphore(%run_scoped3A : memref<!tpu.dma_semaphore, #tpu.memory_space<semaphore_mem>>) src(%arg9 : memref<128x128xf32, #tpu.memory_space<vmem>>) dst(%dma_wait3A_123 : memref<128x128xf32, #tpu.memory_space<vmem_shared>>)
        tpu.yield
      }) : () -> ()
    } else {
    }
    %mul3A_11 = arith.constant 78 : i32
    %mul3A_12 = arith.muli %add3A, %mul3A_11 : i32
    "tpu.region"() ({
      %run_scoped3A = tpu.sem_alloc : memref<!tpu.dma_semaphore, #tpu.memory_space<semaphore_mem>>
      %dma_start3A_84 = arith.constant 0 : i32
      %dma_start3A_85 = arith.constant 0 : i32
      %dma_start3A_86 = arith.constant 0 : i32
      %dma_start3A_87 = tpu.memref_slice %arg6[%dma_start3A_84, %dma_start3A_85, %dma_start3A_86] : memref<79x1x128xi32, #tpu.memory_space<vmem>> -> memref<78x1x128xi32, #tpu.memory_space<vmem>>
      %dma_start3A_88 = arith.constant 0 : i32
      %dma_start3A_89 = arith.constant 0 : i32
      %dma_start3A_90 = tpu.memref_slice %arg4[%mul3A_12, %dma_start3A_88, %dma_start3A_89] : memref<2500x1x128xi32, #tpu.memory_space<hbm>> -> memref<78x1x128xi32, #tpu.memory_space<hbm>>
      %dma_start3A_91 = arith.constant 0 : i32
      %dma_start3A_92 = arith.constant 0 : i32
      %dma_start3A_93 = arith.constant 0 : i32
      %dma_start3A_94 = tpu.memref_slice %arg6[%dma_start3A_91, %dma_start3A_92, %dma_start3A_93] : memref<79x1x128xi32, #tpu.memory_space<vmem>> -> memref<78x1x128xi32, #tpu.memory_space<vmem>>
      %dma_start3A_95 = arith.constant 0 : i32
      %dma_start3A_96 = arith.constant 0 : i32
      %dma_start3A_97 = tpu.memref_slice %arg4[%mul3A_12, %dma_start3A_95, %dma_start3A_96] : memref<2500x1x128xi32, #tpu.memory_space<hbm>> -> memref<78x1x128xi32, #tpu.memory_space<hbm>>
      tpu.enqueue_dma source(%dma_start3A_97 : memref<78x1x128xi32, #tpu.memory_space<hbm>>) target(%dma_start3A_94 : memref<78x1x128xi32, #tpu.memory_space<vmem>>) target_semaphore(%run_scoped3A : memref<!tpu.dma_semaphore, #tpu.memory_space<semaphore_mem>>)
      %dma_wait3A_98 = arith.constant 0 : i32
      %dma_wait3A_99 = arith.constant 0 : i32
      %dma_wait3A_100 = arith.constant 0 : i32
      %dma_wait3A_101 = tpu.memref_slice %arg6[%dma_wait3A_98, %dma_wait3A_99, %dma_wait3A_100] : memref<79x1x128xi32, #tpu.memory_space<vmem>> -> memref<78x1x128xi32, #tpu.memory_space<vmem>>
      %dma_wait3A_102 = arith.constant 0 : i32
      %dma_wait3A_103 = arith.constant 0 : i32
      %dma_wait3A_104 = tpu.memref_slice %arg4[%mul3A_12, %dma_wait3A_102, %dma_wait3A_103] : memref<2500x1x128xi32, #tpu.memory_space<hbm>> -> memref<78x1x128xi32, #tpu.memory_space<hbm>>
      %dma_wait3A_105 = arith.constant 0 : i32
      %dma_wait3A_106 = arith.constant 0 : i32
      %dma_wait3A_107 = arith.constant 0 : i32
      %dma_wait3A_108 = tpu.memref_slice %arg6[%dma_wait3A_105, %dma_wait3A_106, %dma_wait3A_107] : memref<79x1x128xi32, #tpu.memory_space<vmem>> -> memref<78x1x128xi32, #tpu.memory_space<vmem>>
      %dma_wait3A_109 = arith.constant 0 : i32
      %dma_wait3A_110 = arith.constant 0 : i32
      %dma_wait3A_111 = tpu.memref_slice %arg4[%mul3A_12, %dma_wait3A_109, %dma_wait3A_110] : memref<2500x1x128xi32, #tpu.memory_space<hbm>> -> memref<78x1x128xi32, #tpu.memory_space<hbm>>
      tpu.wait_dma2 semaphore(%run_scoped3A : memref<!tpu.dma_semaphore, #tpu.memory_space<semaphore_mem>>) src(%dma_wait3A_111 : memref<78x1x128xi32, #tpu.memory_space<hbm>>) dst(%dma_wait3A_108 : memref<78x1x128xi32, #tpu.memory_space<vmem>>)
      tpu.yield
    }) : () -> ()
    %lt3A_13 = arith.constant 4 : i32
    %lt3A_14 = arith.cmpi slt, %add3A, %lt3A_13 : i32
    %convert_element_type3A_15 = arith.extui %lt3A_14 : i1 to i32
    %cond3A_16 = arith.constant 0 : i32
    %cond3A_17 = arith.cmpi ne, %convert_element_type3A_15, %cond3A_16 : i32
    scf.if %cond3A_17 {
      %add3A_84 = arith.constant 2496 : i32
      %add3A_85 = arith.addi %add3A_84, %add3A : i32
      "tpu.region"() ({
        %run_scoped3A = tpu.sem_alloc : memref<!tpu.dma_semaphore, #tpu.memory_space<semaphore_mem>>
        %dma_start3A_86 = arith.constant 78 : i32
        %dma_start3A_87 = arith.constant 0 : i32
        %dma_start3A_88 = arith.constant 0 : i32
        %dma_start3A_89 = tpu.memref_slice %arg6[%dma_start3A_86, %dma_start3A_87, %dma_start3A_88] : memref<79x1x128xi32, #tpu.memory_space<vmem>> -> memref<1x1x128xi32, #tpu.memory_space<vmem>>
        %dma_start3A_90 = arith.constant 0 : i32
        %dma_start3A_91 = arith.constant 0 : i32
        %dma_start3A_92 = tpu.memref_slice %arg4[%add3A_85, %dma_start3A_90, %dma_start3A_91] : memref<2500x1x128xi32, #tpu.memory_space<hbm>> -> memref<1x1x128xi32, #tpu.memory_space<hbm>>
        %dma_start3A_93 = arith.constant 78 : i32
        %dma_start3A_94 = arith.constant 0 : i32
        %dma_start3A_95 = arith.constant 0 : i32
        %dma_start3A_96 = tpu.memref_slice %arg6[%dma_start3A_93, %dma_start3A_94, %dma_start3A_95] : memref<79x1x128xi32, #tpu.memory_space<vmem>> -> memref<1x1x128xi32, #tpu.memory_space<vmem>>
        %dma_start3A_97 = arith.constant 0 : i32
        %dma_start3A_98 = arith.constant 0 : i32
        %dma_start3A_99 = tpu.memref_slice %arg4[%add3A_85, %dma_start3A_97, %dma_start3A_98] : memref<2500x1x128xi32, #tpu.memory_space<hbm>> -> memref<1x1x128xi32, #tpu.memory_space<hbm>>
        tpu.enqueue_dma source(%dma_start3A_99 : memref<1x1x128xi32, #tpu.memory_space<hbm>>) target(%dma_start3A_96 : memref<1x1x128xi32, #tpu.memory_space<vmem>>) target_semaphore(%run_scoped3A : memref<!tpu.dma_semaphore, #tpu.memory_space<semaphore_mem>>)
        %dma_wait3A_100 = arith.constant 78 : i32
        %dma_wait3A_101 = arith.constant 0 : i32
        %dma_wait3A_102 = arith.constant 0 : i32
        %dma_wait3A_103 = tpu.memref_slice %arg6[%dma_wait3A_100, %dma_wait3A_101, %dma_wait3A_102] : memref<79x1x128xi32, #tpu.memory_space<vmem>> -> memref<1x1x128xi32, #tpu.memory_space<vmem>>
        %dma_wait3A_104 = arith.constant 0 : i32
        %dma_wait3A_105 = arith.constant 0 : i32
        %dma_wait3A_106 = tpu.memref_slice %arg4[%add3A_85, %dma_wait3A_104, %dma_wait3A_105] : memref<2500x1x128xi32, #tpu.memory_space<hbm>> -> memref<1x1x128xi32, #tpu.memory_space<hbm>>
        %dma_wait3A_107 = arith.constant 78 : i32
        %dma_wait3A_108 = arith.constant 0 : i32
        %dma_wait3A_109 = arith.constant 0 : i32
        %dma_wait3A_110 = tpu.memref_slice %arg6[%dma_wait3A_107, %dma_wait3A_108, %dma_wait3A_109] : memref<79x1x128xi32, #tpu.memory_space<vmem>> -> memref<1x1x128xi32, #tpu.memory_space<vmem>>
        %dma_wait3A_111 = arith.constant 0 : i32
        %dma_wait3A_112 = arith.constant 0 : i32
        %dma_wait3A_113 = tpu.memref_slice %arg4[%add3A_85, %dma_wait3A_111, %dma_wait3A_112] : memref<2500x1x128xi32, #tpu.memory_space<hbm>> -> memref<1x1x128xi32, #tpu.memory_space<hbm>>
        tpu.wait_dma2 semaphore(%run_scoped3A : memref<!tpu.dma_semaphore, #tpu.memory_space<semaphore_mem>>) src(%dma_wait3A_113 : memref<1x1x128xi32, #tpu.memory_space<hbm>>) dst(%dma_wait3A_110 : memref<1x1x128xi32, #tpu.memory_space<vmem>>)
        tpu.yield
      }) : () -> ()
    } else {
    }
    %barrier3A = arith.constant 0 : index
    tpu.barrier barrier_id(%barrier3A)
    %add3A_18 = arith.constant 2496 : i32
    %add3A_19 = arith.addi %add3A_18, %add3A : i32
    %mul3A_20 = arith.constant 78 : i32
    %mul3A_21 = arith.muli %add3A, %mul3A_20 : i32
    %add3A_22 = arith.constant 0 : i32
    %add3A_23 = arith.addi %mul3A_21, %add3A_22 : i32
    %jit3A_24 = arith.constant false
    %select_n3A_25 = arith.select %jit3A_24, %add3A_19, %add3A_23 : i32
    %dma_start3A = arith.constant 0 : i32
    %dma_start3A_26 = arith.constant 0 : i32
    %dma_start3A_27 = tpu.memref_slice %arg3[%select_n3A_25, %dma_start3A, %dma_start3A_26] : memref<2500x1x128xi32, #tpu.memory_space<hbm>> -> memref<1x1x128xi32, #tpu.memory_space<hbm>>
    %dma_start3A_28 = arith.constant 0 : i32
    %dma_start3A_29 = arith.constant 0 : i32
    %dma_start3A_30 = tpu.memref_slice %arg3[%select_n3A_25, %dma_start3A_28, %dma_start3A_29] : memref<2500x1x128xi32, #tpu.memory_space<hbm>> -> memref<1x1x128xi32, #tpu.memory_space<hbm>>
    tpu.enqueue_dma source(%dma_start3A_30 : memref<1x1x128xi32, #tpu.memory_space<hbm>>) target(%arg7 : memref<1x1x128xi32, #tpu.memory_space<vmem>>) target_semaphore(%arg13 : memref<!tpu.dma_semaphore, #tpu.memory_space<semaphore_mem>>)
    %dma_wait3A = arith.constant 0 : i32
    %dma_wait3A_31 = arith.constant 0 : i32
    %dma_wait3A_32 = arith.constant 0 : i32
    %dma_wait3A_33 = tpu.memref_slice %arg3[%dma_wait3A, %dma_wait3A_31, %dma_wait3A_32] : memref<2500x1x128xi32, #tpu.memory_space<hbm>> -> memref<1x1x128xi32, #tpu.memory_space<hbm>>
    %dma_wait3A_34 = arith.constant 0 : i32
    %dma_wait3A_35 = arith.constant 0 : i32
    %dma_wait3A_36 = arith.constant 0 : i32
    %dma_wait3A_37 = tpu.memref_slice %arg3[%dma_wait3A_34, %dma_wait3A_35, %dma_wait3A_36] : memref<2500x1x128xi32, #tpu.memory_space<hbm>> -> memref<1x1x128xi32, #tpu.memory_space<hbm>>
    tpu.wait_dma2 semaphore(%arg13 : memref<!tpu.dma_semaphore, #tpu.memory_space<semaphore_mem>>) src(%dma_wait3A_37 : memref<1x1x128xi32, #tpu.memory_space<hbm>>) dst(%arg7 : memref<1x1x128xi32, #tpu.memory_space<vmem>>)
    %dma_start3A_38 = arith.constant 0 : i32
    %dma_start3A_39 = arith.constant 0 : i32
    %dma_start3A_40 = arith.constant 0 : i32
    %dma_start3A_41 = tpu.memref_slice %arg7[%dma_start3A_38, %dma_start3A_39, %dma_start3A_40] : memref<1x1x128xi32, #tpu.memory_space<vmem>> -> memref<1x1x128xi32, #tpu.memory_space<vmem>>
    %dma_start3A_42 = tpu.memref_squeeze %dma_start3A_41 : memref<1x1x128xi32, #tpu.memory_space<vmem>> -> memref<128xi32, #tpu.memory_space<vmem>>
    %dma_start3A_43 = arith.constant 0 : i32
    %dma_start3A_44 = arith.constant 0 : i32
    %dma_start3A_45 = tpu.memref_slice %arg2[%dma_start3A_43, %dma_start3A_44] : memref<10000x128xf32, #tpu.memory_space<hbm>> -> memref<10000x128xf32, #tpu.memory_space<hbm>>
    tpu.enqueue_indirect_dma source(%dma_start3A_45 : memref<10000x128xf32, #tpu.memory_space<hbm>>) target(%arg9 : memref<128x128xf32, #tpu.memory_space<vmem>>) offsets(%dma_start3A_42 : memref<128xi32, #tpu.memory_space<vmem>>) semaphore(%arg12 : memref<!tpu.dma_semaphore, #tpu.memory_space<semaphore_mem>>)
    %add3A_46 = arith.constant 2496 : i32
    %add3A_47 = arith.addi %add3A_46, %add3A : i32
    %mul3A_48 = arith.constant 78 : i32
    %mul3A_49 = arith.muli %add3A, %mul3A_48 : i32
    %add3A_50 = arith.constant 1 : i32
    %add3A_51 = arith.addi %mul3A_49, %add3A_50 : i32
    %jit3A_52 = arith.constant false
    %select_n3A_53 = arith.select %jit3A_52, %add3A_47, %add3A_51 : i32
    %dma_start3A_54 = arith.constant 0 : i32
    %dma_start3A_55 = arith.constant 0 : i32
    %dma_start3A_56 = tpu.memref_slice %arg3[%select_n3A_53, %dma_start3A_54, %dma_start3A_55] : memref<2500x1x128xi32, #tpu.memory_space<hbm>> -> memref<1x1x128xi32, #tpu.memory_space<hbm>>
    %dma_start3A_57 = arith.constant 0 : i32
    %dma_start3A_58 = arith.constant 0 : i32
    %dma_start3A_59 = tpu.memref_slice %arg3[%select_n3A_53, %dma_start3A_57, %dma_start3A_58] : memref<2500x1x128xi32, #tpu.memory_space<hbm>> -> memref<1x1x128xi32, #tpu.memory_space<hbm>>
    tpu.enqueue_dma source(%dma_start3A_59 : memref<1x1x128xi32, #tpu.memory_space<hbm>>) target(%arg8 : memref<1x1x128xi32, #tpu.memory_space<vmem>>) target_semaphore(%arg14 : memref<!tpu.dma_semaphore, #tpu.memory_space<semaphore_mem>>)
    %dma_wait3A_60 = arith.constant 0 : i32
    %dma_wait3A_61 = arith.constant 0 : i32
    %dma_wait3A_62 = arith.constant 0 : i32
    %dma_wait3A_63 = tpu.memref_slice %arg3[%dma_wait3A_60, %dma_wait3A_61, %dma_wait3A_62] : memref<2500x1x128xi32, #tpu.memory_space<hbm>> -> memref<1x1x128xi32, #tpu.memory_space<hbm>>
    %dma_wait3A_64 = arith.constant 0 : i32
    %dma_wait3A_65 = arith.constant 0 : i32
    %dma_wait3A_66 = arith.constant 0 : i32
    %dma_wait3A_67 = tpu.memref_slice %arg3[%dma_wait3A_64, %dma_wait3A_65, %dma_wait3A_66] : memref<2500x1x128xi32, #tpu.memory_space<hbm>> -> memref<1x1x128xi32, #tpu.memory_space<hbm>>
    tpu.wait_dma2 semaphore(%arg14 : memref<!tpu.dma_semaphore, #tpu.memory_space<semaphore_mem>>) src(%dma_wait3A_67 : memref<1x1x128xi32, #tpu.memory_space<hbm>>) dst(%arg8 : memref<1x1x128xi32, #tpu.memory_space<vmem>>)
    %scan3A_68 = arith.constant 0 : i32
    %scan3A_69 = arith.constant 0 : i32
    %scan3A_70 = arith.constant 39 : i32
    %scan3A_71 = arith.addi %scan3A_69, %scan3A_70 : i32
    %scan3A_72 = arith.constant 1 : i32
    scf.for %scan3A_84 = %scan3A_69 to %scan3A_71 step %scan3A_72  : i32 {
      %mul3A_85 = arith.constant 2 : i32
      %mul3A_86 = arith.muli %mul3A_85, %scan3A_84 : i32
      %dma_wait3A_87 = arith.constant 0 : i32
      %dma_wait3A_88 = arith.constant 0 : i32
      %dma_wait3A_89 = arith.constant 0 : i32
      %dma_wait3A_90 = tpu.memref_slice %arg7[%dma_wait3A_87, %dma_wait3A_88, %dma_wait3A_89] : memref<1x1x128xi32, #tpu.memory_space<vmem>> -> memref<1x1x128xi32, #tpu.memory_space<vmem>>
      %dma_wait3A_91 = tpu.memref_squeeze %dma_wait3A_90 : memref<1x1x128xi32, #tpu.memory_space<vmem>> -> memref<128xi32, #tpu.memory_space<vmem>>
      %dma_wait3A_92 = arith.constant 0 : i32
      %dma_wait3A_93 = arith.constant 0 : i32
      %dma_wait3A_94 = tpu.memref_slice %arg2[%dma_wait3A_92, %dma_wait3A_93] : memref<10000x128xf32, #tpu.memory_space<hbm>> -> memref<10000x128xf32, #tpu.memory_space<hbm>>
      tpu.wait_indirect_dma semaphore(%arg12 : memref<!tpu.dma_semaphore, #tpu.memory_space<semaphore_mem>>) src(%dma_wait3A_94 : memref<10000x128xf32, #tpu.memory_space<hbm>>) dst(%arg9 : memref<128x128xf32, #tpu.memory_space<vmem>>)
      %dma_start3A_95 = arith.constant 0 : i32
      %dma_start3A_96 = arith.constant 0 : i32
      %dma_start3A_97 = arith.constant 0 : i32
      %dma_start3A_98 = tpu.memref_slice %arg8[%dma_start3A_95, %dma_start3A_96, %dma_start3A_97] : memref<1x1x128xi32, #tpu.memory_space<vmem>> -> memref<1x1x128xi32, #tpu.memory_space<vmem>>
      %dma_start3A_99 = tpu.memref_squeeze %dma_start3A_98 : memref<1x1x128xi32, #tpu.memory_space<vmem>> -> memref<128xi32, #tpu.memory_space<vmem>>
      %dma_start3A_100 = arith.constant 0 : i32
      %dma_start3A_101 = arith.constant 0 : i32
      %dma_start3A_102 = tpu.memref_slice %arg2[%dma_start3A_100, %dma_start3A_101] : memref<10000x128xf32, #tpu.memory_space<hbm>> -> memref<10000x128xf32, #tpu.memory_space<hbm>>
      tpu.enqueue_indirect_dma source(%dma_start3A_102 : memref<10000x128xf32, #tpu.memory_space<hbm>>) target(%arg10 : memref<128x128xf32, #tpu.memory_space<vmem>>) offsets(%dma_start3A_99 : memref<128xi32, #tpu.memory_space<vmem>>) semaphore(%arg12 : memref<!tpu.dma_semaphore, #tpu.memory_space<semaphore_mem>>)
      %add3A_103 = arith.constant 2 : i32
      %add3A_104 = arith.addi %mul3A_86, %add3A_103 : i32
      %lt3A_105 = arith.cmpi slt, %add3A_104, %select_n3A : i32
      %convert_element_type3A_106 = arith.extui %lt3A_105 : i1 to i32
      %cond3A_107 = arith.constant 0 : i32
      %cond3A_108 = arith.cmpi ne, %convert_element_type3A_106, %cond3A_107 : i32
      scf.if %cond3A_108 {
        %add3A_138 = arith.constant 2 : i32
        %add3A_139 = arith.addi %mul3A_86, %add3A_138 : i32
        %eq3A_140 = arith.constant 78 : i32
        %eq3A_141 = arith.cmpi eq, %add3A_139, %eq3A_140 : i32
        %add3A_142 = arith.constant 2496 : i32
        %add3A_143 = arith.addi %add3A_142, %add3A : i32
        %mul3A_144 = arith.constant 78 : i32
        %mul3A_145 = arith.muli %add3A, %mul3A_144 : i32
        %add3A_146 = arith.addi %mul3A_145, %add3A_139 : i32
        %select_n3A_147 = arith.select %eq3A_141, %add3A_143, %add3A_146 : i32
        %dma_start3A_148 = arith.constant 0 : i32
        %dma_start3A_149 = arith.constant 0 : i32
        %dma_start3A_150 = tpu.memref_slice %arg3[%select_n3A_147, %dma_start3A_148, %dma_start3A_149] : memref<2500x1x128xi32, #tpu.memory_space<hbm>> -> memref<1x1x128xi32, #tpu.memory_space<hbm>>
        %dma_start3A_151 = arith.constant 0 : i32
        %dma_start3A_152 = arith.constant 0 : i32
        %dma_start3A_153 = tpu.memref_slice %arg3[%select_n3A_147, %dma_start3A_151, %dma_start3A_152] : memref<2500x1x128xi32, #tpu.memory_space<hbm>> -> memref<1x1x128xi32, #tpu.memory_space<hbm>>
        tpu.enqueue_dma source(%dma_start3A_153 : memref<1x1x128xi32, #tpu.memory_space<hbm>>) target(%arg7 : memref<1x1x128xi32, #tpu.memory_space<vmem>>) target_semaphore(%arg13 : memref<!tpu.dma_semaphore, #tpu.memory_space<semaphore_mem>>)
      } else {
      }
      %run_scoped3A = arith.constant 0 : i32
      "tpu.region"() ({
        %run_scoped3A_138 = tpu.sem_alloc : memref<!tpu.dma_semaphore, #tpu.memory_space<semaphore_mem>>
        %dma_start3A_139 = arith.constant 0 : i32
        %dma_start3A_140 = tpu.memref_slice %arg6[%mul3A_86, %run_scoped3A, %dma_start3A_139] : memref<79x1x128xi32, #tpu.memory_space<vmem>> -> memref<1x1x128xi32, #tpu.memory_space<vmem>>
        %dma_start3A_141 = tpu.memref_squeeze %dma_start3A_140 : memref<1x1x128xi32, #tpu.memory_space<vmem>> -> memref<128xi32, #tpu.memory_space<vmem>>
        %dma_start3A_142 = arith.constant 0 : i32
        %dma_start3A_143 = arith.constant 0 : i32
        %dma_start3A_144 = tpu.memref_slice %arg11[%dma_start3A_142, %dma_start3A_143] : memref<10000x128xf32, #tpu.memory_space<vmem_shared>> -> memref<10000x128xf32, #tpu.memory_space<vmem_shared>>
        tpu.enqueue_indirect_dma source(%arg9 : memref<128x128xf32, #tpu.memory_space<vmem>>) target(%dma_start3A_144 : memref<10000x128xf32, #tpu.memory_space<vmem_shared>>) offsets(%dma_start3A_141 : memref<128xi32, #tpu.memory_space<vmem>>) semaphore(%run_scoped3A_138 : memref<!tpu.dma_semaphore, #tpu.memory_space<semaphore_mem>>) {add = true}
        %dma_wait3A_145 = arith.constant 0 : i32
        %dma_wait3A_146 = tpu.memref_slice %arg6[%mul3A_86, %run_scoped3A, %dma_wait3A_145] : memref<79x1x128xi32, #tpu.memory_space<vmem>> -> memref<1x1x128xi32, #tpu.memory_space<vmem>>
        %dma_wait3A_147 = tpu.memref_squeeze %dma_wait3A_146 : memref<1x1x128xi32, #tpu.memory_space<vmem>> -> memref<128xi32, #tpu.memory_space<vmem>>
        %dma_wait3A_148 = arith.constant 0 : i32
        %dma_wait3A_149 = arith.constant 0 : i32
        %dma_wait3A_150 = tpu.memref_slice %arg11[%dma_wait3A_148, %dma_wait3A_149] : memref<10000x128xf32, #tpu.memory_space<vmem_shared>> -> memref<10000x128xf32, #tpu.memory_space<vmem_shared>>
        tpu.wait_indirect_dma semaphore(%run_scoped3A_138 : memref<!tpu.dma_semaphore, #tpu.memory_space<semaphore_mem>>) src(%arg9 : memref<128x128xf32, #tpu.memory_space<vmem>>) dst(%dma_wait3A_150 : memref<10000x128xf32, #tpu.memory_space<vmem_shared>>)
        tpu.yield
      }) : () -> ()
      %dma_wait3A_109 = arith.constant 0 : i32
      %dma_wait3A_110 = arith.constant 0 : i32
      %dma_wait3A_111 = arith.constant 0 : i32
      %dma_wait3A_112 = tpu.memref_slice %arg7[%dma_wait3A_109, %dma_wait3A_110, %dma_wait3A_111] : memref<1x1x128xi32, #tpu.memory_space<vmem>> -> memref<1x1x128xi32, #tpu.memory_space<vmem>>
      %dma_wait3A_113 = tpu.memref_squeeze %dma_wait3A_112 : memref<1x1x128xi32, #tpu.memory_space<vmem>> -> memref<128xi32, #tpu.memory_space<vmem>>
      %dma_wait3A_114 = arith.constant 0 : i32
      %dma_wait3A_115 = arith.constant 0 : i32
      %dma_wait3A_116 = tpu.memref_slice %arg2[%dma_wait3A_114, %dma_wait3A_115] : memref<10000x128xf32, #tpu.memory_space<hbm>> -> memref<10000x128xf32, #tpu.memory_space<hbm>>
      tpu.wait_indirect_dma semaphore(%arg12 : memref<!tpu.dma_semaphore, #tpu.memory_space<semaphore_mem>>) src(%dma_wait3A_116 : memref<10000x128xf32, #tpu.memory_space<hbm>>) dst(%arg10 : memref<128x128xf32, #tpu.memory_space<vmem>>)
      %add3A_117 = arith.constant 2 : i32
      %add3A_118 = arith.addi %mul3A_86, %add3A_117 : i32
      %lt3A_119 = arith.cmpi slt, %add3A_118, %select_n3A : i32
      %convert_element_type3A_120 = arith.extui %lt3A_119 : i1 to i32
      %cond3A_121 = arith.constant 0 : i32
      %cond3A_122 = arith.cmpi ne, %convert_element_type3A_120, %cond3A_121 : i32
      scf.if %cond3A_122 {
        %dma_wait3A_138 = arith.constant 0 : i32
        %dma_wait3A_139 = arith.constant 0 : i32
        %dma_wait3A_140 = arith.constant 0 : i32
        %dma_wait3A_141 = tpu.memref_slice %arg3[%dma_wait3A_138, %dma_wait3A_139, %dma_wait3A_140] : memref<2500x1x128xi32, #tpu.memory_space<hbm>> -> memref<1x1x128xi32, #tpu.memory_space<hbm>>
        %dma_wait3A_142 = arith.constant 0 : i32
        %dma_wait3A_143 = arith.constant 0 : i32
        %dma_wait3A_144 = arith.constant 0 : i32
        %dma_wait3A_145 = tpu.memref_slice %arg3[%dma_wait3A_142, %dma_wait3A_143, %dma_wait3A_144] : memref<2500x1x128xi32, #tpu.memory_space<hbm>> -> memref<1x1x128xi32, #tpu.memory_space<hbm>>
        tpu.wait_dma2 semaphore(%arg13 : memref<!tpu.dma_semaphore, #tpu.memory_space<semaphore_mem>>) src(%dma_wait3A_145 : memref<1x1x128xi32, #tpu.memory_space<hbm>>) dst(%arg7 : memref<1x1x128xi32, #tpu.memory_space<vmem>>)
        %dma_start3A_146 = arith.constant 0 : i32
        %dma_start3A_147 = arith.constant 0 : i32
        %dma_start3A_148 = arith.constant 0 : i32
        %dma_start3A_149 = tpu.memref_slice %arg7[%dma_start3A_146, %dma_start3A_147, %dma_start3A_148] : memref<1x1x128xi32, #tpu.memory_space<vmem>> -> memref<1x1x128xi32, #tpu.memory_space<vmem>>
        %dma_start3A_150 = tpu.memref_squeeze %dma_start3A_149 : memref<1x1x128xi32, #tpu.memory_space<vmem>> -> memref<128xi32, #tpu.memory_space<vmem>>
        %dma_start3A_151 = arith.constant 0 : i32
        %dma_start3A_152 = arith.constant 0 : i32
        %dma_start3A_153 = tpu.memref_slice %arg2[%dma_start3A_151, %dma_start3A_152] : memref<10000x128xf32, #tpu.memory_space<hbm>> -> memref<10000x128xf32, #tpu.memory_space<hbm>>
        tpu.enqueue_indirect_dma source(%dma_start3A_153 : memref<10000x128xf32, #tpu.memory_space<hbm>>) target(%arg9 : memref<128x128xf32, #tpu.memory_space<vmem>>) offsets(%dma_start3A_150 : memref<128xi32, #tpu.memory_space<vmem>>) semaphore(%arg12 : memref<!tpu.dma_semaphore, #tpu.memory_space<semaphore_mem>>)
      } else {
      }
      %add3A_123 = arith.constant 3 : i32
      %add3A_124 = arith.addi %mul3A_86, %add3A_123 : i32
      %lt3A_125 = arith.cmpi slt, %add3A_124, %select_n3A : i32
      %convert_element_type3A_126 = arith.extui %lt3A_125 : i1 to i32
      %cond3A_127 = arith.constant 0 : i32
      %cond3A_128 = arith.cmpi ne, %convert_element_type3A_126, %cond3A_127 : i32
      scf.if %cond3A_128 {
        %add3A_138 = arith.constant 3 : i32
        %add3A_139 = arith.addi %mul3A_86, %add3A_138 : i32
        %eq3A_140 = arith.constant 78 : i32
        %eq3A_141 = arith.cmpi eq, %add3A_139, %eq3A_140 : i32
        %add3A_142 = arith.constant 2496 : i32
        %add3A_143 = arith.addi %add3A_142, %add3A : i32
        %mul3A_144 = arith.constant 78 : i32
        %mul3A_145 = arith.muli %add3A, %mul3A_144 : i32
        %add3A_146 = arith.addi %mul3A_145, %add3A_139 : i32
        %select_n3A_147 = arith.select %eq3A_141, %add3A_143, %add3A_146 : i32
        %dma_start3A_148 = arith.constant 0 : i32
        %dma_start3A_149 = arith.constant 0 : i32
        %dma_start3A_150 = tpu.memref_slice %arg3[%select_n3A_147, %dma_start3A_148, %dma_start3A_149] : memref<2500x1x128xi32, #tpu.memory_space<hbm>> -> memref<1x1x128xi32, #tpu.memory_space<hbm>>
        %dma_start3A_151 = arith.constant 0 : i32
        %dma_start3A_152 = arith.constant 0 : i32
        %dma_start3A_153 = tpu.memref_slice %arg3[%select_n3A_147, %dma_start3A_151, %dma_start3A_152] : memref<2500x1x128xi32, #tpu.memory_space<hbm>> -> memref<1x1x128xi32, #tpu.memory_space<hbm>>
        tpu.enqueue_dma source(%dma_start3A_153 : memref<1x1x128xi32, #tpu.memory_space<hbm>>) target(%arg8 : memref<1x1x128xi32, #tpu.memory_space<vmem>>) target_semaphore(%arg14 : memref<!tpu.dma_semaphore, #tpu.memory_space<semaphore_mem>>)
      } else {
      }
      %add3A_129 = arith.constant 1 : i32
      %add3A_130 = arith.addi %mul3A_86, %add3A_129 : i32
      %run_scoped3A_131 = arith.constant 0 : i32
      "tpu.region"() ({
        %run_scoped3A_138 = tpu.sem_alloc : memref<!tpu.dma_semaphore, #tpu.memory_space<semaphore_mem>>
        %dma_start3A_139 = arith.constant 0 : i32
        %dma_start3A_140 = tpu.memref_slice %arg6[%add3A_130, %run_scoped3A_131, %dma_start3A_139] : memref<79x1x128xi32, #tpu.memory_space<vmem>> -> memref<1x1x128xi32, #tpu.memory_space<vmem>>
        %dma_start3A_141 = tpu.memref_squeeze %dma_start3A_140 : memref<1x1x128xi32, #tpu.memory_space<vmem>> -> memref<128xi32, #tpu.memory_space<vmem>>
        %dma_start3A_142 = arith.constant 0 : i32
        %dma_start3A_143 = arith.constant 0 : i32
        %dma_start3A_144 = tpu.memref_slice %arg11[%dma_start3A_142, %dma_start3A_143] : memref<10000x128xf32, #tpu.memory_space<vmem_shared>> -> memref<10000x128xf32, #tpu.memory_space<vmem_shared>>
        tpu.enqueue_indirect_dma source(%arg10 : memref<128x128xf32, #tpu.memory_space<vmem>>) target(%dma_start3A_144 : memref<10000x128xf32, #tpu.memory_space<vmem_shared>>) offsets(%dma_start3A_141 : memref<128xi32, #tpu.memory_space<vmem>>) semaphore(%run_scoped3A_138 : memref<!tpu.dma_semaphore, #tpu.memory_space<semaphore_mem>>) {add = true}
        %dma_wait3A_145 = arith.constant 0 : i32
        %dma_wait3A_146 = tpu.memref_slice %arg6[%add3A_130, %run_scoped3A_131, %dma_wait3A_145] : memref<79x1x128xi32, #tpu.memory_space<vmem>> -> memref<1x1x128xi32, #tpu.memory_space<vmem>>
        %dma_wait3A_147 = tpu.memref_squeeze %dma_wait3A_146 : memref<1x1x128xi32, #tpu.memory_space<vmem>> -> memref<128xi32, #tpu.memory_space<vmem>>
        %dma_wait3A_148 = arith.constant 0 : i32
        %dma_wait3A_149 = arith.constant 0 : i32
        %dma_wait3A_150 = tpu.memref_slice %arg11[%dma_wait3A_148, %dma_wait3A_149] : memref<10000x128xf32, #tpu.memory_space<vmem_shared>> -> memref<10000x128xf32, #tpu.memory_space<vmem_shared>>
        tpu.wait_indirect_dma semaphore(%run_scoped3A_138 : memref<!tpu.dma_semaphore, #tpu.memory_space<semaphore_mem>>) src(%arg10 : memref<128x128xf32, #tpu.memory_space<vmem>>) dst(%dma_wait3A_150 : memref<10000x128xf32, #tpu.memory_space<vmem_shared>>)
        tpu.yield
      }) : () -> ()
      %add3A_132 = arith.constant 3 : i32
      %add3A_133 = arith.addi %mul3A_86, %add3A_132 : i32
      %lt3A_134 = arith.cmpi slt, %add3A_133, %select_n3A : i32
      %convert_element_type3A_135 = arith.extui %lt3A_134 : i1 to i32
      %cond3A_136 = arith.constant 0 : i32
      %cond3A_137 = arith.cmpi ne, %convert_element_type3A_135, %cond3A_136 : i32
      scf.if %cond3A_137 {
        %dma_wait3A_138 = arith.constant 0 : i32
        %dma_wait3A_139 = arith.constant 0 : i32
        %dma_wait3A_140 = arith.constant 0 : i32
        %dma_wait3A_141 = tpu.memref_slice %arg3[%dma_wait3A_138, %dma_wait3A_139, %dma_wait3A_140] : memref<2500x1x128xi32, #tpu.memory_space<hbm>> -> memref<1x1x128xi32, #tpu.memory_space<hbm>>
        %dma_wait3A_142 = arith.constant 0 : i32
        %dma_wait3A_143 = arith.constant 0 : i32
        %dma_wait3A_144 = arith.constant 0 : i32
        %dma_wait3A_145 = tpu.memref_slice %arg3[%dma_wait3A_142, %dma_wait3A_143, %dma_wait3A_144] : memref<2500x1x128xi32, #tpu.memory_space<hbm>> -> memref<1x1x128xi32, #tpu.memory_space<hbm>>
        tpu.wait_dma2 semaphore(%arg14 : memref<!tpu.dma_semaphore, #tpu.memory_space<semaphore_mem>>) src(%dma_wait3A_145 : memref<1x1x128xi32, #tpu.memory_space<hbm>>) dst(%arg8 : memref<1x1x128xi32, #tpu.memory_space<vmem>>)
      } else {
      }
    }
    %scan3A_73 = arith.constant 39 : i32
    %eq3A = arith.constant 79 : i32
    %eq3A_74 = arith.cmpi eq, %select_n3A, %eq3A : i32
    %convert_element_type3A_75 = arith.extui %eq3A_74 : i1 to i32
    %cond3A_76 = arith.constant 0 : i32
    %cond3A_77 = arith.cmpi ne, %convert_element_type3A_75, %cond3A_76 : i32
    scf.if %cond3A_77 {
      %dma_wait3A_84 = arith.constant 0 : i32
      %dma_wait3A_85 = arith.constant 0 : i32
      %dma_wait3A_86 = arith.constant 0 : i32
      %dma_wait3A_87 = tpu.memref_slice %arg7[%dma_wait3A_84, %dma_wait3A_85, %dma_wait3A_86] : memref<1x1x128xi32, #tpu.memory_space<vmem>> -> memref<1x1x128xi32, #tpu.memory_space<vmem>>
      %dma_wait3A_88 = tpu.memref_squeeze %dma_wait3A_87 : memref<1x1x128xi32, #tpu.memory_space<vmem>> -> memref<128xi32, #tpu.memory_space<vmem>>
      %dma_wait3A_89 = arith.constant 0 : i32
      %dma_wait3A_90 = arith.constant 0 : i32
      %dma_wait3A_91 = tpu.memref_slice %arg2[%dma_wait3A_89, %dma_wait3A_90] : memref<10000x128xf32, #tpu.memory_space<hbm>> -> memref<10000x128xf32, #tpu.memory_space<hbm>>
      tpu.wait_indirect_dma semaphore(%arg12 : memref<!tpu.dma_semaphore, #tpu.memory_space<semaphore_mem>>) src(%dma_wait3A_91 : memref<10000x128xf32, #tpu.memory_space<hbm>>) dst(%arg9 : memref<128x128xf32, #tpu.memory_space<vmem>>)
      %run_scoped3A = arith.constant 78 : i32
      %run_scoped3A_92 = arith.constant 0 : i32
      "tpu.region"() ({
        %run_scoped3A_93 = tpu.sem_alloc : memref<!tpu.dma_semaphore, #tpu.memory_space<semaphore_mem>>
        %dma_start3A_94 = arith.constant 0 : i32
        %dma_start3A_95 = tpu.memref_slice %arg6[%run_scoped3A, %run_scoped3A_92, %dma_start3A_94] : memref<79x1x128xi32, #tpu.memory_space<vmem>> -> memref<1x1x128xi32, #tpu.memory_space<vmem>>
        %dma_start3A_96 = tpu.memref_squeeze %dma_start3A_95 : memref<1x1x128xi32, #tpu.memory_space<vmem>> -> memref<128xi32, #tpu.memory_space<vmem>>
        %dma_start3A_97 = arith.constant 0 : i32
        %dma_start3A_98 = arith.constant 0 : i32
        %dma_start3A_99 = tpu.memref_slice %arg11[%dma_start3A_97, %dma_start3A_98] : memref<10000x128xf32, #tpu.memory_space<vmem_shared>> -> memref<10000x128xf32, #tpu.memory_space<vmem_shared>>
        tpu.enqueue_indirect_dma source(%arg9 : memref<128x128xf32, #tpu.memory_space<vmem>>) target(%dma_start3A_99 : memref<10000x128xf32, #tpu.memory_space<vmem_shared>>) offsets(%dma_start3A_96 : memref<128xi32, #tpu.memory_space<vmem>>) semaphore(%run_scoped3A_93 : memref<!tpu.dma_semaphore, #tpu.memory_space<semaphore_mem>>) {add = true}
        %dma_wait3A_100 = arith.constant 0 : i32
        %dma_wait3A_101 = tpu.memref_slice %arg6[%run_scoped3A, %run_scoped3A_92, %dma_wait3A_100] : memref<79x1x128xi32, #tpu.memory_space<vmem>> -> memref<1x1x128xi32, #tpu.memory_space<vmem>>
        %dma_wait3A_102 = tpu.memref_squeeze %dma_wait3A_101 : memref<1x1x128xi32, #tpu.memory_space<vmem>> -> memref<128xi32, #tpu.memory_space<vmem>>
        %dma_wait3A_103 = arith.constant 0 : i32
        %dma_wait3A_104 = arith.constant 0 : i32
        %dma_wait3A_105 = tpu.memref_slice %arg11[%dma_wait3A_103, %dma_wait3A_104] : memref<10000x128xf32, #tpu.memory_space<vmem_shared>> -> memref<10000x128xf32, #tpu.memory_space<vmem_shared>>
        tpu.wait_indirect_dma semaphore(%run_scoped3A_93 : memref<!tpu.dma_semaphore, #tpu.memory_space<semaphore_mem>>) src(%arg9 : memref<128x128xf32, #tpu.memory_space<vmem>>) dst(%dma_wait3A_105 : memref<10000x128xf32, #tpu.memory_space<vmem_shared>>)
        tpu.yield
      }) : () -> ()
    } else {
    }
    %barrier3A_78 = arith.constant 0 : index
    tpu.barrier barrier_id(%barrier3A_78)
    %lt3A_79 = arith.constant 10 : i32
    %lt3A_80 = arith.cmpi slt, %arg1, %lt3A_79 : i32
    %convert_element_type3A_81 = arith.extui %lt3A_80 : i1 to i32
    %cond3A_82 = arith.constant 0 : i32
    %cond3A_83 = arith.cmpi ne, %convert_element_type3A_81, %cond3A_82 : i32
    scf.if %cond3A_83 {
      %mul3A_84 = arith.constant 1000 : i32
      %mul3A_85 = arith.muli %arg1, %mul3A_84 : i32
      %mul3A_86 = arith.constant 1000 : i32
      %mul3A_87 = arith.muli %arg1, %mul3A_86 : i32
      "tpu.region"() ({
        %run_scoped3A = tpu.sem_alloc : memref<!tpu.dma_semaphore, #tpu.memory_space<semaphore_mem>>
        %dma_start3A_88 = arith.constant 0 : i32
        %dma_start3A_89 = tpu.memref_slice %arg5[%arg0, %mul3A_87, %dma_start3A_88] : memref<2x10000x128xf32, #tpu.memory_space<hbm>> -> memref<1x1000x128xf32, #tpu.memory_space<hbm>>
        %dma_start3A_90 = tpu.memref_squeeze %dma_start3A_89 : memref<1x1000x128xf32, #tpu.memory_space<hbm>> -> memref<1000x128xf32, #tpu.memory_space<hbm>>
        %dma_start3A_91 = arith.constant 0 : i32
        %dma_start3A_92 = tpu.memref_slice %arg11[%mul3A_85, %dma_start3A_91] : memref<10000x128xf32, #tpu.memory_space<vmem_shared>> -> memref<1000x128xf32, #tpu.memory_space<vmem_shared>>
        tpu.enqueue_dma source(%dma_start3A_92 : memref<1000x128xf32, #tpu.memory_space<vmem_shared>>) target(%dma_start3A_90 : memref<1000x128xf32, #tpu.memory_space<hbm>>) target_semaphore(%run_scoped3A : memref<!tpu.dma_semaphore, #tpu.memory_space<semaphore_mem>>)
        %dma_wait3A_93 = arith.constant 0 : i32
        %dma_wait3A_94 = tpu.memref_slice %arg5[%arg0, %mul3A_87, %dma_wait3A_93] : memref<2x10000x128xf32, #tpu.memory_space<hbm>> -> memref<1x1000x128xf32, #tpu.memory_space<hbm>>
        %dma_wait3A_95 = tpu.memref_squeeze %dma_wait3A_94 : memref<1x1000x128xf32, #tpu.memory_space<hbm>> -> memref<1000x128xf32, #tpu.memory_space<hbm>>
        %dma_wait3A_96 = arith.constant 0 : i32
        %dma_wait3A_97 = tpu.memref_slice %arg11[%mul3A_85, %dma_wait3A_96] : memref<10000x128xf32, #tpu.memory_space<vmem_shared>> -> memref<1000x128xf32, #tpu.memory_space<vmem_shared>>
        tpu.wait_dma2 semaphore(%run_scoped3A : memref<!tpu.dma_semaphore, #tpu.memory_space<semaphore_mem>>) src(%dma_wait3A_97 : memref<1000x128xf32, #tpu.memory_space<vmem_shared>>) dst(%dma_wait3A_95 : memref<1000x128xf32, #tpu.memory_space<hbm>>)
        tpu.yield
      }) : () -> ()
    } else {
    }
    return
  }
}

#map = affine_map<(d0, d1) -> (0, 0)>
#map1 = affine_map<(d0, d1) -> (0, 0, 0)>
module attributes {stable_mosaic.version = 14 : i64} {
  func.func @_agg_body(%arg0: i32, %arg1: i32, %arg2: memref<10000x128xf32, #tpu.memory_space<hbm>>, %arg3: memref<2500x1x128xi32, #tpu.memory_space<hbm>>, %arg4: memref<2500x1x128xi32, #tpu.memory_space<hbm>>, %arg5: memref<2x10000x128xf32, #tpu.memory_space<hbm>>, %arg6: memref<79x1x128xi32, #tpu.memory_space<vmem>>, %arg7: memref<1x1x128xi32, #tpu.memory_space<vmem>>, %arg8: memref<1x1x128xi32, #tpu.memory_space<vmem>>, %arg9: memref<128x128xf32, #tpu.memory_space<vmem>>, %arg10: memref<128x128xf32, #tpu.memory_space<vmem>>, %arg11: memref<10000x128xf32, #tpu.memory_space<vmem_shared>>, %arg12: memref<!tpu.dma_semaphore, #tpu.memory_space<semaphore_mem>>, %arg13: memref<!tpu.dma_semaphore, #tpu.memory_space<semaphore_mem>>, %arg14: memref<!tpu.dma_semaphore, #tpu.memory_space<semaphore_mem>>) attributes {dimension_semantics = [#tpu.dimension_semantics<core_parallel>, #tpu.dimension_semantics<subcore_parallel>], iteration_bounds = array<i64: 2, 16>, scalar_prefetch = 0 : i64, scratch_operands = 9 : i64, tpu.core_type = #tpu.core_type<sc_vector_subcore>, window_params = [{transform_indices = #map}, {transform_indices = #map1}, {transform_indices = #map1}, {transform_indices = #map1}]} {
    %mul3A = arith.constant 16 : i32
    %mul3A_0 = arith.muli %arg0, %mul3A : i32
    %add3A = arith.addi %mul3A_0, %arg1 : i32
    %lt3A = arith.constant 4 : i32
    %lt3A_1 = arith.cmpi slt, %add3A, %lt3A : i32
    %jit3A = arith.constant 79 : i32
    %jit3A_2 = arith.constant 78 : i32
    %select_n3A = arith.select %lt3A_1, %jit3A, %jit3A_2 : i32
    %scan3A = arith.constant 0 : i32
    %scan3A_3 = arith.constant 0 : i32
    %scan3A_4 = arith.constant 128 : i32
    %scan3A_5 = arith.addi %scan3A_3, %scan3A_4 : i32
    %scan3A_6 = arith.constant 1 : i32
    scf.for %scan3A_84 = %scan3A_3 to %scan3A_5 step %scan3A_6  : i32 {
      %broadcast_in_dim3A = arith.constant 0.000000e+00 : f32
      %broadcast_in_dim3A_85 = vector.broadcast %broadcast_in_dim3A : f32 to vector<16xf32>
      %swap3A = arith.index_cast %scan3A_84 : i32 to index
      %swap3A_86 = arith.constant 0 : index
      %swap3A_87 = tpu.vector_load %arg9[%swap3A, %swap3A_86] {strides = array<i32>} : memref<128x128xf32, #tpu.memory_space<vmem>>, vector<1x16xf32>,
      %swap3A_88 = vector.shape_cast %swap3A_87 : vector<1x16xf32> to vector<16xf32>
      %swap3A_89 = vector.shape_cast %broadcast_in_dim3A_85 : vector<16xf32> to vector<1x16xf32>
      tpu.vector_store %arg9[%swap3A, %swap3A_86], %swap3A_89 {strides = array<i32>} : memref<128x128xf32, #tpu.memory_space<vmem>>, vector<1x16xf32>,
      %broadcast_in_dim3A_90 = arith.constant 0.000000e+00 : f32
      %broadcast_in_dim3A_91 = vector.broadcast %broadcast_in_dim3A_90 : f32 to vector<16xf32>
      %swap3A_92 = arith.index_cast %scan3A_84 : i32 to index
      %swap3A_93 = arith.constant 16 : index
      %swap3A_94 = tpu.vector_load %arg9[%swap3A_92, %swap3A_93] {strides = array<i32>} : memref<128x128xf32, #tpu.memory_space<vmem>>, vector<1x16xf32>,
      %swap3A_95 = vector.shape_cast %swap3A_94 : vector<1x16xf32> to vector<16xf32>
      %swap3A_96 = vector.shape_cast %broadcast_in_dim3A_91 : vector<16xf32> to vector<1x16xf32>
      tpu.vector_store %arg9[%swap3A_92, %swap3A_93], %swap3A_96 {strides = array<i32>} : memref<128x128xf32, #tpu.memory_space<vmem>>, vector<1x16xf32>,
      %broadcast_in_dim3A_97 = arith.constant 0.000000e+00 : f32
      %broadcast_in_dim3A_98 = vector.broadcast %broadcast_in_dim3A_97 : f32 to vector<16xf32>
      %swap3A_99 = arith.index_cast %scan3A_84 : i32 to index
      %swap3A_100 = arith.constant 32 : index
      %swap3A_101 = tpu.vector_load %arg9[%swap3A_99, %swap3A_100] {strides = array<i32>} : memref<128x128xf32, #tpu.memory_space<vmem>>, vector<1x16xf32>,
      %swap3A_102 = vector.shape_cast %swap3A_101 : vector<1x16xf32> to vector<16xf32>
      %swap3A_103 = vector.shape_cast %broadcast_in_dim3A_98 : vector<16xf32> to vector<1x16xf32>
      tpu.vector_store %arg9[%swap3A_99, %swap3A_100], %swap3A_103 {strides = array<i32>} : memref<128x128xf32, #tpu.memory_space<vmem>>, vector<1x16xf32>,
      %broadcast_in_dim3A_104 = arith.constant 0.000000e+00 : f32
      %broadcast_in_dim3A_105 = vector.broadcast %broadcast_in_dim3A_104 : f32 to vector<16xf32>
      %swap3A_106 = arith.index_cast %scan3A_84 : i32 to index
      %swap3A_107 = arith.constant 48 : index
      %swap3A_108 = tpu.vector_load %arg9[%swap3A_106, %swap3A_107] {strides = array<i32>} : memref<128x128xf32, #tpu.memory_space<vmem>>, vector<1x16xf32>,
      %swap3A_109 = vector.shape_cast %swap3A_108 : vector<1x16xf32> to vector<16xf32>
      %swap3A_110 = vector.shape_cast %broadcast_in_dim3A_105 : vector<16xf32> to vector<1x16xf32>
      tpu.vector_store %arg9[%swap3A_106, %swap3A_107], %swap3A_110 {strides = array<i32>} : memref<128x128xf32, #tpu.memory_space<vmem>>, vector<1x16xf32>,
      %broadcast_in_dim3A_111 = arith.constant 0.000000e+00 : f32
      %broadcast_in_dim3A_112 = vector.broadcast %broadcast_in_dim3A_111 : f32 to vector<16xf32>
      %swap3A_113 = arith.index_cast %scan3A_84 : i32 to index
      %swap3A_114 = arith.constant 64 : index
      %swap3A_115 = tpu.vector_load %arg9[%swap3A_113, %swap3A_114] {strides = array<i32>} : memref<128x128xf32, #tpu.memory_space<vmem>>, vector<1x16xf32>,
      %swap3A_116 = vector.shape_cast %swap3A_115 : vector<1x16xf32> to vector<16xf32>
      %swap3A_117 = vector.shape_cast %broadcast_in_dim3A_112 : vector<16xf32> to vector<1x16xf32>
      tpu.vector_store %arg9[%swap3A_113, %swap3A_114], %swap3A_117 {strides = array<i32>} : memref<128x128xf32, #tpu.memory_space<vmem>>, vector<1x16xf32>,
      %broadcast_in_dim3A_118 = arith.constant 0.000000e+00 : f32
      %broadcast_in_dim3A_119 = vector.broadcast %broadcast_in_dim3A_118 : f32 to vector<16xf32>
      %swap3A_120 = arith.index_cast %scan3A_84 : i32 to index
      %swap3A_121 = arith.constant 80 : index
      %swap3A_122 = tpu.vector_load %arg9[%swap3A_120, %swap3A_121] {strides = array<i32>} : memref<128x128xf32, #tpu.memory_space<vmem>>, vector<1x16xf32>,
      %swap3A_123 = vector.shape_cast %swap3A_122 : vector<1x16xf32> to vector<16xf32>
      %swap3A_124 = vector.shape_cast %broadcast_in_dim3A_119 : vector<16xf32> to vector<1x16xf32>
      tpu.vector_store %arg9[%swap3A_120, %swap3A_121], %swap3A_124 {strides = array<i32>} : memref<128x128xf32, #tpu.memory_space<vmem>>, vector<1x16xf32>,
      %broadcast_in_dim3A_125 = arith.constant 0.000000e+00 : f32
      %broadcast_in_dim3A_126 = vector.broadcast %broadcast_in_dim3A_125 : f32 to vector<16xf32>
      %swap3A_127 = arith.index_cast %scan3A_84 : i32 to index
      %swap3A_128 = arith.constant 96 : index
      %swap3A_129 = tpu.vector_load %arg9[%swap3A_127, %swap3A_128] {strides = array<i32>} : memref<128x128xf32, #tpu.memory_space<vmem>>, vector<1x16xf32>,
      %swap3A_130 = vector.shape_cast %swap3A_129 : vector<1x16xf32> to vector<16xf32>
      %swap3A_131 = vector.shape_cast %broadcast_in_dim3A_126 : vector<16xf32> to vector<1x16xf32>
      tpu.vector_store %arg9[%swap3A_127, %swap3A_128], %swap3A_131 {strides = array<i32>} : memref<128x128xf32, #tpu.memory_space<vmem>>, vector<1x16xf32>,
      %broadcast_in_dim3A_132 = arith.constant 0.000000e+00 : f32
      %broadcast_in_dim3A_133 = vector.broadcast %broadcast_in_dim3A_132 : f32 to vector<16xf32>
      %swap3A_134 = arith.index_cast %scan3A_84 : i32 to index
      %swap3A_135 = arith.constant 112 : index
      %swap3A_136 = tpu.vector_load %arg9[%swap3A_134, %swap3A_135] {strides = array<i32>} : memref<128x128xf32, #tpu.memory_space<vmem>>, vector<1x16xf32>,
      %swap3A_137 = vector.shape_cast %swap3A_136 : vector<1x16xf32> to vector<16xf32>
      %swap3A_138 = vector.shape_cast %broadcast_in_dim3A_133 : vector<16xf32> to vector<1x16xf32>
      tpu.vector_store %arg9[%swap3A_134, %swap3A_135], %swap3A_138 {strides = array<i32>} : memref<128x128xf32, #tpu.memory_space<vmem>>, vector<1x16xf32>,
    }
    %scan3A_7 = arith.constant 128 : i32
    %lt3A_8 = arith.constant 10 : i32
    %lt3A_9 = arith.cmpi slt, %arg1, %lt3A_8 : i32
    %convert_element_type3A = arith.extui %lt3A_9 : i1 to i32
    %cond3A = arith.constant 0 : i32
    %cond3A_10 = arith.cmpi ne, %convert_element_type3A, %cond3A : i32
    scf.if %cond3A_10 {
      %mul3A_84 = arith.constant 1000 : i32
      %mul3A_85 = arith.muli %arg1, %mul3A_84 : i32
      %add3A_86 = arith.constant 0 : i32
      %add3A_87 = arith.addi %mul3A_85, %add3A_86 : i32
      "tpu.region"() ({
        %run_scoped3A = tpu.sem_alloc : memref<!tpu.dma_semaphore, #tpu.memory_space<semaphore_mem>>
        %dma_start3A_116 = arith.constant 0 : i32
        %dma_start3A_117 = tpu.memref_slice %arg11[%add3A_87, %dma_start3A_116] : memref<10000x128xf32, #tpu.memory_space<vmem_shared>> -> memref<128x128xf32, #tpu.memory_space<vmem_shared>>
        %dma_start3A_118 = arith.constant 0 : i32
        %dma_start3A_119 = tpu.memref_slice %arg11[%add3A_87, %dma_start3A_118] : memref<10000x128xf32, #tpu.memory_space<vmem_shared>> -> memref<128x128xf32, #tpu.memory_space<vmem_shared>>
        tpu.enqueue_dma source(%arg9 : memref<128x128xf32, #tpu.memory_space<vmem>>) target(%dma_start3A_119 : memref<128x128xf32, #tpu.memory_space<vmem_shared>>) target_semaphore(%run_scoped3A : memref<!tpu.dma_semaphore, #tpu.memory_space<semaphore_mem>>)
        %dma_wait3A_120 = arith.constant 0 : i32
        %dma_wait3A_121 = tpu.memref_slice %arg11[%add3A_87, %dma_wait3A_120] : memref<10000x128xf32, #tpu.memory_space<vmem_shared>> -> memref<128x128xf32, #tpu.memory_space<vmem_shared>>
        %dma_wait3A_122 = arith.constant 0 : i32
        %dma_wait3A_123 = tpu.memref_slice %arg11[%add3A_87, %dma_wait3A_122] : memref<10000x128xf32, #tpu.memory_space<vmem_shared>> -> memref<128x128xf32, #tpu.memory_space<vmem_shared>>
        tpu.wait_dma2 semaphore(%run_scoped3A : memref<!tpu.dma_semaphore, #tpu.memory_space<semaphore_mem>>) src(%arg9 : memref<128x128xf32, #tpu.memory_space<vmem>>) dst(%dma_wait3A_123 : memref<128x128xf32, #tpu.memory_space<vmem_shared>>)
        tpu.yield
      }) : () -> ()
      %mul3A_88 = arith.constant 1000 : i32
      %mul3A_89 = arith.muli %arg1, %mul3A_88 : i32
      %add3A_90 = arith.constant 128 : i32
      %add3A_91 = arith.addi %mul3A_89, %add3A_90 : i32
      "tpu.region"() ({
        %run_scoped3A = tpu.sem_alloc : memref<!tpu.dma_semaphore, #tpu.memory_space<semaphore_mem>>
        %dma_start3A_116 = arith.constant 0 : i32
        %dma_start3A_117 = tpu.memref_slice %arg11[%add3A_91, %dma_start3A_116] : memref<10000x128xf32, #tpu.memory_space<vmem_shared>> -> memref<128x128xf32, #tpu.memory_space<vmem_shared>>
        %dma_start3A_118 = arith.constant 0 : i32
        %dma_start3A_119 = tpu.memref_slice %arg11[%add3A_91, %dma_start3A_118] : memref<10000x128xf32, #tpu.memory_space<vmem_shared>> -> memref<128x128xf32, #tpu.memory_space<vmem_shared>>
        tpu.enqueue_dma source(%arg9 : memref<128x128xf32, #tpu.memory_space<vmem>>) target(%dma_start3A_119 : memref<128x128xf32, #tpu.memory_space<vmem_shared>>) target_semaphore(%run_scoped3A : memref<!tpu.dma_semaphore, #tpu.memory_space<semaphore_mem>>)
        %dma_wait3A_120 = arith.constant 0 : i32
        %dma_wait3A_121 = tpu.memref_slice %arg11[%add3A_91, %dma_wait3A_120] : memref<10000x128xf32, #tpu.memory_space<vmem_shared>> -> memref<128x128xf32, #tpu.memory_space<vmem_shared>>
        %dma_wait3A_122 = arith.constant 0 : i32
        %dma_wait3A_123 = tpu.memref_slice %arg11[%add3A_91, %dma_wait3A_122] : memref<10000x128xf32, #tpu.memory_space<vmem_shared>> -> memref<128x128xf32, #tpu.memory_space<vmem_shared>>
        tpu.wait_dma2 semaphore(%run_scoped3A : memref<!tpu.dma_semaphore, #tpu.memory_space<semaphore_mem>>) src(%arg9 : memref<128x128xf32, #tpu.memory_space<vmem>>) dst(%dma_wait3A_123 : memref<128x128xf32, #tpu.memory_space<vmem_shared>>)
        tpu.yield
      }) : () -> ()
      %mul3A_92 = arith.constant 1000 : i32
      %mul3A_93 = arith.muli %arg1, %mul3A_92 : i32
      %add3A_94 = arith.constant 256 : i32
      %add3A_95 = arith.addi %mul3A_93, %add3A_94 : i32
      "tpu.region"() ({
        %run_scoped3A = tpu.sem_alloc : memref<!tpu.dma_semaphore, #tpu.memory_space<semaphore_mem>>
        %dma_start3A_116 = arith.constant 0 : i32
        %dma_start3A_117 = tpu.memref_slice %arg11[%add3A_95, %dma_start3A_116] : memref<10000x128xf32, #tpu.memory_space<vmem_shared>> -> memref<128x128xf32, #tpu.memory_space<vmem_shared>>
        %dma_start3A_118 = arith.constant 0 : i32
        %dma_start3A_119 = tpu.memref_slice %arg11[%add3A_95, %dma_start3A_118] : memref<10000x128xf32, #tpu.memory_space<vmem_shared>> -> memref<128x128xf32, #tpu.memory_space<vmem_shared>>
        tpu.enqueue_dma source(%arg9 : memref<128x128xf32, #tpu.memory_space<vmem>>) target(%dma_start3A_119 : memref<128x128xf32, #tpu.memory_space<vmem_shared>>) target_semaphore(%run_scoped3A : memref<!tpu.dma_semaphore, #tpu.memory_space<semaphore_mem>>)
        %dma_wait3A_120 = arith.constant 0 : i32
        %dma_wait3A_121 = tpu.memref_slice %arg11[%add3A_95, %dma_wait3A_120] : memref<10000x128xf32, #tpu.memory_space<vmem_shared>> -> memref<128x128xf32, #tpu.memory_space<vmem_shared>>
        %dma_wait3A_122 = arith.constant 0 : i32
        %dma_wait3A_123 = tpu.memref_slice %arg11[%add3A_95, %dma_wait3A_122] : memref<10000x128xf32, #tpu.memory_space<vmem_shared>> -> memref<128x128xf32, #tpu.memory_space<vmem_shared>>
        tpu.wait_dma2 semaphore(%run_scoped3A : memref<!tpu.dma_semaphore, #tpu.memory_space<semaphore_mem>>) src(%arg9 : memref<128x128xf32, #tpu.memory_space<vmem>>) dst(%dma_wait3A_123 : memref<128x128xf32, #tpu.memory_space<vmem_shared>>)
        tpu.yield
      }) : () -> ()
      %mul3A_96 = arith.constant 1000 : i32
      %mul3A_97 = arith.muli %arg1, %mul3A_96 : i32
      %add3A_98 = arith.constant 384 : i32
      %add3A_99 = arith.addi %mul3A_97, %add3A_98 : i32
      "tpu.region"() ({
        %run_scoped3A = tpu.sem_alloc : memref<!tpu.dma_semaphore, #tpu.memory_space<semaphore_mem>>
        %dma_start3A_116 = arith.constant 0 : i32
        %dma_start3A_117 = tpu.memref_slice %arg11[%add3A_99, %dma_start3A_116] : memref<10000x128xf32, #tpu.memory_space<vmem_shared>> -> memref<128x128xf32, #tpu.memory_space<vmem_shared>>
        %dma_start3A_118 = arith.constant 0 : i32
        %dma_start3A_119 = tpu.memref_slice %arg11[%add3A_99, %dma_start3A_118] : memref<10000x128xf32, #tpu.memory_space<vmem_shared>> -> memref<128x128xf32, #tpu.memory_space<vmem_shared>>
        tpu.enqueue_dma source(%arg9 : memref<128x128xf32, #tpu.memory_space<vmem>>) target(%dma_start3A_119 : memref<128x128xf32, #tpu.memory_space<vmem_shared>>) target_semaphore(%run_scoped3A : memref<!tpu.dma_semaphore, #tpu.memory_space<semaphore_mem>>)
        %dma_wait3A_120 = arith.constant 0 : i32
        %dma_wait3A_121 = tpu.memref_slice %arg11[%add3A_99, %dma_wait3A_120] : memref<10000x128xf32, #tpu.memory_space<vmem_shared>> -> memref<128x128xf32, #tpu.memory_space<vmem_shared>>
        %dma_wait3A_122 = arith.constant 0 : i32
        %dma_wait3A_123 = tpu.memref_slice %arg11[%add3A_99, %dma_wait3A_122] : memref<10000x128xf32, #tpu.memory_space<vmem_shared>> -> memref<128x128xf32, #tpu.memory_space<vmem_shared>>
        tpu.wait_dma2 semaphore(%run_scoped3A : memref<!tpu.dma_semaphore, #tpu.memory_space<semaphore_mem>>) src(%arg9 : memref<128x128xf32, #tpu.memory_space<vmem>>) dst(%dma_wait3A_123 : memref<128x128xf32, #tpu.memory_space<vmem_shared>>)
        tpu.yield
      }) : () -> ()
      %mul3A_100 = arith.constant 1000 : i32
      %mul3A_101 = arith.muli %arg1, %mul3A_100 : i32
      %add3A_102 = arith.constant 512 : i32
      %add3A_103 = arith.addi %mul3A_101, %add3A_102 : i32
      "tpu.region"() ({
        %run_scoped3A = tpu.sem_alloc : memref<!tpu.dma_semaphore, #tpu.memory_space<semaphore_mem>>
        %dma_start3A_116 = arith.constant 0 : i32
        %dma_start3A_117 = tpu.memref_slice %arg11[%add3A_103, %dma_start3A_116] : memref<10000x128xf32, #tpu.memory_space<vmem_shared>> -> memref<128x128xf32, #tpu.memory_space<vmem_shared>>
        %dma_start3A_118 = arith.constant 0 : i32
        %dma_start3A_119 = tpu.memref_slice %arg11[%add3A_103, %dma_start3A_118] : memref<10000x128xf32, #tpu.memory_space<vmem_shared>> -> memref<128x128xf32, #tpu.memory_space<vmem_shared>>
        tpu.enqueue_dma source(%arg9 : memref<128x128xf32, #tpu.memory_space<vmem>>) target(%dma_start3A_119 : memref<128x128xf32, #tpu.memory_space<vmem_shared>>) target_semaphore(%run_scoped3A : memref<!tpu.dma_semaphore, #tpu.memory_space<semaphore_mem>>)
        %dma_wait3A_120 = arith.constant 0 : i32
        %dma_wait3A_121 = tpu.memref_slice %arg11[%add3A_103, %dma_wait3A_120] : memref<10000x128xf32, #tpu.memory_space<vmem_shared>> -> memref<128x128xf32, #tpu.memory_space<vmem_shared>>
        %dma_wait3A_122 = arith.constant 0 : i32
        %dma_wait3A_123 = tpu.memref_slice %arg11[%add3A_103, %dma_wait3A_122] : memref<10000x128xf32, #tpu.memory_space<vmem_shared>> -> memref<128x128xf32, #tpu.memory_space<vmem_shared>>
        tpu.wait_dma2 semaphore(%run_scoped3A : memref<!tpu.dma_semaphore, #tpu.memory_space<semaphore_mem>>) src(%arg9 : memref<128x128xf32, #tpu.memory_space<vmem>>) dst(%dma_wait3A_123 : memref<128x128xf32, #tpu.memory_space<vmem_shared>>)
        tpu.yield
      }) : () -> ()
      %mul3A_104 = arith.constant 1000 : i32
      %mul3A_105 = arith.muli %arg1, %mul3A_104 : i32
      %add3A_106 = arith.constant 640 : i32
      %add3A_107 = arith.addi %mul3A_105, %add3A_106 : i32
      "tpu.region"() ({
        %run_scoped3A = tpu.sem_alloc : memref<!tpu.dma_semaphore, #tpu.memory_space<semaphore_mem>>
        %dma_start3A_116 = arith.constant 0 : i32
        %dma_start3A_117 = tpu.memref_slice %arg11[%add3A_107, %dma_start3A_116] : memref<10000x128xf32, #tpu.memory_space<vmem_shared>> -> memref<128x128xf32, #tpu.memory_space<vmem_shared>>
        %dma_start3A_118 = arith.constant 0 : i32
        %dma_start3A_119 = tpu.memref_slice %arg11[%add3A_107, %dma_start3A_118] : memref<10000x128xf32, #tpu.memory_space<vmem_shared>> -> memref<128x128xf32, #tpu.memory_space<vmem_shared>>
        tpu.enqueue_dma source(%arg9 : memref<128x128xf32, #tpu.memory_space<vmem>>) target(%dma_start3A_119 : memref<128x128xf32, #tpu.memory_space<vmem_shared>>) target_semaphore(%run_scoped3A : memref<!tpu.dma_semaphore, #tpu.memory_space<semaphore_mem>>)
        %dma_wait3A_120 = arith.constant 0 : i32
        %dma_wait3A_121 = tpu.memref_slice %arg11[%add3A_107, %dma_wait3A_120] : memref<10000x128xf32, #tpu.memory_space<vmem_shared>> -> memref<128x128xf32, #tpu.memory_space<vmem_shared>>
        %dma_wait3A_122 = arith.constant 0 : i32
        %dma_wait3A_123 = tpu.memref_slice %arg11[%add3A_107, %dma_wait3A_122] : memref<10000x128xf32, #tpu.memory_space<vmem_shared>> -> memref<128x128xf32, #tpu.memory_space<vmem_shared>>
        tpu.wait_dma2 semaphore(%run_scoped3A : memref<!tpu.dma_semaphore, #tpu.memory_space<semaphore_mem>>) src(%arg9 : memref<128x128xf32, #tpu.memory_space<vmem>>) dst(%dma_wait3A_123 : memref<128x128xf32, #tpu.memory_space<vmem_shared>>)
        tpu.yield
      }) : () -> ()
      %mul3A_108 = arith.constant 1000 : i32
      %mul3A_109 = arith.muli %arg1, %mul3A_108 : i32
      %add3A_110 = arith.constant 768 : i32
      %add3A_111 = arith.addi %mul3A_109, %add3A_110 : i32
      "tpu.region"() ({
        %run_scoped3A = tpu.sem_alloc : memref<!tpu.dma_semaphore, #tpu.memory_space<semaphore_mem>>
        %dma_start3A_116 = arith.constant 0 : i32
        %dma_start3A_117 = tpu.memref_slice %arg11[%add3A_111, %dma_start3A_116] : memref<10000x128xf32, #tpu.memory_space<vmem_shared>> -> memref<128x128xf32, #tpu.memory_space<vmem_shared>>
        %dma_start3A_118 = arith.constant 0 : i32
        %dma_start3A_119 = tpu.memref_slice %arg11[%add3A_111, %dma_start3A_118] : memref<10000x128xf32, #tpu.memory_space<vmem_shared>> -> memref<128x128xf32, #tpu.memory_space<vmem_shared>>
        tpu.enqueue_dma source(%arg9 : memref<128x128xf32, #tpu.memory_space<vmem>>) target(%dma_start3A_119 : memref<128x128xf32, #tpu.memory_space<vmem_shared>>) target_semaphore(%run_scoped3A : memref<!tpu.dma_semaphore, #tpu.memory_space<semaphore_mem>>)
        %dma_wait3A_120 = arith.constant 0 : i32
        %dma_wait3A_121 = tpu.memref_slice %arg11[%add3A_111, %dma_wait3A_120] : memref<10000x128xf32, #tpu.memory_space<vmem_shared>> -> memref<128x128xf32, #tpu.memory_space<vmem_shared>>
        %dma_wait3A_122 = arith.constant 0 : i32
        %dma_wait3A_123 = tpu.memref_slice %arg11[%add3A_111, %dma_wait3A_122] : memref<10000x128xf32, #tpu.memory_space<vmem_shared>> -> memref<128x128xf32, #tpu.memory_space<vmem_shared>>
        tpu.wait_dma2 semaphore(%run_scoped3A : memref<!tpu.dma_semaphore, #tpu.memory_space<semaphore_mem>>) src(%arg9 : memref<128x128xf32, #tpu.memory_space<vmem>>) dst(%dma_wait3A_123 : memref<128x128xf32, #tpu.memory_space<vmem_shared>>)
        tpu.yield
      }) : () -> ()
      %mul3A_112 = arith.constant 1000 : i32
      %mul3A_113 = arith.muli %arg1, %mul3A_112 : i32
      %add3A_114 = arith.constant 872 : i32
      %add3A_115 = arith.addi %mul3A_113, %add3A_114 : i32
      "tpu.region"() ({
        %run_scoped3A = tpu.sem_alloc : memref<!tpu.dma_semaphore, #tpu.memory_space<semaphore_mem>>
        %dma_start3A_116 = arith.constant 0 : i32
        %dma_start3A_117 = tpu.memref_slice %arg11[%add3A_115, %dma_start3A_116] : memref<10000x128xf32, #tpu.memory_space<vmem_shared>> -> memref<128x128xf32, #tpu.memory_space<vmem_shared>>
        %dma_start3A_118 = arith.constant 0 : i32
        %dma_start3A_119 = tpu.memref_slice %arg11[%add3A_115, %dma_start3A_118] : memref<10000x128xf32, #tpu.memory_space<vmem_shared>> -> memref<128x128xf32, #tpu.memory_space<vmem_shared>>
        tpu.enqueue_dma source(%arg9 : memref<128x128xf32, #tpu.memory_space<vmem>>) target(%dma_start3A_119 : memref<128x128xf32, #tpu.memory_space<vmem_shared>>) target_semaphore(%run_scoped3A : memref<!tpu.dma_semaphore, #tpu.memory_space<semaphore_mem>>)
        %dma_wait3A_120 = arith.constant 0 : i32
        %dma_wait3A_121 = tpu.memref_slice %arg11[%add3A_115, %dma_wait3A_120] : memref<10000x128xf32, #tpu.memory_space<vmem_shared>> -> memref<128x128xf32, #tpu.memory_space<vmem_shared>>
        %dma_wait3A_122 = arith.constant 0 : i32
        %dma_wait3A_123 = tpu.memref_slice %arg11[%add3A_115, %dma_wait3A_122] : memref<10000x128xf32, #tpu.memory_space<vmem_shared>> -> memref<128x128xf32, #tpu.memory_space<vmem_shared>>
        tpu.wait_dma2 semaphore(%run_scoped3A : memref<!tpu.dma_semaphore, #tpu.memory_space<semaphore_mem>>) src(%arg9 : memref<128x128xf32, #tpu.memory_space<vmem>>) dst(%dma_wait3A_123 : memref<128x128xf32, #tpu.memory_space<vmem_shared>>)
        tpu.yield
      }) : () -> ()
    } else {
    }
    %mul3A_11 = arith.constant 78 : i32
    %mul3A_12 = arith.muli %add3A, %mul3A_11 : i32
    "tpu.region"() ({
      %run_scoped3A = tpu.sem_alloc : memref<!tpu.dma_semaphore, #tpu.memory_space<semaphore_mem>>
      %dma_start3A_84 = arith.constant 0 : i32
      %dma_start3A_85 = arith.constant 0 : i32
      %dma_start3A_86 = arith.constant 0 : i32
      %dma_start3A_87 = tpu.memref_slice %arg6[%dma_start3A_84, %dma_start3A_85, %dma_start3A_86] : memref<79x1x128xi32, #tpu.memory_space<vmem>> -> memref<78x1x128xi32, #tpu.memory_space<vmem>>
      %dma_start3A_88 = arith.constant 0 : i32
      %dma_start3A_89 = arith.constant 0 : i32
      %dma_start3A_90 = tpu.memref_slice %arg4[%mul3A_12, %dma_start3A_88, %dma_start3A_89] : memref<2500x1x128xi32, #tpu.memory_space<hbm>> -> memref<78x1x128xi32, #tpu.memory_space<hbm>>
      %dma_start3A_91 = arith.constant 0 : i32
      %dma_start3A_92 = arith.constant 0 : i32
      %dma_start3A_93 = arith.constant 0 : i32
      %dma_start3A_94 = tpu.memref_slice %arg6[%dma_start3A_91, %dma_start3A_92, %dma_start3A_93] : memref<79x1x128xi32, #tpu.memory_space<vmem>> -> memref<78x1x128xi32, #tpu.memory_space<vmem>>
      %dma_start3A_95 = arith.constant 0 : i32
      %dma_start3A_96 = arith.constant 0 : i32
      %dma_start3A_97 = tpu.memref_slice %arg4[%mul3A_12, %dma_start3A_95, %dma_start3A_96] : memref<2500x1x128xi32, #tpu.memory_space<hbm>> -> memref<78x1x128xi32, #tpu.memory_space<hbm>>
      tpu.enqueue_dma source(%dma_start3A_97 : memref<78x1x128xi32, #tpu.memory_space<hbm>>) target(%dma_start3A_94 : memref<78x1x128xi32, #tpu.memory_space<vmem>>) target_semaphore(%run_scoped3A : memref<!tpu.dma_semaphore, #tpu.memory_space<semaphore_mem>>)
      %dma_wait3A_98 = arith.constant 0 : i32
      %dma_wait3A_99 = arith.constant 0 : i32
      %dma_wait3A_100 = arith.constant 0 : i32
      %dma_wait3A_101 = tpu.memref_slice %arg6[%dma_wait3A_98, %dma_wait3A_99, %dma_wait3A_100] : memref<79x1x128xi32, #tpu.memory_space<vmem>> -> memref<78x1x128xi32, #tpu.memory_space<vmem>>
      %dma_wait3A_102 = arith.constant 0 : i32
      %dma_wait3A_103 = arith.constant 0 : i32
      %dma_wait3A_104 = tpu.memref_slice %arg4[%mul3A_12, %dma_wait3A_102, %dma_wait3A_103] : memref<2500x1x128xi32, #tpu.memory_space<hbm>> -> memref<78x1x128xi32, #tpu.memory_space<hbm>>
      %dma_wait3A_105 = arith.constant 0 : i32
      %dma_wait3A_106 = arith.constant 0 : i32
      %dma_wait3A_107 = arith.constant 0 : i32
      %dma_wait3A_108 = tpu.memref_slice %arg6[%dma_wait3A_105, %dma_wait3A_106, %dma_wait3A_107] : memref<79x1x128xi32, #tpu.memory_space<vmem>> -> memref<78x1x128xi32, #tpu.memory_space<vmem>>
      %dma_wait3A_109 = arith.constant 0 : i32
      %dma_wait3A_110 = arith.constant 0 : i32
      %dma_wait3A_111 = tpu.memref_slice %arg4[%mul3A_12, %dma_wait3A_109, %dma_wait3A_110] : memref<2500x1x128xi32, #tpu.memory_space<hbm>> -> memref<78x1x128xi32, #tpu.memory_space<hbm>>
      tpu.wait_dma2 semaphore(%run_scoped3A : memref<!tpu.dma_semaphore, #tpu.memory_space<semaphore_mem>>) src(%dma_wait3A_111 : memref<78x1x128xi32, #tpu.memory_space<hbm>>) dst(%dma_wait3A_108 : memref<78x1x128xi32, #tpu.memory_space<vmem>>)
      tpu.yield
    }) : () -> ()
    %lt3A_13 = arith.constant 4 : i32
    %lt3A_14 = arith.cmpi slt, %add3A, %lt3A_13 : i32
    %convert_element_type3A_15 = arith.extui %lt3A_14 : i1 to i32
    %cond3A_16 = arith.constant 0 : i32
    %cond3A_17 = arith.cmpi ne, %convert_element_type3A_15, %cond3A_16 : i32
    scf.if %cond3A_17 {
      %add3A_84 = arith.constant 2496 : i32
      %add3A_85 = arith.addi %add3A_84, %add3A : i32
      "tpu.region"() ({
        %run_scoped3A = tpu.sem_alloc : memref<!tpu.dma_semaphore, #tpu.memory_space<semaphore_mem>>
        %dma_start3A_86 = arith.constant 78 : i32
        %dma_start3A_87 = arith.constant 0 : i32
        %dma_start3A_88 = arith.constant 0 : i32
        %dma_start3A_89 = tpu.memref_slice %arg6[%dma_start3A_86, %dma_start3A_87, %dma_start3A_88] : memref<79x1x128xi32, #tpu.memory_space<vmem>> -> memref<1x1x128xi32, #tpu.memory_space<vmem>>
        %dma_start3A_90 = arith.constant 0 : i32
        %dma_start3A_91 = arith.constant 0 : i32
        %dma_start3A_92 = tpu.memref_slice %arg4[%add3A_85, %dma_start3A_90, %dma_start3A_91] : memref<2500x1x128xi32, #tpu.memory_space<hbm>> -> memref<1x1x128xi32, #tpu.memory_space<hbm>>
        %dma_start3A_93 = arith.constant 78 : i32
        %dma_start3A_94 = arith.constant 0 : i32
        %dma_start3A_95 = arith.constant 0 : i32
        %dma_start3A_96 = tpu.memref_slice %arg6[%dma_start3A_93, %dma_start3A_94, %dma_start3A_95] : memref<79x1x128xi32, #tpu.memory_space<vmem>> -> memref<1x1x128xi32, #tpu.memory_space<vmem>>
        %dma_start3A_97 = arith.constant 0 : i32
        %dma_start3A_98 = arith.constant 0 : i32
        %dma_start3A_99 = tpu.memref_slice %arg4[%add3A_85, %dma_start3A_97, %dma_start3A_98] : memref<2500x1x128xi32, #tpu.memory_space<hbm>> -> memref<1x1x128xi32, #tpu.memory_space<hbm>>
        tpu.enqueue_dma source(%dma_start3A_99 : memref<1x1x128xi32, #tpu.memory_space<hbm>>) target(%dma_start3A_96 : memref<1x1x128xi32, #tpu.memory_space<vmem>>) target_semaphore(%run_scoped3A : memref<!tpu.dma_semaphore, #tpu.memory_space<semaphore_mem>>)
        %dma_wait3A_100 = arith.constant 78 : i32
        %dma_wait3A_101 = arith.constant 0 : i32
        %dma_wait3A_102 = arith.constant 0 : i32
        %dma_wait3A_103 = tpu.memref_slice %arg6[%dma_wait3A_100, %dma_wait3A_101, %dma_wait3A_102] : memref<79x1x128xi32, #tpu.memory_space<vmem>> -> memref<1x1x128xi32, #tpu.memory_space<vmem>>
        %dma_wait3A_104 = arith.constant 0 : i32
        %dma_wait3A_105 = arith.constant 0 : i32
        %dma_wait3A_106 = tpu.memref_slice %arg4[%add3A_85, %dma_wait3A_104, %dma_wait3A_105] : memref<2500x1x128xi32, #tpu.memory_space<hbm>> -> memref<1x1x128xi32, #tpu.memory_space<hbm>>
        %dma_wait3A_107 = arith.constant 78 : i32
        %dma_wait3A_108 = arith.constant 0 : i32
        %dma_wait3A_109 = arith.constant 0 : i32
        %dma_wait3A_110 = tpu.memref_slice %arg6[%dma_wait3A_107, %dma_wait3A_108, %dma_wait3A_109] : memref<79x1x128xi32, #tpu.memory_space<vmem>> -> memref<1x1x128xi32, #tpu.memory_space<vmem>>
        %dma_wait3A_111 = arith.constant 0 : i32
        %dma_wait3A_112 = arith.constant 0 : i32
        %dma_wait3A_113 = tpu.memref_slice %arg4[%add3A_85, %dma_wait3A_111, %dma_wait3A_112] : memref<2500x1x128xi32, #tpu.memory_space<hbm>> -> memref<1x1x128xi32, #tpu.memory_space<hbm>>
        tpu.wait_dma2 semaphore(%run_scoped3A : memref<!tpu.dma_semaphore, #tpu.memory_space<semaphore_mem>>) src(%dma_wait3A_113 : memref<1x1x128xi32, #tpu.memory_space<hbm>>) dst(%dma_wait3A_110 : memref<1x1x128xi32, #tpu.memory_space<vmem>>)
        tpu.yield
      }) : () -> ()
    } else {
    }
    %barrier3A = arith.constant 0 : index
    tpu.barrier barrier_id(%barrier3A)
    %add3A_18 = arith.constant 2496 : i32
    %add3A_19 = arith.addi %add3A_18, %add3A : i32
    %mul3A_20 = arith.constant 78 : i32
    %mul3A_21 = arith.muli %add3A, %mul3A_20 : i32
    %add3A_22 = arith.constant 0 : i32
    %add3A_23 = arith.addi %mul3A_21, %add3A_22 : i32
    %jit3A_24 = arith.constant false
    %select_n3A_25 = arith.select %jit3A_24, %add3A_19, %add3A_23 : i32
    %dma_start3A = arith.constant 0 : i32
    %dma_start3A_26 = arith.constant 0 : i32
    %dma_start3A_27 = tpu.memref_slice %arg3[%select_n3A_25, %dma_start3A, %dma_start3A_26] : memref<2500x1x128xi32, #tpu.memory_space<hbm>> -> memref<1x1x128xi32, #tpu.memory_space<hbm>>
    %dma_start3A_28 = arith.constant 0 : i32
    %dma_start3A_29 = arith.constant 0 : i32
    %dma_start3A_30 = tpu.memref_slice %arg3[%select_n3A_25, %dma_start3A_28, %dma_start3A_29] : memref<2500x1x128xi32, #tpu.memory_space<hbm>> -> memref<1x1x128xi32, #tpu.memory_space<hbm>>
    tpu.enqueue_dma source(%dma_start3A_30 : memref<1x1x128xi32, #tpu.memory_space<hbm>>) target(%arg7 : memref<1x1x128xi32, #tpu.memory_space<vmem>>) target_semaphore(%arg13 : memref<!tpu.dma_semaphore, #tpu.memory_space<semaphore_mem>>)
    %dma_wait3A = arith.constant 0 : i32
    %dma_wait3A_31 = arith.constant 0 : i32
    %dma_wait3A_32 = arith.constant 0 : i32
    %dma_wait3A_33 = tpu.memref_slice %arg3[%dma_wait3A, %dma_wait3A_31, %dma_wait3A_32] : memref<2500x1x128xi32, #tpu.memory_space<hbm>> -> memref<1x1x128xi32, #tpu.memory_space<hbm>>
    %dma_wait3A_34 = arith.constant 0 : i32
    %dma_wait3A_35 = arith.constant 0 : i32
    %dma_wait3A_36 = arith.constant 0 : i32
    %dma_wait3A_37 = tpu.memref_slice %arg3[%dma_wait3A_34, %dma_wait3A_35, %dma_wait3A_36] : memref<2500x1x128xi32, #tpu.memory_space<hbm>> -> memref<1x1x128xi32, #tpu.memory_space<hbm>>
    tpu.wait_dma2 semaphore(%arg13 : memref<!tpu.dma_semaphore, #tpu.memory_space<semaphore_mem>>) src(%dma_wait3A_37 : memref<1x1x128xi32, #tpu.memory_space<hbm>>) dst(%arg7 : memref<1x1x128xi32, #tpu.memory_space<vmem>>)
    %dma_start3A_38 = arith.constant 0 : i32
    %dma_start3A_39 = arith.constant 0 : i32
    %dma_start3A_40 = arith.constant 0 : i32
    %dma_start3A_41 = tpu.memref_slice %arg7[%dma_start3A_38, %dma_start3A_39, %dma_start3A_40] : memref<1x1x128xi32, #tpu.memory_space<vmem>> -> memref<1x1x128xi32, #tpu.memory_space<vmem>>
    %dma_start3A_42 = tpu.memref_squeeze %dma_start3A_41 : memref<1x1x128xi32, #tpu.memory_space<vmem>> -> memref<128xi32, #tpu.memory_space<vmem>>
    %dma_start3A_43 = arith.constant 0 : i32
    %dma_start3A_44 = arith.constant 0 : i32
    %dma_start3A_45 = tpu.memref_slice %arg2[%dma_start3A_43, %dma_start3A_44] : memref<10000x128xf32, #tpu.memory_space<hbm>> -> memref<10000x128xf32, #tpu.memory_space<hbm>>
    tpu.enqueue_indirect_dma source(%dma_start3A_45 : memref<10000x128xf32, #tpu.memory_space<hbm>>) target(%arg9 : memref<128x128xf32, #tpu.memory_space<vmem>>) offsets(%dma_start3A_42 : memref<128xi32, #tpu.memory_space<vmem>>) semaphore(%arg12 : memref<!tpu.dma_semaphore, #tpu.memory_space<semaphore_mem>>)
    %add3A_46 = arith.constant 2496 : i32
    %add3A_47 = arith.addi %add3A_46, %add3A : i32
    %mul3A_48 = arith.constant 78 : i32
    %mul3A_49 = arith.muli %add3A, %mul3A_48 : i32
    %add3A_50 = arith.constant 1 : i32
    %add3A_51 = arith.addi %mul3A_49, %add3A_50 : i32
    %jit3A_52 = arith.constant false
    %select_n3A_53 = arith.select %jit3A_52, %add3A_47, %add3A_51 : i32
    %dma_start3A_54 = arith.constant 0 : i32
    %dma_start3A_55 = arith.constant 0 : i32
    %dma_start3A_56 = tpu.memref_slice %arg3[%select_n3A_53, %dma_start3A_54, %dma_start3A_55] : memref<2500x1x128xi32, #tpu.memory_space<hbm>> -> memref<1x1x128xi32, #tpu.memory_space<hbm>>
    %dma_start3A_57 = arith.constant 0 : i32
    %dma_start3A_58 = arith.constant 0 : i32
    %dma_start3A_59 = tpu.memref_slice %arg3[%select_n3A_53, %dma_start3A_57, %dma_start3A_58] : memref<2500x1x128xi32, #tpu.memory_space<hbm>> -> memref<1x1x128xi32, #tpu.memory_space<hbm>>
    tpu.enqueue_dma source(%dma_start3A_59 : memref<1x1x128xi32, #tpu.memory_space<hbm>>) target(%arg8 : memref<1x1x128xi32, #tpu.memory_space<vmem>>) target_semaphore(%arg14 : memref<!tpu.dma_semaphore, #tpu.memory_space<semaphore_mem>>)
    %dma_wait3A_60 = arith.constant 0 : i32
    %dma_wait3A_61 = arith.constant 0 : i32
    %dma_wait3A_62 = arith.constant 0 : i32
    %dma_wait3A_63 = tpu.memref_slice %arg3[%dma_wait3A_60, %dma_wait3A_61, %dma_wait3A_62] : memref<2500x1x128xi32, #tpu.memory_space<hbm>> -> memref<1x1x128xi32, #tpu.memory_space<hbm>>
    %dma_wait3A_64 = arith.constant 0 : i32
    %dma_wait3A_65 = arith.constant 0 : i32
    %dma_wait3A_66 = arith.constant 0 : i32
    %dma_wait3A_67 = tpu.memref_slice %arg3[%dma_wait3A_64, %dma_wait3A_65, %dma_wait3A_66] : memref<2500x1x128xi32, #tpu.memory_space<hbm>> -> memref<1x1x128xi32, #tpu.memory_space<hbm>>
    tpu.wait_dma2 semaphore(%arg14 : memref<!tpu.dma_semaphore, #tpu.memory_space<semaphore_mem>>) src(%dma_wait3A_67 : memref<1x1x128xi32, #tpu.memory_space<hbm>>) dst(%arg8 : memref<1x1x128xi32, #tpu.memory_space<vmem>>)
    %scan3A_68 = arith.constant 0 : i32
    %scan3A_69 = arith.constant 0 : i32
    %scan3A_70 = arith.constant 39 : i32
    %scan3A_71 = arith.addi %scan3A_69, %scan3A_70 : i32
    %scan3A_72 = arith.constant 1 : i32
    scf.for %scan3A_84 = %scan3A_69 to %scan3A_71 step %scan3A_72  : i32 {
      %mul3A_85 = arith.constant 2 : i32
      %mul3A_86 = arith.muli %mul3A_85, %scan3A_84 : i32
      %dma_wait3A_87 = arith.constant 0 : i32
      %dma_wait3A_88 = arith.constant 0 : i32
      %dma_wait3A_89 = arith.constant 0 : i32
      %dma_wait3A_90 = tpu.memref_slice %arg7[%dma_wait3A_87, %dma_wait3A_88, %dma_wait3A_89] : memref<1x1x128xi32, #tpu.memory_space<vmem>> -> memref<1x1x128xi32, #tpu.memory_space<vmem>>
      %dma_wait3A_91 = tpu.memref_squeeze %dma_wait3A_90 : memref<1x1x128xi32, #tpu.memory_space<vmem>> -> memref<128xi32, #tpu.memory_space<vmem>>
      %dma_wait3A_92 = arith.constant 0 : i32
      %dma_wait3A_93 = arith.constant 0 : i32
      %dma_wait3A_94 = tpu.memref_slice %arg2[%dma_wait3A_92, %dma_wait3A_93] : memref<10000x128xf32, #tpu.memory_space<hbm>> -> memref<10000x128xf32, #tpu.memory_space<hbm>>
      tpu.wait_indirect_dma semaphore(%arg12 : memref<!tpu.dma_semaphore, #tpu.memory_space<semaphore_mem>>) src(%dma_wait3A_94 : memref<10000x128xf32, #tpu.memory_space<hbm>>) dst(%arg9 : memref<128x128xf32, #tpu.memory_space<vmem>>)
      %dma_start3A_95 = arith.constant 0 : i32
      %dma_start3A_96 = arith.constant 0 : i32
      %dma_start3A_97 = arith.constant 0 : i32
      %dma_start3A_98 = tpu.memref_slice %arg8[%dma_start3A_95, %dma_start3A_96, %dma_start3A_97] : memref<1x1x128xi32, #tpu.memory_space<vmem>> -> memref<1x1x128xi32, #tpu.memory_space<vmem>>
      %dma_start3A_99 = tpu.memref_squeeze %dma_start3A_98 : memref<1x1x128xi32, #tpu.memory_space<vmem>> -> memref<128xi32, #tpu.memory_space<vmem>>
      %dma_start3A_100 = arith.constant 0 : i32
      %dma_start3A_101 = arith.constant 0 : i32
      %dma_start3A_102 = tpu.memref_slice %arg2[%dma_start3A_100, %dma_start3A_101] : memref<10000x128xf32, #tpu.memory_space<hbm>> -> memref<10000x128xf32, #tpu.memory_space<hbm>>
      tpu.enqueue_indirect_dma source(%dma_start3A_102 : memref<10000x128xf32, #tpu.memory_space<hbm>>) target(%arg10 : memref<128x128xf32, #tpu.memory_space<vmem>>) offsets(%dma_start3A_99 : memref<128xi32, #tpu.memory_space<vmem>>) semaphore(%arg12 : memref<!tpu.dma_semaphore, #tpu.memory_space<semaphore_mem>>)
      %add3A_103 = arith.constant 2 : i32
      %add3A_104 = arith.addi %mul3A_86, %add3A_103 : i32
      %lt3A_105 = arith.cmpi slt, %add3A_104, %select_n3A : i32
      %convert_element_type3A_106 = arith.extui %lt3A_105 : i1 to i32
      %cond3A_107 = arith.constant 0 : i32
      %cond3A_108 = arith.cmpi ne, %convert_element_type3A_106, %cond3A_107 : i32
      scf.if %cond3A_108 {
        %add3A_138 = arith.constant 2 : i32
        %add3A_139 = arith.addi %mul3A_86, %add3A_138 : i32
        %eq3A_140 = arith.constant 78 : i32
        %eq3A_141 = arith.cmpi eq, %add3A_139, %eq3A_140 : i32
        %add3A_142 = arith.constant 2496 : i32
        %add3A_143 = arith.addi %add3A_142, %add3A : i32
        %mul3A_144 = arith.constant 78 : i32
        %mul3A_145 = arith.muli %add3A, %mul3A_144 : i32
        %add3A_146 = arith.addi %mul3A_145, %add3A_139 : i32
        %select_n3A_147 = arith.select %eq3A_141, %add3A_143, %add3A_146 : i32
        %dma_start3A_148 = arith.constant 0 : i32
        %dma_start3A_149 = arith.constant 0 : i32
        %dma_start3A_150 = tpu.memref_slice %arg3[%select_n3A_147, %dma_start3A_148, %dma_start3A_149] : memref<2500x1x128xi32, #tpu.memory_space<hbm>> -> memref<1x1x128xi32, #tpu.memory_space<hbm>>
        %dma_start3A_151 = arith.constant 0 : i32
        %dma_start3A_152 = arith.constant 0 : i32
        %dma_start3A_153 = tpu.memref_slice %arg3[%select_n3A_147, %dma_start3A_151, %dma_start3A_152] : memref<2500x1x128xi32, #tpu.memory_space<hbm>> -> memref<1x1x128xi32, #tpu.memory_space<hbm>>
        tpu.enqueue_dma source(%dma_start3A_153 : memref<1x1x128xi32, #tpu.memory_space<hbm>>) target(%arg7 : memref<1x1x128xi32, #tpu.memory_space<vmem>>) target_semaphore(%arg13 : memref<!tpu.dma_semaphore, #tpu.memory_space<semaphore_mem>>)
      } else {
      }
      %run_scoped3A = arith.constant 0 : i32
      "tpu.region"() ({
        %run_scoped3A_138 = tpu.sem_alloc : memref<!tpu.dma_semaphore, #tpu.memory_space<semaphore_mem>>
        %dma_start3A_139 = arith.constant 0 : i32
        %dma_start3A_140 = tpu.memref_slice %arg6[%mul3A_86, %run_scoped3A, %dma_start3A_139] : memref<79x1x128xi32, #tpu.memory_space<vmem>> -> memref<1x1x128xi32, #tpu.memory_space<vmem>>
        %dma_start3A_141 = tpu.memref_squeeze %dma_start3A_140 : memref<1x1x128xi32, #tpu.memory_space<vmem>> -> memref<128xi32, #tpu.memory_space<vmem>>
        %dma_start3A_142 = arith.constant 0 : i32
        %dma_start3A_143 = arith.constant 0 : i32
        %dma_start3A_144 = tpu.memref_slice %arg11[%dma_start3A_142, %dma_start3A_143] : memref<10000x128xf32, #tpu.memory_space<vmem_shared>> -> memref<10000x128xf32, #tpu.memory_space<vmem_shared>>
        tpu.enqueue_indirect_dma source(%arg9 : memref<128x128xf32, #tpu.memory_space<vmem>>) target(%dma_start3A_144 : memref<10000x128xf32, #tpu.memory_space<vmem_shared>>) offsets(%dma_start3A_141 : memref<128xi32, #tpu.memory_space<vmem>>) semaphore(%run_scoped3A_138 : memref<!tpu.dma_semaphore, #tpu.memory_space<semaphore_mem>>) {add = true}
        %dma_wait3A_145 = arith.constant 0 : i32
        %dma_wait3A_146 = tpu.memref_slice %arg6[%mul3A_86, %run_scoped3A, %dma_wait3A_145] : memref<79x1x128xi32, #tpu.memory_space<vmem>> -> memref<1x1x128xi32, #tpu.memory_space<vmem>>
        %dma_wait3A_147 = tpu.memref_squeeze %dma_wait3A_146 : memref<1x1x128xi32, #tpu.memory_space<vmem>> -> memref<128xi32, #tpu.memory_space<vmem>>
        %dma_wait3A_148 = arith.constant 0 : i32
        %dma_wait3A_149 = arith.constant 0 : i32
        %dma_wait3A_150 = tpu.memref_slice %arg11[%dma_wait3A_148, %dma_wait3A_149] : memref<10000x128xf32, #tpu.memory_space<vmem_shared>> -> memref<10000x128xf32, #tpu.memory_space<vmem_shared>>
        tpu.wait_indirect_dma semaphore(%run_scoped3A_138 : memref<!tpu.dma_semaphore, #tpu.memory_space<semaphore_mem>>) src(%arg9 : memref<128x128xf32, #tpu.memory_space<vmem>>) dst(%dma_wait3A_150 : memref<10000x128xf32, #tpu.memory_space<vmem_shared>>)
        tpu.yield
      }) : () -> ()
      %dma_wait3A_109 = arith.constant 0 : i32
      %dma_wait3A_110 = arith.constant 0 : i32
      %dma_wait3A_111 = arith.constant 0 : i32
      %dma_wait3A_112 = tpu.memref_slice %arg7[%dma_wait3A_109, %dma_wait3A_110, %dma_wait3A_111] : memref<1x1x128xi32, #tpu.memory_space<vmem>> -> memref<1x1x128xi32, #tpu.memory_space<vmem>>
      %dma_wait3A_113 = tpu.memref_squeeze %dma_wait3A_112 : memref<1x1x128xi32, #tpu.memory_space<vmem>> -> memref<128xi32, #tpu.memory_space<vmem>>
      %dma_wait3A_114 = arith.constant 0 : i32
      %dma_wait3A_115 = arith.constant 0 : i32
      %dma_wait3A_116 = tpu.memref_slice %arg2[%dma_wait3A_114, %dma_wait3A_115] : memref<10000x128xf32, #tpu.memory_space<hbm>> -> memref<10000x128xf32, #tpu.memory_space<hbm>>
      tpu.wait_indirect_dma semaphore(%arg12 : memref<!tpu.dma_semaphore, #tpu.memory_space<semaphore_mem>>) src(%dma_wait3A_116 : memref<10000x128xf32, #tpu.memory_space<hbm>>) dst(%arg10 : memref<128x128xf32, #tpu.memory_space<vmem>>)
      %add3A_117 = arith.constant 2 : i32
      %add3A_118 = arith.addi %mul3A_86, %add3A_117 : i32
      %lt3A_119 = arith.cmpi slt, %add3A_118, %select_n3A : i32
      %convert_element_type3A_120 = arith.extui %lt3A_119 : i1 to i32
      %cond3A_121 = arith.constant 0 : i32
      %cond3A_122 = arith.cmpi ne, %convert_element_type3A_120, %cond3A_121 : i32
      scf.if %cond3A_122 {
        %dma_wait3A_138 = arith.constant 0 : i32
        %dma_wait3A_139 = arith.constant 0 : i32
        %dma_wait3A_140 = arith.constant 0 : i32
        %dma_wait3A_141 = tpu.memref_slice %arg3[%dma_wait3A_138, %dma_wait3A_139, %dma_wait3A_140] : memref<2500x1x128xi32, #tpu.memory_space<hbm>> -> memref<1x1x128xi32, #tpu.memory_space<hbm>>
        %dma_wait3A_142 = arith.constant 0 : i32
        %dma_wait3A_143 = arith.constant 0 : i32
        %dma_wait3A_144 = arith.constant 0 : i32
        %dma_wait3A_145 = tpu.memref_slice %arg3[%dma_wait3A_142, %dma_wait3A_143, %dma_wait3A_144] : memref<2500x1x128xi32, #tpu.memory_space<hbm>> -> memref<1x1x128xi32, #tpu.memory_space<hbm>>
        tpu.wait_dma2 semaphore(%arg13 : memref<!tpu.dma_semaphore, #tpu.memory_space<semaphore_mem>>) src(%dma_wait3A_145 : memref<1x1x128xi32, #tpu.memory_space<hbm>>) dst(%arg7 : memref<1x1x128xi32, #tpu.memory_space<vmem>>)
        %dma_start3A_146 = arith.constant 0 : i32
        %dma_start3A_147 = arith.constant 0 : i32
        %dma_start3A_148 = arith.constant 0 : i32
        %dma_start3A_149 = tpu.memref_slice %arg7[%dma_start3A_146, %dma_start3A_147, %dma_start3A_148] : memref<1x1x128xi32, #tpu.memory_space<vmem>> -> memref<1x1x128xi32, #tpu.memory_space<vmem>>
        %dma_start3A_150 = tpu.memref_squeeze %dma_start3A_149 : memref<1x1x128xi32, #tpu.memory_space<vmem>> -> memref<128xi32, #tpu.memory_space<vmem>>
        %dma_start3A_151 = arith.constant 0 : i32
        %dma_start3A_152 = arith.constant 0 : i32
        %dma_start3A_153 = tpu.memref_slice %arg2[%dma_start3A_151, %dma_start3A_152] : memref<10000x128xf32, #tpu.memory_space<hbm>> -> memref<10000x128xf32, #tpu.memory_space<hbm>>
        tpu.enqueue_indirect_dma source(%dma_start3A_153 : memref<10000x128xf32, #tpu.memory_space<hbm>>) target(%arg9 : memref<128x128xf32, #tpu.memory_space<vmem>>) offsets(%dma_start3A_150 : memref<128xi32, #tpu.memory_space<vmem>>) semaphore(%arg12 : memref<!tpu.dma_semaphore, #tpu.memory_space<semaphore_mem>>)
      } else {
      }
      %add3A_123 = arith.constant 3 : i32
      %add3A_124 = arith.addi %mul3A_86, %add3A_123 : i32
      %lt3A_125 = arith.cmpi slt, %add3A_124, %select_n3A : i32
      %convert_element_type3A_126 = arith.extui %lt3A_125 : i1 to i32
      %cond3A_127 = arith.constant 0 : i32
      %cond3A_128 = arith.cmpi ne, %convert_element_type3A_126, %cond3A_127 : i32
      scf.if %cond3A_128 {
        %add3A_138 = arith.constant 3 : i32
        %add3A_139 = arith.addi %mul3A_86, %add3A_138 : i32
        %eq3A_140 = arith.constant 78 : i32
        %eq3A_141 = arith.cmpi eq, %add3A_139, %eq3A_140 : i32
        %add3A_142 = arith.constant 2496 : i32
        %add3A_143 = arith.addi %add3A_142, %add3A : i32
        %mul3A_144 = arith.constant 78 : i32
        %mul3A_145 = arith.muli %add3A, %mul3A_144 : i32
        %add3A_146 = arith.addi %mul3A_145, %add3A_139 : i32
        %select_n3A_147 = arith.select %eq3A_141, %add3A_143, %add3A_146 : i32
        %dma_start3A_148 = arith.constant 0 : i32
        %dma_start3A_149 = arith.constant 0 : i32
        %dma_start3A_150 = tpu.memref_slice %arg3[%select_n3A_147, %dma_start3A_148, %dma_start3A_149] : memref<2500x1x128xi32, #tpu.memory_space<hbm>> -> memref<1x1x128xi32, #tpu.memory_space<hbm>>
        %dma_start3A_151 = arith.constant 0 : i32
        %dma_start3A_152 = arith.constant 0 : i32
        %dma_start3A_153 = tpu.memref_slice %arg3[%select_n3A_147, %dma_start3A_151, %dma_start3A_152] : memref<2500x1x128xi32, #tpu.memory_space<hbm>> -> memref<1x1x128xi32, #tpu.memory_space<hbm>>
        tpu.enqueue_dma source(%dma_start3A_153 : memref<1x1x128xi32, #tpu.memory_space<hbm>>) target(%arg8 : memref<1x1x128xi32, #tpu.memory_space<vmem>>) target_semaphore(%arg14 : memref<!tpu.dma_semaphore, #tpu.memory_space<semaphore_mem>>)
      } else {
      }
      %add3A_129 = arith.constant 1 : i32
      %add3A_130 = arith.addi %mul3A_86, %add3A_129 : i32
      %run_scoped3A_131 = arith.constant 0 : i32
      "tpu.region"() ({
        %run_scoped3A_138 = tpu.sem_alloc : memref<!tpu.dma_semaphore, #tpu.memory_space<semaphore_mem>>
        %dma_start3A_139 = arith.constant 0 : i32
        %dma_start3A_140 = tpu.memref_slice %arg6[%add3A_130, %run_scoped3A_131, %dma_start3A_139] : memref<79x1x128xi32, #tpu.memory_space<vmem>> -> memref<1x1x128xi32, #tpu.memory_space<vmem>>
        %dma_start3A_141 = tpu.memref_squeeze %dma_start3A_140 : memref<1x1x128xi32, #tpu.memory_space<vmem>> -> memref<128xi32, #tpu.memory_space<vmem>>
        %dma_start3A_142 = arith.constant 0 : i32
        %dma_start3A_143 = arith.constant 0 : i32
        %dma_start3A_144 = tpu.memref_slice %arg11[%dma_start3A_142, %dma_start3A_143] : memref<10000x128xf32, #tpu.memory_space<vmem_shared>> -> memref<10000x128xf32, #tpu.memory_space<vmem_shared>>
        tpu.enqueue_indirect_dma source(%arg10 : memref<128x128xf32, #tpu.memory_space<vmem>>) target(%dma_start3A_144 : memref<10000x128xf32, #tpu.memory_space<vmem_shared>>) offsets(%dma_start3A_141 : memref<128xi32, #tpu.memory_space<vmem>>) semaphore(%run_scoped3A_138 : memref<!tpu.dma_semaphore, #tpu.memory_space<semaphore_mem>>) {add = true}
        %dma_wait3A_145 = arith.constant 0 : i32
        %dma_wait3A_146 = tpu.memref_slice %arg6[%add3A_130, %run_scoped3A_131, %dma_wait3A_145] : memref<79x1x128xi32, #tpu.memory_space<vmem>> -> memref<1x1x128xi32, #tpu.memory_space<vmem>>
        %dma_wait3A_147 = tpu.memref_squeeze %dma_wait3A_146 : memref<1x1x128xi32, #tpu.memory_space<vmem>> -> memref<128xi32, #tpu.memory_space<vmem>>
        %dma_wait3A_148 = arith.constant 0 : i32
        %dma_wait3A_149 = arith.constant 0 : i32
        %dma_wait3A_150 = tpu.memref_slice %arg11[%dma_wait3A_148, %dma_wait3A_149] : memref<10000x128xf32, #tpu.memory_space<vmem_shared>> -> memref<10000x128xf32, #tpu.memory_space<vmem_shared>>
        tpu.wait_indirect_dma semaphore(%run_scoped3A_138 : memref<!tpu.dma_semaphore, #tpu.memory_space<semaphore_mem>>) src(%arg10 : memref<128x128xf32, #tpu.memory_space<vmem>>) dst(%dma_wait3A_150 : memref<10000x128xf32, #tpu.memory_space<vmem_shared>>)
        tpu.yield
      }) : () -> ()
      %add3A_132 = arith.constant 3 : i32
      %add3A_133 = arith.addi %mul3A_86, %add3A_132 : i32
      %lt3A_134 = arith.cmpi slt, %add3A_133, %select_n3A : i32
      %convert_element_type3A_135 = arith.extui %lt3A_134 : i1 to i32
      %cond3A_136 = arith.constant 0 : i32
      %cond3A_137 = arith.cmpi ne, %convert_element_type3A_135, %cond3A_136 : i32
      scf.if %cond3A_137 {
        %dma_wait3A_138 = arith.constant 0 : i32
        %dma_wait3A_139 = arith.constant 0 : i32
        %dma_wait3A_140 = arith.constant 0 : i32
        %dma_wait3A_141 = tpu.memref_slice %arg3[%dma_wait3A_138, %dma_wait3A_139, %dma_wait3A_140] : memref<2500x1x128xi32, #tpu.memory_space<hbm>> -> memref<1x1x128xi32, #tpu.memory_space<hbm>>
        %dma_wait3A_142 = arith.constant 0 : i32
        %dma_wait3A_143 = arith.constant 0 : i32
        %dma_wait3A_144 = arith.constant 0 : i32
        %dma_wait3A_145 = tpu.memref_slice %arg3[%dma_wait3A_142, %dma_wait3A_143, %dma_wait3A_144] : memref<2500x1x128xi32, #tpu.memory_space<hbm>> -> memref<1x1x128xi32, #tpu.memory_space<hbm>>
        tpu.wait_dma2 semaphore(%arg14 : memref<!tpu.dma_semaphore, #tpu.memory_space<semaphore_mem>>) src(%dma_wait3A_145 : memref<1x1x128xi32, #tpu.memory_space<hbm>>) dst(%arg8 : memref<1x1x128xi32, #tpu.memory_space<vmem>>)
      } else {
      }
    }
    %scan3A_73 = arith.constant 39 : i32
    %eq3A = arith.constant 79 : i32
    %eq3A_74 = arith.cmpi eq, %select_n3A, %eq3A : i32
    %convert_element_type3A_75 = arith.extui %eq3A_74 : i1 to i32
    %cond3A_76 = arith.constant 0 : i32
    %cond3A_77 = arith.cmpi ne, %convert_element_type3A_75, %cond3A_76 : i32
    scf.if %cond3A_77 {
      %dma_wait3A_84 = arith.constant 0 : i32
      %dma_wait3A_85 = arith.constant 0 : i32
      %dma_wait3A_86 = arith.constant 0 : i32
      %dma_wait3A_87 = tpu.memref_slice %arg7[%dma_wait3A_84, %dma_wait3A_85, %dma_wait3A_86] : memref<1x1x128xi32, #tpu.memory_space<vmem>> -> memref<1x1x128xi32, #tpu.memory_space<vmem>>
      %dma_wait3A_88 = tpu.memref_squeeze %dma_wait3A_87 : memref<1x1x128xi32, #tpu.memory_space<vmem>> -> memref<128xi32, #tpu.memory_space<vmem>>
      %dma_wait3A_89 = arith.constant 0 : i32
      %dma_wait3A_90 = arith.constant 0 : i32
      %dma_wait3A_91 = tpu.memref_slice %arg2[%dma_wait3A_89, %dma_wait3A_90] : memref<10000x128xf32, #tpu.memory_space<hbm>> -> memref<10000x128xf32, #tpu.memory_space<hbm>>
      tpu.wait_indirect_dma semaphore(%arg12 : memref<!tpu.dma_semaphore, #tpu.memory_space<semaphore_mem>>) src(%dma_wait3A_91 : memref<10000x128xf32, #tpu.memory_space<hbm>>) dst(%arg9 : memref<128x128xf32, #tpu.memory_space<vmem>>)
      %run_scoped3A = arith.constant 78 : i32
      %run_scoped3A_92 = arith.constant 0 : i32
      "tpu.region"() ({
        %run_scoped3A_93 = tpu.sem_alloc : memref<!tpu.dma_semaphore, #tpu.memory_space<semaphore_mem>>
        %dma_start3A_94 = arith.constant 0 : i32
        %dma_start3A_95 = tpu.memref_slice %arg6[%run_scoped3A, %run_scoped3A_92, %dma_start3A_94] : memref<79x1x128xi32, #tpu.memory_space<vmem>> -> memref<1x1x128xi32, #tpu.memory_space<vmem>>
        %dma_start3A_96 = tpu.memref_squeeze %dma_start3A_95 : memref<1x1x128xi32, #tpu.memory_space<vmem>> -> memref<128xi32, #tpu.memory_space<vmem>>
        %dma_start3A_97 = arith.constant 0 : i32
        %dma_start3A_98 = arith.constant 0 : i32
        %dma_start3A_99 = tpu.memref_slice %arg11[%dma_start3A_97, %dma_start3A_98] : memref<10000x128xf32, #tpu.memory_space<vmem_shared>> -> memref<10000x128xf32, #tpu.memory_space<vmem_shared>>
        tpu.enqueue_indirect_dma source(%arg9 : memref<128x128xf32, #tpu.memory_space<vmem>>) target(%dma_start3A_99 : memref<10000x128xf32, #tpu.memory_space<vmem_shared>>) offsets(%dma_start3A_96 : memref<128xi32, #tpu.memory_space<vmem>>) semaphore(%run_scoped3A_93 : memref<!tpu.dma_semaphore, #tpu.memory_space<semaphore_mem>>) {add = true}
        %dma_wait3A_100 = arith.constant 0 : i32
        %dma_wait3A_101 = tpu.memref_slice %arg6[%run_scoped3A, %run_scoped3A_92, %dma_wait3A_100] : memref<79x1x128xi32, #tpu.memory_space<vmem>> -> memref<1x1x128xi32, #tpu.memory_space<vmem>>
        %dma_wait3A_102 = tpu.memref_squeeze %dma_wait3A_101 : memref<1x1x128xi32, #tpu.memory_space<vmem>> -> memref<128xi32, #tpu.memory_space<vmem>>
        %dma_wait3A_103 = arith.constant 0 : i32
        %dma_wait3A_104 = arith.constant 0 : i32
        %dma_wait3A_105 = tpu.memref_slice %arg11[%dma_wait3A_103, %dma_wait3A_104] : memref<10000x128xf32, #tpu.memory_space<vmem_shared>> -> memref<10000x128xf32, #tpu.memory_space<vmem_shared>>
        tpu.wait_indirect_dma semaphore(%run_scoped3A_93 : memref<!tpu.dma_semaphore, #tpu.memory_space<semaphore_mem>>) src(%arg9 : memref<128x128xf32, #tpu.memory_space<vmem>>) dst(%dma_wait3A_105 : memref<10000x128xf32, #tpu.memory_space<vmem_shared>>)
        tpu.yield
      }) : () -> ()
    } else {
    }
    %barrier3A_78 = arith.constant 0 : index
    tpu.barrier barrier_id(%barrier3A_78)
    %lt3A_79 = arith.constant 10 : i32
    %lt3A_80 = arith.cmpi slt, %arg1, %lt3A_79 : i32
    %convert_element_type3A_81 = arith.extui %lt3A_80 : i1 to i32
    %cond3A_82 = arith.constant 0 : i32
    %cond3A_83 = arith.cmpi ne, %convert_element_type3A_81, %cond3A_82 : i32
    scf.if %cond3A_83 {
      %mul3A_84 = arith.constant 1000 : i32
      %mul3A_85 = arith.muli %arg1, %mul3A_84 : i32
      %mul3A_86 = arith.constant 1000 : i32
      %mul3A_87 = arith.muli %arg1, %mul3A_86 : i32
      "tpu.region"() ({
        %run_scoped3A = tpu.sem_alloc : memref<!tpu.dma_semaphore, #tpu.memory_space<semaphore_mem>>
        %dma_start3A_88 = arith.constant 0 : i32
        %dma_start3A_89 = tpu.memref_slice %arg5[%arg0, %mul3A_87, %dma_start3A_88] : memref<2x10000x128xf32, #tpu.memory_space<hbm>> -> memref<1x1000x128xf32, #tpu.memory_space<hbm>>
        %dma_start3A_90 = tpu.memref_squeeze %dma_start3A_89 : memref<1x1000x128xf32, #tpu.memory_space<hbm>> -> memref<1000x128xf32, #tpu.memory_space<hbm>>
        %dma_start3A_91 = arith.constant 0 : i32
        %dma_start3A_92 = tpu.memref_slice %arg11[%mul3A_85, %dma_start3A_91] : memref<10000x128xf32, #tpu.memory_space<vmem_shared>> -> memref<1000x128xf32, #tpu.memory_space<vmem_shared>>
        tpu.enqueue_dma source(%dma_start3A_92 : memref<1000x128xf32, #tpu.memory_space<vmem_shared>>) target(%dma_start3A_90 : memref<1000x128xf32, #tpu.memory_space<hbm>>) target_semaphore(%run_scoped3A : memref<!tpu.dma_semaphore, #tpu.memory_space<semaphore_mem>>)
        %dma_wait3A_93 = arith.constant 0 : i32
        %dma_wait3A_94 = tpu.memref_slice %arg5[%arg0, %mul3A_87, %dma_wait3A_93] : memref<2x10000x128xf32, #tpu.memory_space<hbm>> -> memref<1x1000x128xf32, #tpu.memory_space<hbm>>
        %dma_wait3A_95 = tpu.memref_squeeze %dma_wait3A_94 : memref<1x1000x128xf32, #tpu.memory_space<hbm>> -> memref<1000x128xf32, #tpu.memory_space<hbm>>
        %dma_wait3A_96 = arith.constant 0 : i32
        %dma_wait3A_97 = tpu.memref_slice %arg11[%mul3A_85, %dma_wait3A_96] : memref<10000x128xf32, #tpu.memory_space<vmem_shared>> -> memref<1000x128xf32, #tpu.memory_space<vmem_shared>>
        tpu.wait_dma2 semaphore(%run_scoped3A : memref<!tpu.dma_semaphore, #tpu.memory_space<semaphore_mem>>) src(%dma_wait3A_97 : memref<1000x128xf32, #tpu.memory_space<vmem_shared>>) dst(%dma_wait3A_95 : memref<1000x128xf32, #tpu.memory_space<hbm>>)
        tpu.yield
      }) : () -> ()
    } else {
    }
    return
  }
}

#map = affine_map<(d0, d1) -> (0, 0, 0)>
module attributes {stable_mosaic.version = 14 : i64} {
  func.func @_deg_body(%arg0: i32, %arg1: i32, %arg2: memref<2500x1x128xi32, #tpu.memory_space<hbm>>, %arg3: memref<2500x1x128xi32, #tpu.memory_space<hbm>>, %arg4: memref<2x4x10000xf32, #tpu.memory_space<hbm>>, %arg5: memref<79x1x128xi32, #tpu.memory_space<vmem>>, %arg6: memref<79x1x128xi32, #tpu.memory_space<vmem>>, %arg7: memref<128xf32, #tpu.memory_space<vmem>>, %arg8: memref<1024xf32, #tpu.memory_space<vmem>>, %arg9: memref<10000xf32, #tpu.memory_space<vmem_shared>>, %arg10: memref<10000xf32, #tpu.memory_space<vmem_shared>>, %arg11: memref<!tpu.dma_semaphore, #tpu.memory_space<semaphore_mem>>) attributes {dimension_semantics = [#tpu.dimension_semantics<core_parallel>, #tpu.dimension_semantics<subcore_parallel>], iteration_bounds = array<i64: 2, 16>, scalar_prefetch = 0 : i64, scratch_operands = 7 : i64, tpu.core_type = #tpu.core_type<sc_vector_subcore>, window_params = [{transform_indices = #map}, {transform_indices = #map}, {transform_indices = #map}]} {
    %mul3A = arith.constant 16 : i32
    %mul3A_0 = arith.muli %arg0, %mul3A : i32
    %add3A = arith.addi %mul3A_0, %arg1 : i32
    %broadcast_in_dim3A = arith.constant 1.000000e+00 : f32
    %broadcast_in_dim3A_1 = vector.broadcast %broadcast_in_dim3A : f32 to vector<16xf32>
    %swap3A = arith.constant 0 : index
    %swap3A_2 = tpu.vector_load %arg7[%swap3A] {strides = array<i32>} : memref<128xf32, #tpu.memory_space<vmem>>, vector<16xf32>,
    %swap3A_3 = vector.shape_cast %swap3A_2 : vector<16xf32> to vector<16xf32>
    %swap3A_4 = vector.shape_cast %broadcast_in_dim3A_1 : vector<16xf32> to vector<16xf32>
    tpu.vector_store %arg7[%swap3A], %swap3A_4 {strides = array<i32>} : memref<128xf32, #tpu.memory_space<vmem>>, vector<16xf32>,
    %broadcast_in_dim3A_5 = arith.constant 1.000000e+00 : f32
    %broadcast_in_dim3A_6 = vector.broadcast %broadcast_in_dim3A_5 : f32 to vector<16xf32>
    %swap3A_7 = arith.constant 16 : index
    %swap3A_8 = tpu.vector_load %arg7[%swap3A_7] {strides = array<i32>} : memref<128xf32, #tpu.memory_space<vmem>>, vector<16xf32>,
    %swap3A_9 = vector.shape_cast %swap3A_8 : vector<16xf32> to vector<16xf32>
    %swap3A_10 = vector.shape_cast %broadcast_in_dim3A_6 : vector<16xf32> to vector<16xf32>
    tpu.vector_store %arg7[%swap3A_7], %swap3A_10 {strides = array<i32>} : memref<128xf32, #tpu.memory_space<vmem>>, vector<16xf32>,
    %broadcast_in_dim3A_11 = arith.constant 1.000000e+00 : f32
    %broadcast_in_dim3A_12 = vector.broadcast %broadcast_in_dim3A_11 : f32 to vector<16xf32>
    %swap3A_13 = arith.constant 32 : index
    %swap3A_14 = tpu.vector_load %arg7[%swap3A_13] {strides = array<i32>} : memref<128xf32, #tpu.memory_space<vmem>>, vector<16xf32>,
    %swap3A_15 = vector.shape_cast %swap3A_14 : vector<16xf32> to vector<16xf32>
    %swap3A_16 = vector.shape_cast %broadcast_in_dim3A_12 : vector<16xf32> to vector<16xf32>
    tpu.vector_store %arg7[%swap3A_13], %swap3A_16 {strides = array<i32>} : memref<128xf32, #tpu.memory_space<vmem>>, vector<16xf32>,
    %broadcast_in_dim3A_17 = arith.constant 1.000000e+00 : f32
    %broadcast_in_dim3A_18 = vector.broadcast %broadcast_in_dim3A_17 : f32 to vector<16xf32>
    %swap3A_19 = arith.constant 48 : index
    %swap3A_20 = tpu.vector_load %arg7[%swap3A_19] {strides = array<i32>} : memref<128xf32, #tpu.memory_space<vmem>>, vector<16xf32>,
    %swap3A_21 = vector.shape_cast %swap3A_20 : vector<16xf32> to vector<16xf32>
    %swap3A_22 = vector.shape_cast %broadcast_in_dim3A_18 : vector<16xf32> to vector<16xf32>
    tpu.vector_store %arg7[%swap3A_19], %swap3A_22 {strides = array<i32>} : memref<128xf32, #tpu.memory_space<vmem>>, vector<16xf32>,
    %broadcast_in_dim3A_23 = arith.constant 1.000000e+00 : f32
    %broadcast_in_dim3A_24 = vector.broadcast %broadcast_in_dim3A_23 : f32 to vector<16xf32>
    %swap3A_25 = arith.constant 64 : index
    %swap3A_26 = tpu.vector_load %arg7[%swap3A_25] {strides = array<i32>} : memref<128xf32, #tpu.memory_space<vmem>>, vector<16xf32>,
    %swap3A_27 = vector.shape_cast %swap3A_26 : vector<16xf32> to vector<16xf32>
    %swap3A_28 = vector.shape_cast %broadcast_in_dim3A_24 : vector<16xf32> to vector<16xf32>
    tpu.vector_store %arg7[%swap3A_25], %swap3A_28 {strides = array<i32>} : memref<128xf32, #tpu.memory_space<vmem>>, vector<16xf32>,
    %broadcast_in_dim3A_29 = arith.constant 1.000000e+00 : f32
    %broadcast_in_dim3A_30 = vector.broadcast %broadcast_in_dim3A_29 : f32 to vector<16xf32>
    %swap3A_31 = arith.constant 80 : index
    %swap3A_32 = tpu.vector_load %arg7[%swap3A_31] {strides = array<i32>} : memref<128xf32, #tpu.memory_space<vmem>>, vector<16xf32>,
    %swap3A_33 = vector.shape_cast %swap3A_32 : vector<16xf32> to vector<16xf32>
    %swap3A_34 = vector.shape_cast %broadcast_in_dim3A_30 : vector<16xf32> to vector<16xf32>
    tpu.vector_store %arg7[%swap3A_31], %swap3A_34 {strides = array<i32>} : memref<128xf32, #tpu.memory_space<vmem>>, vector<16xf32>,
    %broadcast_in_dim3A_35 = arith.constant 1.000000e+00 : f32
    %broadcast_in_dim3A_36 = vector.broadcast %broadcast_in_dim3A_35 : f32 to vector<16xf32>
    %swap3A_37 = arith.constant 96 : index
    %swap3A_38 = tpu.vector_load %arg7[%swap3A_37] {strides = array<i32>} : memref<128xf32, #tpu.memory_space<vmem>>, vector<16xf32>,
    %swap3A_39 = vector.shape_cast %swap3A_38 : vector<16xf32> to vector<16xf32>
    %swap3A_40 = vector.shape_cast %broadcast_in_dim3A_36 : vector<16xf32> to vector<16xf32>
    tpu.vector_store %arg7[%swap3A_37], %swap3A_40 {strides = array<i32>} : memref<128xf32, #tpu.memory_space<vmem>>, vector<16xf32>,
    %broadcast_in_dim3A_41 = arith.constant 1.000000e+00 : f32
    %broadcast_in_dim3A_42 = vector.broadcast %broadcast_in_dim3A_41 : f32 to vector<16xf32>
    %swap3A_43 = arith.constant 112 : index
    %swap3A_44 = tpu.vector_load %arg7[%swap3A_43] {strides = array<i32>} : memref<128xf32, #tpu.memory_space<vmem>>, vector<16xf32>,
    %swap3A_45 = vector.shape_cast %swap3A_44 : vector<16xf32> to vector<16xf32>
    %swap3A_46 = vector.shape_cast %broadcast_in_dim3A_42 : vector<16xf32> to vector<16xf32>
    tpu.vector_store %arg7[%swap3A_43], %swap3A_46 {strides = array<i32>} : memref<128xf32, #tpu.memory_space<vmem>>, vector<16xf32>,
    %broadcast_in_dim3A_47 = arith.constant 0.000000e+00 : f32
    %broadcast_in_dim3A_48 = vector.broadcast %broadcast_in_dim3A_47 : f32 to vector<16xf32>
    %swap3A_49 = arith.constant 0 : index
    %swap3A_50 = tpu.vector_load %arg8[%swap3A_49] {strides = array<i32>} : memref<1024xf32, #tpu.memory_space<vmem>>, vector<16xf32>,
    %swap3A_51 = vector.shape_cast %swap3A_50 : vector<16xf32> to vector<16xf32>
    %swap3A_52 = vector.shape_cast %broadcast_in_dim3A_48 : vector<16xf32> to vector<16xf32>
    tpu.vector_store %arg8[%swap3A_49], %swap3A_52 {strides = array<i32>} : memref<1024xf32, #tpu.memory_space<vmem>>, vector<16xf32>,
    %broadcast_in_dim3A_53 = arith.constant 0.000000e+00 : f32
    %broadcast_in_dim3A_54 = vector.broadcast %broadcast_in_dim3A_53 : f32 to vector<16xf32>
    %swap3A_55 = arith.constant 16 : index
    %swap3A_56 = tpu.vector_load %arg8[%swap3A_55] {strides = array<i32>} : memref<1024xf32, #tpu.memory_space<vmem>>, vector<16xf32>,
    %swap3A_57 = vector.shape_cast %swap3A_56 : vector<16xf32> to vector<16xf32>
    %swap3A_58 = vector.shape_cast %broadcast_in_dim3A_54 : vector<16xf32> to vector<16xf32>
    tpu.vector_store %arg8[%swap3A_55], %swap3A_58 {strides = array<i32>} : memref<1024xf32, #tpu.memory_space<vmem>>, vector<16xf32>,
    %broadcast_in_dim3A_59 = arith.constant 0.000000e+00 : f32
    %broadcast_in_dim3A_60 = vector.broadcast %broadcast_in_dim3A_59 : f32 to vector<16xf32>
    %swap3A_61 = arith.constant 32 : index
    %swap3A_62 = tpu.vector_load %arg8[%swap3A_61] {strides = array<i32>} : memref<1024xf32, #tpu.memory_space<vmem>>, vector<16xf32>,
    %swap3A_63 = vector.shape_cast %swap3A_62 : vector<16xf32> to vector<16xf32>
    %swap3A_64 = vector.shape_cast %broadcast_in_dim3A_60 : vector<16xf32> to vector<16xf32>
    tpu.vector_store %arg8[%swap3A_61], %swap3A_64 {strides = array<i32>} : memref<1024xf32, #tpu.memory_space<vmem>>, vector<16xf32>,
    %broadcast_in_dim3A_65 = arith.constant 0.000000e+00 : f32
    %broadcast_in_dim3A_66 = vector.broadcast %broadcast_in_dim3A_65 : f32 to vector<16xf32>
    %swap3A_67 = arith.constant 48 : index
    %swap3A_68 = tpu.vector_load %arg8[%swap3A_67] {strides = array<i32>} : memref<1024xf32, #tpu.memory_space<vmem>>, vector<16xf32>,
    %swap3A_69 = vector.shape_cast %swap3A_68 : vector<16xf32> to vector<16xf32>
    %swap3A_70 = vector.shape_cast %broadcast_in_dim3A_66 : vector<16xf32> to vector<16xf32>
    tpu.vector_store %arg8[%swap3A_67], %swap3A_70 {strides = array<i32>} : memref<1024xf32, #tpu.memory_space<vmem>>, vector<16xf32>,
    %broadcast_in_dim3A_71 = arith.constant 0.000000e+00 : f32
    %broadcast_in_dim3A_72 = vector.broadcast %broadcast_in_dim3A_71 : f32 to vector<16xf32>
    %swap3A_73 = arith.constant 64 : index
    %swap3A_74 = tpu.vector_load %arg8[%swap3A_73] {strides = array<i32>} : memref<1024xf32, #tpu.memory_space<vmem>>, vector<16xf32>,
    %swap3A_75 = vector.shape_cast %swap3A_74 : vector<16xf32> to vector<16xf32>
    %swap3A_76 = vector.shape_cast %broadcast_in_dim3A_72 : vector<16xf32> to vector<16xf32>
    tpu.vector_store %arg8[%swap3A_73], %swap3A_76 {strides = array<i32>} : memref<1024xf32, #tpu.memory_space<vmem>>, vector<16xf32>,
    %broadcast_in_dim3A_77 = arith.constant 0.000000e+00 : f32
    %broadcast_in_dim3A_78 = vector.broadcast %broadcast_in_dim3A_77 : f32 to vector<16xf32>
    %swap3A_79 = arith.constant 80 : index
    %swap3A_80 = tpu.vector_load %arg8[%swap3A_79] {strides = array<i32>} : memref<1024xf32, #tpu.memory_space<vmem>>, vector<16xf32>,
    %swap3A_81 = vector.shape_cast %swap3A_80 : vector<16xf32> to vector<16xf32>
    %swap3A_82 = vector.shape_cast %broadcast_in_dim3A_78 : vector<16xf32> to vector<16xf32>
    tpu.vector_store %arg8[%swap3A_79], %swap3A_82 {strides = array<i32>} : memref<1024xf32, #tpu.memory_space<vmem>>, vector<16xf32>,
    %broadcast_in_dim3A_83 = arith.constant 0.000000e+00 : f32
    %broadcast_in_dim3A_84 = vector.broadcast %broadcast_in_dim3A_83 : f32 to vector<16xf32>
    %swap3A_85 = arith.constant 96 : index
    %swap3A_86 = tpu.vector_load %arg8[%swap3A_85] {strides = array<i32>} : memref<1024xf32, #tpu.memory_space<vmem>>, vector<16xf32>,
    %swap3A_87 = vector.shape_cast %swap3A_86 : vector<16xf32> to vector<16xf32>
    %swap3A_88 = vector.shape_cast %broadcast_in_dim3A_84 : vector<16xf32> to vector<16xf32>
    tpu.vector_store %arg8[%swap3A_85], %swap3A_88 {strides = array<i32>} : memref<1024xf32, #tpu.memory_space<vmem>>, vector<16xf32>,
    %broadcast_in_dim3A_89 = arith.constant 0.000000e+00 : f32
    %broadcast_in_dim3A_90 = vector.broadcast %broadcast_in_dim3A_89 : f32 to vector<16xf32>
    %swap3A_91 = arith.constant 112 : index
    %swap3A_92 = tpu.vector_load %arg8[%swap3A_91] {strides = array<i32>} : memref<1024xf32, #tpu.memory_space<vmem>>, vector<16xf32>,
    %swap3A_93 = vector.shape_cast %swap3A_92 : vector<16xf32> to vector<16xf32>
    %swap3A_94 = vector.shape_cast %broadcast_in_dim3A_90 : vector<16xf32> to vector<16xf32>
    tpu.vector_store %arg8[%swap3A_91], %swap3A_94 {strides = array<i32>} : memref<1024xf32, #tpu.memory_space<vmem>>, vector<16xf32>,
    %broadcast_in_dim3A_95 = arith.constant 0.000000e+00 : f32
    %broadcast_in_dim3A_96 = vector.broadcast %broadcast_in_dim3A_95 : f32 to vector<16xf32>
    %swap3A_97 = arith.constant 128 : index
    %swap3A_98 = tpu.vector_load %arg8[%swap3A_97] {strides = array<i32>} : memref<1024xf32, #tpu.memory_space<vmem>>, vector<16xf32>,
    %swap3A_99 = vector.shape_cast %swap3A_98 : vector<16xf32> to vector<16xf32>
    %swap3A_100 = vector.shape_cast %broadcast_in_dim3A_96 : vector<16xf32> to vector<16xf32>
    tpu.vector_store %arg8[%swap3A_97], %swap3A_100 {strides = array<i32>} : memref<1024xf32, #tpu.memory_space<vmem>>, vector<16xf32>,
    %broadcast_in_dim3A_101 = arith.constant 0.000000e+00 : f32
    %broadcast_in_dim3A_102 = vector.broadcast %broadcast_in_dim3A_101 : f32 to vector<16xf32>
    %swap3A_103 = arith.constant 144 : index
    %swap3A_104 = tpu.vector_load %arg8[%swap3A_103] {strides = array<i32>} : memref<1024xf32, #tpu.memory_space<vmem>>, vector<16xf32>,
    %swap3A_105 = vector.shape_cast %swap3A_104 : vector<16xf32> to vector<16xf32>
    %swap3A_106 = vector.shape_cast %broadcast_in_dim3A_102 : vector<16xf32> to vector<16xf32>
    tpu.vector_store %arg8[%swap3A_103], %swap3A_106 {strides = array<i32>} : memref<1024xf32, #tpu.memory_space<vmem>>, vector<16xf32>,
    %broadcast_in_dim3A_107 = arith.constant 0.000000e+00 : f32
    %broadcast_in_dim3A_108 = vector.broadcast %broadcast_in_dim3A_107 : f32 to vector<16xf32>
    %swap3A_109 = arith.constant 160 : index
    %swap3A_110 = tpu.vector_load %arg8[%swap3A_109] {strides = array<i32>} : memref<1024xf32, #tpu.memory_space<vmem>>, vector<16xf32>,
    %swap3A_111 = vector.shape_cast %swap3A_110 : vector<16xf32> to vector<16xf32>
    %swap3A_112 = vector.shape_cast %broadcast_in_dim3A_108 : vector<16xf32> to vector<16xf32>
    tpu.vector_store %arg8[%swap3A_109], %swap3A_112 {strides = array<i32>} : memref<1024xf32, #tpu.memory_space<vmem>>, vector<16xf32>,
    %broadcast_in_dim3A_113 = arith.constant 0.000000e+00 : f32
    %broadcast_in_dim3A_114 = vector.broadcast %broadcast_in_dim3A_113 : f32 to vector<16xf32>
    %swap3A_115 = arith.constant 176 : index
    %swap3A_116 = tpu.vector_load %arg8[%swap3A_115] {strides = array<i32>} : memref<1024xf32, #tpu.memory_space<vmem>>, vector<16xf32>,
    %swap3A_117 = vector.shape_cast %swap3A_116 : vector<16xf32> to vector<16xf32>
    %swap3A_118 = vector.shape_cast %broadcast_in_dim3A_114 : vector<16xf32> to vector<16xf32>
    tpu.vector_store %arg8[%swap3A_115], %swap3A_118 {strides = array<i32>} : memref<1024xf32, #tpu.memory_space<vmem>>, vector<16xf32>,
    %broadcast_in_dim3A_119 = arith.constant 0.000000e+00 : f32
    %broadcast_in_dim3A_120 = vector.broadcast %broadcast_in_dim3A_119 : f32 to vector<16xf32>
    %swap3A_121 = arith.constant 192 : index
    %swap3A_122 = tpu.vector_load %arg8[%swap3A_121] {strides = array<i32>} : memref<1024xf32, #tpu.memory_space<vmem>>, vector<16xf32>,
    %swap3A_123 = vector.shape_cast %swap3A_122 : vector<16xf32> to vector<16xf32>
    %swap3A_124 = vector.shape_cast %broadcast_in_dim3A_120 : vector<16xf32> to vector<16xf32>
    tpu.vector_store %arg8[%swap3A_121], %swap3A_124 {strides = array<i32>} : memref<1024xf32, #tpu.memory_space<vmem>>, vector<16xf32>,
    %broadcast_in_dim3A_125 = arith.constant 0.000000e+00 : f32
    %broadcast_in_dim3A_126 = vector.broadcast %broadcast_in_dim3A_125 : f32 to vector<16xf32>
    %swap3A_127 = arith.constant 208 : index
    %swap3A_128 = tpu.vector_load %arg8[%swap3A_127] {strides = array<i32>} : memref<1024xf32, #tpu.memory_space<vmem>>, vector<16xf32>,
    %swap3A_129 = vector.shape_cast %swap3A_128 : vector<16xf32> to vector<16xf32>
    %swap3A_130 = vector.shape_cast %broadcast_in_dim3A_126 : vector<16xf32> to vector<16xf32>
    tpu.vector_store %arg8[%swap3A_127], %swap3A_130 {strides = array<i32>} : memref<1024xf32, #tpu.memory_space<vmem>>, vector<16xf32>,
    %broadcast_in_dim3A_131 = arith.constant 0.000000e+00 : f32
    %broadcast_in_dim3A_132 = vector.broadcast %broadcast_in_dim3A_131 : f32 to vector<16xf32>
    %swap3A_133 = arith.constant 224 : index
    %swap3A_134 = tpu.vector_load %arg8[%swap3A_133] {strides = array<i32>} : memref<1024xf32, #tpu.memory_space<vmem>>, vector<16xf32>,
    %swap3A_135 = vector.shape_cast %swap3A_134 : vector<16xf32> to vector<16xf32>
    %swap3A_136 = vector.shape_cast %broadcast_in_dim3A_132 : vector<16xf32> to vector<16xf32>
    tpu.vector_store %arg8[%swap3A_133], %swap3A_136 {strides = array<i32>} : memref<1024xf32, #tpu.memory_space<vmem>>, vector<16xf32>,
    %broadcast_in_dim3A_137 = arith.constant 0.000000e+00 : f32
    %broadcast_in_dim3A_138 = vector.broadcast %broadcast_in_dim3A_137 : f32 to vector<16xf32>
    %swap3A_139 = arith.constant 240 : index
    %swap3A_140 = tpu.vector_load %arg8[%swap3A_139] {strides = array<i32>} : memref<1024xf32, #tpu.memory_space<vmem>>, vector<16xf32>,
    %swap3A_141 = vector.shape_cast %swap3A_140 : vector<16xf32> to vector<16xf32>
    %swap3A_142 = vector.shape_cast %broadcast_in_dim3A_138 : vector<16xf32> to vector<16xf32>
    tpu.vector_store %arg8[%swap3A_139], %swap3A_142 {strides = array<i32>} : memref<1024xf32, #tpu.memory_space<vmem>>, vector<16xf32>,
    %broadcast_in_dim3A_143 = arith.constant 0.000000e+00 : f32
    %broadcast_in_dim3A_144 = vector.broadcast %broadcast_in_dim3A_143 : f32 to vector<16xf32>
    %swap3A_145 = arith.constant 256 : index
    %swap3A_146 = tpu.vector_load %arg8[%swap3A_145] {strides = array<i32>} : memref<1024xf32, #tpu.memory_space<vmem>>, vector<16xf32>,
    %swap3A_147 = vector.shape_cast %swap3A_146 : vector<16xf32> to vector<16xf32>
    %swap3A_148 = vector.shape_cast %broadcast_in_dim3A_144 : vector<16xf32> to vector<16xf32>
    tpu.vector_store %arg8[%swap3A_145], %swap3A_148 {strides = array<i32>} : memref<1024xf32, #tpu.memory_space<vmem>>, vector<16xf32>,
    %broadcast_in_dim3A_149 = arith.constant 0.000000e+00 : f32
    %broadcast_in_dim3A_150 = vector.broadcast %broadcast_in_dim3A_149 : f32 to vector<16xf32>
    %swap3A_151 = arith.constant 272 : index
    %swap3A_152 = tpu.vector_load %arg8[%swap3A_151] {strides = array<i32>} : memref<1024xf32, #tpu.memory_space<vmem>>, vector<16xf32>,
    %swap3A_153 = vector.shape_cast %swap3A_152 : vector<16xf32> to vector<16xf32>
    %swap3A_154 = vector.shape_cast %broadcast_in_dim3A_150 : vector<16xf32> to vector<16xf32>
    tpu.vector_store %arg8[%swap3A_151], %swap3A_154 {strides = array<i32>} : memref<1024xf32, #tpu.memory_space<vmem>>, vector<16xf32>,
    %broadcast_in_dim3A_155 = arith.constant 0.000000e+00 : f32
    %broadcast_in_dim3A_156 = vector.broadcast %broadcast_in_dim3A_155 : f32 to vector<16xf32>
    %swap3A_157 = arith.constant 288 : index
    %swap3A_158 = tpu.vector_load %arg8[%swap3A_157] {strides = array<i32>} : memref<1024xf32, #tpu.memory_space<vmem>>, vector<16xf32>,
    %swap3A_159 = vector.shape_cast %swap3A_158 : vector<16xf32> to vector<16xf32>
    %swap3A_160 = vector.shape_cast %broadcast_in_dim3A_156 : vector<16xf32> to vector<16xf32>
    tpu.vector_store %arg8[%swap3A_157], %swap3A_160 {strides = array<i32>} : memref<1024xf32, #tpu.memory_space<vmem>>, vector<16xf32>,
    %broadcast_in_dim3A_161 = arith.constant 0.000000e+00 : f32
    %broadcast_in_dim3A_162 = vector.broadcast %broadcast_in_dim3A_161 : f32 to vector<16xf32>
    %swap3A_163 = arith.constant 304 : index
    %swap3A_164 = tpu.vector_load %arg8[%swap3A_163] {strides = array<i32>} : memref<1024xf32, #tpu.memory_space<vmem>>, vector<16xf32>,
    %swap3A_165 = vector.shape_cast %swap3A_164 : vector<16xf32> to vector<16xf32>
    %swap3A_166 = vector.shape_cast %broadcast_in_dim3A_162 : vector<16xf32> to vector<16xf32>
    tpu.vector_store %arg8[%swap3A_163], %swap3A_166 {strides = array<i32>} : memref<1024xf32, #tpu.memory_space<vmem>>, vector<16xf32>,
    %broadcast_in_dim3A_167 = arith.constant 0.000000e+00 : f32
    %broadcast_in_dim3A_168 = vector.broadcast %broadcast_in_dim3A_167 : f32 to vector<16xf32>
    %swap3A_169 = arith.constant 320 : index
    %swap3A_170 = tpu.vector_load %arg8[%swap3A_169] {strides = array<i32>} : memref<1024xf32, #tpu.memory_space<vmem>>, vector<16xf32>,
    %swap3A_171 = vector.shape_cast %swap3A_170 : vector<16xf32> to vector<16xf32>
    %swap3A_172 = vector.shape_cast %broadcast_in_dim3A_168 : vector<16xf32> to vector<16xf32>
    tpu.vector_store %arg8[%swap3A_169], %swap3A_172 {strides = array<i32>} : memref<1024xf32, #tpu.memory_space<vmem>>, vector<16xf32>,
    %broadcast_in_dim3A_173 = arith.constant 0.000000e+00 : f32
    %broadcast_in_dim3A_174 = vector.broadcast %broadcast_in_dim3A_173 : f32 to vector<16xf32>
    %swap3A_175 = arith.constant 336 : index
    %swap3A_176 = tpu.vector_load %arg8[%swap3A_175] {strides = array<i32>} : memref<1024xf32, #tpu.memory_space<vmem>>, vector<16xf32>,
    %swap3A_177 = vector.shape_cast %swap3A_176 : vector<16xf32> to vector<16xf32>
    %swap3A_178 = vector.shape_cast %broadcast_in_dim3A_174 : vector<16xf32> to vector<16xf32>
    tpu.vector_store %arg8[%swap3A_175], %swap3A_178 {strides = array<i32>} : memref<1024xf32, #tpu.memory_space<vmem>>, vector<16xf32>,
    %broadcast_in_dim3A_179 = arith.constant 0.000000e+00 : f32
    %broadcast_in_dim3A_180 = vector.broadcast %broadcast_in_dim3A_179 : f32 to vector<16xf32>
    %swap3A_181 = arith.constant 352 : index
    %swap3A_182 = tpu.vector_load %arg8[%swap3A_181] {strides = array<i32>} : memref<1024xf32, #tpu.memory_space<vmem>>, vector<16xf32>,
    %swap3A_183 = vector.shape_cast %swap3A_182 : vector<16xf32> to vector<16xf32>
    %swap3A_184 = vector.shape_cast %broadcast_in_dim3A_180 : vector<16xf32> to vector<16xf32>
    tpu.vector_store %arg8[%swap3A_181], %swap3A_184 {strides = array<i32>} : memref<1024xf32, #tpu.memory_space<vmem>>, vector<16xf32>,
    %broadcast_in_dim3A_185 = arith.constant 0.000000e+00 : f32
    %broadcast_in_dim3A_186 = vector.broadcast %broadcast_in_dim3A_185 : f32 to vector<16xf32>
    %swap3A_187 = arith.constant 368 : index
    %swap3A_188 = tpu.vector_load %arg8[%swap3A_187] {strides = array<i32>} : memref<1024xf32, #tpu.memory_space<vmem>>, vector<16xf32>,
    %swap3A_189 = vector.shape_cast %swap3A_188 : vector<16xf32> to vector<16xf32>
    %swap3A_190 = vector.shape_cast %broadcast_in_dim3A_186 : vector<16xf32> to vector<16xf32>
    tpu.vector_store %arg8[%swap3A_187], %swap3A_190 {strides = array<i32>} : memref<1024xf32, #tpu.memory_space<vmem>>, vector<16xf32>,
    %broadcast_in_dim3A_191 = arith.constant 0.000000e+00 : f32
    %broadcast_in_dim3A_192 = vector.broadcast %broadcast_in_dim3A_191 : f32 to vector<16xf32>
    %swap3A_193 = arith.constant 384 : index
    %swap3A_194 = tpu.vector_load %arg8[%swap3A_193] {strides = array<i32>} : memref<1024xf32, #tpu.memory_space<vmem>>, vector<16xf32>,
    %swap3A_195 = vector.shape_cast %swap3A_194 : vector<16xf32> to vector<16xf32>
    %swap3A_196 = vector.shape_cast %broadcast_in_dim3A_192 : vector<16xf32> to vector<16xf32>
    tpu.vector_store %arg8[%swap3A_193], %swap3A_196 {strides = array<i32>} : memref<1024xf32, #tpu.memory_space<vmem>>, vector<16xf32>,
    %broadcast_in_dim3A_197 = arith.constant 0.000000e+00 : f32
    %broadcast_in_dim3A_198 = vector.broadcast %broadcast_in_dim3A_197 : f32 to vector<16xf32>
    %swap3A_199 = arith.constant 400 : index
    %swap3A_200 = tpu.vector_load %arg8[%swap3A_199] {strides = array<i32>} : memref<1024xf32, #tpu.memory_space<vmem>>, vector<16xf32>,
    %swap3A_201 = vector.shape_cast %swap3A_200 : vector<16xf32> to vector<16xf32>
    %swap3A_202 = vector.shape_cast %broadcast_in_dim3A_198 : vector<16xf32> to vector<16xf32>
    tpu.vector_store %arg8[%swap3A_199], %swap3A_202 {strides = array<i32>} : memref<1024xf32, #tpu.memory_space<vmem>>, vector<16xf32>,
    %broadcast_in_dim3A_203 = arith.constant 0.000000e+00 : f32
    %broadcast_in_dim3A_204 = vector.broadcast %broadcast_in_dim3A_203 : f32 to vector<16xf32>
    %swap3A_205 = arith.constant 416 : index
    %swap3A_206 = tpu.vector_load %arg8[%swap3A_205] {strides = array<i32>} : memref<1024xf32, #tpu.memory_space<vmem>>, vector<16xf32>,
    %swap3A_207 = vector.shape_cast %swap3A_206 : vector<16xf32> to vector<16xf32>
    %swap3A_208 = vector.shape_cast %broadcast_in_dim3A_204 : vector<16xf32> to vector<16xf32>
    tpu.vector_store %arg8[%swap3A_205], %swap3A_208 {strides = array<i32>} : memref<1024xf32, #tpu.memory_space<vmem>>, vector<16xf32>,
    %broadcast_in_dim3A_209 = arith.constant 0.000000e+00 : f32
    %broadcast_in_dim3A_210 = vector.broadcast %broadcast_in_dim3A_209 : f32 to vector<16xf32>
    %swap3A_211 = arith.constant 432 : index
    %swap3A_212 = tpu.vector_load %arg8[%swap3A_211] {strides = array<i32>} : memref<1024xf32, #tpu.memory_space<vmem>>, vector<16xf32>,
    %swap3A_213 = vector.shape_cast %swap3A_212 : vector<16xf32> to vector<16xf32>
    %swap3A_214 = vector.shape_cast %broadcast_in_dim3A_210 : vector<16xf32> to vector<16xf32>
    tpu.vector_store %arg8[%swap3A_211], %swap3A_214 {strides = array<i32>} : memref<1024xf32, #tpu.memory_space<vmem>>, vector<16xf32>,
    %broadcast_in_dim3A_215 = arith.constant 0.000000e+00 : f32
    %broadcast_in_dim3A_216 = vector.broadcast %broadcast_in_dim3A_215 : f32 to vector<16xf32>
    %swap3A_217 = arith.constant 448 : index
    %swap3A_218 = tpu.vector_load %arg8[%swap3A_217] {strides = array<i32>} : memref<1024xf32, #tpu.memory_space<vmem>>, vector<16xf32>,
    %swap3A_219 = vector.shape_cast %swap3A_218 : vector<16xf32> to vector<16xf32>
    %swap3A_220 = vector.shape_cast %broadcast_in_dim3A_216 : vector<16xf32> to vector<16xf32>
    tpu.vector_store %arg8[%swap3A_217], %swap3A_220 {strides = array<i32>} : memref<1024xf32, #tpu.memory_space<vmem>>, vector<16xf32>,
    %broadcast_in_dim3A_221 = arith.constant 0.000000e+00 : f32
    %broadcast_in_dim3A_222 = vector.broadcast %broadcast_in_dim3A_221 : f32 to vector<16xf32>
    %swap3A_223 = arith.constant 464 : index
    %swap3A_224 = tpu.vector_load %arg8[%swap3A_223] {strides = array<i32>} : memref<1024xf32, #tpu.memory_space<vmem>>, vector<16xf32>,
    %swap3A_225 = vector.shape_cast %swap3A_224 : vector<16xf32> to vector<16xf32>
    %swap3A_226 = vector.shape_cast %broadcast_in_dim3A_222 : vector<16xf32> to vector<16xf32>
    tpu.vector_store %arg8[%swap3A_223], %swap3A_226 {strides = array<i32>} : memref<1024xf32, #tpu.memory_space<vmem>>, vector<16xf32>,
    %broadcast_in_dim3A_227 = arith.constant 0.000000e+00 : f32
    %broadcast_in_dim3A_228 = vector.broadcast %broadcast_in_dim3A_227 : f32 to vector<16xf32>
    %swap3A_229 = arith.constant 480 : index
    %swap3A_230 = tpu.vector_load %arg8[%swap3A_229] {strides = array<i32>} : memref<1024xf32, #tpu.memory_space<vmem>>, vector<16xf32>,
    %swap3A_231 = vector.shape_cast %swap3A_230 : vector<16xf32> to vector<16xf32>
    %swap3A_232 = vector.shape_cast %broadcast_in_dim3A_228 : vector<16xf32> to vector<16xf32>
    tpu.vector_store %arg8[%swap3A_229], %swap3A_232 {strides = array<i32>} : memref<1024xf32, #tpu.memory_space<vmem>>, vector<16xf32>,
    %broadcast_in_dim3A_233 = arith.constant 0.000000e+00 : f32
    %broadcast_in_dim3A_234 = vector.broadcast %broadcast_in_dim3A_233 : f32 to vector<16xf32>
    %swap3A_235 = arith.constant 496 : index
    %swap3A_236 = tpu.vector_load %arg8[%swap3A_235] {strides = array<i32>} : memref<1024xf32, #tpu.memory_space<vmem>>, vector<16xf32>,
    %swap3A_237 = vector.shape_cast %swap3A_236 : vector<16xf32> to vector<16xf32>
    %swap3A_238 = vector.shape_cast %broadcast_in_dim3A_234 : vector<16xf32> to vector<16xf32>
    tpu.vector_store %arg8[%swap3A_235], %swap3A_238 {strides = array<i32>} : memref<1024xf32, #tpu.memory_space<vmem>>, vector<16xf32>,
    %broadcast_in_dim3A_239 = arith.constant 0.000000e+00 : f32
    %broadcast_in_dim3A_240 = vector.broadcast %broadcast_in_dim3A_239 : f32 to vector<16xf32>
    %swap3A_241 = arith.constant 512 : index
    %swap3A_242 = tpu.vector_load %arg8[%swap3A_241] {strides = array<i32>} : memref<1024xf32, #tpu.memory_space<vmem>>, vector<16xf32>,
    %swap3A_243 = vector.shape_cast %swap3A_242 : vector<16xf32> to vector<16xf32>
    %swap3A_244 = vector.shape_cast %broadcast_in_dim3A_240 : vector<16xf32> to vector<16xf32>
    tpu.vector_store %arg8[%swap3A_241], %swap3A_244 {strides = array<i32>} : memref<1024xf32, #tpu.memory_space<vmem>>, vector<16xf32>,
    %broadcast_in_dim3A_245 = arith.constant 0.000000e+00 : f32
    %broadcast_in_dim3A_246 = vector.broadcast %broadcast_in_dim3A_245 : f32 to vector<16xf32>
    %swap3A_247 = arith.constant 528 : index
    %swap3A_248 = tpu.vector_load %arg8[%swap3A_247] {strides = array<i32>} : memref<1024xf32, #tpu.memory_space<vmem>>, vector<16xf32>,
    %swap3A_249 = vector.shape_cast %swap3A_248 : vector<16xf32> to vector<16xf32>
    %swap3A_250 = vector.shape_cast %broadcast_in_dim3A_246 : vector<16xf32> to vector<16xf32>
    tpu.vector_store %arg8[%swap3A_247], %swap3A_250 {strides = array<i32>} : memref<1024xf32, #tpu.memory_space<vmem>>, vector<16xf32>,
    %broadcast_in_dim3A_251 = arith.constant 0.000000e+00 : f32
    %broadcast_in_dim3A_252 = vector.broadcast %broadcast_in_dim3A_251 : f32 to vector<16xf32>
    %swap3A_253 = arith.constant 544 : index
    %swap3A_254 = tpu.vector_load %arg8[%swap3A_253] {strides = array<i32>} : memref<1024xf32, #tpu.memory_space<vmem>>, vector<16xf32>,
    %swap3A_255 = vector.shape_cast %swap3A_254 : vector<16xf32> to vector<16xf32>
    %swap3A_256 = vector.shape_cast %broadcast_in_dim3A_252 : vector<16xf32> to vector<16xf32>
    tpu.vector_store %arg8[%swap3A_253], %swap3A_256 {strides = array<i32>} : memref<1024xf32, #tpu.memory_space<vmem>>, vector<16xf32>,
    %broadcast_in_dim3A_257 = arith.constant 0.000000e+00 : f32
    %broadcast_in_dim3A_258 = vector.broadcast %broadcast_in_dim3A_257 : f32 to vector<16xf32>
    %swap3A_259 = arith.constant 560 : index
    %swap3A_260 = tpu.vector_load %arg8[%swap3A_259] {strides = array<i32>} : memref<1024xf32, #tpu.memory_space<vmem>>, vector<16xf32>,
    %swap3A_261 = vector.shape_cast %swap3A_260 : vector<16xf32> to vector<16xf32>
    %swap3A_262 = vector.shape_cast %broadcast_in_dim3A_258 : vector<16xf32> to vector<16xf32>
    tpu.vector_store %arg8[%swap3A_259], %swap3A_262 {strides = array<i32>} : memref<1024xf32, #tpu.memory_space<vmem>>, vector<16xf32>,
    %broadcast_in_dim3A_263 = arith.constant 0.000000e+00 : f32
    %broadcast_in_dim3A_264 = vector.broadcast %broadcast_in_dim3A_263 : f32 to vector<16xf32>
    %swap3A_265 = arith.constant 576 : index
    %swap3A_266 = tpu.vector_load %arg8[%swap3A_265] {strides = array<i32>} : memref<1024xf32, #tpu.memory_space<vmem>>, vector<16xf32>,
    %swap3A_267 = vector.shape_cast %swap3A_266 : vector<16xf32> to vector<16xf32>
    %swap3A_268 = vector.shape_cast %broadcast_in_dim3A_264 : vector<16xf32> to vector<16xf32>
    tpu.vector_store %arg8[%swap3A_265], %swap3A_268 {strides = array<i32>} : memref<1024xf32, #tpu.memory_space<vmem>>, vector<16xf32>,
    %broadcast_in_dim3A_269 = arith.constant 0.000000e+00 : f32
    %broadcast_in_dim3A_270 = vector.broadcast %broadcast_in_dim3A_269 : f32 to vector<16xf32>
    %swap3A_271 = arith.constant 592 : index
    %swap3A_272 = tpu.vector_load %arg8[%swap3A_271] {strides = array<i32>} : memref<1024xf32, #tpu.memory_space<vmem>>, vector<16xf32>,
    %swap3A_273 = vector.shape_cast %swap3A_272 : vector<16xf32> to vector<16xf32>
    %swap3A_274 = vector.shape_cast %broadcast_in_dim3A_270 : vector<16xf32> to vector<16xf32>
    tpu.vector_store %arg8[%swap3A_271], %swap3A_274 {strides = array<i32>} : memref<1024xf32, #tpu.memory_space<vmem>>, vector<16xf32>,
    %broadcast_in_dim3A_275 = arith.constant 0.000000e+00 : f32
    %broadcast_in_dim3A_276 = vector.broadcast %broadcast_in_dim3A_275 : f32 to vector<16xf32>
    %swap3A_277 = arith.constant 608 : index
    %swap3A_278 = tpu.vector_load %arg8[%swap3A_277] {strides = array<i32>} : memref<1024xf32, #tpu.memory_space<vmem>>, vector<16xf32>,
    %swap3A_279 = vector.shape_cast %swap3A_278 : vector<16xf32> to vector<16xf32>
    %swap3A_280 = vector.shape_cast %broadcast_in_dim3A_276 : vector<16xf32> to vector<16xf32>
    tpu.vector_store %arg8[%swap3A_277], %swap3A_280 {strides = array<i32>} : memref<1024xf32, #tpu.memory_space<vmem>>, vector<16xf32>,
    %broadcast_in_dim3A_281 = arith.constant 0.000000e+00 : f32
    %broadcast_in_dim3A_282 = vector.broadcast %broadcast_in_dim3A_281 : f32 to vector<16xf32>
    %swap3A_283 = arith.constant 624 : index
    %swap3A_284 = tpu.vector_load %arg8[%swap3A_283] {strides = array<i32>} : memref<1024xf32, #tpu.memory_space<vmem>>, vector<16xf32>,
    %swap3A_285 = vector.shape_cast %swap3A_284 : vector<16xf32> to vector<16xf32>
    %swap3A_286 = vector.shape_cast %broadcast_in_dim3A_282 : vector<16xf32> to vector<16xf32>
    tpu.vector_store %arg8[%swap3A_283], %swap3A_286 {strides = array<i32>} : memref<1024xf32, #tpu.memory_space<vmem>>, vector<16xf32>,
    %broadcast_in_dim3A_287 = arith.constant 0.000000e+00 : f32
    %broadcast_in_dim3A_288 = vector.broadcast %broadcast_in_dim3A_287 : f32 to vector<16xf32>
    %swap3A_289 = arith.constant 640 : index
    %swap3A_290 = tpu.vector_load %arg8[%swap3A_289] {strides = array<i32>} : memref<1024xf32, #tpu.memory_space<vmem>>, vector<16xf32>,
    %swap3A_291 = vector.shape_cast %swap3A_290 : vector<16xf32> to vector<16xf32>
    %swap3A_292 = vector.shape_cast %broadcast_in_dim3A_288 : vector<16xf32> to vector<16xf32>
    tpu.vector_store %arg8[%swap3A_289], %swap3A_292 {strides = array<i32>} : memref<1024xf32, #tpu.memory_space<vmem>>, vector<16xf32>,
    %broadcast_in_dim3A_293 = arith.constant 0.000000e+00 : f32
    %broadcast_in_dim3A_294 = vector.broadcast %broadcast_in_dim3A_293 : f32 to vector<16xf32>
    %swap3A_295 = arith.constant 656 : index
    %swap3A_296 = tpu.vector_load %arg8[%swap3A_295] {strides = array<i32>} : memref<1024xf32, #tpu.memory_space<vmem>>, vector<16xf32>,
    %swap3A_297 = vector.shape_cast %swap3A_296 : vector<16xf32> to vector<16xf32>
    %swap3A_298 = vector.shape_cast %broadcast_in_dim3A_294 : vector<16xf32> to vector<16xf32>
    tpu.vector_store %arg8[%swap3A_295], %swap3A_298 {strides = array<i32>} : memref<1024xf32, #tpu.memory_space<vmem>>, vector<16xf32>,
    %broadcast_in_dim3A_299 = arith.constant 0.000000e+00 : f32
    %broadcast_in_dim3A_300 = vector.broadcast %broadcast_in_dim3A_299 : f32 to vector<16xf32>
    %swap3A_301 = arith.constant 672 : index
    %swap3A_302 = tpu.vector_load %arg8[%swap3A_301] {strides = array<i32>} : memref<1024xf32, #tpu.memory_space<vmem>>, vector<16xf32>,
    %swap3A_303 = vector.shape_cast %swap3A_302 : vector<16xf32> to vector<16xf32>
    %swap3A_304 = vector.shape_cast %broadcast_in_dim3A_300 : vector<16xf32> to vector<16xf32>
    tpu.vector_store %arg8[%swap3A_301], %swap3A_304 {strides = array<i32>} : memref<1024xf32, #tpu.memory_space<vmem>>, vector<16xf32>,
    %broadcast_in_dim3A_305 = arith.constant 0.000000e+00 : f32
    %broadcast_in_dim3A_306 = vector.broadcast %broadcast_in_dim3A_305 : f32 to vector<16xf32>
    %swap3A_307 = arith.constant 688 : index
    %swap3A_308 = tpu.vector_load %arg8[%swap3A_307] {strides = array<i32>} : memref<1024xf32, #tpu.memory_space<vmem>>, vector<16xf32>,
    %swap3A_309 = vector.shape_cast %swap3A_308 : vector<16xf32> to vector<16xf32>
    %swap3A_310 = vector.shape_cast %broadcast_in_dim3A_306 : vector<16xf32> to vector<16xf32>
    tpu.vector_store %arg8[%swap3A_307], %swap3A_310 {strides = array<i32>} : memref<1024xf32, #tpu.memory_space<vmem>>, vector<16xf32>,
    %broadcast_in_dim3A_311 = arith.constant 0.000000e+00 : f32
    %broadcast_in_dim3A_312 = vector.broadcast %broadcast_in_dim3A_311 : f32 to vector<16xf32>
    %swap3A_313 = arith.constant 704 : index
    %swap3A_314 = tpu.vector_load %arg8[%swap3A_313] {strides = array<i32>} : memref<1024xf32, #tpu.memory_space<vmem>>, vector<16xf32>,
    %swap3A_315 = vector.shape_cast %swap3A_314 : vector<16xf32> to vector<16xf32>
    %swap3A_316 = vector.shape_cast %broadcast_in_dim3A_312 : vector<16xf32> to vector<16xf32>
    tpu.vector_store %arg8[%swap3A_313], %swap3A_316 {strides = array<i32>} : memref<1024xf32, #tpu.memory_space<vmem>>, vector<16xf32>,
    %broadcast_in_dim3A_317 = arith.constant 0.000000e+00 : f32
    %broadcast_in_dim3A_318 = vector.broadcast %broadcast_in_dim3A_317 : f32 to vector<16xf32>
    %swap3A_319 = arith.constant 720 : index
    %swap3A_320 = tpu.vector_load %arg8[%swap3A_319] {strides = array<i32>} : memref<1024xf32, #tpu.memory_space<vmem>>, vector<16xf32>,
    %swap3A_321 = vector.shape_cast %swap3A_320 : vector<16xf32> to vector<16xf32>
    %swap3A_322 = vector.shape_cast %broadcast_in_dim3A_318 : vector<16xf32> to vector<16xf32>
    tpu.vector_store %arg8[%swap3A_319], %swap3A_322 {strides = array<i32>} : memref<1024xf32, #tpu.memory_space<vmem>>, vector<16xf32>,
    %broadcast_in_dim3A_323 = arith.constant 0.000000e+00 : f32
    %broadcast_in_dim3A_324 = vector.broadcast %broadcast_in_dim3A_323 : f32 to vector<16xf32>
    %swap3A_325 = arith.constant 736 : index
    %swap3A_326 = tpu.vector_load %arg8[%swap3A_325] {strides = array<i32>} : memref<1024xf32, #tpu.memory_space<vmem>>, vector<16xf32>,
    %swap3A_327 = vector.shape_cast %swap3A_326 : vector<16xf32> to vector<16xf32>
    %swap3A_328 = vector.shape_cast %broadcast_in_dim3A_324 : vector<16xf32> to vector<16xf32>
    tpu.vector_store %arg8[%swap3A_325], %swap3A_328 {strides = array<i32>} : memref<1024xf32, #tpu.memory_space<vmem>>, vector<16xf32>,
    %broadcast_in_dim3A_329 = arith.constant 0.000000e+00 : f32
    %broadcast_in_dim3A_330 = vector.broadcast %broadcast_in_dim3A_329 : f32 to vector<16xf32>
    %swap3A_331 = arith.constant 752 : index
    %swap3A_332 = tpu.vector_load %arg8[%swap3A_331] {strides = array<i32>} : memref<1024xf32, #tpu.memory_space<vmem>>, vector<16xf32>,
    %swap3A_333 = vector.shape_cast %swap3A_332 : vector<16xf32> to vector<16xf32>
    %swap3A_334 = vector.shape_cast %broadcast_in_dim3A_330 : vector<16xf32> to vector<16xf32>
    tpu.vector_store %arg8[%swap3A_331], %swap3A_334 {strides = array<i32>} : memref<1024xf32, #tpu.memory_space<vmem>>, vector<16xf32>,
    %broadcast_in_dim3A_335 = arith.constant 0.000000e+00 : f32
    %broadcast_in_dim3A_336 = vector.broadcast %broadcast_in_dim3A_335 : f32 to vector<16xf32>
    %swap3A_337 = arith.constant 768 : index
    %swap3A_338 = tpu.vector_load %arg8[%swap3A_337] {strides = array<i32>} : memref<1024xf32, #tpu.memory_space<vmem>>, vector<16xf32>,
    %swap3A_339 = vector.shape_cast %swap3A_338 : vector<16xf32> to vector<16xf32>
    %swap3A_340 = vector.shape_cast %broadcast_in_dim3A_336 : vector<16xf32> to vector<16xf32>
    tpu.vector_store %arg8[%swap3A_337], %swap3A_340 {strides = array<i32>} : memref<1024xf32, #tpu.memory_space<vmem>>, vector<16xf32>,
    %broadcast_in_dim3A_341 = arith.constant 0.000000e+00 : f32
    %broadcast_in_dim3A_342 = vector.broadcast %broadcast_in_dim3A_341 : f32 to vector<16xf32>
    %swap3A_343 = arith.constant 784 : index
    %swap3A_344 = tpu.vector_load %arg8[%swap3A_343] {strides = array<i32>} : memref<1024xf32, #tpu.memory_space<vmem>>, vector<16xf32>,
    %swap3A_345 = vector.shape_cast %swap3A_344 : vector<16xf32> to vector<16xf32>
    %swap3A_346 = vector.shape_cast %broadcast_in_dim3A_342 : vector<16xf32> to vector<16xf32>
    tpu.vector_store %arg8[%swap3A_343], %swap3A_346 {strides = array<i32>} : memref<1024xf32, #tpu.memory_space<vmem>>, vector<16xf32>,
    %broadcast_in_dim3A_347 = arith.constant 0.000000e+00 : f32
    %broadcast_in_dim3A_348 = vector.broadcast %broadcast_in_dim3A_347 : f32 to vector<16xf32>
    %swap3A_349 = arith.constant 800 : index
    %swap3A_350 = tpu.vector_load %arg8[%swap3A_349] {strides = array<i32>} : memref<1024xf32, #tpu.memory_space<vmem>>, vector<16xf32>,
    %swap3A_351 = vector.shape_cast %swap3A_350 : vector<16xf32> to vector<16xf32>
    %swap3A_352 = vector.shape_cast %broadcast_in_dim3A_348 : vector<16xf32> to vector<16xf32>
    tpu.vector_store %arg8[%swap3A_349], %swap3A_352 {strides = array<i32>} : memref<1024xf32, #tpu.memory_space<vmem>>, vector<16xf32>,
    %broadcast_in_dim3A_353 = arith.constant 0.000000e+00 : f32
    %broadcast_in_dim3A_354 = vector.broadcast %broadcast_in_dim3A_353 : f32 to vector<16xf32>
    %swap3A_355 = arith.constant 816 : index
    %swap3A_356 = tpu.vector_load %arg8[%swap3A_355] {strides = array<i32>} : memref<1024xf32, #tpu.memory_space<vmem>>, vector<16xf32>,
    %swap3A_357 = vector.shape_cast %swap3A_356 : vector<16xf32> to vector<16xf32>
    %swap3A_358 = vector.shape_cast %broadcast_in_dim3A_354 : vector<16xf32> to vector<16xf32>
    tpu.vector_store %arg8[%swap3A_355], %swap3A_358 {strides = array<i32>} : memref<1024xf32, #tpu.memory_space<vmem>>, vector<16xf32>,
    %broadcast_in_dim3A_359 = arith.constant 0.000000e+00 : f32
    %broadcast_in_dim3A_360 = vector.broadcast %broadcast_in_dim3A_359 : f32 to vector<16xf32>
    %swap3A_361 = arith.constant 832 : index
    %swap3A_362 = tpu.vector_load %arg8[%swap3A_361] {strides = array<i32>} : memref<1024xf32, #tpu.memory_space<vmem>>, vector<16xf32>,
    %swap3A_363 = vector.shape_cast %swap3A_362 : vector<16xf32> to vector<16xf32>
    %swap3A_364 = vector.shape_cast %broadcast_in_dim3A_360 : vector<16xf32> to vector<16xf32>
    tpu.vector_store %arg8[%swap3A_361], %swap3A_364 {strides = array<i32>} : memref<1024xf32, #tpu.memory_space<vmem>>, vector<16xf32>,
    %broadcast_in_dim3A_365 = arith.constant 0.000000e+00 : f32
    %broadcast_in_dim3A_366 = vector.broadcast %broadcast_in_dim3A_365 : f32 to vector<16xf32>
    %swap3A_367 = arith.constant 848 : index
    %swap3A_368 = tpu.vector_load %arg8[%swap3A_367] {strides = array<i32>} : memref<1024xf32, #tpu.memory_space<vmem>>, vector<16xf32>,
    %swap3A_369 = vector.shape_cast %swap3A_368 : vector<16xf32> to vector<16xf32>
    %swap3A_370 = vector.shape_cast %broadcast_in_dim3A_366 : vector<16xf32> to vector<16xf32>
    tpu.vector_store %arg8[%swap3A_367], %swap3A_370 {strides = array<i32>} : memref<1024xf32, #tpu.memory_space<vmem>>, vector<16xf32>,
    %broadcast_in_dim3A_371 = arith.constant 0.000000e+00 : f32
    %broadcast_in_dim3A_372 = vector.broadcast %broadcast_in_dim3A_371 : f32 to vector<16xf32>
    %swap3A_373 = arith.constant 864 : index
    %swap3A_374 = tpu.vector_load %arg8[%swap3A_373] {strides = array<i32>} : memref<1024xf32, #tpu.memory_space<vmem>>, vector<16xf32>,
    %swap3A_375 = vector.shape_cast %swap3A_374 : vector<16xf32> to vector<16xf32>
    %swap3A_376 = vector.shape_cast %broadcast_in_dim3A_372 : vector<16xf32> to vector<16xf32>
    tpu.vector_store %arg8[%swap3A_373], %swap3A_376 {strides = array<i32>} : memref<1024xf32, #tpu.memory_space<vmem>>, vector<16xf32>,
    %broadcast_in_dim3A_377 = arith.constant 0.000000e+00 : f32
    %broadcast_in_dim3A_378 = vector.broadcast %broadcast_in_dim3A_377 : f32 to vector<16xf32>
    %swap3A_379 = arith.constant 880 : index
    %swap3A_380 = tpu.vector_load %arg8[%swap3A_379] {strides = array<i32>} : memref<1024xf32, #tpu.memory_space<vmem>>, vector<16xf32>,
    %swap3A_381 = vector.shape_cast %swap3A_380 : vector<16xf32> to vector<16xf32>
    %swap3A_382 = vector.shape_cast %broadcast_in_dim3A_378 : vector<16xf32> to vector<16xf32>
    tpu.vector_store %arg8[%swap3A_379], %swap3A_382 {strides = array<i32>} : memref<1024xf32, #tpu.memory_space<vmem>>, vector<16xf32>,
    %broadcast_in_dim3A_383 = arith.constant 0.000000e+00 : f32
    %broadcast_in_dim3A_384 = vector.broadcast %broadcast_in_dim3A_383 : f32 to vector<16xf32>
    %swap3A_385 = arith.constant 896 : index
    %swap3A_386 = tpu.vector_load %arg8[%swap3A_385] {strides = array<i32>} : memref<1024xf32, #tpu.memory_space<vmem>>, vector<16xf32>,
    %swap3A_387 = vector.shape_cast %swap3A_386 : vector<16xf32> to vector<16xf32>
    %swap3A_388 = vector.shape_cast %broadcast_in_dim3A_384 : vector<16xf32> to vector<16xf32>
    tpu.vector_store %arg8[%swap3A_385], %swap3A_388 {strides = array<i32>} : memref<1024xf32, #tpu.memory_space<vmem>>, vector<16xf32>,
    %broadcast_in_dim3A_389 = arith.constant 0.000000e+00 : f32
    %broadcast_in_dim3A_390 = vector.broadcast %broadcast_in_dim3A_389 : f32 to vector<16xf32>
    %swap3A_391 = arith.constant 912 : index
    %swap3A_392 = tpu.vector_load %arg8[%swap3A_391] {strides = array<i32>} : memref<1024xf32, #tpu.memory_space<vmem>>, vector<16xf32>,
    %swap3A_393 = vector.shape_cast %swap3A_392 : vector<16xf32> to vector<16xf32>
    %swap3A_394 = vector.shape_cast %broadcast_in_dim3A_390 : vector<16xf32> to vector<16xf32>
    tpu.vector_store %arg8[%swap3A_391], %swap3A_394 {strides = array<i32>} : memref<1024xf32, #tpu.memory_space<vmem>>, vector<16xf32>,
    %broadcast_in_dim3A_395 = arith.constant 0.000000e+00 : f32
    %broadcast_in_dim3A_396 = vector.broadcast %broadcast_in_dim3A_395 : f32 to vector<16xf32>
    %swap3A_397 = arith.constant 928 : index
    %swap3A_398 = tpu.vector_load %arg8[%swap3A_397] {strides = array<i32>} : memref<1024xf32, #tpu.memory_space<vmem>>, vector<16xf32>,
    %swap3A_399 = vector.shape_cast %swap3A_398 : vector<16xf32> to vector<16xf32>
    %swap3A_400 = vector.shape_cast %broadcast_in_dim3A_396 : vector<16xf32> to vector<16xf32>
    tpu.vector_store %arg8[%swap3A_397], %swap3A_400 {strides = array<i32>} : memref<1024xf32, #tpu.memory_space<vmem>>, vector<16xf32>,
    %broadcast_in_dim3A_401 = arith.constant 0.000000e+00 : f32
    %broadcast_in_dim3A_402 = vector.broadcast %broadcast_in_dim3A_401 : f32 to vector<16xf32>
    %swap3A_403 = arith.constant 944 : index
    %swap3A_404 = tpu.vector_load %arg8[%swap3A_403] {strides = array<i32>} : memref<1024xf32, #tpu.memory_space<vmem>>, vector<16xf32>,
    %swap3A_405 = vector.shape_cast %swap3A_404 : vector<16xf32> to vector<16xf32>
    %swap3A_406 = vector.shape_cast %broadcast_in_dim3A_402 : vector<16xf32> to vector<16xf32>
    tpu.vector_store %arg8[%swap3A_403], %swap3A_406 {strides = array<i32>} : memref<1024xf32, #tpu.memory_space<vmem>>, vector<16xf32>,
    %broadcast_in_dim3A_407 = arith.constant 0.000000e+00 : f32
    %broadcast_in_dim3A_408 = vector.broadcast %broadcast_in_dim3A_407 : f32 to vector<16xf32>
    %swap3A_409 = arith.constant 960 : index
    %swap3A_410 = tpu.vector_load %arg8[%swap3A_409] {strides = array<i32>} : memref<1024xf32, #tpu.memory_space<vmem>>, vector<16xf32>,
    %swap3A_411 = vector.shape_cast %swap3A_410 : vector<16xf32> to vector<16xf32>
    %swap3A_412 = vector.shape_cast %broadcast_in_dim3A_408 : vector<16xf32> to vector<16xf32>
    tpu.vector_store %arg8[%swap3A_409], %swap3A_412 {strides = array<i32>} : memref<1024xf32, #tpu.memory_space<vmem>>, vector<16xf32>,
    %broadcast_in_dim3A_413 = arith.constant 0.000000e+00 : f32
    %broadcast_in_dim3A_414 = vector.broadcast %broadcast_in_dim3A_413 : f32 to vector<16xf32>
    %swap3A_415 = arith.constant 976 : index
    %swap3A_416 = tpu.vector_load %arg8[%swap3A_415] {strides = array<i32>} : memref<1024xf32, #tpu.memory_space<vmem>>, vector<16xf32>,
    %swap3A_417 = vector.shape_cast %swap3A_416 : vector<16xf32> to vector<16xf32>
    %swap3A_418 = vector.shape_cast %broadcast_in_dim3A_414 : vector<16xf32> to vector<16xf32>
    tpu.vector_store %arg8[%swap3A_415], %swap3A_418 {strides = array<i32>} : memref<1024xf32, #tpu.memory_space<vmem>>, vector<16xf32>,
    %broadcast_in_dim3A_419 = arith.constant 0.000000e+00 : f32
    %broadcast_in_dim3A_420 = vector.broadcast %broadcast_in_dim3A_419 : f32 to vector<16xf32>
    %swap3A_421 = arith.constant 992 : index
    %swap3A_422 = tpu.vector_load %arg8[%swap3A_421] {strides = array<i32>} : memref<1024xf32, #tpu.memory_space<vmem>>, vector<16xf32>,
    %swap3A_423 = vector.shape_cast %swap3A_422 : vector<16xf32> to vector<16xf32>
    %swap3A_424 = vector.shape_cast %broadcast_in_dim3A_420 : vector<16xf32> to vector<16xf32>
    tpu.vector_store %arg8[%swap3A_421], %swap3A_424 {strides = array<i32>} : memref<1024xf32, #tpu.memory_space<vmem>>, vector<16xf32>,
    %broadcast_in_dim3A_425 = arith.constant 0.000000e+00 : f32
    %broadcast_in_dim3A_426 = vector.broadcast %broadcast_in_dim3A_425 : f32 to vector<16xf32>
    %swap3A_427 = arith.constant 1008 : index
    %swap3A_428 = tpu.vector_load %arg8[%swap3A_427] {strides = array<i32>} : memref<1024xf32, #tpu.memory_space<vmem>>, vector<16xf32>,
    %swap3A_429 = vector.shape_cast %swap3A_428 : vector<16xf32> to vector<16xf32>
    %swap3A_430 = vector.shape_cast %broadcast_in_dim3A_426 : vector<16xf32> to vector<16xf32>
    tpu.vector_store %arg8[%swap3A_427], %swap3A_430 {strides = array<i32>} : memref<1024xf32, #tpu.memory_space<vmem>>, vector<16xf32>,
    %lt3A = arith.constant 10 : i32
    %lt3A_431 = arith.cmpi slt, %arg1, %lt3A : i32
    %convert_element_type3A = arith.extui %lt3A_431 : i1 to i32
    %cond3A = arith.constant 0 : i32
    %cond3A_432 = arith.cmpi ne, %convert_element_type3A, %cond3A : i32
    scf.if %cond3A_432 {
      %mul3A_457 = arith.constant 1000 : i32
      %mul3A_458 = arith.muli %arg1, %mul3A_457 : i32
      "tpu.region"() ({
        %run_scoped3A = tpu.sem_alloc : memref<!tpu.dma_semaphore, #tpu.memory_space<semaphore_mem>>
        %dma_start3A = arith.constant 0 : i32
        %dma_start3A_461 = tpu.memref_slice %arg8[%dma_start3A] : memref<1024xf32, #tpu.memory_space<vmem>> -> memref<1000xf32, #tpu.memory_space<vmem>>
        %dma_start3A_462 = tpu.memref_slice %arg9[%mul3A_458] : memref<10000xf32, #tpu.memory_space<vmem_shared>> -> memref<1000xf32, #tpu.memory_space<vmem_shared>>
        %dma_start3A_463 = tpu.memref_slice %arg9[%mul3A_458] : memref<10000xf32, #tpu.memory_space<vmem_shared>> -> memref<1000xf32, #tpu.memory_space<vmem_shared>>
        %dma_start3A_464 = arith.constant 0 : i32
        %dma_start3A_465 = tpu.memref_slice %arg8[%dma_start3A_464] : memref<1024xf32, #tpu.memory_space<vmem>> -> memref<1000xf32, #tpu.memory_space<vmem>>
        tpu.enqueue_dma source(%dma_start3A_465 : memref<1000xf32, #tpu.memory_space<vmem>>) target(%dma_start3A_463 : memref<1000xf32, #tpu.memory_space<vmem_shared>>) target_semaphore(%run_scoped3A : memref<!tpu.dma_semaphore, #tpu.memory_space<semaphore_mem>>)
        %dma_wait3A = arith.constant 0 : i32
        %dma_wait3A_466 = tpu.memref_slice %arg8[%dma_wait3A] : memref<1024xf32, #tpu.memory_space<vmem>> -> memref<1000xf32, #tpu.memory_space<vmem>>
        %dma_wait3A_467 = tpu.memref_slice %arg9[%mul3A_458] : memref<10000xf32, #tpu.memory_space<vmem_shared>> -> memref<1000xf32, #tpu.memory_space<vmem_shared>>
        %dma_wait3A_468 = tpu.memref_slice %arg9[%mul3A_458] : memref<10000xf32, #tpu.memory_space<vmem_shared>> -> memref<1000xf32, #tpu.memory_space<vmem_shared>>
        %dma_wait3A_469 = arith.constant 0 : i32
        %dma_wait3A_470 = tpu.memref_slice %arg8[%dma_wait3A_469] : memref<1024xf32, #tpu.memory_space<vmem>> -> memref<1000xf32, #tpu.memory_space<vmem>>
        tpu.wait_dma2 semaphore(%run_scoped3A : memref<!tpu.dma_semaphore, #tpu.memory_space<semaphore_mem>>) src(%dma_wait3A_470 : memref<1000xf32, #tpu.memory_space<vmem>>) dst(%dma_wait3A_468 : memref<1000xf32, #tpu.memory_space<vmem_shared>>)
        tpu.yield
      }) : () -> ()
      %mul3A_459 = arith.constant 1000 : i32
      %mul3A_460 = arith.muli %arg1, %mul3A_459 : i32
      "tpu.region"() ({
        %run_scoped3A = tpu.sem_alloc : memref<!tpu.dma_semaphore, #tpu.memory_space<semaphore_mem>>
        %dma_start3A = arith.constant 0 : i32
        %dma_start3A_461 = tpu.memref_slice %arg8[%dma_start3A] : memref<1024xf32, #tpu.memory_space<vmem>> -> memref<1000xf32, #tpu.memory_space<vmem>>
        %dma_start3A_462 = tpu.memref_slice %arg10[%mul3A_460] : memref<10000xf32, #tpu.memory_space<vmem_shared>> -> memref<1000xf32, #tpu.memory_space<vmem_shared>>
        %dma_start3A_463 = tpu.memref_slice %arg10[%mul3A_460] : memref<10000xf32, #tpu.memory_space<vmem_shared>> -> memref<1000xf32, #tpu.memory_space<vmem_shared>>
        %dma_start3A_464 = arith.constant 0 : i32
        %dma_start3A_465 = tpu.memref_slice %arg8[%dma_start3A_464] : memref<1024xf32, #tpu.memory_space<vmem>> -> memref<1000xf32, #tpu.memory_space<vmem>>
        tpu.enqueue_dma source(%dma_start3A_465 : memref<1000xf32, #tpu.memory_space<vmem>>) target(%dma_start3A_463 : memref<1000xf32, #tpu.memory_space<vmem_shared>>) target_semaphore(%run_scoped3A : memref<!tpu.dma_semaphore, #tpu.memory_space<semaphore_mem>>)
        %dma_wait3A = arith.constant 0 : i32
        %dma_wait3A_466 = tpu.memref_slice %arg8[%dma_wait3A] : memref<1024xf32, #tpu.memory_space<vmem>> -> memref<1000xf32, #tpu.memory_space<vmem>>
        %dma_wait3A_467 = tpu.memref_slice %arg10[%mul3A_460] : memref<10000xf32, #tpu.memory_space<vmem_shared>> -> memref<1000xf32, #tpu.memory_space<vmem_shared>>
        %dma_wait3A_468 = tpu.memref_slice %arg10[%mul3A_460] : memref<10000xf32, #tpu.memory_space<vmem_shared>> -> memref<1000xf32, #tpu.memory_space<vmem_shared>>
        %dma_wait3A_469 = arith.constant 0 : i32
        %dma_wait3A_470 = tpu.memref_slice %arg8[%dma_wait3A_469] : memref<1024xf32, #tpu.memory_space<vmem>> -> memref<1000xf32, #tpu.memory_space<vmem>>
        tpu.wait_dma2 semaphore(%run_scoped3A : memref<!tpu.dma_semaphore, #tpu.memory_space<semaphore_mem>>) src(%dma_wait3A_470 : memref<1000xf32, #tpu.memory_space<vmem>>) dst(%dma_wait3A_468 : memref<1000xf32, #tpu.memory_space<vmem_shared>>)
        tpu.yield
      }) : () -> ()
    } else {
    }
    %mul3A_433 = arith.constant 78 : i32
    %mul3A_434 = arith.muli %add3A, %mul3A_433 : i32
    "tpu.region"() ({
      %run_scoped3A = tpu.sem_alloc : memref<!tpu.dma_semaphore, #tpu.memory_space<semaphore_mem>>
      %dma_start3A = arith.constant 0 : i32
      %dma_start3A_457 = arith.constant 0 : i32
      %dma_start3A_458 = arith.constant 0 : i32
      %dma_start3A_459 = tpu.memref_slice %arg5[%dma_start3A, %dma_start3A_457, %dma_start3A_458] : memref<79x1x128xi32, #tpu.memory_space<vmem>> -> memref<78x1x128xi32, #tpu.memory_space<vmem>>
      %dma_start3A_460 = arith.constant 0 : i32
      %dma_start3A_461 = arith.constant 0 : i32
      %dma_start3A_462 = tpu.memref_slice %arg2[%mul3A_434, %dma_start3A_460, %dma_start3A_461] : memref<2500x1x128xi32, #tpu.memory_space<hbm>> -> memref<78x1x128xi32, #tpu.memory_space<hbm>>
      %dma_start3A_463 = arith.constant 0 : i32
      %dma_start3A_464 = arith.constant 0 : i32
      %dma_start3A_465 = arith.constant 0 : i32
      %dma_start3A_466 = tpu.memref_slice %arg5[%dma_start3A_463, %dma_start3A_464, %dma_start3A_465] : memref<79x1x128xi32, #tpu.memory_space<vmem>> -> memref<78x1x128xi32, #tpu.memory_space<vmem>>
      %dma_start3A_467 = arith.constant 0 : i32
      %dma_start3A_468 = arith.constant 0 : i32
      %dma_start3A_469 = tpu.memref_slice %arg2[%mul3A_434, %dma_start3A_467, %dma_start3A_468] : memref<2500x1x128xi32, #tpu.memory_space<hbm>> -> memref<78x1x128xi32, #tpu.memory_space<hbm>>
      tpu.enqueue_dma source(%dma_start3A_469 : memref<78x1x128xi32, #tpu.memory_space<hbm>>) target(%dma_start3A_466 : memref<78x1x128xi32, #tpu.memory_space<vmem>>) target_semaphore(%run_scoped3A : memref<!tpu.dma_semaphore, #tpu.memory_space<semaphore_mem>>)
      %dma_wait3A = arith.constant 0 : i32
      %dma_wait3A_470 = arith.constant 0 : i32
      %dma_wait3A_471 = arith.constant 0 : i32
      %dma_wait3A_472 = tpu.memref_slice %arg5[%dma_wait3A, %dma_wait3A_470, %dma_wait3A_471] : memref<79x1x128xi32, #tpu.memory_space<vmem>> -> memref<78x1x128xi32, #tpu.memory_space<vmem>>
      %dma_wait3A_473 = arith.constant 0 : i32
      %dma_wait3A_474 = arith.constant 0 : i32
      %dma_wait3A_475 = tpu.memref_slice %arg2[%mul3A_434, %dma_wait3A_473, %dma_wait3A_474] : memref<2500x1x128xi32, #tpu.memory_space<hbm>> -> memref<78x1x128xi32, #tpu.memory_space<hbm>>
      %dma_wait3A_476 = arith.constant 0 : i32
      %dma_wait3A_477 = arith.constant 0 : i32
      %dma_wait3A_478 = arith.constant 0 : i32
      %dma_wait3A_479 = tpu.memref_slice %arg5[%dma_wait3A_476, %dma_wait3A_477, %dma_wait3A_478] : memref<79x1x128xi32, #tpu.memory_space<vmem>> -> memref<78x1x128xi32, #tpu.memory_space<vmem>>
      %dma_wait3A_480 = arith.constant 0 : i32
      %dma_wait3A_481 = arith.constant 0 : i32
      %dma_wait3A_482 = tpu.memref_slice %arg2[%mul3A_434, %dma_wait3A_480, %dma_wait3A_481] : memref<2500x1x128xi32, #tpu.memory_space<hbm>> -> memref<78x1x128xi32, #tpu.memory_space<hbm>>
      tpu.wait_dma2 semaphore(%run_scoped3A : memref<!tpu.dma_semaphore, #tpu.memory_space<semaphore_mem>>) src(%dma_wait3A_482 : memref<78x1x128xi32, #tpu.memory_space<hbm>>) dst(%dma_wait3A_479 : memref<78x1x128xi32, #tpu.memory_space<vmem>>)
      tpu.yield
    }) : () -> ()
    %mul3A_435 = arith.constant 78 : i32
    %mul3A_436 = arith.muli %add3A, %mul3A_435 : i32
    "tpu.region"() ({
      %run_scoped3A = tpu.sem_alloc : memref<!tpu.dma_semaphore, #tpu.memory_space<semaphore_mem>>
      %dma_start3A = arith.constant 0 : i32
      %dma_start3A_457 = arith.constant 0 : i32
      %dma_start3A_458 = arith.constant 0 : i32
      %dma_start3A_459 = tpu.memref_slice %arg6[%dma_start3A, %dma_start3A_457, %dma_start3A_458] : memref<79x1x128xi32, #tpu.memory_space<vmem>> -> memref<78x1x128xi32, #tpu.memory_space<vmem>>
      %dma_start3A_460 = arith.constant 0 : i32
      %dma_start3A_461 = arith.constant 0 : i32
      %dma_start3A_462 = tpu.memref_slice %arg3[%mul3A_436, %dma_start3A_460, %dma_start3A_461] : memref<2500x1x128xi32, #tpu.memory_space<hbm>> -> memref<78x1x128xi32, #tpu.memory_space<hbm>>
      %dma_start3A_463 = arith.constant 0 : i32
      %dma_start3A_464 = arith.constant 0 : i32
      %dma_start3A_465 = arith.constant 0 : i32
      %dma_start3A_466 = tpu.memref_slice %arg6[%dma_start3A_463, %dma_start3A_464, %dma_start3A_465] : memref<79x1x128xi32, #tpu.memory_space<vmem>> -> memref<78x1x128xi32, #tpu.memory_space<vmem>>
      %dma_start3A_467 = arith.constant 0 : i32
      %dma_start3A_468 = arith.constant 0 : i32
      %dma_start3A_469 = tpu.memref_slice %arg3[%mul3A_436, %dma_start3A_467, %dma_start3A_468] : memref<2500x1x128xi32, #tpu.memory_space<hbm>> -> memref<78x1x128xi32, #tpu.memory_space<hbm>>
      tpu.enqueue_dma source(%dma_start3A_469 : memref<78x1x128xi32, #tpu.memory_space<hbm>>) target(%dma_start3A_466 : memref<78x1x128xi32, #tpu.memory_space<vmem>>) target_semaphore(%run_scoped3A : memref<!tpu.dma_semaphore, #tpu.memory_space<semaphore_mem>>)
      %dma_wait3A = arith.constant 0 : i32
      %dma_wait3A_470 = arith.constant 0 : i32
      %dma_wait3A_471 = arith.constant 0 : i32
      %dma_wait3A_472 = tpu.memref_slice %arg6[%dma_wait3A, %dma_wait3A_470, %dma_wait3A_471] : memref<79x1x128xi32, #tpu.memory_space<vmem>> -> memref<78x1x128xi32, #tpu.memory_space<vmem>>
      %dma_wait3A_473 = arith.constant 0 : i32
      %dma_wait3A_474 = arith.constant 0 : i32
      %dma_wait3A_475 = tpu.memref_slice %arg3[%mul3A_436, %dma_wait3A_473, %dma_wait3A_474] : memref<2500x1x128xi32, #tpu.memory_space<hbm>> -> memref<78x1x128xi32, #tpu.memory_space<hbm>>
      %dma_wait3A_476 = arith.constant 0 : i32
      %dma_wait3A_477 = arith.constant 0 : i32
      %dma_wait3A_478 = arith.constant 0 : i32
      %dma_wait3A_479 = tpu.memref_slice %arg6[%dma_wait3A_476, %dma_wait3A_477, %dma_wait3A_478] : memref<79x1x128xi32, #tpu.memory_space<vmem>> -> memref<78x1x128xi32, #tpu.memory_space<vmem>>
      %dma_wait3A_480 = arith.constant 0 : i32
      %dma_wait3A_481 = arith.constant 0 : i32
      %dma_wait3A_482 = tpu.memref_slice %arg3[%mul3A_436, %dma_wait3A_480, %dma_wait3A_481] : memref<2500x1x128xi32, #tpu.memory_space<hbm>> -> memref<78x1x128xi32, #tpu.memory_space<hbm>>
      tpu.wait_dma2 semaphore(%run_scoped3A : memref<!tpu.dma_semaphore, #tpu.memory_space<semaphore_mem>>) src(%dma_wait3A_482 : memref<78x1x128xi32, #tpu.memory_space<hbm>>) dst(%dma_wait3A_479 : memref<78x1x128xi32, #tpu.memory_space<vmem>>)
      tpu.yield
    }) : () -> ()
    %lt3A_437 = arith.constant 4 : i32
    %lt3A_438 = arith.cmpi slt, %add3A, %lt3A_437 : i32
    %convert_element_type3A_439 = arith.extui %lt3A_438 : i1 to i32
    %cond3A_440 = arith.constant 0 : i32
    %cond3A_441 = arith.cmpi ne, %convert_element_type3A_439, %cond3A_440 : i32
    scf.if %cond3A_441 {
      %add3A_457 = arith.constant 2496 : i32
      %add3A_458 = arith.addi %add3A_457, %add3A : i32
      "tpu.region"() ({
        %run_scoped3A = tpu.sem_alloc : memref<!tpu.dma_semaphore, #tpu.memory_space<semaphore_mem>>
        %dma_start3A = arith.constant 78 : i32
        %dma_start3A_461 = arith.constant 0 : i32
        %dma_start3A_462 = arith.constant 0 : i32
        %dma_start3A_463 = tpu.memref_slice %arg5[%dma_start3A, %dma_start3A_461, %dma_start3A_462] : memref<79x1x128xi32, #tpu.memory_space<vmem>> -> memref<1x1x128xi32, #tpu.memory_space<vmem>>
        %dma_start3A_464 = arith.constant 0 : i32
        %dma_start3A_465 = arith.constant 0 : i32
        %dma_start3A_466 = tpu.memref_slice %arg2[%add3A_458, %dma_start3A_464, %dma_start3A_465] : memref<2500x1x128xi32, #tpu.memory_space<hbm>> -> memref<1x1x128xi32, #tpu.memory_space<hbm>>
        %dma_start3A_467 = arith.constant 78 : i32
        %dma_start3A_468 = arith.constant 0 : i32
        %dma_start3A_469 = arith.constant 0 : i32
        %dma_start3A_470 = tpu.memref_slice %arg5[%dma_start3A_467, %dma_start3A_468, %dma_start3A_469] : memref<79x1x128xi32, #tpu.memory_space<vmem>> -> memref<1x1x128xi32, #tpu.memory_space<vmem>>
        %dma_start3A_471 = arith.constant 0 : i32
        %dma_start3A_472 = arith.constant 0 : i32
        %dma_start3A_473 = tpu.memref_slice %arg2[%add3A_458, %dma_start3A_471, %dma_start3A_472] : memref<2500x1x128xi32, #tpu.memory_space<hbm>> -> memref<1x1x128xi32, #tpu.memory_space<hbm>>
        tpu.enqueue_dma source(%dma_start3A_473 : memref<1x1x128xi32, #tpu.memory_space<hbm>>) target(%dma_start3A_470 : memref<1x1x128xi32, #tpu.memory_space<vmem>>) target_semaphore(%run_scoped3A : memref<!tpu.dma_semaphore, #tpu.memory_space<semaphore_mem>>)
        %dma_wait3A = arith.constant 78 : i32
        %dma_wait3A_474 = arith.constant 0 : i32
        %dma_wait3A_475 = arith.constant 0 : i32
        %dma_wait3A_476 = tpu.memref_slice %arg5[%dma_wait3A, %dma_wait3A_474, %dma_wait3A_475] : memref<79x1x128xi32, #tpu.memory_space<vmem>> -> memref<1x1x128xi32, #tpu.memory_space<vmem>>
        %dma_wait3A_477 = arith.constant 0 : i32
        %dma_wait3A_478 = arith.constant 0 : i32
        %dma_wait3A_479 = tpu.memref_slice %arg2[%add3A_458, %dma_wait3A_477, %dma_wait3A_478] : memref<2500x1x128xi32, #tpu.memory_space<hbm>> -> memref<1x1x128xi32, #tpu.memory_space<hbm>>
        %dma_wait3A_480 = arith.constant 78 : i32
        %dma_wait3A_481 = arith.constant 0 : i32
        %dma_wait3A_482 = arith.constant 0 : i32
        %dma_wait3A_483 = tpu.memref_slice %arg5[%dma_wait3A_480, %dma_wait3A_481, %dma_wait3A_482] : memref<79x1x128xi32, #tpu.memory_space<vmem>> -> memref<1x1x128xi32, #tpu.memory_space<vmem>>
        %dma_wait3A_484 = arith.constant 0 : i32
        %dma_wait3A_485 = arith.constant 0 : i32
        %dma_wait3A_486 = tpu.memref_slice %arg2[%add3A_458, %dma_wait3A_484, %dma_wait3A_485] : memref<2500x1x128xi32, #tpu.memory_space<hbm>> -> memref<1x1x128xi32, #tpu.memory_space<hbm>>
        tpu.wait_dma2 semaphore(%run_scoped3A : memref<!tpu.dma_semaphore, #tpu.memory_space<semaphore_mem>>) src(%dma_wait3A_486 : memref<1x1x128xi32, #tpu.memory_space<hbm>>) dst(%dma_wait3A_483 : memref<1x1x128xi32, #tpu.memory_space<vmem>>)
        tpu.yield
      }) : () -> ()
      %add3A_459 = arith.constant 2496 : i32
      %add3A_460 = arith.addi %add3A_459, %add3A : i32
      "tpu.region"() ({
        %run_scoped3A = tpu.sem_alloc : memref<!tpu.dma_semaphore, #tpu.memory_space<semaphore_mem>>
        %dma_start3A = arith.constant 78 : i32
        %dma_start3A_461 = arith.constant 0 : i32
        %dma_start3A_462 = arith.constant 0 : i32
        %dma_start3A_463 = tpu.memref_slice %arg6[%dma_start3A, %dma_start3A_461, %dma_start3A_462] : memref<79x1x128xi32, #tpu.memory_space<vmem>> -> memref<1x1x128xi32, #tpu.memory_space<vmem>>
        %dma_start3A_464 = arith.constant 0 : i32
        %dma_start3A_465 = arith.constant 0 : i32
        %dma_start3A_466 = tpu.memref_slice %arg3[%add3A_460, %dma_start3A_464, %dma_start3A_465] : memref<2500x1x128xi32, #tpu.memory_space<hbm>> -> memref<1x1x128xi32, #tpu.memory_space<hbm>>
        %dma_start3A_467 = arith.constant 78 : i32
        %dma_start3A_468 = arith.constant 0 : i32
        %dma_start3A_469 = arith.constant 0 : i32
        %dma_start3A_470 = tpu.memref_slice %arg6[%dma_start3A_467, %dma_start3A_468, %dma_start3A_469] : memref<79x1x128xi32, #tpu.memory_space<vmem>> -> memref<1x1x128xi32, #tpu.memory_space<vmem>>
        %dma_start3A_471 = arith.constant 0 : i32
        %dma_start3A_472 = arith.constant 0 : i32
        %dma_start3A_473 = tpu.memref_slice %arg3[%add3A_460, %dma_start3A_471, %dma_start3A_472] : memref<2500x1x128xi32, #tpu.memory_space<hbm>> -> memref<1x1x128xi32, #tpu.memory_space<hbm>>
        tpu.enqueue_dma source(%dma_start3A_473 : memref<1x1x128xi32, #tpu.memory_space<hbm>>) target(%dma_start3A_470 : memref<1x1x128xi32, #tpu.memory_space<vmem>>) target_semaphore(%run_scoped3A : memref<!tpu.dma_semaphore, #tpu.memory_space<semaphore_mem>>)
        %dma_wait3A = arith.constant 78 : i32
        %dma_wait3A_474 = arith.constant 0 : i32
        %dma_wait3A_475 = arith.constant 0 : i32
        %dma_wait3A_476 = tpu.memref_slice %arg6[%dma_wait3A, %dma_wait3A_474, %dma_wait3A_475] : memref<79x1x128xi32, #tpu.memory_space<vmem>> -> memref<1x1x128xi32, #tpu.memory_space<vmem>>
        %dma_wait3A_477 = arith.constant 0 : i32
        %dma_wait3A_478 = arith.constant 0 : i32
        %dma_wait3A_479 = tpu.memref_slice %arg3[%add3A_460, %dma_wait3A_477, %dma_wait3A_478] : memref<2500x1x128xi32, #tpu.memory_space<hbm>> -> memref<1x1x128xi32, #tpu.memory_space<hbm>>
        %dma_wait3A_480 = arith.constant 78 : i32
        %dma_wait3A_481 = arith.constant 0 : i32
        %dma_wait3A_482 = arith.constant 0 : i32
        %dma_wait3A_483 = tpu.memref_slice %arg6[%dma_wait3A_480, %dma_wait3A_481, %dma_wait3A_482] : memref<79x1x128xi32, #tpu.memory_space<vmem>> -> memref<1x1x128xi32, #tpu.memory_space<vmem>>
        %dma_wait3A_484 = arith.constant 0 : i32
        %dma_wait3A_485 = arith.constant 0 : i32
        %dma_wait3A_486 = tpu.memref_slice %arg3[%add3A_460, %dma_wait3A_484, %dma_wait3A_485] : memref<2500x1x128xi32, #tpu.memory_space<hbm>> -> memref<1x1x128xi32, #tpu.memory_space<hbm>>
        tpu.wait_dma2 semaphore(%run_scoped3A : memref<!tpu.dma_semaphore, #tpu.memory_space<semaphore_mem>>) src(%dma_wait3A_486 : memref<1x1x128xi32, #tpu.memory_space<hbm>>) dst(%dma_wait3A_483 : memref<1x1x128xi32, #tpu.memory_space<vmem>>)
        tpu.yield
      }) : () -> ()
    } else {
    }
    %barrier3A = arith.constant 0 : index
    tpu.barrier barrier_id(%barrier3A)
    %scan3A = arith.constant 0 : i32
    %scan3A_442 = arith.constant 0 : i32
    %scan3A_443 = arith.constant 13 : i32
    %scan3A_444 = arith.addi %scan3A_442, %scan3A_443 : i32
    %scan3A_445 = arith.constant 1 : i32
    scf.for %scan3A_457 = %scan3A_442 to %scan3A_444 step %scan3A_445  : i32 {
      %mul3A_458 = arith.constant 6 : i32
      %mul3A_459 = arith.muli %scan3A_457, %mul3A_458 : i32
      %add3A_460 = arith.constant 0 : i32
      %add3A_461 = arith.addi %mul3A_459, %add3A_460 : i32
      %dma_start3A = arith.constant 0 : i32
      %dma_start3A_462 = arith.constant 0 : i32
      %dma_start3A_463 = tpu.memref_slice %arg5[%add3A_461, %dma_start3A, %dma_start3A_462] : memref<79x1x128xi32, #tpu.memory_space<vmem>> -> memref<1x1x128xi32, #tpu.memory_space<vmem>>
      %dma_start3A_464 = tpu.memref_squeeze %dma_start3A_463 : memref<1x1x128xi32, #tpu.memory_space<vmem>> -> memref<128xi32, #tpu.memory_space<vmem>>
      %dma_start3A_465 = arith.constant 0 : i32
      %dma_start3A_466 = tpu.memref_slice %arg9[%dma_start3A_465] : memref<10000xf32, #tpu.memory_space<vmem_shared>> -> memref<10000xf32, #tpu.memory_space<vmem_shared>>
      tpu.enqueue_indirect_dma source(%arg7 : memref<128xf32, #tpu.memory_space<vmem>>) target(%dma_start3A_466 : memref<10000xf32, #tpu.memory_space<vmem_shared>>) offsets(%dma_start3A_464 : memref<128xi32, #tpu.memory_space<vmem>>) semaphore(%arg11 : memref<!tpu.dma_semaphore, #tpu.memory_space<semaphore_mem>>) {add = true}
      %dma_start3A_467 = arith.constant 0 : i32
      %dma_start3A_468 = arith.constant 0 : i32
      %dma_start3A_469 = tpu.memref_slice %arg6[%add3A_461, %dma_start3A_467, %dma_start3A_468] : memref<79x1x128xi32, #tpu.memory_space<vmem>> -> memref<1x1x128xi32, #tpu.memory_space<vmem>>
      %dma_start3A_470 = tpu.memref_squeeze %dma_start3A_469 : memref<1x1x128xi32, #tpu.memory_space<vmem>> -> memref<128xi32, #tpu.memory_space<vmem>>
      %dma_start3A_471 = arith.constant 0 : i32
      %dma_start3A_472 = tpu.memref_slice %arg10[%dma_start3A_471] : memref<10000xf32, #tpu.memory_space<vmem_shared>> -> memref<10000xf32, #tpu.memory_space<vmem_shared>>
      tpu.enqueue_indirect_dma source(%arg7 : memref<128xf32, #tpu.memory_space<vmem>>) target(%dma_start3A_472 : memref<10000xf32, #tpu.memory_space<vmem_shared>>) offsets(%dma_start3A_470 : memref<128xi32, #tpu.memory_space<vmem>>) semaphore(%arg11 : memref<!tpu.dma_semaphore, #tpu.memory_space<semaphore_mem>>) {add = true}
      %mul3A_473 = arith.constant 6 : i32
      %mul3A_474 = arith.muli %scan3A_457, %mul3A_473 : i32
      %add3A_475 = arith.constant 1 : i32
      %add3A_476 = arith.addi %mul3A_474, %add3A_475 : i32
      %dma_start3A_477 = arith.constant 0 : i32
      %dma_start3A_478 = arith.constant 0 : i32
      %dma_start3A_479 = tpu.memref_slice %arg5[%add3A_476, %dma_start3A_477, %dma_start3A_478] : memref<79x1x128xi32, #tpu.memory_space<vmem>> -> memref<1x1x128xi32, #tpu.memory_space<vmem>>
      %dma_start3A_480 = tpu.memref_squeeze %dma_start3A_479 : memref<1x1x128xi32, #tpu.memory_space<vmem>> -> memref<128xi32, #tpu.memory_space<vmem>>
      %dma_start3A_481 = arith.constant 0 : i32
      %dma_start3A_482 = tpu.memref_slice %arg9[%dma_start3A_481] : memref<10000xf32, #tpu.memory_space<vmem_shared>> -> memref<10000xf32, #tpu.memory_space<vmem_shared>>
      tpu.enqueue_indirect_dma source(%arg7 : memref<128xf32, #tpu.memory_space<vmem>>) target(%dma_start3A_482 : memref<10000xf32, #tpu.memory_space<vmem_shared>>) offsets(%dma_start3A_480 : memref<128xi32, #tpu.memory_space<vmem>>) semaphore(%arg11 : memref<!tpu.dma_semaphore, #tpu.memory_space<semaphore_mem>>) {add = true}
      %dma_start3A_483 = arith.constant 0 : i32
      %dma_start3A_484 = arith.constant 0 : i32
      %dma_start3A_485 = tpu.memref_slice %arg6[%add3A_476, %dma_start3A_483, %dma_start3A_484] : memref<79x1x128xi32, #tpu.memory_space<vmem>> -> memref<1x1x128xi32, #tpu.memory_space<vmem>>
      %dma_start3A_486 = tpu.memref_squeeze %dma_start3A_485 : memref<1x1x128xi32, #tpu.memory_space<vmem>> -> memref<128xi32, #tpu.memory_space<vmem>>
      %dma_start3A_487 = arith.constant 0 : i32
      %dma_start3A_488 = tpu.memref_slice %arg10[%dma_start3A_487] : memref<10000xf32, #tpu.memory_space<vmem_shared>> -> memref<10000xf32, #tpu.memory_space<vmem_shared>>
      tpu.enqueue_indirect_dma source(%arg7 : memref<128xf32, #tpu.memory_space<vmem>>) target(%dma_start3A_488 : memref<10000xf32, #tpu.memory_space<vmem_shared>>) offsets(%dma_start3A_486 : memref<128xi32, #tpu.memory_space<vmem>>) semaphore(%arg11 : memref<!tpu.dma_semaphore, #tpu.memory_space<semaphore_mem>>) {add = true}
      %mul3A_489 = arith.constant 6 : i32
      %mul3A_490 = arith.muli %scan3A_457, %mul3A_489 : i32
      %add3A_491 = arith.constant 2 : i32
      %add3A_492 = arith.addi %mul3A_490, %add3A_491 : i32
      %dma_start3A_493 = arith.constant 0 : i32
      %dma_start3A_494 = arith.constant 0 : i32
      %dma_start3A_495 = tpu.memref_slice %arg5[%add3A_492, %dma_start3A_493, %dma_start3A_494] : memref<79x1x128xi32, #tpu.memory_space<vmem>> -> memref<1x1x128xi32, #tpu.memory_space<vmem>>
      %dma_start3A_496 = tpu.memref_squeeze %dma_start3A_495 : memref<1x1x128xi32, #tpu.memory_space<vmem>> -> memref<128xi32, #tpu.memory_space<vmem>>
      %dma_start3A_497 = arith.constant 0 : i32
      %dma_start3A_498 = tpu.memref_slice %arg9[%dma_start3A_497] : memref<10000xf32, #tpu.memory_space<vmem_shared>> -> memref<10000xf32, #tpu.memory_space<vmem_shared>>
      tpu.enqueue_indirect_dma source(%arg7 : memref<128xf32, #tpu.memory_space<vmem>>) target(%dma_start3A_498 : memref<10000xf32, #tpu.memory_space<vmem_shared>>) offsets(%dma_start3A_496 : memref<128xi32, #tpu.memory_space<vmem>>) semaphore(%arg11 : memref<!tpu.dma_semaphore, #tpu.memory_space<semaphore_mem>>) {add = true}
      %dma_start3A_499 = arith.constant 0 : i32
      %dma_start3A_500 = arith.constant 0 : i32
      %dma_start3A_501 = tpu.memref_slice %arg6[%add3A_492, %dma_start3A_499, %dma_start3A_500] : memref<79x1x128xi32, #tpu.memory_space<vmem>> -> memref<1x1x128xi32, #tpu.memory_space<vmem>>
      %dma_start3A_502 = tpu.memref_squeeze %dma_start3A_501 : memref<1x1x128xi32, #tpu.memory_space<vmem>> -> memref<128xi32, #tpu.memory_space<vmem>>
      %dma_start3A_503 = arith.constant 0 : i32
      %dma_start3A_504 = tpu.memref_slice %arg10[%dma_start3A_503] : memref<10000xf32, #tpu.memory_space<vmem_shared>> -> memref<10000xf32, #tpu.memory_space<vmem_shared>>
      tpu.enqueue_indirect_dma source(%arg7 : memref<128xf32, #tpu.memory_space<vmem>>) target(%dma_start3A_504 : memref<10000xf32, #tpu.memory_space<vmem_shared>>) offsets(%dma_start3A_502 : memref<128xi32, #tpu.memory_space<vmem>>) semaphore(%arg11 : memref<!tpu.dma_semaphore, #tpu.memory_space<semaphore_mem>>) {add = true}
      %mul3A_505 = arith.constant 6 : i32
      %mul3A_506 = arith.muli %scan3A_457, %mul3A_505 : i32
      %add3A_507 = arith.constant 3 : i32
      %add3A_508 = arith.addi %mul3A_506, %add3A_507 : i32
      %dma_start3A_509 = arith.constant 0 : i32
      %dma_start3A_510 = arith.constant 0 : i32
      %dma_start3A_511 = tpu.memref_slice %arg5[%add3A_508, %dma_start3A_509, %dma_start3A_510] : memref<79x1x128xi32, #tpu.memory_space<vmem>> -> memref<1x1x128xi32, #tpu.memory_space<vmem>>
      %dma_start3A_512 = tpu.memref_squeeze %dma_start3A_511 : memref<1x1x128xi32, #tpu.memory_space<vmem>> -> memref<128xi32, #tpu.memory_space<vmem>>
      %dma_start3A_513 = arith.constant 0 : i32
      %dma_start3A_514 = tpu.memref_slice %arg9[%dma_start3A_513] : memref<10000xf32, #tpu.memory_space<vmem_shared>> -> memref<10000xf32, #tpu.memory_space<vmem_shared>>
      tpu.enqueue_indirect_dma source(%arg7 : memref<128xf32, #tpu.memory_space<vmem>>) target(%dma_start3A_514 : memref<10000xf32, #tpu.memory_space<vmem_shared>>) offsets(%dma_start3A_512 : memref<128xi32, #tpu.memory_space<vmem>>) semaphore(%arg11 : memref<!tpu.dma_semaphore, #tpu.memory_space<semaphore_mem>>) {add = true}
      %dma_start3A_515 = arith.constant 0 : i32
      %dma_start3A_516 = arith.constant 0 : i32
      %dma_start3A_517 = tpu.memref_slice %arg6[%add3A_508, %dma_start3A_515, %dma_start3A_516] : memref<79x1x128xi32, #tpu.memory_space<vmem>> -> memref<1x1x128xi32, #tpu.memory_space<vmem>>
      %dma_start3A_518 = tpu.memref_squeeze %dma_start3A_517 : memref<1x1x128xi32, #tpu.memory_space<vmem>> -> memref<128xi32, #tpu.memory_space<vmem>>
      %dma_start3A_519 = arith.constant 0 : i32
      %dma_start3A_520 = tpu.memref_slice %arg10[%dma_start3A_519] : memref<10000xf32, #tpu.memory_space<vmem_shared>> -> memref<10000xf32, #tpu.memory_space<vmem_shared>>
      tpu.enqueue_indirect_dma source(%arg7 : memref<128xf32, #tpu.memory_space<vmem>>) target(%dma_start3A_520 : memref<10000xf32, #tpu.memory_space<vmem_shared>>) offsets(%dma_start3A_518 : memref<128xi32, #tpu.memory_space<vmem>>) semaphore(%arg11 : memref<!tpu.dma_semaphore, #tpu.memory_space<semaphore_mem>>) {add = true}
      %mul3A_521 = arith.constant 6 : i32
      %mul3A_522 = arith.muli %scan3A_457, %mul3A_521 : i32
      %add3A_523 = arith.constant 4 : i32
      %add3A_524 = arith.addi %mul3A_522, %add3A_523 : i32
      %dma_start3A_525 = arith.constant 0 : i32
      %dma_start3A_526 = arith.constant 0 : i32
      %dma_start3A_527 = tpu.memref_slice %arg5[%add3A_524, %dma_start3A_525, %dma_start3A_526] : memref<79x1x128xi32, #tpu.memory_space<vmem>> -> memref<1x1x128xi32, #tpu.memory_space<vmem>>
      %dma_start3A_528 = tpu.memref_squeeze %dma_start3A_527 : memref<1x1x128xi32, #tpu.memory_space<vmem>> -> memref<128xi32, #tpu.memory_space<vmem>>
      %dma_start3A_529 = arith.constant 0 : i32
      %dma_start3A_530 = tpu.memref_slice %arg9[%dma_start3A_529] : memref<10000xf32, #tpu.memory_space<vmem_shared>> -> memref<10000xf32, #tpu.memory_space<vmem_shared>>
      tpu.enqueue_indirect_dma source(%arg7 : memref<128xf32, #tpu.memory_space<vmem>>) target(%dma_start3A_530 : memref<10000xf32, #tpu.memory_space<vmem_shared>>) offsets(%dma_start3A_528 : memref<128xi32, #tpu.memory_space<vmem>>) semaphore(%arg11 : memref<!tpu.dma_semaphore, #tpu.memory_space<semaphore_mem>>) {add = true}
      %dma_start3A_531 = arith.constant 0 : i32
      %dma_start3A_532 = arith.constant 0 : i32
      %dma_start3A_533 = tpu.memref_slice %arg6[%add3A_524, %dma_start3A_531, %dma_start3A_532] : memref<79x1x128xi32, #tpu.memory_space<vmem>> -> memref<1x1x128xi32, #tpu.memory_space<vmem>>
      %dma_start3A_534 = tpu.memref_squeeze %dma_start3A_533 : memref<1x1x128xi32, #tpu.memory_space<vmem>> -> memref<128xi32, #tpu.memory_space<vmem>>
      %dma_start3A_535 = arith.constant 0 : i32
      %dma_start3A_536 = tpu.memref_slice %arg10[%dma_start3A_535] : memref<10000xf32, #tpu.memory_space<vmem_shared>> -> memref<10000xf32, #tpu.memory_space<vmem_shared>>
      tpu.enqueue_indirect_dma source(%arg7 : memref<128xf32, #tpu.memory_space<vmem>>) target(%dma_start3A_536 : memref<10000xf32, #tpu.memory_space<vmem_shared>>) offsets(%dma_start3A_534 : memref<128xi32, #tpu.memory_space<vmem>>) semaphore(%arg11 : memref<!tpu.dma_semaphore, #tpu.memory_space<semaphore_mem>>) {add = true}
      %mul3A_537 = arith.constant 6 : i32
      %mul3A_538 = arith.muli %scan3A_457, %mul3A_537 : i32
      %add3A_539 = arith.constant 5 : i32
      %add3A_540 = arith.addi %mul3A_538, %add3A_539 : i32
      %dma_start3A_541 = arith.constant 0 : i32
      %dma_start3A_542 = arith.constant 0 : i32
      %dma_start3A_543 = tpu.memref_slice %arg5[%add3A_540, %dma_start3A_541, %dma_start3A_542] : memref<79x1x128xi32, #tpu.memory_space<vmem>> -> memref<1x1x128xi32, #tpu.memory_space<vmem>>
      %dma_start3A_544 = tpu.memref_squeeze %dma_start3A_543 : memref<1x1x128xi32, #tpu.memory_space<vmem>> -> memref<128xi32, #tpu.memory_space<vmem>>
      %dma_start3A_545 = arith.constant 0 : i32
      %dma_start3A_546 = tpu.memref_slice %arg9[%dma_start3A_545] : memref<10000xf32, #tpu.memory_space<vmem_shared>> -> memref<10000xf32, #tpu.memory_space<vmem_shared>>
      tpu.enqueue_indirect_dma source(%arg7 : memref<128xf32, #tpu.memory_space<vmem>>) target(%dma_start3A_546 : memref<10000xf32, #tpu.memory_space<vmem_shared>>) offsets(%dma_start3A_544 : memref<128xi32, #tpu.memory_space<vmem>>) semaphore(%arg11 : memref<!tpu.dma_semaphore, #tpu.memory_space<semaphore_mem>>) {add = true}
      %dma_start3A_547 = arith.constant 0 : i32
      %dma_start3A_548 = arith.constant 0 : i32
      %dma_start3A_549 = tpu.memref_slice %arg6[%add3A_540, %dma_start3A_547, %dma_start3A_548] : memref<79x1x128xi32, #tpu.memory_space<vmem>> -> memref<1x1x128xi32, #tpu.memory_space<vmem>>
      %dma_start3A_550 = tpu.memref_squeeze %dma_start3A_549 : memref<1x1x128xi32, #tpu.memory_space<vmem>> -> memref<128xi32, #tpu.memory_space<vmem>>
      %dma_start3A_551 = arith.constant 0 : i32
      %dma_start3A_552 = tpu.memref_slice %arg10[%dma_start3A_551] : memref<10000xf32, #tpu.memory_space<vmem_shared>> -> memref<10000xf32, #tpu.memory_space<vmem_shared>>
      tpu.enqueue_indirect_dma source(%arg7 : memref<128xf32, #tpu.memory_space<vmem>>) target(%dma_start3A_552 : memref<10000xf32, #tpu.memory_space<vmem_shared>>) offsets(%dma_start3A_550 : memref<128xi32, #tpu.memory_space<vmem>>) semaphore(%arg11 : memref<!tpu.dma_semaphore, #tpu.memory_space<semaphore_mem>>) {add = true}
      %dma_wait3A = arith.constant 0 : i32
      %dma_wait3A_553 = arith.constant 0 : i32
      %dma_wait3A_554 = tpu.memref_slice %arg5[%add3A_461, %dma_wait3A, %dma_wait3A_553] : memref<79x1x128xi32, #tpu.memory_space<vmem>> -> memref<1x1x128xi32, #tpu.memory_space<vmem>>
      %dma_wait3A_555 = tpu.memref_squeeze %dma_wait3A_554 : memref<1x1x128xi32, #tpu.memory_space<vmem>> -> memref<128xi32, #tpu.memory_space<vmem>>
      %dma_wait3A_556 = arith.constant 0 : i32
      %dma_wait3A_557 = tpu.memref_slice %arg9[%dma_wait3A_556] : memref<10000xf32, #tpu.memory_space<vmem_shared>> -> memref<10000xf32, #tpu.memory_space<vmem_shared>>
      tpu.wait_indirect_dma semaphore(%arg11 : memref<!tpu.dma_semaphore, #tpu.memory_space<semaphore_mem>>) src(%arg7 : memref<128xf32, #tpu.memory_space<vmem>>) dst(%dma_wait3A_557 : memref<10000xf32, #tpu.memory_space<vmem_shared>>)
      %dma_wait3A_558 = arith.constant 0 : i32
      %dma_wait3A_559 = arith.constant 0 : i32
      %dma_wait3A_560 = tpu.memref_slice %arg6[%add3A_461, %dma_wait3A_558, %dma_wait3A_559] : memref<79x1x128xi32, #tpu.memory_space<vmem>> -> memref<1x1x128xi32, #tpu.memory_space<vmem>>
      %dma_wait3A_561 = tpu.memref_squeeze %dma_wait3A_560 : memref<1x1x128xi32, #tpu.memory_space<vmem>> -> memref<128xi32, #tpu.memory_space<vmem>>
      %dma_wait3A_562 = arith.constant 0 : i32
      %dma_wait3A_563 = tpu.memref_slice %arg10[%dma_wait3A_562] : memref<10000xf32, #tpu.memory_space<vmem_shared>> -> memref<10000xf32, #tpu.memory_space<vmem_shared>>
      tpu.wait_indirect_dma semaphore(%arg11 : memref<!tpu.dma_semaphore, #tpu.memory_space<semaphore_mem>>) src(%arg7 : memref<128xf32, #tpu.memory_space<vmem>>) dst(%dma_wait3A_563 : memref<10000xf32, #tpu.memory_space<vmem_shared>>)
      %dma_wait3A_564 = arith.constant 0 : i32
      %dma_wait3A_565 = arith.constant 0 : i32
      %dma_wait3A_566 = tpu.memref_slice %arg5[%add3A_476, %dma_wait3A_564, %dma_wait3A_565] : memref<79x1x128xi32, #tpu.memory_space<vmem>> -> memref<1x1x128xi32, #tpu.memory_space<vmem>>
      %dma_wait3A_567 = tpu.memref_squeeze %dma_wait3A_566 : memref<1x1x128xi32, #tpu.memory_space<vmem>> -> memref<128xi32, #tpu.memory_space<vmem>>
      %dma_wait3A_568 = arith.constant 0 : i32
      %dma_wait3A_569 = tpu.memref_slice %arg9[%dma_wait3A_568] : memref<10000xf32, #tpu.memory_space<vmem_shared>> -> memref<10000xf32, #tpu.memory_space<vmem_shared>>
      tpu.wait_indirect_dma semaphore(%arg11 : memref<!tpu.dma_semaphore, #tpu.memory_space<semaphore_mem>>) src(%arg7 : memref<128xf32, #tpu.memory_space<vmem>>) dst(%dma_wait3A_569 : memref<10000xf32, #tpu.memory_space<vmem_shared>>)
      %dma_wait3A_570 = arith.constant 0 : i32
      %dma_wait3A_571 = arith.constant 0 : i32
      %dma_wait3A_572 = tpu.memref_slice %arg6[%add3A_476, %dma_wait3A_570, %dma_wait3A_571] : memref<79x1x128xi32, #tpu.memory_space<vmem>> -> memref<1x1x128xi32, #tpu.memory_space<vmem>>
      %dma_wait3A_573 = tpu.memref_squeeze %dma_wait3A_572 : memref<1x1x128xi32, #tpu.memory_space<vmem>> -> memref<128xi32, #tpu.memory_space<vmem>>
      %dma_wait3A_574 = arith.constant 0 : i32
      %dma_wait3A_575 = tpu.memref_slice %arg10[%dma_wait3A_574] : memref<10000xf32, #tpu.memory_space<vmem_shared>> -> memref<10000xf32, #tpu.memory_space<vmem_shared>>
      tpu.wait_indirect_dma semaphore(%arg11 : memref<!tpu.dma_semaphore, #tpu.memory_space<semaphore_mem>>) src(%arg7 : memref<128xf32, #tpu.memory_space<vmem>>) dst(%dma_wait3A_575 : memref<10000xf32, #tpu.memory_space<vmem_shared>>)
      %dma_wait3A_576 = arith.constant 0 : i32
      %dma_wait3A_577 = arith.constant 0 : i32
      %dma_wait3A_578 = tpu.memref_slice %arg5[%add3A_492, %dma_wait3A_576, %dma_wait3A_577] : memref<79x1x128xi32, #tpu.memory_space<vmem>> -> memref<1x1x128xi32, #tpu.memory_space<vmem>>
      %dma_wait3A_579 = tpu.memref_squeeze %dma_wait3A_578 : memref<1x1x128xi32, #tpu.memory_space<vmem>> -> memref<128xi32, #tpu.memory_space<vmem>>
      %dma_wait3A_580 = arith.constant 0 : i32
      %dma_wait3A_581 = tpu.memref_slice %arg9[%dma_wait3A_580] : memref<10000xf32, #tpu.memory_space<vmem_shared>> -> memref<10000xf32, #tpu.memory_space<vmem_shared>>
      tpu.wait_indirect_dma semaphore(%arg11 : memref<!tpu.dma_semaphore, #tpu.memory_space<semaphore_mem>>) src(%arg7 : memref<128xf32, #tpu.memory_space<vmem>>) dst(%dma_wait3A_581 : memref<10000xf32, #tpu.memory_space<vmem_shared>>)
      %dma_wait3A_582 = arith.constant 0 : i32
      %dma_wait3A_583 = arith.constant 0 : i32
      %dma_wait3A_584 = tpu.memref_slice %arg6[%add3A_492, %dma_wait3A_582, %dma_wait3A_583] : memref<79x1x128xi32, #tpu.memory_space<vmem>> -> memref<1x1x128xi32, #tpu.memory_space<vmem>>
      %dma_wait3A_585 = tpu.memref_squeeze %dma_wait3A_584 : memref<1x1x128xi32, #tpu.memory_space<vmem>> -> memref<128xi32, #tpu.memory_space<vmem>>
      %dma_wait3A_586 = arith.constant 0 : i32
      %dma_wait3A_587 = tpu.memref_slice %arg10[%dma_wait3A_586] : memref<10000xf32, #tpu.memory_space<vmem_shared>> -> memref<10000xf32, #tpu.memory_space<vmem_shared>>
      tpu.wait_indirect_dma semaphore(%arg11 : memref<!tpu.dma_semaphore, #tpu.memory_space<semaphore_mem>>) src(%arg7 : memref<128xf32, #tpu.memory_space<vmem>>) dst(%dma_wait3A_587 : memref<10000xf32, #tpu.memory_space<vmem_shared>>)
      %dma_wait3A_588 = arith.constant 0 : i32
      %dma_wait3A_589 = arith.constant 0 : i32
      %dma_wait3A_590 = tpu.memref_slice %arg5[%add3A_508, %dma_wait3A_588, %dma_wait3A_589] : memref<79x1x128xi32, #tpu.memory_space<vmem>> -> memref<1x1x128xi32, #tpu.memory_space<vmem>>
      %dma_wait3A_591 = tpu.memref_squeeze %dma_wait3A_590 : memref<1x1x128xi32, #tpu.memory_space<vmem>> -> memref<128xi32, #tpu.memory_space<vmem>>
      %dma_wait3A_592 = arith.constant 0 : i32
      %dma_wait3A_593 = tpu.memref_slice %arg9[%dma_wait3A_592] : memref<10000xf32, #tpu.memory_space<vmem_shared>> -> memref<10000xf32, #tpu.memory_space<vmem_shared>>
      tpu.wait_indirect_dma semaphore(%arg11 : memref<!tpu.dma_semaphore, #tpu.memory_space<semaphore_mem>>) src(%arg7 : memref<128xf32, #tpu.memory_space<vmem>>) dst(%dma_wait3A_593 : memref<10000xf32, #tpu.memory_space<vmem_shared>>)
      %dma_wait3A_594 = arith.constant 0 : i32
      %dma_wait3A_595 = arith.constant 0 : i32
      %dma_wait3A_596 = tpu.memref_slice %arg6[%add3A_508, %dma_wait3A_594, %dma_wait3A_595] : memref<79x1x128xi32, #tpu.memory_space<vmem>> -> memref<1x1x128xi32, #tpu.memory_space<vmem>>
      %dma_wait3A_597 = tpu.memref_squeeze %dma_wait3A_596 : memref<1x1x128xi32, #tpu.memory_space<vmem>> -> memref<128xi32, #tpu.memory_space<vmem>>
      %dma_wait3A_598 = arith.constant 0 : i32
      %dma_wait3A_599 = tpu.memref_slice %arg10[%dma_wait3A_598] : memref<10000xf32, #tpu.memory_space<vmem_shared>> -> memref<10000xf32, #tpu.memory_space<vmem_shared>>
      tpu.wait_indirect_dma semaphore(%arg11 : memref<!tpu.dma_semaphore, #tpu.memory_space<semaphore_mem>>) src(%arg7 : memref<128xf32, #tpu.memory_space<vmem>>) dst(%dma_wait3A_599 : memref<10000xf32, #tpu.memory_space<vmem_shared>>)
      %dma_wait3A_600 = arith.constant 0 : i32
      %dma_wait3A_601 = arith.constant 0 : i32
      %dma_wait3A_602 = tpu.memref_slice %arg5[%add3A_524, %dma_wait3A_600, %dma_wait3A_601] : memref<79x1x128xi32, #tpu.memory_space<vmem>> -> memref<1x1x128xi32, #tpu.memory_space<vmem>>
      %dma_wait3A_603 = tpu.memref_squeeze %dma_wait3A_602 : memref<1x1x128xi32, #tpu.memory_space<vmem>> -> memref<128xi32, #tpu.memory_space<vmem>>
      %dma_wait3A_604 = arith.constant 0 : i32
      %dma_wait3A_605 = tpu.memref_slice %arg9[%dma_wait3A_604] : memref<10000xf32, #tpu.memory_space<vmem_shared>> -> memref<10000xf32, #tpu.memory_space<vmem_shared>>
      tpu.wait_indirect_dma semaphore(%arg11 : memref<!tpu.dma_semaphore, #tpu.memory_space<semaphore_mem>>) src(%arg7 : memref<128xf32, #tpu.memory_space<vmem>>) dst(%dma_wait3A_605 : memref<10000xf32, #tpu.memory_space<vmem_shared>>)
      %dma_wait3A_606 = arith.constant 0 : i32
      %dma_wait3A_607 = arith.constant 0 : i32
      %dma_wait3A_608 = tpu.memref_slice %arg6[%add3A_524, %dma_wait3A_606, %dma_wait3A_607] : memref<79x1x128xi32, #tpu.memory_space<vmem>> -> memref<1x1x128xi32, #tpu.memory_space<vmem>>
      %dma_wait3A_609 = tpu.memref_squeeze %dma_wait3A_608 : memref<1x1x128xi32, #tpu.memory_space<vmem>> -> memref<128xi32, #tpu.memory_space<vmem>>
      %dma_wait3A_610 = arith.constant 0 : i32
      %dma_wait3A_611 = tpu.memref_slice %arg10[%dma_wait3A_610] : memref<10000xf32, #tpu.memory_space<vmem_shared>> -> memref<10000xf32, #tpu.memory_space<vmem_shared>>
      tpu.wait_indirect_dma semaphore(%arg11 : memref<!tpu.dma_semaphore, #tpu.memory_space<semaphore_mem>>) src(%arg7 : memref<128xf32, #tpu.memory_space<vmem>>) dst(%dma_wait3A_611 : memref<10000xf32, #tpu.memory_space<vmem_shared>>)
      %dma_wait3A_612 = arith.constant 0 : i32
      %dma_wait3A_613 = arith.constant 0 : i32
      %dma_wait3A_614 = tpu.memref_slice %arg5[%add3A_540, %dma_wait3A_612, %dma_wait3A_613] : memref<79x1x128xi32, #tpu.memory_space<vmem>> -> memref<1x1x128xi32, #tpu.memory_space<vmem>>
      %dma_wait3A_615 = tpu.memref_squeeze %dma_wait3A_614 : memref<1x1x128xi32, #tpu.memory_space<vmem>> -> memref<128xi32, #tpu.memory_space<vmem>>
      %dma_wait3A_616 = arith.constant 0 : i32
      %dma_wait3A_617 = tpu.memref_slice %arg9[%dma_wait3A_616] : memref<10000xf32, #tpu.memory_space<vmem_shared>> -> memref<10000xf32, #tpu.memory_space<vmem_shared>>
      tpu.wait_indirect_dma semaphore(%arg11 : memref<!tpu.dma_semaphore, #tpu.memory_space<semaphore_mem>>) src(%arg7 : memref<128xf32, #tpu.memory_space<vmem>>) dst(%dma_wait3A_617 : memref<10000xf32, #tpu.memory_space<vmem_shared>>)
      %dma_wait3A_618 = arith.constant 0 : i32
      %dma_wait3A_619 = arith.constant 0 : i32
      %dma_wait3A_620 = tpu.memref_slice %arg6[%add3A_540, %dma_wait3A_618, %dma_wait3A_619] : memref<79x1x128xi32, #tpu.memory_space<vmem>> -> memref<1x1x128xi32, #tpu.memory_space<vmem>>
      %dma_wait3A_621 = tpu.memref_squeeze %dma_wait3A_620 : memref<1x1x128xi32, #tpu.memory_space<vmem>> -> memref<128xi32, #tpu.memory_space<vmem>>
      %dma_wait3A_622 = arith.constant 0 : i32
      %dma_wait3A_623 = tpu.memref_slice %arg10[%dma_wait3A_622] : memref<10000xf32, #tpu.memory_space<vmem_shared>> -> memref<10000xf32, #tpu.memory_space<vmem_shared>>
      tpu.wait_indirect_dma semaphore(%arg11 : memref<!tpu.dma_semaphore, #tpu.memory_space<semaphore_mem>>) src(%arg7 : memref<128xf32, #tpu.memory_space<vmem>>) dst(%dma_wait3A_623 : memref<10000xf32, #tpu.memory_space<vmem_shared>>)
    }
    %scan3A_446 = arith.constant 13 : i32
    %lt3A_447 = arith.constant 4 : i32
    %lt3A_448 = arith.cmpi slt, %add3A, %lt3A_447 : i32
    %convert_element_type3A_449 = arith.extui %lt3A_448 : i1 to i32
    %cond3A_450 = arith.constant 0 : i32
    %cond3A_451 = arith.cmpi ne, %convert_element_type3A_449, %cond3A_450 : i32
    scf.if %cond3A_451 {
      %dma_start3A = arith.constant 78 : i32
      %dma_start3A_457 = arith.constant 0 : i32
      %dma_start3A_458 = arith.constant 0 : i32
      %dma_start3A_459 = tpu.memref_slice %arg5[%dma_start3A, %dma_start3A_457, %dma_start3A_458] : memref<79x1x128xi32, #tpu.memory_space<vmem>> -> memref<1x1x128xi32, #tpu.memory_space<vmem>>
      %dma_start3A_460 = tpu.memref_squeeze %dma_start3A_459 : memref<1x1x128xi32, #tpu.memory_space<vmem>> -> memref<128xi32, #tpu.memory_space<vmem>>
      %dma_start3A_461 = arith.constant 0 : i32
      %dma_start3A_462 = tpu.memref_slice %arg9[%dma_start3A_461] : memref<10000xf32, #tpu.memory_space<vmem_shared>> -> memref<10000xf32, #tpu.memory_space<vmem_shared>>
      tpu.enqueue_indirect_dma source(%arg7 : memref<128xf32, #tpu.memory_space<vmem>>) target(%dma_start3A_462 : memref<10000xf32, #tpu.memory_space<vmem_shared>>) offsets(%dma_start3A_460 : memref<128xi32, #tpu.memory_space<vmem>>) semaphore(%arg11 : memref<!tpu.dma_semaphore, #tpu.memory_space<semaphore_mem>>) {add = true}
      %dma_start3A_463 = arith.constant 78 : i32
      %dma_start3A_464 = arith.constant 0 : i32
      %dma_start3A_465 = arith.constant 0 : i32
      %dma_start3A_466 = tpu.memref_slice %arg6[%dma_start3A_463, %dma_start3A_464, %dma_start3A_465] : memref<79x1x128xi32, #tpu.memory_space<vmem>> -> memref<1x1x128xi32, #tpu.memory_space<vmem>>
      %dma_start3A_467 = tpu.memref_squeeze %dma_start3A_466 : memref<1x1x128xi32, #tpu.memory_space<vmem>> -> memref<128xi32, #tpu.memory_space<vmem>>
      %dma_start3A_468 = arith.constant 0 : i32
      %dma_start3A_469 = tpu.memref_slice %arg10[%dma_start3A_468] : memref<10000xf32, #tpu.memory_space<vmem_shared>> -> memref<10000xf32, #tpu.memory_space<vmem_shared>>
      tpu.enqueue_indirect_dma source(%arg7 : memref<128xf32, #tpu.memory_space<vmem>>) target(%dma_start3A_469 : memref<10000xf32, #tpu.memory_space<vmem_shared>>) offsets(%dma_start3A_467 : memref<128xi32, #tpu.memory_space<vmem>>) semaphore(%arg11 : memref<!tpu.dma_semaphore, #tpu.memory_space<semaphore_mem>>) {add = true}
      %dma_wait3A = arith.constant 78 : i32
      %dma_wait3A_470 = arith.constant 0 : i32
      %dma_wait3A_471 = arith.constant 0 : i32
      %dma_wait3A_472 = tpu.memref_slice %arg5[%dma_wait3A, %dma_wait3A_470, %dma_wait3A_471] : memref<79x1x128xi32, #tpu.memory_space<vmem>> -> memref<1x1x128xi32, #tpu.memory_space<vmem>>
      %dma_wait3A_473 = tpu.memref_squeeze %dma_wait3A_472 : memref<1x1x128xi32, #tpu.memory_space<vmem>> -> memref<128xi32, #tpu.memory_space<vmem>>
      %dma_wait3A_474 = arith.constant 0 : i32
      %dma_wait3A_475 = tpu.memref_slice %arg9[%dma_wait3A_474] : memref<10000xf32, #tpu.memory_space<vmem_shared>> -> memref<10000xf32, #tpu.memory_space<vmem_shared>>
      tpu.wait_indirect_dma semaphore(%arg11 : memref<!tpu.dma_semaphore, #tpu.memory_space<semaphore_mem>>) src(%arg7 : memref<128xf32, #tpu.memory_space<vmem>>) dst(%dma_wait3A_475 : memref<10000xf32, #tpu.memory_space<vmem_shared>>)
      %dma_wait3A_476 = arith.constant 78 : i32
      %dma_wait3A_477 = arith.constant 0 : i32
      %dma_wait3A_478 = arith.constant 0 : i32
      %dma_wait3A_479 = tpu.memref_slice %arg6[%dma_wait3A_476, %dma_wait3A_477, %dma_wait3A_478] : memref<79x1x128xi32, #tpu.memory_space<vmem>> -> memref<1x1x128xi32, #tpu.memory_space<vmem>>
      %dma_wait3A_480 = tpu.memref_squeeze %dma_wait3A_479 : memref<1x1x128xi32, #tpu.memory_space<vmem>> -> memref<128xi32, #tpu.memory_space<vmem>>
      %dma_wait3A_481 = arith.constant 0 : i32
      %dma_wait3A_482 = tpu.memref_slice %arg10[%dma_wait3A_481] : memref<10000xf32, #tpu.memory_space<vmem_shared>> -> memref<10000xf32, #tpu.memory_space<vmem_shared>>
      tpu.wait_indirect_dma semaphore(%arg11 : memref<!tpu.dma_semaphore, #tpu.memory_space<semaphore_mem>>) src(%arg7 : memref<128xf32, #tpu.memory_space<vmem>>) dst(%dma_wait3A_482 : memref<10000xf32, #tpu.memory_space<vmem_shared>>)
    } else {
    }
    %barrier3A_452 = arith.constant 0 : index
    tpu.barrier barrier_id(%barrier3A_452)
    %eq3A = arith.constant 0 : i32
    %eq3A_453 = arith.cmpi eq, %arg1, %eq3A : i32
    %convert_element_type3A_454 = arith.extui %eq3A_453 : i1 to i32
    %cond3A_455 = arith.constant 0 : i32
    %cond3A_456 = arith.cmpi ne, %convert_element_type3A_454, %cond3A_455 : i32
    scf.if %cond3A_456 {
      %run_scoped3A = arith.constant 0 : i32
      "tpu.region"() ({
        %run_scoped3A_458 = tpu.sem_alloc : memref<!tpu.dma_semaphore, #tpu.memory_space<semaphore_mem>>
        %dma_start3A = arith.constant 0 : i32
        %dma_start3A_459 = tpu.memref_slice %arg4[%arg0, %run_scoped3A, %dma_start3A] : memref<2x4x10000xf32, #tpu.memory_space<hbm>> -> memref<1x1x10000xf32, #tpu.memory_space<hbm>>
        %dma_start3A_460 = tpu.memref_squeeze %dma_start3A_459 : memref<1x1x10000xf32, #tpu.memory_space<hbm>> -> memref<10000xf32, #tpu.memory_space<hbm>>
        tpu.enqueue_dma source(%arg9 : memref<10000xf32, #tpu.memory_space<vmem_shared>>) target(%dma_start3A_460 : memref<10000xf32, #tpu.memory_space<hbm>>) target_semaphore(%run_scoped3A_458 : memref<!tpu.dma_semaphore, #tpu.memory_space<semaphore_mem>>)
        %dma_wait3A = arith.constant 0 : i32
        %dma_wait3A_461 = tpu.memref_slice %arg4[%arg0, %run_scoped3A, %dma_wait3A] : memref<2x4x10000xf32, #tpu.memory_space<hbm>> -> memref<1x1x10000xf32, #tpu.memory_space<hbm>>
        %dma_wait3A_462 = tpu.memref_squeeze %dma_wait3A_461 : memref<1x1x10000xf32, #tpu.memory_space<hbm>> -> memref<10000xf32, #tpu.memory_space<hbm>>
        tpu.wait_dma2 semaphore(%run_scoped3A_458 : memref<!tpu.dma_semaphore, #tpu.memory_space<semaphore_mem>>) src(%arg9 : memref<10000xf32, #tpu.memory_space<vmem_shared>>) dst(%dma_wait3A_462 : memref<10000xf32, #tpu.memory_space<hbm>>)
        tpu.yield
      }) : () -> ()
      %run_scoped3A_457 = arith.constant 2 : i32
      "tpu.region"() ({
        %run_scoped3A_458 = tpu.sem_alloc : memref<!tpu.dma_semaphore, #tpu.memory_space<semaphore_mem>>
        %dma_start3A = arith.constant 0 : i32
        %dma_start3A_459 = tpu.memref_slice %arg4[%arg0, %run_scoped3A_457, %dma_start3A] : memref<2x4x10000xf32, #tpu.memory_space<hbm>> -> memref<1x1x10000xf32, #tpu.memory_space<hbm>>
        %dma_start3A_460 = tpu.memref_squeeze %dma_start3A_459 : memref<1x1x10000xf32, #tpu.memory_space<hbm>> -> memref<10000xf32, #tpu.memory_space<hbm>>
        tpu.enqueue_dma source(%arg10 : memref<10000xf32, #tpu.memory_space<vmem_shared>>) target(%dma_start3A_460 : memref<10000xf32, #tpu.memory_space<hbm>>) target_semaphore(%run_scoped3A_458 : memref<!tpu.dma_semaphore, #tpu.memory_space<semaphore_mem>>)
        %dma_wait3A = arith.constant 0 : i32
        %dma_wait3A_461 = tpu.memref_slice %arg4[%arg0, %run_scoped3A_457, %dma_wait3A] : memref<2x4x10000xf32, #tpu.memory_space<hbm>> -> memref<1x1x10000xf32, #tpu.memory_space<hbm>>
        %dma_wait3A_462 = tpu.memref_squeeze %dma_wait3A_461 : memref<1x1x10000xf32, #tpu.memory_space<hbm>> -> memref<10000xf32, #tpu.memory_space<hbm>>
        tpu.wait_dma2 semaphore(%run_scoped3A_458 : memref<!tpu.dma_semaphore, #tpu.memory_space<semaphore_mem>>) src(%arg10 : memref<10000xf32, #tpu.memory_space<vmem_shared>>) dst(%dma_wait3A_462 : memref<10000xf32, #tpu.memory_space<hbm>>)
        tpu.yield
      }) : () -> ()
    } else {
    }
    return
  }
}

module attributes {stable_mosaic.version = 14 : i64} {
  func.func @body(%arg0: memref<2x4x10000xf32, #tpu.memory_space<vmem>>, %arg1: memref<10000x128xf32, #tpu.memory_space<vmem>>, %arg2: memref<10000x128xf32, #tpu.memory_space<vmem>>, %arg3: memref<10000x1xf32, #tpu.memory_space<vmem>>, %arg4: memref<10000x1xf32, #tpu.memory_space<vmem>>) attributes {dimension_semantics = [], scalar_prefetch = 0 : i64, scratch_operands = 0 : i64, tpu.core_type = #tpu.core_type<tc>} {
    %get3A = arith.constant 0 : index
    %get3A_0 = arith.constant 0 : index
    %get3A_1 = arith.constant 0 : index
    %get3A_2 = vector.load %arg0[%get3A, %get3A_0, %get3A_1] : memref<2x4x10000xf32, #tpu.memory_space<vmem>>, vector<2x4x10000xf32>
    %slice3A = vector.extract_strided_slice %get3A_2 {offsets = [0, 0, 0], sizes = [1, 1, 10000], strides = [1, 1, 1]} : vector<2x4x10000xf32> to vector<1x1x10000xf32>
    %squeeze3A = vector.shape_cast %slice3A : vector<1x1x10000xf32> to vector<10000xf32>
    %slice3A_3 = vector.extract_strided_slice %get3A_2 {offsets = [1, 0, 0], sizes = [1, 1, 10000], strides = [1, 1, 1]} : vector<2x4x10000xf32> to vector<1x1x10000xf32>
    %squeeze3A_4 = vector.shape_cast %slice3A_3 : vector<1x1x10000xf32> to vector<10000xf32>
    %add3A = arith.addf %squeeze3A, %squeeze3A_4 : vector<10000xf32>
    %max3A = arith.constant 1.000000e+00 : f32
    %max3A_5 = vector.broadcast %max3A : f32 to vector<10000xf32>
    %max3A_6 = arith.maximumf %add3A, %max3A_5 : vector<10000xf32>
    %rsqrt3A = math.rsqrt %max3A_6 : vector<10000xf32>
    %broadcast_in_dim3A = vector.shape_cast %rsqrt3A : vector<10000xf32> to vector<10000x1xf32>
    %slice3A_7 = vector.extract_strided_slice %get3A_2 {offsets = [0, 2, 0], sizes = [1, 1, 10000], strides = [1, 1, 1]} : vector<2x4x10000xf32> to vector<1x1x10000xf32>
    %squeeze3A_8 = vector.shape_cast %slice3A_7 : vector<1x1x10000xf32> to vector<10000xf32>
    %slice3A_9 = vector.extract_strided_slice %get3A_2 {offsets = [1, 2, 0], sizes = [1, 1, 10000], strides = [1, 1, 1]} : vector<2x4x10000xf32> to vector<1x1x10000xf32>
    %squeeze3A_10 = vector.shape_cast %slice3A_9 : vector<1x1x10000xf32> to vector<10000xf32>
    %add3A_11 = arith.addf %squeeze3A_8, %squeeze3A_10 : vector<10000xf32>
    %max3A_12 = arith.constant 1.000000e+00 : f32
    %max3A_13 = vector.broadcast %max3A_12 : f32 to vector<10000xf32>
    %max3A_14 = arith.maximumf %add3A_11, %max3A_13 : vector<10000xf32>
    %rsqrt3A_15 = math.rsqrt %max3A_14 : vector<10000xf32>
    %broadcast_in_dim3A_16 = vector.shape_cast %rsqrt3A_15 : vector<10000xf32> to vector<10000x1xf32>
    %get3A_17 = arith.constant 0 : index
    %get3A_18 = arith.constant 0 : index
    %get3A_19 = vector.load %arg1[%get3A_17, %get3A_18] : memref<10000x128xf32, #tpu.memory_space<vmem>>, vector<10000x128xf32>
    %mul3A = vector.broadcast %broadcast_in_dim3A : vector<10000x1xf32> to vector<10000x128xf32>
    %mul3A_20 = arith.mulf %get3A_19, %mul3A : vector<10000x128xf32>
    %swap3A = arith.constant 0 : index
    %swap3A_21 = arith.constant 0 : index
    %swap3A_22 = vector.load %arg2[%swap3A, %swap3A_21] : memref<10000x128xf32, #tpu.memory_space<vmem>>, vector<10000x128xf32>
    tpu.vector_store %arg2[%swap3A, %swap3A_21], %mul3A_20 {strides = array<i32>} : memref<10000x128xf32, #tpu.memory_space<vmem>>, vector<10000x128xf32>,
    %swap3A_23 = arith.constant 0 : index
    %swap3A_24 = arith.constant 0 : index
    %swap3A_25 = vector.load %arg3[%swap3A_23, %swap3A_24] : memref<10000x1xf32, #tpu.memory_space<vmem>>, vector<10000x1xf32>
    tpu.vector_store %arg3[%swap3A_23, %swap3A_24], %broadcast_in_dim3A {strides = array<i32>} : memref<10000x1xf32, #tpu.memory_space<vmem>>, vector<10000x1xf32>,
    %swap3A_26 = arith.constant 0 : index
    %swap3A_27 = arith.constant 0 : index
    %swap3A_28 = vector.load %arg4[%swap3A_26, %swap3A_27] : memref<10000x1xf32, #tpu.memory_space<vmem>>, vector<10000x1xf32>
    tpu.vector_store %arg4[%swap3A_26, %swap3A_27], %broadcast_in_dim3A_16 {strides = array<i32>} : memref<10000x1xf32, #tpu.memory_space<vmem>>, vector<10000x1xf32>,
    return
  }
}

module attributes {stable_mosaic.version = 14 : i64} {
  func.func @body(%arg0: i32, %arg1: memref<2x1000x128xf32, #tpu.memory_space<vmem>>, %arg2: memref<1000x1xf32, #tpu.memory_space<vmem>>, %arg3: memref<1000x1xf32, #tpu.memory_space<vmem>>, %arg4: memref<128x128xf32, #tpu.memory_space<vmem>>, %arg5: memref<1x128xf32, #tpu.memory_space<vmem>>, %arg6: memref<1000x128xf32, #tpu.memory_space<vmem>>) attributes {dimension_semantics = [#tpu.dimension_semantics<arbitrary>], iteration_bounds = array<i64: 10>, scalar_prefetch = 0 : i64, scratch_operands = 0 : i64, tpu.core_type = #tpu.core_type<tc>, window_params = [{transform_indices = @transform_0, window_bounds = array<i64: 2, 1000, 128>}, {transform_indices = @transform_1, window_bounds = array<i64: 1000, 1>}, {transform_indices = @transform_2, window_bounds = array<i64: 1000, 1>}, {pipeline_mode = #tpu.pipeline_mode<synchronous>, transform_indices = @transform_3, window_bounds = array<i64: 128, 128>}, {pipeline_mode = #tpu.pipeline_mode<synchronous>, transform_indices = @transform_4, window_bounds = array<i64: 1, 128>}, {transform_indices = @transform_5, window_bounds = array<i64: 1000, 128>}]} {
    %get3A = arith.constant 0 : index
    %get3A_0 = arith.constant 0 : index
    %get3A_1 = arith.constant 0 : index
    %get3A_2 = vector.load %arg1[%get3A, %get3A_0, %get3A_1] : memref<2x1000x128xf32, #tpu.memory_space<vmem>>, vector<1x1000x128xf32>
    %get3A_3 = vector.shape_cast %get3A_2 : vector<1x1000x128xf32> to vector<1000x128xf32>
    %get3A_4 = arith.constant 1 : index
    %get3A_5 = arith.constant 0 : index
    %get3A_6 = arith.constant 0 : index
    %get3A_7 = vector.load %arg1[%get3A_4, %get3A_5, %get3A_6] : memref<2x1000x128xf32, #tpu.memory_space<vmem>>, vector<1x1000x128xf32>
    %get3A_8 = vector.shape_cast %get3A_7 : vector<1x1000x128xf32> to vector<1000x128xf32>
    %add3A = arith.addf %get3A_3, %get3A_8 : vector<1000x128xf32>
    %get3A_9 = arith.constant 0 : index
    %get3A_10 = arith.constant 0 : index
    %get3A_11 = vector.load %arg2[%get3A_9, %get3A_10] : memref<1000x1xf32, #tpu.memory_space<vmem>>, vector<1000x1xf32>
    %mul3A = vector.broadcast %get3A_11 : vector<1000x1xf32> to vector<1000x128xf32>
    %mul3A_12 = arith.mulf %add3A, %mul3A : vector<1000x128xf32>
    %get3A_13 = arith.constant 0 : index
    %get3A_14 = arith.constant 0 : index
    %get3A_15 = vector.load %arg4[%get3A_13, %get3A_14] : memref<128x128xf32, #tpu.memory_space<vmem>>, vector<128x128xf32>
    %dot_general3A = arith.constant dense<0.000000e+00> : vector<1000x128xf32>
    %dot_general3A_16 = tpu.matmul %mul3A_12, %get3A_15, %dot_general3A {dimension_numbers = #tpu.dot_dimension_numbers<[1], [0], [0], [1], [0, 0, 1, 1], [], []>, transpose_lhs_hint = false} : vector<1000x128xf32>, vector<128x128xf32>, vector<1000x128xf32> -> vector<1000x128xf32>
    %get3A_17 = arith.constant 0 : index
    %get3A_18 = arith.constant 0 : index
    %get3A_19 = vector.load %arg5[%get3A_17, %get3A_18] : memref<1x128xf32, #tpu.memory_space<vmem>>, vector<1x128xf32>
    %add3A_20 = vector.broadcast %get3A_19 : vector<1x128xf32> to vector<1000x128xf32>
    %add3A_21 = arith.addf %dot_general3A_16, %add3A_20 : vector<1000x128xf32>
    %max3A = arith.constant 0.000000e+00 : f32
    %max3A_22 = vector.broadcast %max3A : f32 to vector<1000x128xf32>
    %max3A_23 = arith.maximumf %add3A_21, %max3A_22 : vector<1000x128xf32>
    %get3A_24 = arith.constant 0 : index
    %get3A_25 = arith.constant 0 : index
    %get3A_26 = vector.load %arg3[%get3A_24, %get3A_25] : memref<1000x1xf32, #tpu.memory_space<vmem>>, vector<1000x1xf32>
    %mul3A_27 = vector.broadcast %get3A_26 : vector<1000x1xf32> to vector<1000x128xf32>
    %mul3A_28 = arith.mulf %max3A_23, %mul3A_27 : vector<1000x128xf32>
    %swap3A = arith.constant 0 : index
    %swap3A_29 = arith.constant 0 : index
    %swap3A_30 = vector.load %arg6[%swap3A, %swap3A_29] : memref<1000x128xf32, #tpu.memory_space<vmem>>, vector<1000x128xf32>
    tpu.vector_store %arg6[%swap3A, %swap3A_29], %mul3A_28 {strides = array<i32>} : memref<1000x128xf32, #tpu.memory_space<vmem>>, vector<1000x128xf32>,
    return
  }
  func.func @transform_0(%arg0: i32) -> (i32, i32, i32) {
    %c0_i32 = arith.constant 0 : i32
    %c0_i32_0 = arith.constant 0 : i32
    %c0_i32_1 = arith.constant 0 : i32
    return %c0_i32, %arg0, %c0_i32_0 : i32, i32, i32
  }
  func.func @transform_1(%arg0: i32) -> (i32, i32) {
    %c0_i32 = arith.constant 0 : i32
    %c0_i32_0 = arith.constant 0 : i32
    return %arg0, %c0_i32 : i32, i32
  }
  func.func @transform_2(%arg0: i32) -> (i32, i32) {
    %c0_i32 = arith.constant 0 : i32
    %c0_i32_0 = arith.constant 0 : i32
    return %arg0, %c0_i32 : i32, i32
  }
  func.func @transform_3(%arg0: i32) -> (i32, i32) {
    %c0_i32 = arith.constant 0 : i32
    %c0_i32_0 = arith.constant 0 : i32
    %c0_i32_1 = arith.constant 0 : i32
    return %c0_i32, %c0_i32_0 : i32, i32
  }
  func.func @transform_4(%arg0: i32) -> (i32, i32) {
    %c0_i32 = arith.constant 0 : i32
    %c0_i32_0 = arith.constant 0 : i32
    %c0_i32_1 = arith.constant 0 : i32
    return %c0_i32, %c0_i32_0 : i32, i32
  }
  func.func @transform_5(%arg0: i32) -> (i32, i32) {
    %c0_i32 = arith.constant 0 : i32
    %c0_i32_0 = arith.constant 0 : i32
    return %arg0, %c0_i32 : i32, i32
  }
}

module attributes {stable_mosaic.version = 14 : i64} {
  func.func @body(%arg0: i32, %arg1: memref<2x1000x128xf32, #tpu.memory_space<vmem>>, %arg2: memref<1000x1xf32, #tpu.memory_space<vmem>>, %arg3: memref<128x128xf32, #tpu.memory_space<vmem>>, %arg4: memref<1x128xf32, #tpu.memory_space<vmem>>, %arg5: memref<128x128xf32, #tpu.memory_space<vmem>>, %arg6: memref<1x128xf32, #tpu.memory_space<vmem>>, %arg7: memref<1000x128xf32, #tpu.memory_space<vmem>>) attributes {dimension_semantics = [#tpu.dimension_semantics<arbitrary>], iteration_bounds = array<i64: 10>, scalar_prefetch = 0 : i64, scratch_operands = 0 : i64, tpu.core_type = #tpu.core_type<tc>, window_params = [{transform_indices = @transform_0, window_bounds = array<i64: 2, 1000, 128>}, {transform_indices = @transform_1, window_bounds = array<i64: 1000, 1>}, {pipeline_mode = #tpu.pipeline_mode<synchronous>, transform_indices = @transform_2, window_bounds = array<i64: 128, 128>}, {pipeline_mode = #tpu.pipeline_mode<synchronous>, transform_indices = @transform_3, window_bounds = array<i64: 1, 128>}, {pipeline_mode = #tpu.pipeline_mode<synchronous>, transform_indices = @transform_4, window_bounds = array<i64: 128, 128>}, {pipeline_mode = #tpu.pipeline_mode<synchronous>, transform_indices = @transform_5, window_bounds = array<i64: 1, 128>}, {transform_indices = @transform_6, window_bounds = array<i64: 1000, 128>}]} {
    %get3A = arith.constant 0 : index
    %get3A_0 = arith.constant 0 : index
    %get3A_1 = arith.constant 0 : index
    %get3A_2 = vector.load %arg1[%get3A, %get3A_0, %get3A_1] : memref<2x1000x128xf32, #tpu.memory_space<vmem>>, vector<1x1000x128xf32>
    %get3A_3 = vector.shape_cast %get3A_2 : vector<1x1000x128xf32> to vector<1000x128xf32>
    %get3A_4 = arith.constant 1 : index
    %get3A_5 = arith.constant 0 : index
    %get3A_6 = arith.constant 0 : index
    %get3A_7 = vector.load %arg1[%get3A_4, %get3A_5, %get3A_6] : memref<2x1000x128xf32, #tpu.memory_space<vmem>>, vector<1x1000x128xf32>
    %get3A_8 = vector.shape_cast %get3A_7 : vector<1x1000x128xf32> to vector<1000x128xf32>
    %add3A = arith.addf %get3A_3, %get3A_8 : vector<1000x128xf32>
    %get3A_9 = arith.constant 0 : index
    %get3A_10 = arith.constant 0 : index
    %get3A_11 = vector.load %arg2[%get3A_9, %get3A_10] : memref<1000x1xf32, #tpu.memory_space<vmem>>, vector<1000x1xf32>
    %mul3A = vector.broadcast %get3A_11 : vector<1000x1xf32> to vector<1000x128xf32>
    %mul3A_12 = arith.mulf %add3A, %mul3A : vector<1000x128xf32>
    %get3A_13 = arith.constant 0 : index
    %get3A_14 = arith.constant 0 : index
    %get3A_15 = vector.load %arg3[%get3A_13, %get3A_14] : memref<128x128xf32, #tpu.memory_space<vmem>>, vector<128x128xf32>
    %dot_general3A = arith.constant dense<0.000000e+00> : vector<1000x128xf32>
    %dot_general3A_16 = tpu.matmul %mul3A_12, %get3A_15, %dot_general3A {dimension_numbers = #tpu.dot_dimension_numbers<[1], [0], [0], [1], [0, 0, 1, 1], [], []>, transpose_lhs_hint = false} : vector<1000x128xf32>, vector<128x128xf32>, vector<1000x128xf32> -> vector<1000x128xf32>
    %get3A_17 = arith.constant 0 : index
    %get3A_18 = arith.constant 0 : index
    %get3A_19 = vector.load %arg4[%get3A_17, %get3A_18] : memref<1x128xf32, #tpu.memory_space<vmem>>, vector<1x128xf32>
    %add3A_20 = vector.broadcast %get3A_19 : vector<1x128xf32> to vector<1000x128xf32>
    %add3A_21 = arith.addf %dot_general3A_16, %add3A_20 : vector<1000x128xf32>
    %max3A = arith.constant 0.000000e+00 : f32
    %max3A_22 = vector.broadcast %max3A : f32 to vector<1000x128xf32>
    %max3A_23 = arith.maximumf %add3A_21, %max3A_22 : vector<1000x128xf32>
    %get3A_24 = arith.constant 0 : index
    %get3A_25 = arith.constant 0 : index
    %get3A_26 = vector.load %arg5[%get3A_24, %get3A_25] : memref<128x128xf32, #tpu.memory_space<vmem>>, vector<128x128xf32>
    %dot_general3A_27 = arith.constant dense<0.000000e+00> : vector<1000x128xf32>
    %dot_general3A_28 = tpu.matmul %max3A_23, %get3A_26, %dot_general3A_27 {dimension_numbers = #tpu.dot_dimension_numbers<[1], [0], [0], [1], [0, 0, 1, 1], [], []>, transpose_lhs_hint = false} : vector<1000x128xf32>, vector<128x128xf32>, vector<1000x128xf32> -> vector<1000x128xf32>
    %get3A_29 = arith.constant 0 : index
    %get3A_30 = arith.constant 0 : index
    %get3A_31 = vector.load %arg6[%get3A_29, %get3A_30] : memref<1x128xf32, #tpu.memory_space<vmem>>, vector<1x128xf32>
    %add3A_32 = vector.broadcast %get3A_31 : vector<1x128xf32> to vector<1000x128xf32>
    %add3A_33 = arith.addf %dot_general3A_28, %add3A_32 : vector<1000x128xf32>
    %swap3A = arith.constant 0 : index
    %swap3A_34 = arith.constant 0 : index
    %swap3A_35 = vector.load %arg7[%swap3A, %swap3A_34] : memref<1000x128xf32, #tpu.memory_space<vmem>>, vector<1000x128xf32>
    tpu.vector_store %arg7[%swap3A, %swap3A_34], %add3A_33 {strides = array<i32>} : memref<1000x128xf32, #tpu.memory_space<vmem>>, vector<1000x128xf32>,
    return
  }
  func.func @transform_0(%arg0: i32) -> (i32, i32, i32) {
    %c0_i32 = arith.constant 0 : i32
    %c0_i32_0 = arith.constant 0 : i32
    %c0_i32_1 = arith.constant 0 : i32
    return %c0_i32, %arg0, %c0_i32_0 : i32, i32, i32
  }
  func.func @transform_1(%arg0: i32) -> (i32, i32) {
    %c0_i32 = arith.constant 0 : i32
    %c0_i32_0 = arith.constant 0 : i32
    return %arg0, %c0_i32 : i32, i32
  }
  func.func @transform_2(%arg0: i32) -> (i32, i32) {
    %c0_i32 = arith.constant 0 : i32
    %c0_i32_0 = arith.constant 0 : i32
    %c0_i32_1 = arith.constant 0 : i32
    return %c0_i32, %c0_i32_0 : i32, i32
  }
  func.func @transform_3(%arg0: i32) -> (i32, i32) {
    %c0_i32 = arith.constant 0 : i32
    %c0_i32_0 = arith.constant 0 : i32
    %c0_i32_1 = arith.constant 0 : i32
    return %c0_i32, %c0_i32_0 : i32, i32
  }
  func.func @transform_4(%arg0: i32) -> (i32, i32) {
    %c0_i32 = arith.constant 0 : i32
    %c0_i32_0 = arith.constant 0 : i32
    %c0_i32_1 = arith.constant 0 : i32
    return %c0_i32, %c0_i32_0 : i32, i32
  }
  func.func @transform_5(%arg0: i32) -> (i32, i32) {
    %c0_i32 = arith.constant 0 : i32
    %c0_i32_0 = arith.constant 0 : i32
    %c0_i32_1 = arith.constant 0 : i32
    return %c0_i32, %c0_i32_0 : i32, i32
  }
  func.func @transform_6(%arg0: i32) -> (i32, i32) {
    %c0_i32 = arith.constant 0 : i32
    %c0_i32_0 = arith.constant 0 : i32
    return %arg0, %c0_i32 : i32, i32
  }
}

</mosaic_0001>

<sc_bundles>
// kernel: kernel.11.cloned.1.call-start
scs
__scs_entry_jumppad:
0x0: {  	(pc) =	sbr.rel $0x88, $3  }
0x1: {  	(tag) =	ssettag $0x0;
	lr =	simm.s32 $0x1  }
0x2: {  	[smem:$0x3F99] =	sst lr;
	_ =	strace $0xD0000000  }
0x3: {  	_ = 	snop  }
0x4: {  	_ = 	snop  }
0x5: {  	_ = 	snop  }
0x6: {  	_ = 	snop  }
0x7: {  	_ = 	snop  }
__scs_overlays_trampoline_lowered:
0x8: {  	[smem:$0x3FA8] =	sst s0  }
0x9: {  	[smem:$0x3FA9] =	sst s1  }
0xa: {  	[smem:$0x3FAA] =	sst s2  }
0xb: {  	[smem:$0x3FAB] =	sst s3  }
0xc: {  	[smem:$0x3FAC] =	sst s4  }
0xd: {  	[smem:$0x3FAD] =	sst s5  }
0xe: {  	[smem:$0x3FAE] =	sst s6  }
0xf: {  	[smem:$0x3FAF] =	sst s7  }
0x10: {  	[smem:$0x3FB0] =	sst s8  }
0x11: {  	[smem:$0x3FB1] =	sst s9;
	s0 =	simm.s32 @!p0 $0x0  }
0x12: {  	s1 =	sld [smem:$0x3F97];
	s0 =	simm.s32 @p0 $0x1  }
0x13: {  	[smem:$0x3FB2] =	sst s0;
	s0 =	simm.s32 @!p1 $0x0  }
0x14: {  	s2 =	sld [smem:$0x3F96];
	s0 =	simm.s32 @p1 $0x1  }
0x15: {  	[smem:$0x3FB3] =	sst s0;
	s0 =	simm.s32 @!p2 $0x0  }
0x16: {  	s3 =	sld [smem:$0x3FDB];
	s0 =	simm.s32 @p2 $0x1  }
0x17: {  	s4 =	simm.s32 $0x1BF5;
	[smem:$0x3FB5] =	sst s0  }
0x18: {  	s0 =	sld [smem:$0x3F98];
	_ =	swait.ge [sflag:s4], $0x0  }
0x19: {  	s7 =	sld [smem:$0x3F99]  }
0x1a: {  	s8 =	sadd.s32 $0xFFFFE003, lr  }
0x1b: {  	s9 =	sadd.s32 $0xFFFFFEF7, lr;
	s5 =	simm.s32 $0xFFFFFFFF;
	p2 =	slt.u32 s8, $0xFFFFF086  }
0x1c: {  	p1 =	slt.u32 s9, $0xF7A;
	s5 =	simm.s32 @!p2 $0x0  }
0x1d: {  	s5 =	simm.s32 @p1 $0x1;
	p0 =	seq.s32 s7, s2  }
0x1e: {  	s7 =	smul.u32 @!p0 $0xF7A, s2;
	p2 =	seq.s32 @!p0 s5, $0x0  }
0x1f: {  	s9 =	smul.u32 $0xF7A, s1;
	s8 =	simm.s32 @!p0 $0x1BF5;
	p2 =	por !p2, p0  }
0x20: {  	[sflag:s8] =	ssyncset.s32 @!p0 $0xFFFFF086;
	s6 =	sadd.s32 @!p0 s3, s7;
	s7 =	simm.s32 @!p0 $0x108  }
0x21: {  	s3 =	sadd.s32 s3, s9;
	s6 =	sadd.s32 @!p0 $0x88, s6;
	s7 =	simm.s32 @p2 $0x1082  }
0x22: {  	[simem:s7], [sflag:s8] =	dma.local @!p0 [hbm:s6], $0xF7A  }
0x23: {  	s9 =	sor.u32 $0xD0000000, s2;
	s6 =	simm.s32 $0x108;
	_ =	swait.ge @!p0 [sflag:s8], $0x0  }
0x24: {  	s3 =	sadd.s32 $0x88, s3;
	s6 =	simm.s32 @!p1 $0x1082;
	[sflag:s4] =	ssyncset.s32 $0xFFFFF086  }
0x25: {  	[simem:s6], [sflag:s4] =	dma.local [hbm:s3], $0xF7A  }
0x26: {  	[smem:$0x3F99] =	sst s1;
	(tag) =	ssettag s2;
	_ =	strace s9  }
0x27: {  	s1 =	sld [smem:$0x3FA9]  }
0x28: {  	s2 =	sld [smem:$0x3FAA]  }
0x29: {  	s4 =	sld [smem:$0x3FAC]  }
0x2a: {  	p0 =	seq.s32 s5, $0x0;
	s5 =	sld [smem:$0x3FAD]  }
0x2b: {  	s6 =	sld [smem:$0x3FAE]  }
0x2c: {  	s7 =	sld [smem:$0x3FAF]  }
0x2d: {  	s3 =	simm.s32 $0x108;
	s8 =	sld [smem:$0x3FB0]  }
0x2e: {  	s3 =	simm.s32 @!p0 $0x1082;
	s9 =	sld [smem:$0x3FB1]  }
0x2f: {  	lr =	sadd.s32 s0, s3;
	s0 =	sld [smem:$0x3FA8]  }
0x30: {  	s3 =	sld [smem:$0x3FAB]  }
0x31: {  	[smem:$0x3FB4] =	sst s10  }
0x32: {  	s10 =	sld [smem:$0x3FB2];
	_ =	sdelay $0x3  }
0x33: {  	p0 =	seq.s32 s10, $0x1;
	s10 =	sld [smem:$0x3FB4];
	_ =	sdelay $0x3  }
0x34: {  	[smem:$0x3FB4] =	sst s10  }
0x35: {  	s10 =	sld [smem:$0x3FB3];
	_ =	sdelay $0x3  }
0x36: {  	p1 =	seq.s32 s10, $0x1;
	s10 =	sld [smem:$0x3FB4];
	_ =	sdelay $0x3  }
0x37: {  	[smem:$0x3FB4] =	sst s10  }
0x38: {  	s10 =	sld [smem:$0x3FB5]  }
0x39: {  	_ = 	snop;
	(pc) =	sbr.ind lr, $3  }
0x3a: {  	_ = 	snop  }
0x3b: {  	_ = 	snop  }
0x3c: {  	p2 =	seq.s32 s10, $0x1;
	s10 =	sld [smem:$0x3FB4]  }
0x3d: {  	_ =	shalt  }
0x3e: {  	_ =	shalt  }
0x3f: {  	_ =	shalt  }
0x40: {  	_ =	shalt  }
0x41: {  	_ =	shalt  }
0x42: {  	_ =	shalt  }
0x43: {  	_ =	shalt  }
0x44: {  	_ =	shalt  }
0x45: {  	_ =	shalt  }
0x46: {  	_ =	shalt  }
0x47: {  	_ =	shalt  }
0x48: {  	_ =	shalt  }
0x49: {  	_ =	shalt  }
0x4a: {  	_ =	shalt  }
0x4b: {  	_ =	shalt  }
0x4c: {  	_ =	shalt  }
0x4d: {  	_ =	shalt  }
0x4e: {  	_ =	shalt  }
0x4f: {  	_ =	shalt  }
0x50: {  	_ =	shalt  }
0x51: {  	_ =	shalt  }
0x52: {  	_ =	shalt  }
0x53: {  	_ =	shalt  }
0x54: {  	_ =	shalt  }
0x55: {  	_ =	shalt  }
0x56: {  	_ =	shalt  }
0x57: {  	_ =	shalt  }
0x58: {  	_ =	shalt  }
0x59: {  	_ =	shalt  }
0x5a: {  	_ =	shalt  }
0x5b: {  	_ =	shalt  }
0x5c: {  	_ =	shalt  }
0x5d: {  	_ =	shalt  }
0x5e: {  	_ =	shalt  }
0x5f: {  	_ =	shalt  }
0x60: {  	_ =	shalt  }
0x61: {  	_ =	shalt  }
0x62: {  	_ =	shalt  }
0x63: {  	_ =	shalt  }
0x64: {  	_ =	shalt  }
0x65: {  	_ =	shalt  }
0x66: {  	_ =	shalt  }
0x67: {  	_ =	shalt  }
0x68: {  	_ =	shalt  }
0x69: {  	_ =	shalt  }
0x6a: {  	_ =	shalt  }
0x6b: {  	_ =	shalt  }
0x6c: {  	_ =	shalt  }
0x6d: {  	_ =	shalt  }
0x6e: {  	_ =	shalt  }
0x6f: {  	_ =	shalt  }
0x70: {  	_ =	shalt  }
0x71: {  	_ =	shalt  }
0x72: {  	_ =	shalt  }
0x73: {  	_ =	shalt  }
0x74: {  	_ =	shalt  }
0x75: {  	_ =	shalt  }
0x76: {  	_ =	shalt  }
0x77: {  	_ =	shalt  }
0x78: {  	_ =	shalt  }
0x79: {  	_ =	shalt  }
0x7a: {  	_ =	shalt  }
0x7b: {  	_ =	shalt  }
0x7c: {  	_ =	shalt  }
0x7d: {  	_ =	shalt  }
0x7e: {  	_ =	shalt  }
0x7f: {  	_ =	shalt  }
0x80: {  	_ =	shalt  }
0x81: {  	_ =	shalt  }
0x82: {  	_ =	shalt  }
0x83: {  	_ =	shalt  }
0x84: {  	_ =	shalt  }
0x85: {  	_ =	shalt  }
0x86: {  	_ =	shalt  }
0x87: {  	_ =	shalt  }
.Lfunc_end0:
.L_simem_size_0:
called_computation.1_lowered:
.L_overlay_start_0:
0x88: {  	s2 =	sld [smem:$0x3FD9]  }
0x89: {  	s3 =	sld [smem:$0x3FFE];
	_ =	sdelay $0x1  }
0x8a: {  	s1 =	srdreg.scid  }
0x8b: {  	s0 =	sand.u32 $0x1, s1  }
0x8c: {  	s16 =	sshll.u32 s0, $0xA;
	s2 =	sadd.s32 s3, s2  }
0x8d: {  	s2 =	sadd.s32 s2, s16  }
0x8e: {  	[smem:$0x3FC0] =	sst s2  }
0x8f: {  	_ = 	snop  }
0x90: {  	(tm) =	ssettm $0x1  }
0x91: {  	s17 =	sld [smem:$0x3FFB];
	_ =	sdelay $0x3  }
0x92: {  	_ =	strace s17  }
0x93: {  	s2 =	sld [smem:$0x3FFC];
	_ =	sdelay $0x3  }
0x94: {  	_ =	strace s2  }
0x95: {  	s2 =	sld [smem:$0x3FFD];
	_ =	sdelay $0x3  }
0x96: {  	_ =	strace s2  }
0x97: {  	_ =	strace $0x8FFFFFFF  }
0x98: {  	s18 =	sld [smem:$0x3FDB];
	_ =	sdelay $0x1  }
0x99: {  	s19 =	simm.s32 $_scs_section_size  }
0x9a: {  	s4 =	simm.s32 $_size__tile_overlayer_lowered;
	s5 =	simm.s32 $_tile_overlayer_lowered  }
0x9b: {  	s22 =	simm.s32 $0x1BFF;
	s21 =	sshll.u32 s5, $0x1;
	s2 =	sadd.s32 s19, s18  }
0x9c: {  	s6 =	simm.s32 $0x0;
	s20 =	sshll.u32 s4, $0x1;
	s4 =	sadd.s32 s21, s2  }
0x9d: {  	[timem:s6], [sflag:s22] =	dma.local [hbm:s4], s20  }
0x9e: {  	_ =	swait.ge [sflag:s22], s20  }
0x9f: {  	s3 =	ssub.s32 $0x0, s20;
	[sflag:s22] =	ssyncset.done $0x0  }
0xa0: {  	[sflag:s22] =	ssyncadd.s32 s3;
	_ =	sdelay $0x1  }
0xa1: {  	s23 =	simm.s32 $0x1B8B  }
0xa2: {  	_ =	swait.ge [sflag:s23], $0x1  }
0xa3: {  	[sflag:s23] =	ssyncset.done $0x0  }
0xa4: {  	s25 =	simm.s32 $0x1B8E;
	s24 =	sld [smem:$0x3FFE];
	[sflag:s23] =	ssyncadd.s32 $0xFFFFFFFF  }
0xa5: {  	s26 =	simm.s32 $execute0_lowered;
	[smem:$0x3FD2] =	sst s25  }
0xa6: {  	s4 =	sshll.u32 s26, $0x1;
	_ =	strace $0x80000049;
	[dreg:$0x1] =	wrdreg $0xFFFFFFFF  }
0xa7: {  	s28 =	simm.s32 $_size_execute0_lowered;
	s2 =	sadd.s32 s2, s4;
	[dreg:$0x0] =	wrdreg $0x0  }
0xa8: {  	s4 =	sshll.u32 s28, $0x1;
	[dreg:$0x2] =	wrdreg s2  }
0xa9: {  	[dreg:$0x3] =	wrdreg s4  }
0xaa: {  	[dreg:$0x4] =	wrdreg $0xC0  }
0xab: {  	_ =	task [dreg:s6], $0x5FFFF  }
0xac: {  	[dreg:$0x1] =	wrdreg $0xFFFFFFFF  }
0xad: {  	[dreg:$0x0] =	wrdreg $0x60  }
0xae: {  	[dreg:$0x2] =	wrdreg s24  }
0xaf: {  	[dreg:$0x3] =	wrdreg $0xA8800  }
0xb0: {  	[dreg:$0x4] =	wrdreg $0x9  }
0xb1: {  	_ =	task.clear_ibuf [dreg:s6], $0x5FFFF;
	_ =	strace $0x90000049  }
0xb2: {  	s29 =	simm.s32 $0x9;
	_ =	strace $0x8000004B  }
0xb3: {  	_ =	swait.ge [sflag:s29], $0x1  }
0xb4: {  	[sflag:s29] =	ssyncadd.s32 $0xFFFFFFFF  }
0xb5: {  	_ =	strace $0x9000004B  }
0xb6: {  	_ =	sfence  }
0xb7: {  	s30 =	sld [smem:$0x0];
	_ =	sdelay $0x2  }
0xb8: {  	s31 =	sshll.u32 s1, $0xD;
	s1 =	sshrl.u32 s1, $0x2  }
0xb9: {  	s3 =	sand.u32 $0x4000, s31;
	s1 =	sadd.s32 s1, s30  }
0xba: {  	s0 =	sor.u32 s3, s0;
	s1 =	sshll.u32 s1, $0x11  }
0xbb: {  	s0 =	sor.u32 s1, s0  }
0xbc: {  	s0 =	sadd.s32 $0x8F2B, s0  }
0xbd: {  	[sflag:s0] =	ssyncadd.remote.s32 $0x1  }
0xbe: {  	_ =	sfence.sel $0xFFFF  }
0xbf: {  	[dreg:$0x0] =	wrdreg $0xFFFFFFFF;
	(pc) =	sbr.abs _section_cstart, $3  }
0xc0: {  	[dreg:$0x1] =	wrdreg $0xFFFFFFFF  }
0xc1: {  	_ =	task.clear_ibuf [dreg:s6], $0x2FFFF;
	_ =	strace $0x9FFFFFFF  }
0xc2: {  	(tm) =	ssettm $0x7FFFFFFF  }
0xc3: {  	_ =	shalt  }
tec
execute0_lowered:
.L_overlay_start_1:
0x0: {  	(tag) =	ssettag $0x1  }
0x1: {  	s0 =	rddreg [dreg:$0x0];
	s1 =	srdreg.scid  }
0x2: {  	s2 =	rddreg [dreg:$0x1];
	s22 =	stileid.u32;
	s3 =	simm.s32 $0x0  }
0x3: {  	s28 =	simm.s32 $0x3;
	s29 =	simm.s32 $0x1;
	s30 =	simm.s32 $0x80  }
0x4: {  	s31 =	simm.s32 $0x6880;
	s1 =	sand.u32 $0x1, s1;
	s6 =	smul.u32 $0x1F400, s22  }
0x5: {  	[smem:$0x7FF] =	sst s3;
	s4 =	sadd.s32 $0x16400, s0;
	s17 =	sadd.s32 $0xC600, s0  }
0x6: {  	s20 =	smul.u32 $0x7D000, s22;
	s13 =	sadd.s32 $0x2800, s0;
	p0 =	sgt.u32 s22, $0x9  }
0x7: {  	s5 =	smul.u32 $0x138800, s1;
	_ =	strace $0x8000004A;
	s21 =	ssub.s32 $0x2, s1  }
0x8: {  	s8 =	sshll.u32 s1, $0x4;
	s1 =	smul.u32 $0x4E0, s1;
	s7 =	sshrl.u32 s21, $0x1  }
0x9: {  	s25 =	sor.u32 s22, s8;
	s5 =	sadd.s32 s6, s5;
	s6 =	sshrl.u32 s20, $0x2  }
0xa: {  	s19 =	ssub.s32 s21, s7;
	s16 =	smul.u32 $0x4E0, s25;
	s20 =	sshll.u32 s22, $0x4  }
0xb: {  	s21 =	smul.u32 $0x4E, s22;
	p1 =	sgt.u32 s25, $0x3;
	s22 =	simm.s32 $0x4  }
0xc: {  	p2 =	slt.u32 s25, $0x4;
	s25 =	simm.s32 $0x2880;
	s5 =	sshrl.u32 s5, $0x3  }
0xd: {  	s14 =	sadd.s32 s20, s13;
	s26 =	sadd.s32 s20, s17;
	s18 =	sadd.s32 s5, s0  }
0xe: {  	s5 =	sadd.s32 s6, s2;
	s13 =	sadd.s32 s13, s16;
	s14 =	sadd.s32 $0x9C00, s14  }
0xf: {  	s0 =	sadd.s32 $0xC610, s0;
	s15 =	sadd.s32 s17, s16;
	s1 =	sadd.s32 s21, s1  }
0x10: {  	s6 =	sadd.s32 $0x4000, s5;
	s23 =	sadd.s32 $0x8000, s5;
	s8 =	sadd.s32 $0xC000, s5  }
0x11: {  	s9 =	sadd.s32 $0x10000, s5;
	s10 =	sadd.s32 $0x14000, s5;
	s11 =	sadd.s32 $0x18000, s5  }
0x12: {  	s12 =	sadd.s32 $0x1B400, s5;
	s16 =	sadd.s32 s16, s0;
	s24 =	sadd.s32 $0x3D600, s18  }
.Ltmp0:
0x13: {  	s18 =	smax.u32 s19, $0x1;
	[dreg:$0x3] =	wrdreg s6;
	(pc) =	sbr.rel .LBB2_1-.Ltmp0, $4  }
0x14: {  	s1 =	sshll.u32 s1, $0x4;
	s19 =	sadd.s32 $0x9C00, s26;
	[dreg:$0x4] =	wrdreg s23  }
0x15: {  	s26 =	simm.s32 $0x2800;
	[dreg:$0x5] =	wrdreg s24;
	s0 =	sadd.s32 s0, s1  }
0x16: {  	s1 =	sadd.s32 s17, s1;
	s23 =	simm.s32 $0x2780;
	s24 =	simm.s32 $0x2  }
0x17: {  	v0 =	vimm.f32 $0.0e+00;
	s20 =	sadd.s32 $0x20, s0;
	s21 =	sadd.s32 $0x20, s1;
	s1 =	simm.s32 $0x0  }
.LBB2_6:
0x18: {  	_ =	swait.ge [sflag:s29], $0x4000  }
0x19: {  	[sflag:s29] =	ssyncset.done $0x0  }
0x1a: {  	s0 =	simm.s32 $0x2700;
	[sflag:s29] =	ssyncadd.s32 $0xFFFFC000  }
0x1b: {  	[spmem:s2] =	stream.indirect.scatter.add.f32 [tilespmem:s25], [sflag:$0x4], $0x80, s0, s30, $0xb8;
	[tilespmem:$0x1E100] =	vst v63  }
0x1c: {  	_ =	swait.ge [sflag:s22], $0x4000  }
0x1d: {  	[sflag:s22] =	ssyncset.done $0x0  }
0x1e: {  	[sflag:s22] =	ssyncadd.s32 $0xFFFFC000  }
0x1f: {  	[bflag:$0x0] =	sbarrier.arrive $0xFFFF  }
.LBB2_8:
0x20: {  	s0 =	stileid.u32  }
0x21: {  	s0 =	sshll.u32 s0, $0x6  }
0x22: {  	s6 =	sshrl.u32 s5, $0x3;
	s7 =	rddreg [dreg:$0x5];
	s0 =	sor.u32 $0x1C04, s0  }
0x23: {  	[hbm:s7], [sflag:s0] =	dma.local [spmem:s6], $0x3E80  }
0x24: {  	_ =	swait.ge [sflag:s22], $0x3E80  }
0x25: {  	[sflag:s22] =	ssyncset.done $0x0  }
0x26: {  	[sflag:s22] =	ssyncadd.s32 $0xFFFFC180  }
.LBB2_9:
0x27: {  	s1 =	sadd.s32 $0x1, s1  }
0x28: {  	p3 =	sne.s32 s1, s18  }
.Ltmp1:
0x29: {  	_ = 	snop;
	(pc) =	sbr.rel @!p3 .LBB2_10-.Ltmp1, $1  }
0x2a: {  	_ =	sdelay $0x3  }
.LBB2_1:
0x2b: {  	s0 =	simm.s32 $0x0;
	s17 =	simm.s32 $0x200  }
.LBB2_2:
0x2c: {  	p3 =	sne.s32 s17, $0xFE00;
	[tilespmem:s0+$0x28F0] =	vst v0  }
0x2d: {  	[tilespmem:s0+$0x2880] =	vst v0  }
0x2e: {  	[tilespmem:s0+$0x2890] =	vst v0  }
.Ltmp2:
0x2f: {  	[tilespmem:s0+$0x28A0] =	vst v0;
	(pc) =	sbr.rel @p3 .LBB2_2-.Ltmp2, $4  }
0x30: {  	[tilespmem:s0+$0x28B0] =	vst v0  }
0x31: {  	[tilespmem:s0+$0x28C0] =	vst v0  }
0x32: {  	[tilespmem:s0+$0x28D0] =	vst v0  }
0x33: {  	[tilespmem:s0+$0x28E0] =	vst v0;
	s0 =	sshra.s32 s17, $0x2;
	s17 =	sadd.s32 $0x200, s17  }
0x34: {  	[tilespmem:s0+$0x28F0] =	vst v0  }
0x35: {  	[tilespmem:s0+$0x2880] =	vst v0  }
0x36: {  	[tilespmem:s0+$0x2890] =	vst v0  }
0x37: {  	[tilespmem:s0+$0x28A0] =	vst v0  }
0x38: {  	[tilespmem:s0+$0x28B0] =	vst v0  }
0x39: {  	[tilespmem:s0+$0x28C0] =	vst v0  }
0x3a: {  	[tilespmem:s0+$0x28D0] =	vst v0  }
0x3b: {  	[tilespmem:s0+$0x28E0] =	vst v0;
	s0 =	simm.s32 @!p0 $0x2880;
	s17 =	simm.s32 @!p0 $0x4  }
0x3c: {  	[spmem:s5] =	stream.linear.scatter @!p0 [tilespmem:s0], [sflag:$0x4], $0x4000, $0x38;
	[tilespmem:$0x1E100] =	vst v63  }
0x3d: {  	_ =	swait.ge @!p0 [sflag:s17], $0x4000  }
0x3e: {  	[sflag:s17] =	ssyncset.done @!p0 $0x0  }
0x3f: {  	s6 =	rddreg [dreg:$0x3];
	[sflag:s17] =	ssyncadd.s32 @!p0 $0xFFFFC000  }
0x40: {  	[spmem:s6] =	stream.linear.scatter @!p0 [tilespmem:s0], [sflag:$0x4], $0x4000, $0x38;
	[tilespmem:$0x1E100] =	vst v63  }
0x41: {  	_ =	swait.ge @!p0 [sflag:s17], $0x4000  }
0x42: {  	[sflag:s17] =	ssyncset.done @!p0 $0x0  }
0x43: {  	s6 =	rddreg [dreg:$0x4];
	[sflag:s17] =	ssyncadd.s32 @!p0 $0xFFFFC000  }
0x44: {  	[spmem:s6] =	stream.linear.scatter @!p0 [tilespmem:s0], [sflag:$0x4], $0x4000, $0x38;
	[tilespmem:$0x1E100] =	vst v63  }
0x45: {  	_ =	swait.ge @!p0 [sflag:s17], $0x4000  }
0x46: {  	[sflag:s17] =	ssyncset.done @!p0 $0x0  }
0x47: {  	[sflag:s17] =	ssyncadd.s32 @!p0 $0xFFFFC000  }
0x48: {  	[spmem:s8] =	stream.linear.scatter @!p0 [tilespmem:s0], [sflag:$0x4], $0x4000, $0x38;
	[tilespmem:$0x1E100] =	vst v63  }
0x49: {  	_ =	swait.ge @!p0 [sflag:s17], $0x4000  }
0x4a: {  	[sflag:s17] =	ssyncset.done @!p0 $0x0  }
0x4b: {  	[sflag:s17] =	ssyncadd.s32 @!p0 $0xFFFFC000  }
0x4c: {  	[spmem:s9] =	stream.linear.scatter @!p0 [tilespmem:s0], [sflag:$0x4], $0x4000, $0x38;
	[tilespmem:$0x1E100] =	vst v63  }
0x4d: {  	_ =	swait.ge @!p0 [sflag:s17], $0x4000  }
0x4e: {  	[sflag:s17] =	ssyncset.done @!p0 $0x0  }
0x4f: {  	[sflag:s17] =	ssyncadd.s32 @!p0 $0xFFFFC000  }
0x50: {  	[spmem:s10] =	stream.linear.scatter @!p0 [tilespmem:s0], [sflag:$0x4], $0x4000, $0x38;
	[tilespmem:$0x1E100] =	vst v63  }
0x51: {  	_ =	swait.ge @!p0 [sflag:s17], $0x4000  }
0x52: {  	[sflag:s17] =	ssyncset.done @!p0 $0x0  }
0x53: {  	[sflag:s17] =	ssyncadd.s32 @!p0 $0xFFFFC000  }
0x54: {  	[spmem:s11] =	stream.linear.scatter @!p0 [tilespmem:s0], [sflag:$0x4], $0x4000, $0x38;
	[tilespmem:$0x1E100] =	vst v63  }
0x55: {  	_ =	swait.ge @!p0 [sflag:s17], $0x4000  }
0x56: {  	[sflag:s17] =	ssyncset.done @!p0 $0x0  }
0x57: {  	[sflag:s17] =	ssyncadd.s32 @!p0 $0xFFFFC000  }
0x58: {  	[spmem:s12] =	stream.linear.scatter @!p0 [tilespmem:s0], [sflag:$0x4], $0x4000, $0x38;
	[tilespmem:$0x1E100] =	vst v63  }
0x59: {  	_ =	swait.ge @!p0 [sflag:s17], $0x4000  }
0x5a: {  	[sflag:s17] =	ssyncset.done @!p0 $0x0  }
0x5b: {  	[sflag:s17] =	ssyncadd.s32 @!p0 $0xFFFFC000  }
0x5c: {  	[tilespmem:s3], [sflag:$0x4] =	stream.linear.gather [hbm4b:s13+s3], $0x2700, $0x38;
	[tilespmem:$0x1E100] =	vst v63  }
0x5d: {  	_ =	swait.ge [sflag:s22], $0x2700  }
0x5e: {  	[sflag:s22] =	ssyncset.done $0x0  }
0x5f: {  	s0 =	simm.s32 @!p1 $0x0;
	s17 =	simm.s32 @!p1 $0x2700;
	[sflag:s22] =	ssyncadd.s32 $0xFFFFD900  }
0x60: {  	[tilespmem:s17], [sflag:$0x4] =	stream.linear.gather @!p1 [hbm4b:s14+s0], $0x80, $0x38;
	[tilespmem:$0x1E100] =	vst v63  }
0x61: {  	s0 =	simm.s32 @!p1 $0x4  }
0x62: {  	_ =	swait.ge @!p1 [sflag:s0], $0x80  }
0x63: {  	[sflag:s0] =	ssyncset.done @!p1 $0x0  }
0x64: {  	[sflag:s0] =	ssyncadd.s32 @!p1 $0xFFFFFF80  }
0x65: {  	s6 =	simm.s32 $0x0;
	[bflag:$0x0] =	sbarrier.arrive $0xFFFF  }
0x66: {  	[tilespmem:s23], [sflag:$0x2] =	stream.linear.gather [hbm4b:s15+s6], $0x80, $0x38;
	[tilespmem:$0x1E100] =	vst v63  }
0x67: {  	_ =	swait.ge [sflag:s24], $0x80  }
0x68: {  	[sflag:s24] =	ssyncset.done $0x0  }
0x69: {  	s0 =	simm.s32 $0x80;
	[sflag:s24] =	ssyncadd.s32 $0xFFFFFF80  }
0x6a: {  	[tilespmem:s25], [sflag:$0x1] =	stream.indirect.gather [hbm4b:s4+s0], $0x80, s23, s0, $0xb8;
	[tilespmem:$0x1E100] =	vst v63  }
0x6b: {  	_ = 	snop  }
0x6c: {  	[tilespmem:s26], [sflag:$0x3] =	stream.linear.gather [hbm4b:s16+s6], $0x80, $0x38;
	[tilespmem:$0x1E100] =	vst v63  }
0x6d: {  	_ =	swait.ge [sflag:s28], $0x80  }
0x6e: {  	[sflag:s28] =	ssyncset.done $0x0  }
0x6f: {  	[sflag:s28] =	ssyncadd.s32 $0xFFFFFF80  }
0x70: {  	_ =	swait.ge [sflag:s29], $0x4000  }
0x71: {  	[sflag:s29] =	ssyncset.done $0x0  }
0x72: {  	[sflag:s29] =	ssyncadd.s32 $0xFFFFC000  }
0x73: {  	[tilespmem:s31], [sflag:$0x1] =	stream.indirect.gather [hbm4b:s4+s30], $0x80, s26, s30, $0xb8;
	[tilespmem:$0x1E100] =	vst v63  }
0x74: {  	s7 =	sadd.s32 $0x0, s21  }
0x75: {  	[tilespmem:s23], [sflag:$0x2] =	stream.linear.gather [hbm4b:s7+s3], $0x80, $0x38;
	[tilespmem:$0x1E100] =	vst v63  }
0x76: {  	s6 =	simm.s32 $0x0  }
0x77: {  	[spmem:s2] =	stream.indirect.scatter.add.f32 [tilespmem:s25], [sflag:$0x4], $0x80, s6, s30, $0xb8;
	[tilespmem:$0x1E100] =	vst v63  }
0x78: {  	_ =	swait.ge [sflag:s22], $0x4000  }
0x79: {  	[sflag:s22] =	ssyncset.done $0x0  }
0x7a: {  	[sflag:s22] =	ssyncadd.s32 $0xFFFFC000  }
0x7b: {  	_ =	swait.ge [sflag:s29], $0x4000  }
0x7c: {  	[sflag:s29] =	ssyncset.done $0x0  }
0x7d: {  	[sflag:s29] =	ssyncadd.s32 $0xFFFFC000  }
0x7e: {  	_ =	swait.ge [sflag:s24], $0x80  }
0x7f: {  	[sflag:s24] =	ssyncset.done $0x0  }
0x80: {  	[sflag:s24] =	ssyncadd.s32 $0xFFFFFF80  }
0x81: {  	[tilespmem:s25], [sflag:$0x1] =	stream.indirect.gather [hbm4b:s4+s30], $0x80, s23, s30, $0xb8;
	[tilespmem:$0x1E100] =	vst v63  }
0x82: {  	s7 =	sadd.s32 $0x0, s20  }
0x83: {  	[tilespmem:s26], [sflag:$0x3] =	stream.linear.gather [hbm4b:s7+s3], $0x80, $0x38;
	[tilespmem:$0x1E100] =	vst v63  }
0x84: {  	_ = 	snop  }
0x85: {  	[spmem:s2] =	stream.indirect.scatter.add.f32 [tilespmem:s31], [sflag:$0x4], $0x80, s0, s30, $0xb8;
	[tilespmem:$0x1E100] =	vst v63  }
0x86: {  	_ =	swait.ge [sflag:s22], $0x4000  }
0x87: {  	[sflag:s22] =	ssyncset.done $0x0  }
0x88: {  	[sflag:s22] =	ssyncadd.s32 $0xFFFFC000  }
0x89: {  	_ =	swait.ge [sflag:s28], $0x80  }
0x8a: {  	s17 =	simm.s32 $0x20;
	[sflag:s28] =	ssyncset.done $0x0  }
.LBB2_4:
0x8b: {  	p3 =	sne.s32 s17, $0x4A0;
	[sflag:s28] =	ssyncadd.s32 $0xFFFFFF80;
	s0 =	sadd.s32 $0x100, s0  }
0x8c: {  	s6 =	smov.u32 s17;
	s17 =	sadd.s32 $0x20, s17;
	_ =	swait.ge [sflag:s29], $0x4000  }
0x8d: {  	[sflag:s29] =	ssyncset.done $0x0  }
0x8e: {  	[sflag:s29] =	ssyncadd.s32 $0xFFFFC000  }
0x8f: {  	[tilespmem:s31], [sflag:$0x1] =	stream.indirect.gather [hbm4b:s4+s30], $0x80, s26, s30, $0xb8;
	[tilespmem:$0x1E100] =	vst v63  }
0x90: {  	s7 =	sadd.s32 s6, s21  }
0x91: {  	[tilespmem:s23], [sflag:$0x2] =	stream.linear.gather [hbm4b:s7+s3], $0x80, $0x38;
	[tilespmem:$0x1E100] =	vst v63  }
0x92: {  	s7 =	sadd.s32 $0xFFFFFF80, s0  }
0x93: {  	[spmem:s2] =	stream.indirect.scatter.add.f32 [tilespmem:s25], [sflag:$0x4], $0x80, s7, s30, $0xb8;
	[tilespmem:$0x1E100] =	vst v63  }
0x94: {  	_ =	swait.ge [sflag:s22], $0x4000  }
0x95: {  	[sflag:s22] =	ssyncset.done $0x0  }
0x96: {  	[sflag:s22] =	ssyncadd.s32 $0xFFFFC000  }
0x97: {  	_ =	swait.ge [sflag:s29], $0x4000  }
0x98: {  	[sflag:s29] =	ssyncset.done $0x0  }
0x99: {  	[sflag:s29] =	ssyncadd.s32 $0xFFFFC000  }
0x9a: {  	_ =	swait.ge [sflag:s24], $0x80  }
0x9b: {  	[sflag:s24] =	ssyncset.done $0x0  }
0x9c: {  	[sflag:s24] =	ssyncadd.s32 $0xFFFFFF80  }
0x9d: {  	[tilespmem:s25], [sflag:$0x1] =	stream.indirect.gather [hbm4b:s4+s30], $0x80, s23, s30, $0xb8;
	[tilespmem:$0x1E100] =	vst v63  }
0x9e: {  	s6 =	sadd.s32 s6, s20  }
0x9f: {  	[tilespmem:s26], [sflag:$0x3] =	stream.linear.gather [hbm4b:s6+s3], $0x80, $0x38;
	[tilespmem:$0x1E100] =	vst v63  }
0xa0: {  	_ = 	snop  }
0xa1: {  	[spmem:s2] =	stream.indirect.scatter.add.f32 [tilespmem:s31], [sflag:$0x4], $0x80, s0, s30, $0xb8;
	[tilespmem:$0x1E100] =	vst v63  }
.Ltmp3:
0xa2: {  	_ =	swait.ge [sflag:s22], $0x4000;
	(pc) =	sbr.rel @p3 .LBB2_4-.Ltmp3, $4  }
0xa3: {  	[sflag:s22] =	ssyncset.done $0x0  }
0xa4: {  	[sflag:s22] =	ssyncadd.s32 $0xFFFFC000  }
0xa5: {  	_ =	swait.ge [sflag:s28], $0x80  }
0xa6: {  	[sflag:s28] =	ssyncset.done $0x0  }
0xa7: {  	[sflag:s28] =	ssyncadd.s32 $0xFFFFFF80  }
0xa8: {  	_ =	swait.ge [sflag:s29], $0x4000  }
0xa9: {  	[sflag:s29] =	ssyncset.done $0x0  }
0xaa: {  	[sflag:s29] =	ssyncadd.s32 $0xFFFFC000  }
0xab: {  	[tilespmem:s31], [sflag:$0x1] =	stream.indirect.gather [hbm4b:s4+s30], $0x80, s26, s30, $0xb8;
	[tilespmem:$0x1E100] =	vst v63  }
0xac: {  	s0 =	simm.s32 @p2 $0x0;
	s6 =	simm.s32 @p2 $0x2780  }
0xad: {  	[tilespmem:s6], [sflag:$0x2] =	stream.linear.gather @p2 [hbm4b:s19+s0], $0x80, $0x38;
	[tilespmem:$0x1E100] =	vst v63  }
0xae: {  	s7 =	simm.s32 @p2 $0x2600;
	s17 =	simm.s32 @p2 $0x2880;
	s0 =	simm.s32 @p2 $0x80  }
0xaf: {  	[spmem:s2] =	stream.indirect.scatter.add.f32 @p2 [tilespmem:s17], [sflag:$0x4], $0x80, s7, s0, $0xb8;
	[tilespmem:$0x1E100] =	vst v63  }
0xb0: {  	s7 =	simm.s32 @p2 $0x4  }
0xb1: {  	_ =	swait.ge @p2 [sflag:s7], $0x4000  }
0xb2: {  	[sflag:s7] =	ssyncset.done @p2 $0x0  }
0xb3: {  	[sflag:s7] =	ssyncadd.s32 @p2 $0xFFFFC000;
	s7 =	simm.s32 @p2 $0x1  }
0xb4: {  	_ =	swait.ge @p2 [sflag:s7], $0x4000  }
0xb5: {  	[sflag:s7] =	ssyncset.done @p2 $0x0  }
0xb6: {  	[sflag:s7] =	ssyncadd.s32 @p2 $0xFFFFC000;
	s7 =	simm.s32 @p2 $0x2  }
0xb7: {  	_ =	swait.ge @p2 [sflag:s7], $0x80  }
0xb8: {  	[sflag:s7] =	ssyncset.done @p2 $0x0  }
0xb9: {  	[sflag:s7] =	ssyncadd.s32 @p2 $0xFFFFFF80  }
0xba: {  	[tilespmem:s17], [sflag:$0x1] =	stream.indirect.gather @p2 [hbm4b:s4+s0], $0x80, s6, s0, $0xb8;
	[tilespmem:$0x1E100] =	vst v63  }
0xbb: {  	s7 =	simm.s32 @!p2 $0x2880;
	s0 =	simm.s32 @!p2 $0x80;
	s6 =	simm.s32 @!p2 $0x2600  }
0xbc: {  	[spmem:s2] =	stream.indirect.scatter.add.f32 @!p2 [tilespmem:s7], [sflag:$0x4], $0x80, s6, s0, $0xb8;
	[tilespmem:$0x1E100] =	vst v63  }
0xbd: {  	s0 =	simm.s32 @!p2 $0x4  }
0xbe: {  	_ =	swait.ge @!p2 [sflag:s0], $0x4000  }
0xbf: {  	[sflag:s0] =	ssyncset.done @!p2 $0x0  }
0xc0: {  	[sflag:s0] =	ssyncadd.s32 @!p2 $0xFFFFC000;
	s0 =	simm.s32 @!p2 $0x1  }
0xc1: {  	_ =	swait.ge @!p2 [sflag:s0], $0x4000  }
0xc2: {  	[sflag:s0] =	ssyncset.done @!p2 $0x0  }
.Ltmp4:
0xc3: {  	s17 =	simm.s32 $0x2680;
	[sflag:s0] =	ssyncadd.s32 @!p2 $0xFFFFC000;
	(pc) =	sbr.rel @!p1 .LBB2_6-.Ltmp4, $4  }
0xc4: {  	[spmem:s2] =	stream.indirect.scatter.add.f32 [tilespmem:s31], [sflag:$0x4], $0x80, s17, s30, $0xb8;
	[tilespmem:$0x1E100] =	vst v63  }
0xc5: {  	_ =	swait.ge [sflag:s22], $0x4000  }
0xc6: {  	[sflag:s22] =	ssyncset.done $0x0  }
0xc7: {  	[sflag:s22] =	ssyncadd.s32 $0xFFFFC000  }
.Ltmp5:
0xc8: {  	(pc) =	sbr.rel @p0 .LBB2_9-.Ltmp5, $4  }
.Ltmp6:
0xc9: {  	(pc) =	sbr.rel @!p0 .LBB2_8-.Ltmp6, $4  }
0xca: {  	_ = 	snop  }
0xcb: {  	[bflag:$0x0] =	sbarrier.arrive $0xFFFF  }
0xcc: {  	_ = 	snop  }
0xcd: {  	_ = 	snop  }
.LBB2_10:
0xce: {  	_ =	sfence.sel $0x180000  }
0xcf: {  	[bflag:$0x0] =	sbarrier.arrive $0xFFFF  }
0xd0: {  	_ =	strace $0x9000004A  }
0xd1: {  	s0 =	stileid.u32;
	[bflag:$0x2] =	sbarrier.arrive $0xFFFF  }
0xd2: {  	p0 =	sne.s32 s0, $0x0;
	s0 =	rddreg [dreg:$0x2]  }
0xd3: {  	s0 =	sadd.s32 @!p0 $0x100000, s0  }
0xd4: {  	[sflag:s0] =	ssyncadd.tile.s32 @!p0 $0x1;
	_ =	shalt  }
.Lfunc_end2:
_tile_overlayer_lowered:
.L_overlay_start_2:
0xd5: {  	(tag) =	ssettag $0x2  }
0xd6: {  	s0 =	rddreg [dreg:$0x0];
	s2 =	stileid.u32  }
0xd7: {  	s1 =	rddreg [dreg:$0x1];
	p0 =	sne.s32 s2, $0x0  }
0xd8: {  	s3 =	rddreg [dreg:$0x2];
	[bflag:$0x3] =	sbarrier.arrive $0xFFFF;
	s2 =	simm.s32 @!p0 $0x1C04  }
0xd9: {  	[timem:s3], [sflag:s2] =	dma.local @!p0 [hbm:s0], s1  }
0xda: {  	s0 =	simm.s32 @!p0 $0x4  }
0xdb: {  	_ =	swait.ge @!p0 [sflag:s0], s1  }
0xdc: {  	s1 =	ssub.s32 @!p0 $0x0, s1;
	[sflag:s0] =	ssyncset.done @!p0 $0x0  }
0xdd: {  	[sflag:s0] =	ssyncadd.s32 @!p0 s1  }
0xde: {  	[bflag:$0x3] =	sbarrier.arrive $0xFFFF  }
0xdf: {  	_ =	shalt  }

// kernel: kernel.14.cloned.1.call-start
scs
__scs_entry_jumppad:
0x0: {  	(pc) =	sbr.rel $0x88, $3  }
0x1: {  	(tag) =	ssettag $0x0;
	lr =	simm.s32 $0x1  }
0x2: {  	[smem:$0x3F99] =	sst lr;
	_ =	strace $0xD0000000  }
0x3: {  	_ = 	snop  }
0x4: {  	_ = 	snop  }
0x5: {  	_ = 	snop  }
0x6: {  	_ = 	snop  }
0x7: {  	_ = 	snop  }
__scs_overlays_trampoline_lowered:
0x8: {  	[smem:$0x3FA8] =	sst s0  }
0x9: {  	[smem:$0x3FA9] =	sst s1  }
0xa: {  	[smem:$0x3FAA] =	sst s2  }
0xb: {  	[smem:$0x3FAB] =	sst s3  }
0xc: {  	[smem:$0x3FAC] =	sst s4  }
0xd: {  	[smem:$0x3FAD] =	sst s5  }
0xe: {  	[smem:$0x3FAE] =	sst s6  }
0xf: {  	[smem:$0x3FAF] =	sst s7  }
0x10: {  	[smem:$0x3FB0] =	sst s8  }
0x11: {  	[smem:$0x3FB1] =	sst s9;
	s0 =	simm.s32 @!p0 $0x0  }
0x12: {  	s1 =	sld [smem:$0x3F97];
	s0 =	simm.s32 @p0 $0x1  }
0x13: {  	[smem:$0x3FB2] =	sst s0;
	s0 =	simm.s32 @!p1 $0x0  }
0x14: {  	s2 =	sld [smem:$0x3F96];
	s0 =	simm.s32 @p1 $0x1  }
0x15: {  	[smem:$0x3FB3] =	sst s0;
	s0 =	simm.s32 @!p2 $0x0  }
0x16: {  	s3 =	sld [smem:$0x3FDB];
	s0 =	simm.s32 @p2 $0x1  }
0x17: {  	s4 =	simm.s32 $0x1BF5;
	[smem:$0x3FB5] =	sst s0  }
0x18: {  	s0 =	sld [smem:$0x3F98];
	_ =	swait.ge [sflag:s4], $0x0  }
0x19: {  	s7 =	sld [smem:$0x3F99]  }
0x1a: {  	s8 =	sadd.s32 $0xFFFFE003, lr  }
0x1b: {  	s9 =	sadd.s32 $0xFFFFFEF7, lr;
	s5 =	simm.s32 $0xFFFFFFFF;
	p2 =	slt.u32 s8, $0xFFFFF086  }
0x1c: {  	p1 =	slt.u32 s9, $0xF7A;
	s5 =	simm.s32 @!p2 $0x0  }
0x1d: {  	s5 =	simm.s32 @p1 $0x1;
	p0 =	seq.s32 s7, s2  }
0x1e: {  	s7 =	smul.u32 @!p0 $0xF7A, s2;
	p2 =	seq.s32 @!p0 s5, $0x0  }
0x1f: {  	s9 =	smul.u32 $0xF7A, s1;
	s8 =	simm.s32 @!p0 $0x1BF5;
	p2 =	por !p2, p0  }
0x20: {  	[sflag:s8] =	ssyncset.s32 @!p0 $0xFFFFF086;
	s6 =	sadd.s32 @!p0 s3, s7;
	s7 =	simm.s32 @!p0 $0x108  }
0x21: {  	s3 =	sadd.s32 s3, s9;
	s6 =	sadd.s32 @!p0 $0x88, s6;
	s7 =	simm.s32 @p2 $0x1082  }
0x22: {  	[simem:s7], [sflag:s8] =	dma.local @!p0 [hbm:s6], $0xF7A  }
0x23: {  	s9 =	sor.u32 $0xD0000000, s2;
	s6 =	simm.s32 $0x108;
	_ =	swait.ge @!p0 [sflag:s8], $0x0  }
0x24: {  	s3 =	sadd.s32 $0x88, s3;
	s6 =	simm.s32 @!p1 $0x1082;
	[sflag:s4] =	ssyncset.s32 $0xFFFFF086  }
0x25: {  	[simem:s6], [sflag:s4] =	dma.local [hbm:s3], $0xF7A  }
0x26: {  	[smem:$0x3F99] =	sst s1;
	(tag) =	ssettag s2;
	_ =	strace s9  }
0x27: {  	s1 =	sld [smem:$0x3FA9]  }
0x28: {  	s2 =	sld [smem:$0x3FAA]  }
0x29: {  	s4 =	sld [smem:$0x3FAC]  }
0x2a: {  	p0 =	seq.s32 s5, $0x0;
	s5 =	sld [smem:$0x3FAD]  }
0x2b: {  	s6 =	sld [smem:$0x3FAE]  }
0x2c: {  	s7 =	sld [smem:$0x3FAF]  }
0x2d: {  	s3 =	simm.s32 $0x108;
	s8 =	sld [smem:$0x3FB0]  }
0x2e: {  	s3 =	simm.s32 @!p0 $0x1082;
	s9 =	sld [smem:$0x3FB1]  }
0x2f: {  	lr =	sadd.s32 s0, s3;
	s0 =	sld [smem:$0x3FA8]  }
0x30: {  	s3 =	sld [smem:$0x3FAB]  }
0x31: {  	[smem:$0x3FB4] =	sst s10  }
0x32: {  	s10 =	sld [smem:$0x3FB2];
	_ =	sdelay $0x3  }
0x33: {  	p0 =	seq.s32 s10, $0x1;
	s10 =	sld [smem:$0x3FB4];
	_ =	sdelay $0x3  }
0x34: {  	[smem:$0x3FB4] =	sst s10  }
0x35: {  	s10 =	sld [smem:$0x3FB3];
	_ =	sdelay $0x3  }
0x36: {  	p1 =	seq.s32 s10, $0x1;
	s10 =	sld [smem:$0x3FB4];
	_ =	sdelay $0x3  }
0x37: {  	[smem:$0x3FB4] =	sst s10  }
0x38: {  	s10 =	sld [smem:$0x3FB5]  }
0x39: {  	_ = 	snop;
	(pc) =	sbr.ind lr, $3  }
0x3a: {  	_ = 	snop  }
0x3b: {  	_ = 	snop  }
0x3c: {  	p2 =	seq.s32 s10, $0x1;
	s10 =	sld [smem:$0x3FB4]  }
0x3d: {  	_ =	shalt  }
0x3e: {  	_ =	shalt  }
0x3f: {  	_ =	shalt  }
0x40: {  	_ =	shalt  }
0x41: {  	_ =	shalt  }
0x42: {  	_ =	shalt  }
0x43: {  	_ =	shalt  }
0x44: {  	_ =	shalt  }
0x45: {  	_ =	shalt  }
0x46: {  	_ =	shalt  }
0x47: {  	_ =	shalt  }
0x48: {  	_ =	shalt  }
0x49: {  	_ =	shalt  }
0x4a: {  	_ =	shalt  }
0x4b: {  	_ =	shalt  }
0x4c: {  	_ =	shalt  }
0x4d: {  	_ =	shalt  }
0x4e: {  	_ =	shalt  }
0x4f: {  	_ =	shalt  }
0x50: {  	_ =	shalt  }
0x51: {  	_ =	shalt  }
0x52: {  	_ =	shalt  }
0x53: {  	_ =	shalt  }
0x54: {  	_ =	shalt  }
0x55: {  	_ =	shalt  }
0x56: {  	_ =	shalt  }
0x57: {  	_ =	shalt  }
0x58: {  	_ =	shalt  }
0x59: {  	_ =	shalt  }
0x5a: {  	_ =	shalt  }
0x5b: {  	_ =	shalt  }
0x5c: {  	_ =	shalt  }
0x5d: {  	_ =	shalt  }
0x5e: {  	_ =	shalt  }
0x5f: {  	_ =	shalt  }
0x60: {  	_ =	shalt  }
0x61: {  	_ =	shalt  }
0x62: {  	_ =	shalt  }
0x63: {  	_ =	shalt  }
0x64: {  	_ =	shalt  }
0x65: {  	_ =	shalt  }
0x66: {  	_ =	shalt  }
0x67: {  	_ =	shalt  }
0x68: {  	_ =	shalt  }
0x69: {  	_ =	shalt  }
0x6a: {  	_ =	shalt  }
0x6b: {  	_ =	shalt  }
0x6c: {  	_ =	shalt  }
0x6d: {  	_ =	shalt  }
0x6e: {  	_ =	shalt  }
0x6f: {  	_ =	shalt  }
0x70: {  	_ =	shalt  }
0x71: {  	_ =	shalt  }
0x72: {  	_ =	shalt  }
0x73: {  	_ =	shalt  }
0x74: {  	_ =	shalt  }
0x75: {  	_ =	shalt  }
0x76: {  	_ =	shalt  }
0x77: {  	_ =	shalt  }
0x78: {  	_ =	shalt  }
0x79: {  	_ =	shalt  }
0x7a: {  	_ =	shalt  }
0x7b: {  	_ =	shalt  }
0x7c: {  	_ =	shalt  }
0x7d: {  	_ =	shalt  }
0x7e: {  	_ =	shalt  }
0x7f: {  	_ =	shalt  }
0x80: {  	_ =	shalt  }
0x81: {  	_ =	shalt  }
0x82: {  	_ =	shalt  }
0x83: {  	_ =	shalt  }
0x84: {  	_ =	shalt  }
0x85: {  	_ =	shalt  }
0x86: {  	_ =	shalt  }
0x87: {  	_ =	shalt  }
.Lfunc_end0:
.L_simem_size_0:
called_computation.2_lowered:
.L_overlay_start_0:
0x88: {  	s2 =	sld [smem:$0x3FD9]  }
0x89: {  	s3 =	sld [smem:$0x3FFE];
	_ =	sdelay $0x1  }
0x8a: {  	s1 =	srdreg.scid  }
0x8b: {  	s0 =	sand.u32 $0x1, s1  }
0x8c: {  	s16 =	sshll.u32 s0, $0xA;
	s2 =	sadd.s32 s3, s2  }
0x8d: {  	s2 =	sadd.s32 s2, s16  }
0x8e: {  	[smem:$0x3FC0] =	sst s2  }
0x8f: {  	_ = 	snop  }
0x90: {  	(tm) =	ssettm $0x1  }
0x91: {  	s17 =	sld [smem:$0x3FFB];
	_ =	sdelay $0x3  }
0x92: {  	_ =	strace s17  }
0x93: {  	s2 =	sld [smem:$0x3FFC];
	_ =	sdelay $0x3  }
0x94: {  	_ =	strace s2  }
0x95: {  	s2 =	sld [smem:$0x3FFD];
	_ =	sdelay $0x3  }
0x96: {  	_ =	strace s2  }
0x97: {  	_ =	strace $0x8FFFFFFF  }
0x98: {  	s18 =	sld [smem:$0x3FDB];
	_ =	sdelay $0x1  }
0x99: {  	s19 =	simm.s32 $_scs_section_size  }
0x9a: {  	s4 =	simm.s32 $_size__tile_overlayer_lowered;
	s5 =	simm.s32 $_tile_overlayer_lowered  }
0x9b: {  	s22 =	simm.s32 $0x1BFF;
	s21 =	sshll.u32 s5, $0x1;
	s2 =	sadd.s32 s19, s18  }
0x9c: {  	s6 =	simm.s32 $0x0;
	s20 =	sshll.u32 s4, $0x1;
	s4 =	sadd.s32 s21, s2  }
0x9d: {  	[timem:s6], [sflag:s22] =	dma.local [hbm:s4], s20  }
0x9e: {  	_ =	swait.ge [sflag:s22], s20  }
0x9f: {  	s3 =	ssub.s32 $0x0, s20;
	[sflag:s22] =	ssyncset.done $0x0  }
0xa0: {  	[sflag:s22] =	ssyncadd.s32 s3;
	_ =	sdelay $0x1  }
0xa1: {  	s23 =	simm.s32 $0x1B8B  }
0xa2: {  	_ =	swait.ge [sflag:s23], $0x1  }
0xa3: {  	[sflag:s23] =	ssyncset.done $0x0  }
0xa4: {  	s25 =	simm.s32 $0x1B8E;
	s24 =	sld [smem:$0x3FFE];
	[sflag:s23] =	ssyncadd.s32 $0xFFFFFFFF  }
0xa5: {  	s26 =	simm.s32 $execute0_lowered;
	[smem:$0x3FD2] =	sst s25  }
0xa6: {  	s4 =	sshll.u32 s26, $0x1;
	_ =	strace $0x8000004C;
	[dreg:$0x1] =	wrdreg $0xFFFFFFFF  }
0xa7: {  	s28 =	simm.s32 $_size_execute0_lowered;
	s2 =	sadd.s32 s2, s4;
	[dreg:$0x0] =	wrdreg $0x0  }
0xa8: {  	s4 =	sshll.u32 s28, $0x1;
	[dreg:$0x2] =	wrdreg s2  }
0xa9: {  	[dreg:$0x3] =	wrdreg s4  }
0xaa: {  	[dreg:$0x4] =	wrdreg $0xC0  }
0xab: {  	_ =	task [dreg:s6], $0x5FFFF  }
0xac: {  	[dreg:$0x1] =	wrdreg $0xFFFFFFFF  }
0xad: {  	[dreg:$0x0] =	wrdreg $0x60  }
0xae: {  	[dreg:$0x2] =	wrdreg s24  }
0xaf: {  	[dreg:$0x3] =	wrdreg $0xA8800  }
0xb0: {  	[dreg:$0x4] =	wrdreg $0x9  }
0xb1: {  	_ =	task.clear_ibuf [dreg:s6], $0x5FFFF;
	_ =	strace $0x9000004C  }
0xb2: {  	s29 =	simm.s32 $0x9;
	_ =	strace $0x8000004E  }
0xb3: {  	_ =	swait.ge [sflag:s29], $0x1  }
0xb4: {  	[sflag:s29] =	ssyncadd.s32 $0xFFFFFFFF  }
0xb5: {  	_ =	strace $0x9000004E  }
0xb6: {  	_ =	sfence  }
0xb7: {  	s30 =	sld [smem:$0x0];
	_ =	sdelay $0x2  }
0xb8: {  	s31 =	sshll.u32 s1, $0xD;
	s1 =	sshrl.u32 s1, $0x2  }
0xb9: {  	s3 =	sand.u32 $0x4000, s31;
	s1 =	sadd.s32 s1, s30  }
0xba: {  	s0 =	sor.u32 s3, s0;
	s1 =	sshll.u32 s1, $0x11  }
0xbb: {  	s0 =	sor.u32 s1, s0  }
0xbc: {  	s0 =	sadd.s32 $0x8F2B, s0  }
0xbd: {  	[sflag:s0] =	ssyncadd.remote.s32 $0x1  }
0xbe: {  	_ =	sfence.sel $0xFFFF  }
0xbf: {  	[dreg:$0x0] =	wrdreg $0xFFFFFFFF;
	(pc) =	sbr.abs _section_cstart, $3  }
0xc0: {  	[dreg:$0x1] =	wrdreg $0xFFFFFFFF  }
0xc1: {  	_ =	task.clear_ibuf [dreg:s6], $0x2FFFF;
	_ =	strace $0x9FFFFFFF  }
0xc2: {  	(tm) =	ssettm $0x7FFFFFFF  }
0xc3: {  	_ =	shalt  }
tec
execute0_lowered:
.L_overlay_start_1:
0x0: {  	(tag) =	ssettag $0x1  }
0x1: {  	s0 =	rddreg [dreg:$0x0];
	s1 =	srdreg.scid  }
0x2: {  	s2 =	rddreg [dreg:$0x1];
	s22 =	stileid.u32;
	s3 =	simm.s32 $0x0  }
0x3: {  	s28 =	simm.s32 $0x3;
	s29 =	simm.s32 $0x1;
	s30 =	simm.s32 $0x80  }
0x4: {  	s31 =	simm.s32 $0x6880;
	s1 =	sand.u32 $0x1, s1;
	s6 =	smul.u32 $0x1F400, s22  }
0x5: {  	[smem:$0x7FF] =	sst s3;
	s4 =	sadd.s32 $0x16400, s0;
	s17 =	sadd.s32 $0xC600, s0  }
0x6: {  	s20 =	smul.u32 $0x7D000, s22;
	s13 =	sadd.s32 $0x2800, s0;
	p0 =	sgt.u32 s22, $0x9  }
0x7: {  	s5 =	smul.u32 $0x138800, s1;
	_ =	strace $0x8000004D;
	s21 =	ssub.s32 $0x2, s1  }
0x8: {  	s8 =	sshll.u32 s1, $0x4;
	s1 =	smul.u32 $0x4E0, s1;
	s7 =	sshrl.u32 s21, $0x1  }
0x9: {  	s25 =	sor.u32 s22, s8;
	s5 =	sadd.s32 s6, s5;
	s6 =	sshrl.u32 s20, $0x2  }
0xa: {  	s19 =	ssub.s32 s21, s7;
	s16 =	smul.u32 $0x4E0, s25;
	s20 =	sshll.u32 s22, $0x4  }
0xb: {  	s21 =	smul.u32 $0x4E, s22;
	p1 =	sgt.u32 s25, $0x3;
	s22 =	simm.s32 $0x4  }
0xc: {  	p2 =	slt.u32 s25, $0x4;
	s25 =	simm.s32 $0x2880;
	s5 =	sshrl.u32 s5, $0x3  }
0xd: {  	s14 =	sadd.s32 s20, s13;
	s26 =	sadd.s32 s20, s17;
	s18 =	sadd.s32 s5, s0  }
0xe: {  	s5 =	sadd.s32 s6, s2;
	s13 =	sadd.s32 s13, s16;
	s14 =	sadd.s32 $0x9C00, s14  }
0xf: {  	s0 =	sadd.s32 $0xC610, s0;
	s15 =	sadd.s32 s17, s16;
	s1 =	sadd.s32 s21, s1  }
0x10: {  	s6 =	sadd.s32 $0x4000, s5;
	s23 =	sadd.s32 $0x8000, s5;
	s8 =	sadd.s32 $0xC000, s5  }
0x11: {  	s9 =	sadd.s32 $0x10000, s5;
	s10 =	sadd.s32 $0x14000, s5;
	s11 =	sadd.s32 $0x18000, s5  }
0x12: {  	s12 =	sadd.s32 $0x1B400, s5;
	s16 =	sadd.s32 s16, s0;
	s24 =	sadd.s32 $0x3D600, s18  }
.Ltmp0:
0x13: {  	s18 =	smax.u32 s19, $0x1;
	[dreg:$0x3] =	wrdreg s6;
	(pc) =	sbr.rel .LBB2_1-.Ltmp0, $4  }
0x14: {  	s1 =	sshll.u32 s1, $0x4;
	s19 =	sadd.s32 $0x9C00, s26;
	[dreg:$0x4] =	wrdreg s23  }
0x15: {  	s26 =	simm.s32 $0x2800;
	[dreg:$0x5] =	wrdreg s24;
	s0 =	sadd.s32 s0, s1  }
0x16: {  	s1 =	sadd.s32 s17, s1;
	s23 =	simm.s32 $0x2780;
	s24 =	simm.s32 $0x2  }
0x17: {  	v0 =	vimm.f32 $0.0e+00;
	s20 =	sadd.s32 $0x20, s0;
	s21 =	sadd.s32 $0x20, s1;
	s1 =	simm.s32 $0x0  }
.LBB2_6:
0x18: {  	_ =	swait.ge [sflag:s29], $0x4000  }
0x19: {  	[sflag:s29] =	ssyncset.done $0x0  }
0x1a: {  	s0 =	simm.s32 $0x2700;
	[sflag:s29] =	ssyncadd.s32 $0xFFFFC000  }
0x1b: {  	[spmem:s2] =	stream.indirect.scatter.add.f32 [tilespmem:s25], [sflag:$0x4], $0x80, s0, s30, $0xb8;
	[tilespmem:$0x1E100] =	vst v63  }
0x1c: {  	_ =	swait.ge [sflag:s22], $0x4000  }
0x1d: {  	[sflag:s22] =	ssyncset.done $0x0  }
0x1e: {  	[sflag:s22] =	ssyncadd.s32 $0xFFFFC000  }
0x1f: {  	[bflag:$0x0] =	sbarrier.arrive $0xFFFF  }
.LBB2_8:
0x20: {  	s0 =	stileid.u32  }
0x21: {  	s0 =	sshll.u32 s0, $0x6  }
0x22: {  	s6 =	sshrl.u32 s5, $0x3;
	s7 =	rddreg [dreg:$0x5];
	s0 =	sor.u32 $0x1C04, s0  }
0x23: {  	[hbm:s7], [sflag:s0] =	dma.local [spmem:s6], $0x3E80  }
0x24: {  	_ =	swait.ge [sflag:s22], $0x3E80  }
0x25: {  	[sflag:s22] =	ssyncset.done $0x0  }
0x26: {  	[sflag:s22] =	ssyncadd.s32 $0xFFFFC180  }
.LBB2_9:
0x27: {  	s1 =	sadd.s32 $0x1, s1  }
0x28: {  	p3 =	sne.s32 s1, s18  }
.Ltmp1:
0x29: {  	_ = 	snop;
	(pc) =	sbr.rel @!p3 .LBB2_10-.Ltmp1, $1  }
0x2a: {  	_ =	sdelay $0x3  }
.LBB2_1:
0x2b: {  	s0 =	simm.s32 $0x0;
	s17 =	simm.s32 $0x200  }
.LBB2_2:
0x2c: {  	p3 =	sne.s32 s17, $0xFE00;
	[tilespmem:s0+$0x28F0] =	vst v0  }
0x2d: {  	[tilespmem:s0+$0x2880] =	vst v0  }
0x2e: {  	[tilespmem:s0+$0x2890] =	vst v0  }
.Ltmp2:
0x2f: {  	[tilespmem:s0+$0x28A0] =	vst v0;
	(pc) =	sbr.rel @p3 .LBB2_2-.Ltmp2, $4  }
0x30: {  	[tilespmem:s0+$0x28B0] =	vst v0  }
0x31: {  	[tilespmem:s0+$0x28C0] =	vst v0  }
0x32: {  	[tilespmem:s0+$0x28D0] =	vst v0  }
0x33: {  	[tilespmem:s0+$0x28E0] =	vst v0;
	s0 =	sshra.s32 s17, $0x2;
	s17 =	sadd.s32 $0x200, s17  }
0x34: {  	[tilespmem:s0+$0x28F0] =	vst v0  }
0x35: {  	[tilespmem:s0+$0x2880] =	vst v0  }
0x36: {  	[tilespmem:s0+$0x2890] =	vst v0  }
0x37: {  	[tilespmem:s0+$0x28A0] =	vst v0  }
0x38: {  	[tilespmem:s0+$0x28B0] =	vst v0  }
0x39: {  	[tilespmem:s0+$0x28C0] =	vst v0  }
0x3a: {  	[tilespmem:s0+$0x28D0] =	vst v0  }
0x3b: {  	[tilespmem:s0+$0x28E0] =	vst v0;
	s0 =	simm.s32 @!p0 $0x2880;
	s17 =	simm.s32 @!p0 $0x4  }
0x3c: {  	[spmem:s5] =	stream.linear.scatter @!p0 [tilespmem:s0], [sflag:$0x4], $0x4000, $0x38;
	[tilespmem:$0x1E100] =	vst v63  }
0x3d: {  	_ =	swait.ge @!p0 [sflag:s17], $0x4000  }
0x3e: {  	[sflag:s17] =	ssyncset.done @!p0 $0x0  }
0x3f: {  	s6 =	rddreg [dreg:$0x3];
	[sflag:s17] =	ssyncadd.s32 @!p0 $0xFFFFC000  }
0x40: {  	[spmem:s6] =	stream.linear.scatter @!p0 [tilespmem:s0], [sflag:$0x4], $0x4000, $0x38;
	[tilespmem:$0x1E100] =	vst v63  }
0x41: {  	_ =	swait.ge @!p0 [sflag:s17], $0x4000  }
0x42: {  	[sflag:s17] =	ssyncset.done @!p0 $0x0  }
0x43: {  	s6 =	rddreg [dreg:$0x4];
	[sflag:s17] =	ssyncadd.s32 @!p0 $0xFFFFC000  }
0x44: {  	[spmem:s6] =	stream.linear.scatter @!p0 [tilespmem:s0], [sflag:$0x4], $0x4000, $0x38;
	[tilespmem:$0x1E100] =	vst v63  }
0x45: {  	_ =	swait.ge @!p0 [sflag:s17], $0x4000  }
0x46: {  	[sflag:s17] =	ssyncset.done @!p0 $0x0  }
0x47: {  	[sflag:s17] =	ssyncadd.s32 @!p0 $0xFFFFC000  }
0x48: {  	[spmem:s8] =	stream.linear.scatter @!p0 [tilespmem:s0], [sflag:$0x4], $0x4000, $0x38;
	[tilespmem:$0x1E100] =	vst v63  }
0x49: {  	_ =	swait.ge @!p0 [sflag:s17], $0x4000  }
0x4a: {  	[sflag:s17] =	ssyncset.done @!p0 $0x0  }
0x4b: {  	[sflag:s17] =	ssyncadd.s32 @!p0 $0xFFFFC000  }
0x4c: {  	[spmem:s9] =	stream.linear.scatter @!p0 [tilespmem:s0], [sflag:$0x4], $0x4000, $0x38;
	[tilespmem:$0x1E100] =	vst v63  }
0x4d: {  	_ =	swait.ge @!p0 [sflag:s17], $0x4000  }
0x4e: {  	[sflag:s17] =	ssyncset.done @!p0 $0x0  }
0x4f: {  	[sflag:s17] =	ssyncadd.s32 @!p0 $0xFFFFC000  }
0x50: {  	[spmem:s10] =	stream.linear.scatter @!p0 [tilespmem:s0], [sflag:$0x4], $0x4000, $0x38;
	[tilespmem:$0x1E100] =	vst v63  }
0x51: {  	_ =	swait.ge @!p0 [sflag:s17], $0x4000  }
0x52: {  	[sflag:s17] =	ssyncset.done @!p0 $0x0  }
0x53: {  	[sflag:s17] =	ssyncadd.s32 @!p0 $0xFFFFC000  }
0x54: {  	[spmem:s11] =	stream.linear.scatter @!p0 [tilespmem:s0], [sflag:$0x4], $0x4000, $0x38;
	[tilespmem:$0x1E100] =	vst v63  }
0x55: {  	_ =	swait.ge @!p0 [sflag:s17], $0x4000  }
0x56: {  	[sflag:s17] =	ssyncset.done @!p0 $0x0  }
0x57: {  	[sflag:s17] =	ssyncadd.s32 @!p0 $0xFFFFC000  }
0x58: {  	[spmem:s12] =	stream.linear.scatter @!p0 [tilespmem:s0], [sflag:$0x4], $0x4000, $0x38;
	[tilespmem:$0x1E100] =	vst v63  }
0x59: {  	_ =	swait.ge @!p0 [sflag:s17], $0x4000  }
0x5a: {  	[sflag:s17] =	ssyncset.done @!p0 $0x0  }
0x5b: {  	[sflag:s17] =	ssyncadd.s32 @!p0 $0xFFFFC000  }
0x5c: {  	[tilespmem:s3], [sflag:$0x4] =	stream.linear.gather [hbm4b:s13+s3], $0x2700, $0x38;
	[tilespmem:$0x1E100] =	vst v63  }
0x5d: {  	_ =	swait.ge [sflag:s22], $0x2700  }
0x5e: {  	[sflag:s22] =	ssyncset.done $0x0  }
0x5f: {  	s0 =	simm.s32 @!p1 $0x0;
	s17 =	simm.s32 @!p1 $0x2700;
	[sflag:s22] =	ssyncadd.s32 $0xFFFFD900  }
0x60: {  	[tilespmem:s17], [sflag:$0x4] =	stream.linear.gather @!p1 [hbm4b:s14+s0], $0x80, $0x38;
	[tilespmem:$0x1E100] =	vst v63  }
0x61: {  	s0 =	simm.s32 @!p1 $0x4  }
0x62: {  	_ =	swait.ge @!p1 [sflag:s0], $0x80  }
0x63: {  	[sflag:s0] =	ssyncset.done @!p1 $0x0  }
0x64: {  	[sflag:s0] =	ssyncadd.s32 @!p1 $0xFFFFFF80  }
0x65: {  	s6 =	simm.s32 $0x0;
	[bflag:$0x0] =	sbarrier.arrive $0xFFFF  }
0x66: {  	[tilespmem:s23], [sflag:$0x2] =	stream.linear.gather [hbm4b:s15+s6], $0x80, $0x38;
	[tilespmem:$0x1E100] =	vst v63  }
0x67: {  	_ =	swait.ge [sflag:s24], $0x80  }
0x68: {  	[sflag:s24] =	ssyncset.done $0x0  }
0x69: {  	s0 =	simm.s32 $0x80;
	[sflag:s24] =	ssyncadd.s32 $0xFFFFFF80  }
0x6a: {  	[tilespmem:s25], [sflag:$0x1] =	stream.indirect.gather [hbm4b:s4+s0], $0x80, s23, s0, $0xb8;
	[tilespmem:$0x1E100] =	vst v63  }
0x6b: {  	_ = 	snop  }
0x6c: {  	[tilespmem:s26], [sflag:$0x3] =	stream.linear.gather [hbm4b:s16+s6], $0x80, $0x38;
	[tilespmem:$0x1E100] =	vst v63  }
0x6d: {  	_ =	swait.ge [sflag:s28], $0x80  }
0x6e: {  	[sflag:s28] =	ssyncset.done $0x0  }
0x6f: {  	[sflag:s28] =	ssyncadd.s32 $0xFFFFFF80  }
0x70: {  	_ =	swait.ge [sflag:s29], $0x4000  }
0x71: {  	[sflag:s29] =	ssyncset.done $0x0  }
0x72: {  	[sflag:s29] =	ssyncadd.s32 $0xFFFFC000  }
0x73: {  	[tilespmem:s31], [sflag:$0x1] =	stream.indirect.gather [hbm4b:s4+s30], $0x80, s26, s30, $0xb8;
	[tilespmem:$0x1E100] =	vst v63  }
0x74: {  	s7 =	sadd.s32 $0x0, s21  }
0x75: {  	[tilespmem:s23], [sflag:$0x2] =	stream.linear.gather [hbm4b:s7+s3], $0x80, $0x38;
	[tilespmem:$0x1E100] =	vst v63  }
0x76: {  	s6 =	simm.s32 $0x0  }
0x77: {  	[spmem:s2] =	stream.indirect.scatter.add.f32 [tilespmem:s25], [sflag:$0x4], $0x80, s6, s30, $0xb8;
	[tilespmem:$0x1E100] =	vst v63  }
0x78: {  	_ =	swait.ge [sflag:s22], $0x4000  }
0x79: {  	[sflag:s22] =	ssyncset.done $0x0  }
0x7a: {  	[sflag:s22] =	ssyncadd.s32 $0xFFFFC000  }
0x7b: {  	_ =	swait.ge [sflag:s29], $0x4000  }
0x7c: {  	[sflag:s29] =	ssyncset.done $0x0  }
0x7d: {  	[sflag:s29] =	ssyncadd.s32 $0xFFFFC000  }
0x7e: {  	_ =	swait.ge [sflag:s24], $0x80  }
0x7f: {  	[sflag:s24] =	ssyncset.done $0x0  }
0x80: {  	[sflag:s24] =	ssyncadd.s32 $0xFFFFFF80  }
0x81: {  	[tilespmem:s25], [sflag:$0x1] =	stream.indirect.gather [hbm4b:s4+s30], $0x80, s23, s30, $0xb8;
	[tilespmem:$0x1E100] =	vst v63  }
0x82: {  	s7 =	sadd.s32 $0x0, s20  }
0x83: {  	[tilespmem:s26], [sflag:$0x3] =	stream.linear.gather [hbm4b:s7+s3], $0x80, $0x38;
	[tilespmem:$0x1E100] =	vst v63  }
0x84: {  	_ = 	snop  }
0x85: {  	[spmem:s2] =	stream.indirect.scatter.add.f32 [tilespmem:s31], [sflag:$0x4], $0x80, s0, s30, $0xb8;
	[tilespmem:$0x1E100] =	vst v63  }
0x86: {  	_ =	swait.ge [sflag:s22], $0x4000  }
0x87: {  	[sflag:s22] =	ssyncset.done $0x0  }
0x88: {  	[sflag:s22] =	ssyncadd.s32 $0xFFFFC000  }
0x89: {  	_ =	swait.ge [sflag:s28], $0x80  }
0x8a: {  	s17 =	simm.s32 $0x20;
	[sflag:s28] =	ssyncset.done $0x0  }
.LBB2_4:
0x8b: {  	p3 =	sne.s32 s17, $0x4A0;
	[sflag:s28] =	ssyncadd.s32 $0xFFFFFF80;
	s0 =	sadd.s32 $0x100, s0  }
0x8c: {  	s6 =	smov.u32 s17;
	s17 =	sadd.s32 $0x20, s17;
	_ =	swait.ge [sflag:s29], $0x4000  }
0x8d: {  	[sflag:s29] =	ssyncset.done $0x0  }
0x8e: {  	[sflag:s29] =	ssyncadd.s32 $0xFFFFC000  }
0x8f: {  	[tilespmem:s31], [sflag:$0x1] =	stream.indirect.gather [hbm4b:s4+s30], $0x80, s26, s30, $0xb8;
	[tilespmem:$0x1E100] =	vst v63  }
0x90: {  	s7 =	sadd.s32 s6, s21  }
0x91: {  	[tilespmem:s23], [sflag:$0x2] =	stream.linear.gather [hbm4b:s7+s3], $0x80, $0x38;
	[tilespmem:$0x1E100] =	vst v63  }
0x92: {  	s7 =	sadd.s32 $0xFFFFFF80, s0  }
0x93: {  	[spmem:s2] =	stream.indirect.scatter.add.f32 [tilespmem:s25], [sflag:$0x4], $0x80, s7, s30, $0xb8;
	[tilespmem:$0x1E100] =	vst v63  }
0x94: {  	_ =	swait.ge [sflag:s22], $0x4000  }
0x95: {  	[sflag:s22] =	ssyncset.done $0x0  }
0x96: {  	[sflag:s22] =	ssyncadd.s32 $0xFFFFC000  }
0x97: {  	_ =	swait.ge [sflag:s29], $0x4000  }
0x98: {  	[sflag:s29] =	ssyncset.done $0x0  }
0x99: {  	[sflag:s29] =	ssyncadd.s32 $0xFFFFC000  }
0x9a: {  	_ =	swait.ge [sflag:s24], $0x80  }
0x9b: {  	[sflag:s24] =	ssyncset.done $0x0  }
0x9c: {  	[sflag:s24] =	ssyncadd.s32 $0xFFFFFF80  }
0x9d: {  	[tilespmem:s25], [sflag:$0x1] =	stream.indirect.gather [hbm4b:s4+s30], $0x80, s23, s30, $0xb8;
	[tilespmem:$0x1E100] =	vst v63  }
0x9e: {  	s6 =	sadd.s32 s6, s20  }
0x9f: {  	[tilespmem:s26], [sflag:$0x3] =	stream.linear.gather [hbm4b:s6+s3], $0x80, $0x38;
	[tilespmem:$0x1E100] =	vst v63  }
0xa0: {  	_ = 	snop  }
0xa1: {  	[spmem:s2] =	stream.indirect.scatter.add.f32 [tilespmem:s31], [sflag:$0x4], $0x80, s0, s30, $0xb8;
	[tilespmem:$0x1E100] =	vst v63  }
.Ltmp3:
0xa2: {  	_ =	swait.ge [sflag:s22], $0x4000;
	(pc) =	sbr.rel @p3 .LBB2_4-.Ltmp3, $4  }
0xa3: {  	[sflag:s22] =	ssyncset.done $0x0  }
0xa4: {  	[sflag:s22] =	ssyncadd.s32 $0xFFFFC000  }
0xa5: {  	_ =	swait.ge [sflag:s28], $0x80  }
0xa6: {  	[sflag:s28] =	ssyncset.done $0x0  }
0xa7: {  	[sflag:s28] =	ssyncadd.s32 $0xFFFFFF80  }
0xa8: {  	_ =	swait.ge [sflag:s29], $0x4000  }
0xa9: {  	[sflag:s29] =	ssyncset.done $0x0  }
0xaa: {  	[sflag:s29] =	ssyncadd.s32 $0xFFFFC000  }
0xab: {  	[tilespmem:s31], [sflag:$0x1] =	stream.indirect.gather [hbm4b:s4+s30], $0x80, s26, s30, $0xb8;
	[tilespmem:$0x1E100] =	vst v63  }
0xac: {  	s0 =	simm.s32 @p2 $0x0;
	s6 =	simm.s32 @p2 $0x2780  }
0xad: {  	[tilespmem:s6], [sflag:$0x2] =	stream.linear.gather @p2 [hbm4b:s19+s0], $0x80, $0x38;
	[tilespmem:$0x1E100] =	vst v63  }
0xae: {  	s7 =	simm.s32 @p2 $0x2600;
	s17 =	simm.s32 @p2 $0x2880;
	s0 =	simm.s32 @p2 $0x80  }
0xaf: {  	[spmem:s2] =	stream.indirect.scatter.add.f32 @p2 [tilespmem:s17], [sflag:$0x4], $0x80, s7, s0, $0xb8;
	[tilespmem:$0x1E100] =	vst v63  }
0xb0: {  	s7 =	simm.s32 @p2 $0x4  }
0xb1: {  	_ =	swait.ge @p2 [sflag:s7], $0x4000  }
0xb2: {  	[sflag:s7] =	ssyncset.done @p2 $0x0  }
0xb3: {  	[sflag:s7] =	ssyncadd.s32 @p2 $0xFFFFC000;
	s7 =	simm.s32 @p2 $0x1  }
0xb4: {  	_ =	swait.ge @p2 [sflag:s7], $0x4000  }
0xb5: {  	[sflag:s7] =	ssyncset.done @p2 $0x0  }
0xb6: {  	[sflag:s7] =	ssyncadd.s32 @p2 $0xFFFFC000;
	s7 =	simm.s32 @p2 $0x2  }
0xb7: {  	_ =	swait.ge @p2 [sflag:s7], $0x80  }
0xb8: {  	[sflag:s7] =	ssyncset.done @p2 $0x0  }
0xb9: {  	[sflag:s7] =	ssyncadd.s32 @p2 $0xFFFFFF80  }
0xba: {  	[tilespmem:s17], [sflag:$0x1] =	stream.indirect.gather @p2 [hbm4b:s4+s0], $0x80, s6, s0, $0xb8;
	[tilespmem:$0x1E100] =	vst v63  }
0xbb: {  	s7 =	simm.s32 @!p2 $0x2880;
	s0 =	simm.s32 @!p2 $0x80;
	s6 =	simm.s32 @!p2 $0x2600  }
0xbc: {  	[spmem:s2] =	stream.indirect.scatter.add.f32 @!p2 [tilespmem:s7], [sflag:$0x4], $0x80, s6, s0, $0xb8;
	[tilespmem:$0x1E100] =	vst v63  }
0xbd: {  	s0 =	simm.s32 @!p2 $0x4  }
0xbe: {  	_ =	swait.ge @!p2 [sflag:s0], $0x4000  }
0xbf: {  	[sflag:s0] =	ssyncset.done @!p2 $0x0  }
0xc0: {  	[sflag:s0] =	ssyncadd.s32 @!p2 $0xFFFFC000;
	s0 =	simm.s32 @!p2 $0x1  }
0xc1: {  	_ =	swait.ge @!p2 [sflag:s0], $0x4000  }
0xc2: {  	[sflag:s0] =	ssyncset.done @!p2 $0x0  }
.Ltmp4:
0xc3: {  	s17 =	simm.s32 $0x2680;
	[sflag:s0] =	ssyncadd.s32 @!p2 $0xFFFFC000;
	(pc) =	sbr.rel @!p1 .LBB2_6-.Ltmp4, $4  }
0xc4: {  	[spmem:s2] =	stream.indirect.scatter.add.f32 [tilespmem:s31], [sflag:$0x4], $0x80, s17, s30, $0xb8;
	[tilespmem:$0x1E100] =	vst v63  }
0xc5: {  	_ =	swait.ge [sflag:s22], $0x4000  }
0xc6: {  	[sflag:s22] =	ssyncset.done $0x0  }
0xc7: {  	[sflag:s22] =	ssyncadd.s32 $0xFFFFC000  }
.Ltmp5:
0xc8: {  	(pc) =	sbr.rel @p0 .LBB2_9-.Ltmp5, $4  }
.Ltmp6:
0xc9: {  	(pc) =	sbr.rel @!p0 .LBB2_8-.Ltmp6, $4  }
0xca: {  	_ = 	snop  }
0xcb: {  	[bflag:$0x0] =	sbarrier.arrive $0xFFFF  }
0xcc: {  	_ = 	snop  }
0xcd: {  	_ = 	snop  }
.LBB2_10:
0xce: {  	_ =	sfence.sel $0x180000  }
0xcf: {  	[bflag:$0x0] =	sbarrier.arrive $0xFFFF  }
0xd0: {  	_ =	strace $0x9000004D  }
0xd1: {  	s0 =	stileid.u32;
	[bflag:$0x2] =	sbarrier.arrive $0xFFFF  }
0xd2: {  	p0 =	sne.s32 s0, $0x0;
	s0 =	rddreg [dreg:$0x2]  }
0xd3: {  	s0 =	sadd.s32 @!p0 $0x100000, s0  }
0xd4: {  	[sflag:s0] =	ssyncadd.tile.s32 @!p0 $0x1;
	_ =	shalt  }
.Lfunc_end2:
_tile_overlayer_lowered:
.L_overlay_start_2:
0xd5: {  	(tag) =	ssettag $0x2  }
0xd6: {  	s0 =	rddreg [dreg:$0x0];
	s2 =	stileid.u32  }
0xd7: {  	s1 =	rddreg [dreg:$0x1];
	p0 =	sne.s32 s2, $0x0  }
0xd8: {  	s3 =	rddreg [dreg:$0x2];
	[bflag:$0x3] =	sbarrier.arrive $0xFFFF;
	s2 =	simm.s32 @!p0 $0x1C04  }
0xd9: {  	[timem:s3], [sflag:s2] =	dma.local @!p0 [hbm:s0], s1  }
0xda: {  	s0 =	simm.s32 @!p0 $0x4  }
0xdb: {  	_ =	swait.ge @!p0 [sflag:s0], s1  }
0xdc: {  	s1 =	ssub.s32 @!p0 $0x0, s1;
	[sflag:s0] =	ssyncset.done @!p0 $0x0  }
0xdd: {  	[sflag:s0] =	ssyncadd.s32 @!p0 s1  }
0xde: {  	[bflag:$0x3] =	sbarrier.arrive $0xFFFF  }
0xdf: {  	_ =	shalt  }

// kernel: kernel.8.cloned.1.call-start
scs
__scs_entry_jumppad:
0x0: {  	(pc) =	sbr.rel $0x88, $3  }
0x1: {  	(tag) =	ssettag $0x0;
	lr =	simm.s32 $0x1  }
0x2: {  	[smem:$0x3F99] =	sst lr;
	_ =	strace $0xD0000000  }
0x3: {  	_ = 	snop  }
0x4: {  	_ = 	snop  }
0x5: {  	_ = 	snop  }
0x6: {  	_ = 	snop  }
0x7: {  	_ = 	snop  }
__scs_overlays_trampoline_lowered:
0x8: {  	[smem:$0x3FA8] =	sst s0  }
0x9: {  	[smem:$0x3FA9] =	sst s1  }
0xa: {  	[smem:$0x3FAA] =	sst s2  }
0xb: {  	[smem:$0x3FAB] =	sst s3  }
0xc: {  	[smem:$0x3FAC] =	sst s4  }
0xd: {  	[smem:$0x3FAD] =	sst s5  }
0xe: {  	[smem:$0x3FAE] =	sst s6  }
0xf: {  	[smem:$0x3FAF] =	sst s7  }
0x10: {  	[smem:$0x3FB0] =	sst s8  }
0x11: {  	[smem:$0x3FB1] =	sst s9;
	s0 =	simm.s32 @!p0 $0x0  }
0x12: {  	s1 =	sld [smem:$0x3F97];
	s0 =	simm.s32 @p0 $0x1  }
0x13: {  	[smem:$0x3FB2] =	sst s0;
	s0 =	simm.s32 @!p1 $0x0  }
0x14: {  	s2 =	sld [smem:$0x3F96];
	s0 =	simm.s32 @p1 $0x1  }
0x15: {  	[smem:$0x3FB3] =	sst s0;
	s0 =	simm.s32 @!p2 $0x0  }
0x16: {  	s3 =	sld [smem:$0x3FDB];
	s0 =	simm.s32 @p2 $0x1  }
0x17: {  	s4 =	simm.s32 $0x1BF5;
	[smem:$0x3FB5] =	sst s0  }
0x18: {  	s0 =	sld [smem:$0x3F98];
	_ =	swait.ge [sflag:s4], $0x0  }
0x19: {  	s7 =	sld [smem:$0x3F99]  }
0x1a: {  	s8 =	sadd.s32 $0xFFFFE003, lr  }
0x1b: {  	s9 =	sadd.s32 $0xFFFFFEF7, lr;
	s5 =	simm.s32 $0xFFFFFFFF;
	p2 =	slt.u32 s8, $0xFFFFF086  }
0x1c: {  	p1 =	slt.u32 s9, $0xF7A;
	s5 =	simm.s32 @!p2 $0x0  }
0x1d: {  	s5 =	simm.s32 @p1 $0x1;
	p0 =	seq.s32 s7, s2  }
0x1e: {  	s7 =	smul.u32 @!p0 $0xF7A, s2;
	p2 =	seq.s32 @!p0 s5, $0x0  }
0x1f: {  	s9 =	smul.u32 $0xF7A, s1;
	s8 =	simm.s32 @!p0 $0x1BF5;
	p2 =	por !p2, p0  }
0x20: {  	[sflag:s8] =	ssyncset.s32 @!p0 $0xFFFFF086;
	s6 =	sadd.s32 @!p0 s3, s7;
	s7 =	simm.s32 @!p0 $0x108  }
0x21: {  	s3 =	sadd.s32 s3, s9;
	s6 =	sadd.s32 @!p0 $0x88, s6;
	s7 =	simm.s32 @p2 $0x1082  }
0x22: {  	[simem:s7], [sflag:s8] =	dma.local @!p0 [hbm:s6], $0xF7A  }
0x23: {  	s9 =	sor.u32 $0xD0000000, s2;
	s6 =	simm.s32 $0x108;
	_ =	swait.ge @!p0 [sflag:s8], $0x0  }
0x24: {  	s3 =	sadd.s32 $0x88, s3;
	s6 =	simm.s32 @!p1 $0x1082;
	[sflag:s4] =	ssyncset.s32 $0xFFFFF086  }
0x25: {  	[simem:s6], [sflag:s4] =	dma.local [hbm:s3], $0xF7A  }
0x26: {  	[smem:$0x3F99] =	sst s1;
	(tag) =	ssettag s2;
	_ =	strace s9  }
0x27: {  	s1 =	sld [smem:$0x3FA9]  }
0x28: {  	s2 =	sld [smem:$0x3FAA]  }
0x29: {  	s4 =	sld [smem:$0x3FAC]  }
0x2a: {  	p0 =	seq.s32 s5, $0x0;
	s5 =	sld [smem:$0x3FAD]  }
0x2b: {  	s6 =	sld [smem:$0x3FAE]  }
0x2c: {  	s7 =	sld [smem:$0x3FAF]  }
0x2d: {  	s3 =	simm.s32 $0x108;
	s8 =	sld [smem:$0x3FB0]  }
0x2e: {  	s3 =	simm.s32 @!p0 $0x1082;
	s9 =	sld [smem:$0x3FB1]  }
0x2f: {  	lr =	sadd.s32 s0, s3;
	s0 =	sld [smem:$0x3FA8]  }
0x30: {  	s3 =	sld [smem:$0x3FAB]  }
0x31: {  	[smem:$0x3FB4] =	sst s10  }
0x32: {  	s10 =	sld [smem:$0x3FB2];
	_ =	sdelay $0x3  }
0x33: {  	p0 =	seq.s32 s10, $0x1;
	s10 =	sld [smem:$0x3FB4];
	_ =	sdelay $0x3  }
0x34: {  	[smem:$0x3FB4] =	sst s10  }
0x35: {  	s10 =	sld [smem:$0x3FB3];
	_ =	sdelay $0x3  }
0x36: {  	p1 =	seq.s32 s10, $0x1;
	s10 =	sld [smem:$0x3FB4];
	_ =	sdelay $0x3  }
0x37: {  	[smem:$0x3FB4] =	sst s10  }
0x38: {  	s10 =	sld [smem:$0x3FB5]  }
0x39: {  	_ = 	snop;
	(pc) =	sbr.ind lr, $3  }
0x3a: {  	_ = 	snop  }
0x3b: {  	_ = 	snop  }
0x3c: {  	p2 =	seq.s32 s10, $0x1;
	s10 =	sld [smem:$0x3FB4]  }
0x3d: {  	_ =	shalt  }
0x3e: {  	_ =	shalt  }
0x3f: {  	_ =	shalt  }
0x40: {  	_ =	shalt  }
0x41: {  	_ =	shalt  }
0x42: {  	_ =	shalt  }
0x43: {  	_ =	shalt  }
0x44: {  	_ =	shalt  }
0x45: {  	_ =	shalt  }
0x46: {  	_ =	shalt  }
0x47: {  	_ =	shalt  }
0x48: {  	_ =	shalt  }
0x49: {  	_ =	shalt  }
0x4a: {  	_ =	shalt  }
0x4b: {  	_ =	shalt  }
0x4c: {  	_ =	shalt  }
0x4d: {  	_ =	shalt  }
0x4e: {  	_ =	shalt  }
0x4f: {  	_ =	shalt  }
0x50: {  	_ =	shalt  }
0x51: {  	_ =	shalt  }
0x52: {  	_ =	shalt  }
0x53: {  	_ =	shalt  }
0x54: {  	_ =	shalt  }
0x55: {  	_ =	shalt  }
0x56: {  	_ =	shalt  }
0x57: {  	_ =	shalt  }
0x58: {  	_ =	shalt  }
0x59: {  	_ =	shalt  }
0x5a: {  	_ =	shalt  }
0x5b: {  	_ =	shalt  }
0x5c: {  	_ =	shalt  }
0x5d: {  	_ =	shalt  }
0x5e: {  	_ =	shalt  }
0x5f: {  	_ =	shalt  }
0x60: {  	_ =	shalt  }
0x61: {  	_ =	shalt  }
0x62: {  	_ =	shalt  }
0x63: {  	_ =	shalt  }
0x64: {  	_ =	shalt  }
0x65: {  	_ =	shalt  }
0x66: {  	_ =	shalt  }
0x67: {  	_ =	shalt  }
0x68: {  	_ =	shalt  }
0x69: {  	_ =	shalt  }
0x6a: {  	_ =	shalt  }
0x6b: {  	_ =	shalt  }
0x6c: {  	_ =	shalt  }
0x6d: {  	_ =	shalt  }
0x6e: {  	_ =	shalt  }
0x6f: {  	_ =	shalt  }
0x70: {  	_ =	shalt  }
0x71: {  	_ =	shalt  }
0x72: {  	_ =	shalt  }
0x73: {  	_ =	shalt  }
0x74: {  	_ =	shalt  }
0x75: {  	_ =	shalt  }
0x76: {  	_ =	shalt  }
0x77: {  	_ =	shalt  }
0x78: {  	_ =	shalt  }
0x79: {  	_ =	shalt  }
0x7a: {  	_ =	shalt  }
0x7b: {  	_ =	shalt  }
0x7c: {  	_ =	shalt  }
0x7d: {  	_ =	shalt  }
0x7e: {  	_ =	shalt  }
0x7f: {  	_ =	shalt  }
0x80: {  	_ =	shalt  }
0x81: {  	_ =	shalt  }
0x82: {  	_ =	shalt  }
0x83: {  	_ =	shalt  }
0x84: {  	_ =	shalt  }
0x85: {  	_ =	shalt  }
0x86: {  	_ =	shalt  }
0x87: {  	_ =	shalt  }
.Lfunc_end0:
.L_simem_size_0:
called_computation_lowered:
.L_overlay_start_0:
0x88: {  	s2 =	sld [smem:$0x3FD9]  }
0x89: {  	s3 =	sld [smem:$0x3FFE];
	_ =	sdelay $0x1  }
0x8a: {  	s1 =	srdreg.scid  }
0x8b: {  	s0 =	sand.u32 $0x1, s1  }
0x8c: {  	s17 =	sshll.u32 s0, $0xA;
	s2 =	sadd.s32 s3, s2  }
0x8d: {  	s2 =	sadd.s32 s2, s17  }
0x8e: {  	[smem:$0x3FC0] =	sst s2  }
0x8f: {  	_ = 	snop  }
0x90: {  	s2 =	sld [smem:$0x3FD0];
	(tm) =	ssettm $0x1  }
0x91: {  	s18 =	sld [smem:$0x3FFB];
	_ =	sdelay $0x3  }
0x92: {  	_ =	strace s18  }
0x93: {  	s3 =	sld [smem:$0x3FFC];
	_ =	sdelay $0x3  }
0x94: {  	_ =	strace s3  }
0x95: {  	s3 =	sld [smem:$0x3FFD];
	_ =	sdelay $0x3  }
0x96: {  	_ =	strace s3  }
0x97: {  	_ =	strace $0x8FFFFFFF  }
0x98: {  	s19 =	sld [smem:$0x3FDB];
	_ =	sdelay $0x1  }
0x99: {  	s4 =	simm.s32 $_scs_section_size  }
0x9a: {  	s5 =	simm.s32 $_size__tile_overlayer_lowered;
	s6 =	simm.s32 $_tile_overlayer_lowered  }
0x9b: {  	s22 =	simm.s32 $0x1BFF;
	s21 =	sshll.u32 s6, $0x1;
	s3 =	sadd.s32 s4, s19  }
0x9c: {  	s7 =	simm.s32 $0x0;
	s20 =	sshll.u32 s5, $0x1;
	s5 =	sadd.s32 s21, s3  }
0x9d: {  	[timem:s7], [sflag:s22] =	dma.local [hbm:s5], s20  }
0x9e: {  	_ =	swait.ge [sflag:s22], s20  }
0x9f: {  	s4 =	ssub.s32 $0x0, s20;
	[sflag:s22] =	ssyncset.done $0x0  }
0xa0: {  	[sflag:s22] =	ssyncadd.s32 s4;
	_ =	sdelay $0x1  }
0xa1: {  	s23 =	simm.s32 $0x1B8B  }
0xa2: {  	_ =	swait.ge [sflag:s23], $0x1  }
0xa3: {  	[sflag:s23] =	ssyncset.done $0x0  }
0xa4: {  	s25 =	simm.s32 $0x1B8E;
	s24 =	sld [smem:$0x3FFE];
	[sflag:s23] =	ssyncadd.s32 $0xFFFFFFFF  }
0xa5: {  	s26 =	simm.s32 $execute0_lowered;
	[smem:$0x3FD2] =	sst s25  }
0xa6: {  	s5 =	sshll.u32 s26, $0x1;
	_ =	strace $0x80000046;
	[dreg:$0x1] =	wrdreg $0xFFFFFFFF  }
0xa7: {  	s28 =	simm.s32 $_size_execute0_lowered;
	s3 =	sadd.s32 s3, s5;
	[dreg:$0x0] =	wrdreg $0x0  }
0xa8: {  	s5 =	sshll.u32 s28, $0x1;
	[dreg:$0x2] =	wrdreg s3  }
0xa9: {  	[dreg:$0x3] =	wrdreg s5  }
0xaa: {  	[dreg:$0x4] =	wrdreg $0xC0  }
0xab: {  	_ =	task [dreg:s7], $0x5FFFF  }
0xac: {  	[dreg:$0x1] =	wrdreg $0xFFFFFFFF  }
0xad: {  	[dreg:$0x0] =	wrdreg $0x60  }
0xae: {  	[dreg:$0x2] =	wrdreg s24  }
0xaf: {  	[dreg:$0x3] =	wrdreg s2  }
0xb0: {  	[dreg:$0x4] =	wrdreg $0x53800  }
0xb1: {  	[dreg:$0x5] =	wrdreg $0x55F80  }
0xb2: {  	[dreg:$0x6] =	wrdreg $0x9  }
0xb3: {  	_ =	task.clear_ibuf [dreg:s7], $0x7FFFF;
	_ =	strace $0x90000046  }
0xb4: {  	s29 =	simm.s32 $0x9;
	_ =	strace $0x80000048  }
0xb5: {  	_ =	swait.ge [sflag:s29], $0x1  }
0xb6: {  	[sflag:s29] =	ssyncadd.s32 $0xFFFFFFFF  }
0xb7: {  	_ =	strace $0x90000048  }
0xb8: {  	_ =	sfence  }
0xb9: {  	s30 =	sld [smem:$0x0];
	_ =	sdelay $0x2  }
0xba: {  	s31 =	sshll.u32 s1, $0xD;
	s1 =	sshrl.u32 s1, $0x2  }
0xbb: {  	s3 =	sand.u32 $0x4000, s31;
	s1 =	sadd.s32 s1, s30  }
0xbc: {  	s0 =	sor.u32 s3, s0;
	s1 =	sshll.u32 s1, $0x11  }
0xbd: {  	s0 =	sor.u32 s1, s0  }
0xbe: {  	s0 =	sadd.s32 $0x8F2B, s0  }
0xbf: {  	[sflag:s0] =	ssyncadd.remote.s32 $0x1  }
0xc0: {  	_ =	sfence.sel $0xFFFF  }
0xc1: {  	[dreg:$0x0] =	wrdreg $0xFFFFFFFF;
	(pc) =	sbr.abs _section_cstart, $3  }
0xc2: {  	[dreg:$0x1] =	wrdreg $0xFFFFFFFF  }
0xc3: {  	_ =	task.clear_ibuf [dreg:s7], $0x2FFFF;
	_ =	strace $0x9FFFFFFF  }
0xc4: {  	(tm) =	ssettm $0x7FFFFFFF  }
0xc5: {  	_ =	shalt  }
tec
execute0_lowered:
.L_overlay_start_1:
0x0: {  	(tag) =	ssettag $0x1  }
0x1: {  	s4 =	rddreg [dreg:$0x0]  }
0x2: {  	s10 =	rddreg [dreg:$0x1]  }
0x3: {  	s1 =	rddreg [dreg:$0x2]  }
0x4: {  	s2 =	rddreg [dreg:$0x3]  }
0x5: {  	s0 =	rddreg [dreg:$0x4];
	s3 =	simm.s32 $0x0  }
0x6: {  	s5 =	srdreg.scid;
	s17 =	stileid.u32;
	s15 =	simm.s32 $0x80  }
0x7: {  	s16 =	simm.s32 $0x4F00;
	s19 =	simm.s32 $0x0;
	[smem:$0x7FF] =	sst s3  }
0x8: {  	s8 =	sadd.s32 $0xC600, s4;
	s6 =	sand.u32 $0x1, s5;
	s9 =	smul.u32 $0x3E8, s17  }
0x9: {  	s11 =	sadd.s32 $0x2800, s4;
	s31 =	sshll.u32 s17, $0x4;
	p1 =	sgt.u32 s17, $0x9  }
0xa: {  	p0 =	sne.s32 s17, $0x0;
	_ =	strace $0x80000047;
	s5 =	ssub.s32 $0x2, s6  }
0xb: {  	s7 =	sshll.u32 s6, $0x4;
	s14 =	smul.u32 $0x13C0, s6;
	s18 =	sshrl.u32 @!p0 s1, $0x3  }
0xc: {  	s30 =	sshrl.u32 s5, $0x1;
	s13 =	sor.u32 s17, s7;
	s4 =	sadd.s32 s9, s1  }
0xd: {  	s17 =	simm.s32 $0x1;
	s12 =	ssub.s32 s5, s30;
	s7 =	smul.u32 $0x4E0, s13  }
0xe: {  	s5 =	sadd.s32 s9, s2;
	s9 =	sor.u32 $0x9C00, s31;
	s10 =	sadd.s32 s10, s14  }
0xf: {  	p2 =	sgt.u32 s13, $0x3;
	s13 =	simm.s32 $0x2;
	s14 =	simm.s32 $0x2780  }
0x10: {  	s12 =	smax.u32 s12, $0x1;
	s6 =	sadd.s32 s8, s7;
	s7 =	sadd.s32 s11, s7  }
0x11: {  	v0 =	vimm.f32 $1.000000000e+00;
	v1 =	vimm.f32 $0.0e+00;
	s8 =	sadd.s32 s8, s9;
	s9 =	sadd.s32 s11, s9;
	s11 =	sadd.s32 $0x20, s10  }
.LBB2_1:
0x12: {  	[tilespmem:$0x4F00] =	vst v0  }
0x13: {  	[tilespmem:$0x4F10] =	vst v0  }
0x14: {  	[tilespmem:$0x4F20] =	vst v0  }
0x15: {  	[tilespmem:$0x4F30] =	vst v0  }
0x16: {  	[tilespmem:$0x4F40] =	vst v0  }
0x17: {  	[tilespmem:$0x4F50] =	vst v0  }
0x18: {  	[tilespmem:$0x4F60] =	vst v0  }
0x19: {  	[tilespmem:$0x4F70] =	vst v0  }
0x1a: {  	[tilespmem:$0x4F80] =	vst v1  }
0x1b: {  	[tilespmem:$0x4F90] =	vst v1  }
0x1c: {  	[tilespmem:$0x4FA0] =	vst v1  }
0x1d: {  	[tilespmem:$0x4FB0] =	vst v1  }
0x1e: {  	[tilespmem:$0x4FC0] =	vst v1  }
0x1f: {  	[tilespmem:$0x4FD0] =	vst v1  }
0x20: {  	[tilespmem:$0x4FE0] =	vst v1  }
0x21: {  	[tilespmem:$0x4FF0] =	vst v1  }
0x22: {  	[tilespmem:$0x5000] =	vst v1  }
0x23: {  	[tilespmem:$0x5010] =	vst v1  }
0x24: {  	[tilespmem:$0x5020] =	vst v1  }
0x25: {  	[tilespmem:$0x5030] =	vst v1  }
0x26: {  	[tilespmem:$0x5040] =	vst v1  }
0x27: {  	[tilespmem:$0x5050] =	vst v1  }
0x28: {  	[tilespmem:$0x5060] =	vst v1  }
0x29: {  	[tilespmem:$0x5070] =	vst v1  }
0x2a: {  	[tilespmem:$0x5080] =	vst v1  }
0x2b: {  	[tilespmem:$0x5090] =	vst v1  }
0x2c: {  	[tilespmem:$0x50A0] =	vst v1  }
0x2d: {  	[tilespmem:$0x50B0] =	vst v1  }
0x2e: {  	[tilespmem:$0x50C0] =	vst v1  }
0x2f: {  	[tilespmem:$0x50D0] =	vst v1  }
0x30: {  	[tilespmem:$0x50E0] =	vst v1  }
0x31: {  	[tilespmem:$0x50F0] =	vst v1  }
0x32: {  	[tilespmem:$0x5100] =	vst v1  }
0x33: {  	[tilespmem:$0x5110] =	vst v1  }
0x34: {  	[tilespmem:$0x5120] =	vst v1  }
0x35: {  	[tilespmem:$0x5130] =	vst v1  }
0x36: {  	[tilespmem:$0x5140] =	vst v1  }
0x37: {  	[tilespmem:$0x5150] =	vst v1  }
0x38: {  	[tilespmem:$0x5160] =	vst v1  }
0x39: {  	[tilespmem:$0x5170] =	vst v1  }
0x3a: {  	[tilespmem:$0x5180] =	vst v1  }
0x3b: {  	[tilespmem:$0x5190] =	vst v1  }
0x3c: {  	[tilespmem:$0x51A0] =	vst v1  }
0x3d: {  	[tilespmem:$0x51B0] =	vst v1  }
0x3e: {  	[tilespmem:$0x51C0] =	vst v1  }
0x3f: {  	[tilespmem:$0x51D0] =	vst v1  }
0x40: {  	[tilespmem:$0x51E0] =	vst v1  }
0x41: {  	[tilespmem:$0x51F0] =	vst v1  }
0x42: {  	[tilespmem:$0x5200] =	vst v1  }
0x43: {  	[tilespmem:$0x5210] =	vst v1  }
0x44: {  	[tilespmem:$0x5220] =	vst v1  }
0x45: {  	[tilespmem:$0x5230] =	vst v1  }
0x46: {  	[tilespmem:$0x5240] =	vst v1  }
0x47: {  	[tilespmem:$0x5250] =	vst v1  }
0x48: {  	[tilespmem:$0x5260] =	vst v1  }
0x49: {  	[tilespmem:$0x5270] =	vst v1  }
0x4a: {  	[tilespmem:$0x5280] =	vst v1  }
0x4b: {  	[tilespmem:$0x5290] =	vst v1  }
0x4c: {  	[tilespmem:$0x52A0] =	vst v1  }
0x4d: {  	[tilespmem:$0x52B0] =	vst v1  }
0x4e: {  	[tilespmem:$0x52C0] =	vst v1  }
0x4f: {  	[tilespmem:$0x52D0] =	vst v1  }
0x50: {  	[tilespmem:$0x52E0] =	vst v1  }
0x51: {  	[tilespmem:$0x52F0] =	vst v1  }
0x52: {  	[tilespmem:$0x5300] =	vst v1  }
0x53: {  	[tilespmem:$0x5310] =	vst v1  }
0x54: {  	[tilespmem:$0x5320] =	vst v1  }
0x55: {  	[tilespmem:$0x5330] =	vst v1  }
0x56: {  	[tilespmem:$0x5340] =	vst v1  }
0x57: {  	[tilespmem:$0x5350] =	vst v1  }
0x58: {  	[tilespmem:$0x5360] =	vst v1  }
0x59: {  	[tilespmem:$0x5370] =	vst v1;
	s20 =	simm.s32 @!p1 $0x4F80;
	s21 =	simm.s32 @!p1 $0x2  }
0x5a: {  	[spmem:s4] =	stream.linear.scatter @!p1 [tilespmem:s20], [sflag:$0x2], $0x3E8, $0x38;
	[tilespmem:$0x5870] =	vst v63  }
0x5b: {  	_ =	swait.ge @!p1 [sflag:s21], $0x3E8  }
0x5c: {  	[sflag:s21] =	ssyncset.done @!p1 $0x0  }
0x5d: {  	[sflag:s21] =	ssyncadd.s32 @!p1 $0xFFFFFC18  }
0x5e: {  	[spmem:s5] =	stream.linear.scatter @!p1 [tilespmem:s20], [sflag:$0x2], $0x3E8, $0x38;
	[tilespmem:$0x5870] =	vst v63  }
0x5f: {  	_ =	swait.ge @!p1 [sflag:s21], $0x3E8  }
0x60: {  	[sflag:s21] =	ssyncset.done @!p1 $0x0  }
0x61: {  	[sflag:s21] =	ssyncadd.s32 @!p1 $0xFFFFFC18  }
0x62: {  	[tilespmem:s3], [sflag:$0x2] =	stream.linear.gather [hbm4b:s6+s3], $0x2700, $0x38;
	[tilespmem:$0x5870] =	vst v63  }
0x63: {  	_ =	swait.ge [sflag:s13], $0x2700  }
0x64: {  	[sflag:s13] =	ssyncset.done $0x0  }
0x65: {  	[sflag:s13] =	ssyncadd.s32 $0xFFFFD900  }
0x66: {  	[tilespmem:s14], [sflag:$0x2] =	stream.linear.gather [hbm4b:s7+s3], $0x2700, $0x38;
	[tilespmem:$0x5870] =	vst v63  }
0x67: {  	_ =	swait.ge [sflag:s13], $0x2700  }
0x68: {  	[sflag:s13] =	ssyncset.done $0x0  }
0x69: {  	s20 =	simm.s32 @!p2 $0x0;
	s21 =	simm.s32 @!p2 $0x2700;
	[sflag:s13] =	ssyncadd.s32 $0xFFFFD900  }
0x6a: {  	[tilespmem:s21], [sflag:$0x2] =	stream.linear.gather @!p2 [hbm4b:s8+s20], $0x80, $0x38;
	[tilespmem:$0x5870] =	vst v63  }
0x6b: {  	s21 =	simm.s32 @!p2 $0x2  }
0x6c: {  	_ =	swait.ge @!p2 [sflag:s21], $0x80  }
0x6d: {  	[sflag:s21] =	ssyncset.done @!p2 $0x0  }
0x6e: {  	s22 =	simm.s32 @!p2 $0x4E80;
	[sflag:s21] =	ssyncadd.s32 @!p2 $0xFFFFFF80  }
0x6f: {  	[tilespmem:s22], [sflag:$0x2] =	stream.linear.gather @!p2 [hbm4b:s9+s20], $0x80, $0x38;
	[tilespmem:$0x5870] =	vst v63  }
0x70: {  	_ =	swait.ge @!p2 [sflag:s21], $0x80  }
0x71: {  	[sflag:s21] =	ssyncset.done @!p2 $0x0  }
0x72: {  	[sflag:s21] =	ssyncadd.s32 @!p2 $0xFFFFFF80  }
0x73: {  	s30 =	simm.s32 $0x0;
	[bflag:$0x0] =	sbarrier.arrive $0xFFFF  }
0x74: {  	[spmem:s1] =	stream.indirect.scatter.add.f32 [tilespmem:s16], [sflag:$0x1], $0x1, s30, s15, $0xb8;
	[tilespmem:$0x5870] =	vst v63  }
0x75: {  	s31 =	simm.s32 $0x2780  }
0x76: {  	[spmem:s2] =	stream.indirect.scatter.add.f32 [tilespmem:s16], [sflag:$0x1], $0x1, s31, s15, $0xb8;
	[tilespmem:$0x5870] =	vst v63  }
0x77: {  	s21 =	simm.s32 $0x80  }
0x78: {  	[spmem:s1] =	stream.indirect.scatter.add.f32 [tilespmem:s16], [sflag:$0x1], $0x1, s21, s15, $0xb8;
	[tilespmem:$0x5870] =	vst v63  }
0x79: {  	s22 =	simm.s32 $0x2800  }
0x7a: {  	[spmem:s2] =	stream.indirect.scatter.add.f32 [tilespmem:s16], [sflag:$0x1], $0x1, s22, s15, $0xb8;
	[tilespmem:$0x5870] =	vst v63  }
0x7b: {  	s23 =	simm.s32 $0x100  }
0x7c: {  	[spmem:s1] =	stream.indirect.scatter.add.f32 [tilespmem:s16], [sflag:$0x1], $0x1, s23, s15, $0xb8;
	[tilespmem:$0x5870] =	vst v63  }
0x7d: {  	s24 =	simm.s32 $0x2880  }
0x7e: {  	[spmem:s2] =	stream.indirect.scatter.add.f32 [tilespmem:s16], [sflag:$0x1], $0x1, s24, s15, $0xb8;
	[tilespmem:$0x5870] =	vst v63  }
0x7f: {  	s25 =	simm.s32 $0x180  }
0x80: {  	[spmem:s1] =	stream.indirect.scatter.add.f32 [tilespmem:s16], [sflag:$0x1], $0x1, s25, s15, $0xb8;
	[tilespmem:$0x5870] =	vst v63  }
0x81: {  	s26 =	simm.s32 $0x2900  }
0x82: {  	[spmem:s2] =	stream.indirect.scatter.add.f32 [tilespmem:s16], [sflag:$0x1], $0x1, s26, s15, $0xb8;
	[tilespmem:$0x5870] =	vst v63  }
0x83: {  	s28 =	simm.s32 $0x200  }
0x84: {  	[spmem:s1] =	stream.indirect.scatter.add.f32 [tilespmem:s16], [sflag:$0x1], $0x1, s28, s15, $0xb8;
	[tilespmem:$0x5870] =	vst v63  }
0x85: {  	s29 =	simm.s32 $0x2980  }
0x86: {  	[spmem:s2] =	stream.indirect.scatter.add.f32 [tilespmem:s16], [sflag:$0x1], $0x1, s29, s15, $0xb8;
	[tilespmem:$0x5870] =	vst v63  }
0x87: {  	s30 =	simm.s32 $0x280  }
0x88: {  	[spmem:s1] =	stream.indirect.scatter.add.f32 [tilespmem:s16], [sflag:$0x1], $0x1, s30, s15, $0xb8;
	[tilespmem:$0x5870] =	vst v63  }
0x89: {  	s31 =	simm.s32 $0x2A00  }
0x8a: {  	[spmem:s2] =	stream.indirect.scatter.add.f32 [tilespmem:s16], [sflag:$0x1], $0x1, s31, s15, $0xb8;
	[tilespmem:$0x5870] =	vst v63  }
0x8b: {  	_ =	swait.ge [sflag:s17], $0x80  }
0x8c: {  	[sflag:s17] =	ssyncset.done $0x0  }
0x8d: {  	[sflag:s17] =	ssyncadd.s32 $0xFFFFFF80  }
0x8e: {  	_ =	swait.ge [sflag:s17], $0x80  }
0x8f: {  	[sflag:s17] =	ssyncset.done $0x0  }
0x90: {  	[sflag:s17] =	ssyncadd.s32 $0xFFFFFF80  }
0x91: {  	_ =	swait.ge [sflag:s17], $0x80  }
0x92: {  	[sflag:s17] =	ssyncset.done $0x0  }
0x93: {  	[sflag:s17] =	ssyncadd.s32 $0xFFFFFF80  }
0x94: {  	_ =	swait.ge [sflag:s17], $0x80  }
0x95: {  	[sflag:s17] =	ssyncset.done $0x0  }
0x96: {  	[sflag:s17] =	ssyncadd.s32 $0xFFFFFF80  }
0x97: {  	_ =	swait.ge [sflag:s17], $0x80  }
0x98: {  	[sflag:s17] =	ssyncset.done $0x0  }
0x99: {  	[sflag:s17] =	ssyncadd.s32 $0xFFFFFF80  }
0x9a: {  	_ =	swait.ge [sflag:s17], $0x80  }
0x9b: {  	[sflag:s17] =	ssyncset.done $0x0  }
0x9c: {  	[sflag:s17] =	ssyncadd.s32 $0xFFFFFF80  }
0x9d: {  	_ =	swait.ge [sflag:s17], $0x80  }
0x9e: {  	[sflag:s17] =	ssyncset.done $0x0  }
0x9f: {  	[sflag:s17] =	ssyncadd.s32 $0xFFFFFF80  }
0xa0: {  	_ =	swait.ge [sflag:s17], $0x80  }
0xa1: {  	[sflag:s17] =	ssyncset.done $0x0  }
0xa2: {  	[sflag:s17] =	ssyncadd.s32 $0xFFFFFF80  }
0xa3: {  	_ =	swait.ge [sflag:s17], $0x80  }
0xa4: {  	[sflag:s17] =	ssyncset.done $0x0  }
0xa5: {  	[sflag:s17] =	ssyncadd.s32 $0xFFFFFF80  }
0xa6: {  	_ =	swait.ge [sflag:s17], $0x80  }
0xa7: {  	[sflag:s17] =	ssyncset.done $0x0  }
0xa8: {  	[sflag:s17] =	ssyncadd.s32 $0xFFFFFF80  }
0xa9: {  	_ =	swait.ge [sflag:s17], $0x80  }
0xaa: {  	[sflag:s17] =	ssyncset.done $0x0  }
0xab: {  	[sflag:s17] =	ssyncadd.s32 $0xFFFFFF80  }
0xac: {  	_ =	swait.ge [sflag:s17], $0x80  }
0xad: {  	s20 =	simm.s32 $0xC00;
	s22 =	simm.s32 $0x1800;
	[sflag:s17] =	ssyncset.done $0x0  }
.LBB2_2:
0xae: {  	s23 =	sshra.s32 s20, $0x2  }
0xaf: {  	[sflag:s17] =	ssyncadd.s32 $0xFFFFFF80;
	s20 =	smov.u32 s22;
	s21 =	sadd.s32 $0xC00, s22  }
0xb0: {  	[spmem:s1] =	stream.indirect.scatter.add.f32 [tilespmem:s16], [sflag:$0x1], $0x1, s23, s15, $0xb8;
	[tilespmem:$0x5870] =	vst v63  }
0xb1: {  	p3 =	sne.s32 s22, $0x9000;
	s22 =	sadd.s32 $0x2780, s23  }
0xb2: {  	[spmem:s2] =	stream.indirect.scatter.add.f32 [tilespmem:s16], [sflag:$0x1], $0x1, s22, s15, $0xb8;
	[tilespmem:$0x5870] =	vst v63  }
0xb3: {  	s22 =	sadd.s32 $0x80, s23  }
0xb4: {  	[spmem:s1] =	stream.indirect.scatter.add.f32 [tilespmem:s16], [sflag:$0x1], $0x1, s22, s15, $0xb8;
	[tilespmem:$0x5870] =	vst v63  }
0xb5: {  	s22 =	sadd.s32 $0x2800, s23  }
0xb6: {  	[spmem:s2] =	stream.indirect.scatter.add.f32 [tilespmem:s16], [sflag:$0x1], $0x1, s22, s15, $0xb8;
	[tilespmem:$0x5870] =	vst v63  }
0xb7: {  	s22 =	sadd.s32 $0x100, s23  }
0xb8: {  	[spmem:s1] =	stream.indirect.scatter.add.f32 [tilespmem:s16], [sflag:$0x1], $0x1, s22, s15, $0xb8;
	[tilespmem:$0x5870] =	vst v63  }
0xb9: {  	s22 =	sadd.s32 $0x2880, s23  }
0xba: {  	[spmem:s2] =	stream.indirect.scatter.add.f32 [tilespmem:s16], [sflag:$0x1], $0x1, s22, s15, $0xb8;
	[tilespmem:$0x5870] =	vst v63  }
0xbb: {  	s22 =	sadd.s32 $0x180, s23  }
0xbc: {  	[spmem:s1] =	stream.indirect.scatter.add.f32 [tilespmem:s16], [sflag:$0x1], $0x1, s22, s15, $0xb8;
	[tilespmem:$0x5870] =	vst v63  }
0xbd: {  	s22 =	sadd.s32 $0x2900, s23  }
0xbe: {  	[spmem:s2] =	stream.indirect.scatter.add.f32 [tilespmem:s16], [sflag:$0x1], $0x1, s22, s15, $0xb8;
	[tilespmem:$0x5870] =	vst v63  }
0xbf: {  	s22 =	sadd.s32 $0x200, s23  }
0xc0: {  	[spmem:s1] =	stream.indirect.scatter.add.f32 [tilespmem:s16], [sflag:$0x1], $0x1, s22, s15, $0xb8;
	[tilespmem:$0x5870] =	vst v63  }
0xc1: {  	s22 =	sadd.s32 $0x2980, s23  }
0xc2: {  	[spmem:s2] =	stream.indirect.scatter.add.f32 [tilespmem:s16], [sflag:$0x1], $0x1, s22, s15, $0xb8;
	[tilespmem:$0x5870] =	vst v63  }
0xc3: {  	s22 =	sadd.s32 $0x280, s23  }
0xc4: {  	[spmem:s1] =	stream.indirect.scatter.add.f32 [tilespmem:s16], [sflag:$0x1], $0x1, s22, s15, $0xb8;
	[tilespmem:$0x5870] =	vst v63  }
0xc5: {  	s22 =	sadd.s32 $0x2A00, s23  }
0xc6: {  	[spmem:s2] =	stream.indirect.scatter.add.f32 [tilespmem:s16], [sflag:$0x1], $0x1, s22, s15, $0xb8;
	[tilespmem:$0x5870] =	vst v63  }
0xc7: {  	_ =	swait.ge [sflag:s17], $0x80  }
0xc8: {  	[sflag:s17] =	ssyncset.done $0x0  }
0xc9: {  	[sflag:s17] =	ssyncadd.s32 $0xFFFFFF80  }
0xca: {  	_ =	swait.ge [sflag:s17], $0x80  }
0xcb: {  	[sflag:s17] =	ssyncset.done $0x0  }
0xcc: {  	[sflag:s17] =	ssyncadd.s32 $0xFFFFFF80  }
0xcd: {  	_ =	swait.ge [sflag:s17], $0x80  }
0xce: {  	[sflag:s17] =	ssyncset.done $0x0  }
0xcf: {  	[sflag:s17] =	ssyncadd.s32 $0xFFFFFF80  }
0xd0: {  	_ =	swait.ge [sflag:s17], $0x80  }
0xd1: {  	[sflag:s17] =	ssyncset.done $0x0  }
0xd2: {  	[sflag:s17] =	ssyncadd.s32 $0xFFFFFF80  }
0xd3: {  	_ =	swait.ge [sflag:s17], $0x80  }
0xd4: {  	[sflag:s17] =	ssyncset.done $0x0  }
0xd5: {  	[sflag:s17] =	ssyncadd.s32 $0xFFFFFF80  }
0xd6: {  	_ =	swait.ge [sflag:s17], $0x80  }
0xd7: {  	[sflag:s17] =	ssyncset.done $0x0  }
0xd8: {  	[sflag:s17] =	ssyncadd.s32 $0xFFFFFF80  }
0xd9: {  	_ =	swait.ge [sflag:s17], $0x80  }
0xda: {  	[sflag:s17] =	ssyncset.done $0x0  }
0xdb: {  	[sflag:s17] =	ssyncadd.s32 $0xFFFFFF80  }
0xdc: {  	_ =	swait.ge [sflag:s17], $0x80  }
0xdd: {  	[sflag:s17] =	ssyncset.done $0x0  }
0xde: {  	[sflag:s17] =	ssyncadd.s32 $0xFFFFFF80  }
0xdf: {  	_ =	swait.ge [sflag:s17], $0x80  }
0xe0: {  	[sflag:s17] =	ssyncset.done $0x0  }
0xe1: {  	[sflag:s17] =	ssyncadd.s32 $0xFFFFFF80  }
0xe2: {  	_ =	swait.ge [sflag:s17], $0x80  }
0xe3: {  	[sflag:s17] =	ssyncset.done $0x0  }
0xe4: {  	[sflag:s17] =	ssyncadd.s32 $0xFFFFFF80  }
.Ltmp0:
0xe5: {  	_ =	swait.ge [sflag:s17], $0x80;
	(pc) =	sbr.rel @p3 .LBB2_2-.Ltmp0, $4  }
0xe6: {  	[sflag:s17] =	ssyncset.done $0x0  }
0xe7: {  	[sflag:s17] =	ssyncadd.s32 $0xFFFFFF80  }
0xe8: {  	_ =	swait.ge [sflag:s17], $0x80  }
0xe9: {  	s22 =	smov.u32 s21;
	[sflag:s17] =	ssyncset.done $0x0  }
0xea: {  	s20 =	sshra.s32 s20, $0x2;
	[sflag:s17] =	ssyncadd.s32 $0xFFFFFF80  }
0xeb: {  	[spmem:s1] =	stream.indirect.scatter.add.f32 [tilespmem:s16], [sflag:$0x1], $0x1, s20, s15, $0xb8;
	[tilespmem:$0x5870] =	vst v63  }
0xec: {  	s21 =	sadd.s32 $0x2780, s20  }
0xed: {  	[spmem:s2] =	stream.indirect.scatter.add.f32 [tilespmem:s16], [sflag:$0x1], $0x1, s21, s15, $0xb8;
	[tilespmem:$0x5870] =	vst v63  }
0xee: {  	s22 =	sadd.s32 $0x80, s20  }
0xef: {  	[spmem:s1] =	stream.indirect.scatter.add.f32 [tilespmem:s16], [sflag:$0x1], $0x1, s22, s15, $0xb8;
	[tilespmem:$0x5870] =	vst v63  }
0xf0: {  	s23 =	sadd.s32 $0x2800, s20  }
0xf1: {  	[spmem:s2] =	stream.indirect.scatter.add.f32 [tilespmem:s16], [sflag:$0x1], $0x1, s23, s15, $0xb8;
	[tilespmem:$0x5870] =	vst v63  }
0xf2: {  	s24 =	sadd.s32 $0x100, s20  }
0xf3: {  	[spmem:s1] =	stream.indirect.scatter.add.f32 [tilespmem:s16], [sflag:$0x1], $0x1, s24, s15, $0xb8;
	[tilespmem:$0x5870] =	vst v63  }
0xf4: {  	s25 =	sadd.s32 $0x2880, s20  }
0xf5: {  	[spmem:s2] =	stream.indirect.scatter.add.f32 [tilespmem:s16], [sflag:$0x1], $0x1, s25, s15, $0xb8;
	[tilespmem:$0x5870] =	vst v63  }
0xf6: {  	s26 =	sadd.s32 $0x180, s20  }
0xf7: {  	[spmem:s1] =	stream.indirect.scatter.add.f32 [tilespmem:s16], [sflag:$0x1], $0x1, s26, s15, $0xb8;
	[tilespmem:$0x5870] =	vst v63  }
0xf8: {  	s28 =	sadd.s32 $0x2900, s20  }
0xf9: {  	[spmem:s2] =	stream.indirect.scatter.add.f32 [tilespmem:s16], [sflag:$0x1], $0x1, s28, s15, $0xb8;
	[tilespmem:$0x5870] =	vst v63  }
0xfa: {  	s29 =	sadd.s32 $0x200, s20  }
0xfb: {  	[spmem:s1] =	stream.indirect.scatter.add.f32 [tilespmem:s16], [sflag:$0x1], $0x1, s29, s15, $0xb8;
	[tilespmem:$0x5870] =	vst v63  }
0xfc: {  	s30 =	sadd.s32 $0x2980, s20  }
0xfd: {  	[spmem:s2] =	stream.indirect.scatter.add.f32 [tilespmem:s16], [sflag:$0x1], $0x1, s30, s15, $0xb8;
	[tilespmem:$0x5870] =	vst v63  }
0xfe: {  	s31 =	sadd.s32 $0x280, s20  }
0xff: {  	[spmem:s1] =	stream.indirect.scatter.add.f32 [tilespmem:s16], [sflag:$0x1], $0x1, s31, s15, $0xb8;
	[tilespmem:$0x5870] =	vst v63  }
0x100: {  	s20 =	sadd.s32 $0x2A00, s20  }
0x101: {  	[spmem:s2] =	stream.indirect.scatter.add.f32 [tilespmem:s16], [sflag:$0x1], $0x1, s20, s15, $0xb8;
	[tilespmem:$0x5870] =	vst v63  }
0x102: {  	_ =	swait.ge [sflag:s17], $0x80  }
0x103: {  	[sflag:s17] =	ssyncset.done $0x0  }
0x104: {  	[sflag:s17] =	ssyncadd.s32 $0xFFFFFF80  }
0x105: {  	_ =	swait.ge [sflag:s17], $0x80  }
0x106: {  	[sflag:s17] =	ssyncset.done $0x0  }
0x107: {  	[sflag:s17] =	ssyncadd.s32 $0xFFFFFF80  }
0x108: {  	_ =	swait.ge [sflag:s17], $0x80  }
0x109: {  	[sflag:s17] =	ssyncset.done $0x0  }
0x10a: {  	[sflag:s17] =	ssyncadd.s32 $0xFFFFFF80  }
0x10b: {  	_ =	swait.ge [sflag:s17], $0x80  }
0x10c: {  	[sflag:s17] =	ssyncset.done $0x0  }
0x10d: {  	[sflag:s17] =	ssyncadd.s32 $0xFFFFFF80  }
0x10e: {  	_ =	swait.ge [sflag:s17], $0x80  }
0x10f: {  	[sflag:s17] =	ssyncset.done $0x0  }
0x110: {  	[sflag:s17] =	ssyncadd.s32 $0xFFFFFF80  }
0x111: {  	_ =	swait.ge [sflag:s17], $0x80  }
0x112: {  	[sflag:s17] =	ssyncset.done $0x0  }
0x113: {  	[sflag:s17] =	ssyncadd.s32 $0xFFFFFF80  }
0x114: {  	_ =	swait.ge [sflag:s17], $0x80  }
0x115: {  	[sflag:s17] =	ssyncset.done $0x0  }
0x116: {  	[sflag:s17] =	ssyncadd.s32 $0xFFFFFF80  }
0x117: {  	_ =	swait.ge [sflag:s17], $0x80  }
0x118: {  	[sflag:s17] =	ssyncset.done $0x0  }
0x119: {  	[sflag:s17] =	ssyncadd.s32 $0xFFFFFF80  }
0x11a: {  	_ =	swait.ge [sflag:s17], $0x80  }
0x11b: {  	[sflag:s17] =	ssyncset.done $0x0  }
0x11c: {  	[sflag:s17] =	ssyncadd.s32 $0xFFFFFF80  }
0x11d: {  	_ =	swait.ge [sflag:s17], $0x80  }
0x11e: {  	[sflag:s17] =	ssyncset.done $0x0  }
0x11f: {  	[sflag:s17] =	ssyncadd.s32 $0xFFFFFF80  }
0x120: {  	_ =	swait.ge [sflag:s17], $0x80  }
0x121: {  	[sflag:s17] =	ssyncset.done $0x0  }
0x122: {  	[sflag:s17] =	ssyncadd.s32 $0xFFFFFF80  }
0x123: {  	_ =	swait.ge [sflag:s17], $0x80  }
0x124: {  	s21 =	simm.s32 @!p2 $0x2700;
	[sflag:s17] =	ssyncset.done $0x0  }
0x125: {  	s22 =	simm.s32 @!p2 $0x4F00;
	s20 =	simm.s32 @!p2 $0x80;
	[sflag:s17] =	ssyncadd.s32 $0xFFFFFF80  }
0x126: {  	[spmem:s1] =	stream.indirect.scatter.add.f32 @!p2 [tilespmem:s22], [sflag:$0x1], $0x1, s21, s20, $0xb8;
	[tilespmem:$0x5870] =	vst v63  }
0x127: {  	s21 =	simm.s32 @!p2 $0x4E80  }
0x128: {  	[spmem:s2] =	stream.indirect.scatter.add.f32 @!p2 [tilespmem:s22], [sflag:$0x1], $0x1, s21, s20, $0xb8;
	[tilespmem:$0x5870] =	vst v63  }
0x129: {  	s20 =	simm.s32 @!p2 $0x1  }
0x12a: {  	_ =	swait.ge @!p2 [sflag:s20], $0x80  }
0x12b: {  	[sflag:s20] =	ssyncset.done @!p2 $0x0  }
0x12c: {  	[sflag:s20] =	ssyncadd.s32 @!p2 $0xFFFFFF80  }
0x12d: {  	_ =	swait.ge @!p2 [sflag:s20], $0x80  }
0x12e: {  	s23 =	simm.s32 @!p0 $0x1C02;
	[sflag:s20] =	ssyncset.done @!p2 $0x0  }
0x12f: {  	s24 =	simm.s32 @!p0 $0x2;
	s21 =	simm.s32 @!p0 $0x40;
	[sflag:s20] =	ssyncadd.s32 @!p2 $0xFFFFFF80  }
0x130: {  	s22 =	simm.s32 @!p0 $0x10;
	s20 =	simm.s32 @!p0 $0x1;
	[bflag:$0x0] =	sbarrier.arrive $0xFFFF  }
0x131: {  	[hbm:s10@s21], [sflag:s23] =	dma.strided @!p0 [spmem:s18@s22], $0x4F0, s20, $0x10   }
0x132: {  	s19 =	sadd.s32 $0x1, s19;
	_ =	swait.ge @!p0 [sflag:s24], $0x4F0  }
0x133: {  	p3 =	sne.s32 s19, s12;
	[sflag:s24] =	ssyncset.done @!p0 $0x0  }
.Ltmp1:
0x134: {  	s25 =	sshrl.u32 @!p0 s2, $0x3;
	[sflag:s24] =	ssyncadd.s32 @!p0 $0xFFFFFB10;
	(pc) =	sbr.rel @p3 .LBB2_1-.Ltmp1, $4  }
0x135: {  	[hbm:s11@s21], [sflag:s23] =	dma.strided @!p0 [spmem:s25@s22], $0x4F0, s20, $0x10   }
0x136: {  	_ =	swait.ge @!p0 [sflag:s24], $0x4F0  }
0x137: {  	[sflag:s24] =	ssyncset.done @!p0 $0x0  }
0x138: {  	[sflag:s24] =	ssyncadd.s32 @!p0 $0xFFFFFB10  }
0x139: {  	_ =	sfence.sel $0x180000  }
0x13a: {  	[bflag:$0x0] =	sbarrier.arrive $0xFFFF  }
0x13b: {  	_ =	strace $0x90000047  }
0x13c: {  	s0 =	sadd.s32 @!p0 $0x100000, s0;
	[bflag:$0x2] =	sbarrier.arrive $0xFFFF  }
0x13d: {  	[sflag:s0] =	ssyncadd.tile.s32 @!p0 $0x1;
	_ =	shalt  }
.Lfunc_end2:
_tile_overlayer_lowered:
.L_overlay_start_2:
0x13e: {  	(tag) =	ssettag $0x2  }
0x13f: {  	s0 =	rddreg [dreg:$0x0];
	s2 =	stileid.u32  }
0x140: {  	s1 =	rddreg [dreg:$0x1];
	p0 =	sne.s32 s2, $0x0  }
0x141: {  	s3 =	rddreg [dreg:$0x2];
	[bflag:$0x3] =	sbarrier.arrive $0xFFFF;
	s2 =	simm.s32 @!p0 $0x1C02  }
0x142: {  	[timem:s3], [sflag:s2] =	dma.local @!p0 [hbm:s0], s1  }
0x143: {  	s0 =	simm.s32 @!p0 $0x2  }
0x144: {  	_ =	swait.ge @!p0 [sflag:s0], s1  }
0x145: {  	s1 =	ssub.s32 @!p0 $0x0, s1;
	[sflag:s0] =	ssyncset.done @!p0 $0x0  }
0x146: {  	[sflag:s0] =	ssyncadd.s32 @!p0 s1  }
0x147: {  	[bflag:$0x3] =	sbarrier.arrive $0xFFFF  }
0x148: {  	_ =	shalt  }

</sc_bundles>
